<compile_context>
chip_gen: v7x
topology: tpu7x:2x2x1
jax: 0.10.2.dev20260603
libtpu: 0.0.44.dev20260713+nightly
codegen_flags: <defaults>
</compile_context>

<pallas_src>
import functools

import jax
import jax.numpy as jnp
from jax import lax
from jax.experimental import pallas as pl
from jax.experimental.pallas import tpu as pltpu
from jax.experimental.pallas import tpu_sc as plsc

_K = 16
_GS = 16
_NG = 512
_QT = 256
_NT = 512
_BIG = 3.0e38
_IBIG = 2**31 - 1

_SC_CORES = 2
_SC_SUBCORES = 16
_NWORK = _SC_CORES * _SC_SUBCORES
_RCH = 512


def _leaky(x):
    return jnp.where(x > 0, x, 0.1 * x)


_HP = dict(preferred_element_type=jnp.float32, precision=lax.Precision.HIGHEST)


def _topk_body(a2_ref, b1_ref, grp_ref, d_ref):
    lhs = a2_ref[:, :].astype(jnp.bfloat16)
    rhs = b1_ref[:, :].astype(jnp.bfloat16)
    d0 = lax.dot_general(lhs, rhs, (((1,), (0,)), ((), ())),
                         preferred_element_type=jnp.float32)
    x, y, z = b1_ref[0:1, :], b1_ref[1:2, :], b1_ref[2:3, :]
    rn = (x * x + y * y) + z * z
    cn = a2_ref[:, 3:4]
    d_ref[:, :] = (d0 + rn) + cn
    g = d_ref[pl.ds(0, _NG), :]
    for c in range(1, _GS):
        g = jnp.minimum(g, d_ref[pl.ds(c * _NG, _NG), :])
    gio = lax.broadcasted_iota(jnp.int32, (_NG, _QT), 0)
    vprev = jnp.full((_QT,), -_BIG, jnp.float32)
    iprev = jnp.full((_QT,), -1, jnp.int32)
    for k in range(_K):
        keep = (g > vprev[None, :]) | ((g == vprev[None, :])
                                       & (gio > iprev[None, :]))
        dv = jnp.where(keep, g, _BIG)
        m = jnp.min(dv, axis=0)
        ii = jnp.min(jnp.where(dv == m[None, :], gio, _IBIG), axis=0)
        vprev, iprev = m, ii
        grp_ref[k, :] = ii


def _topk(a2p, b1m):
    B, n2, _ = a2p.shape
    n1 = b1m.shape[2]
    return pl.pallas_call(
        _topk_body,
        grid=(B, n1 // _QT),
        in_specs=[
            pl.BlockSpec((None, n2, 8), lambda b, t: (b, 0, 0)),
            pl.BlockSpec((None, 8, _QT), lambda b, t: (b, 0, t)),
        ],
        out_specs=pl.BlockSpec((None, _K, _QT), lambda b, t: (b, 0, t)),
        out_shape=jax.ShapeDtypeStruct((B, _K, n1), jnp.int32),
        scratch_shapes=[pltpu.VMEM((n2, _QT), jnp.float32)],
    )(a2p, b1m)


def _refine(grp, kx, ky, kz, cn, qx, qy, qz, rn, B, n1, n2):
    K = _K
    wpb = _NWORK // B
    npb = n1 // wpb
    npacks = npb // 16
    mesh = plsc.VectorSubcoreMesh(core_axis_name="c", subcore_axis_name="s")

    @functools.partial(
        pl.kernel,
        out_type=jax.ShapeDtypeStruct((B * K * n1,), jnp.int32),
        mesh=mesh,
        compiler_params=pltpu.CompilerParams(needs_layout_passes=False),
        scratch_types=[
            pltpu.VMEM((n2,), jnp.float32),
            pltpu.VMEM((n2,), jnp.float32),
            pltpu.VMEM((n2,), jnp.float32),
            pltpu.VMEM((n2,), jnp.float32),
            pltpu.VMEM((npb,), jnp.float32),
            pltpu.VMEM((npb,), jnp.float32),
            pltpu.VMEM((npb,), jnp.float32),
            pltpu.VMEM((npb,), jnp.float32),
            pltpu.VMEM((K * npb,), jnp.float32),
            pltpu.VMEM((K * _GS * 16,), jnp.float32),
            pltpu.VMEM((K * 16,), jnp.float32),
            pltpu.VMEM((K * 16,), jnp.int32),
            pltpu.VMEM((K * npb,), jnp.int32),
        ],
    )
    def rk(grp_h, kx_h, ky_h, kz_h, cn_h, qx_h, qy_h, qz_h, rn_h, out_h,
           kx_v, ky_v, kz_v, cn_v, qx_v, qy_v, qz_v, rn_v, grp_v,
           cand_d, M_d, M_i, o_w):
        wid = lax.axis_index("s") * _SC_CORES + lax.axis_index("c")
        b = wid // wpb
        n0 = (wid % wpb) * npb
        pltpu.sync_copy(kx_h.at[pl.ds(b * n2, n2)], kx_v)
        pltpu.sync_copy(ky_h.at[pl.ds(b * n2, n2)], ky_v)
        pltpu.sync_copy(kz_h.at[pl.ds(b * n2, n2)], kz_v)
        pltpu.sync_copy(cn_h.at[pl.ds(b * n2, n2)], cn_v)
        pltpu.sync_copy(qx_h.at[pl.ds(b * n1 + n0, npb)], qx_v)
        pltpu.sync_copy(qy_h.at[pl.ds(b * n1 + n0, npb)], qy_v)
        pltpu.sync_copy(qz_h.at[pl.ds(b * n1 + n0, npb)], qz_v)
        pltpu.sync_copy(rn_h.at[pl.ds(b * n1 + n0, npb)], rn_v)
        for t in range(K):
            pltpu.sync_copy(grp_h.at[pl.ds((b * K + t) * n1 + n0, npb)],
                            grp_v.at[pl.ds(t * npb, npb)])
        lanes = lax.iota(jnp.int32, 16)
        zeros = jnp.zeros((16,), jnp.int32)

        def pack_step(p, carry):
            qxl = qx_v[pl.ds(p * 16, 16)]
            qyl = qy_v[pl.ds(p * 16, 16)]
            qzl = qz_v[pl.ds(p * 16, 16)]
            rnl = rn_v[pl.ds(p * 16, 16)]
            col = p * 16 + lanes

            def grp_step(t, c2):
                gvec = plsc.load_gather(grp_v, [t * npb + col]).astype(jnp.int32)
                bd = jnp.full((16,), _BIG, jnp.float32)
                bi = jnp.full((16,), _IBIG, jnp.int32)
                for e in range(_GS):
                    kvec = gvec * _GS + e
                    dx = plsc.load_gather(kx_v, [kvec])
                    dy = plsc.load_gather(ky_v, [kvec])
                    dz = plsc.load_gather(kz_v, [kvec])
                    cc = plsc.load_gather(cn_v, [kvec])
                    d0 = (dx * qxl + dy * qyl) + dz * qzl
                    d = (d0 + rnl) + cc
                    plsc.store_scatter(cand_d, [(t * _GS + e) * 16 + lanes], d)
                    lt = (d < bd) | ((d == bd) & (kvec < bi))
                    bd = jnp.where(lt, d, bd)
                    bi = jnp.where(lt, kvec, bi)
                plsc.store_scatter(M_d, [t * 16 + lanes], bd)
                plsc.store_scatter(M_i, [t * 16 + lanes], bi)
                return c2

            lax.fori_loop(0, K, grp_step, 0)

            def sel_step(k, c2):
                cv = jnp.full((16,), _BIG, jnp.float32)
                ci = jnp.full((16,), _IBIG, jnp.int32)
                wv = jnp.zeros((16,), jnp.int32)
                for rb in range(K):
                    md = M_d[pl.ds(rb * 16, 16)]
                    mi = M_i[pl.ds(rb * 16, 16)]
                    lt = (md < cv) | ((md == cv) & (mi < ci))
                    cv = jnp.where(lt, md, cv)
                    ci = jnp.where(lt, mi, ci)
                    wv = jnp.where(lt, zeros + rb, wv)
                plsc.store_scatter(o_w, [k * npb + col], ci)
                gw = plsc.load_gather(grp_v, [wv * npb + col]).astype(jnp.int32)
                nd = jnp.full((16,), _BIG, jnp.float32)
                ni = jnp.full((16,), _IBIG, jnp.int32)
                for e in range(_GS):
                    dd = plsc.load_gather(cand_d, [(wv * _GS + e) * 16 + lanes])
                    ii = gw * _GS + e
                    valid = (dd > cv) | ((dd == cv) & (ii > ci))
                    dd2 = jnp.where(valid, dd, _BIG)
                    ii2 = jnp.where(valid, ii, _IBIG)
                    lt = (dd2 < nd) | ((dd2 == nd) & (ii2 < ni))
                    nd = jnp.where(lt, dd2, nd)
                    ni = jnp.where(lt, ii2, ni)
                plsc.store_scatter(M_d, [wv * 16 + lanes], nd)
                plsc.store_scatter(M_i, [wv * 16 + lanes], ni)
                return c2

            lax.fori_loop(0, K, sel_step, 0)
            return carry

        lax.fori_loop(0, npacks, pack_step, 0)
        for t in range(K):
            pltpu.sync_copy(o_w.at[pl.ds(t * npb, npb)],
                            out_h.at[pl.ds((b * K + t) * n1 + n0, npb)])

    return rk(grp, kx, ky, kz, cn, qx, qy, qz, rn)


def _pre_body(f1_ref, f2_ref, p1_ref, p2_ref, w1a_ref, w1b_ref, w1c_ref,
              b1_ref, q_ref, g2_ref):
    dn = (((0,), (1,)), ((), ()))
    g2 = (lax.dot_general(f2_ref[:, :], w1b_ref[:, :], dn, **_HP)
          + lax.dot_general(p2_ref[:, :], w1c_ref[:, :], dn, **_HP))
    g2_ref[:, 0:64] = g2
    g2_ref[:, 64:128] = jnp.zeros_like(g2)
    q_ref[:, :] = (lax.dot_general(f1_ref[:, :], w1a_ref[:, :], dn, **_HP)
                   - lax.dot_general(p1_ref[:, :], w1c_ref[:, :], dn, **_HP)
                   + b1_ref[:, :])


def _pre(feat1, feat2, pc1p, pc2p, w1a, w1b, w1c, b1m):
    B, D, n1 = feat1.shape
    n2 = feat2.shape[2]
    return pl.pallas_call(
        _pre_body,
        grid=(B, n1 // _NT),
        in_specs=[
            pl.BlockSpec((None, D, _NT), lambda b, t: (b, 0, t)),
            pl.BlockSpec((None, D, _NT), lambda b, t: (b, 0, t)),
            pl.BlockSpec((None, 8, _NT), lambda b, t: (b, 0, t)),
            pl.BlockSpec((None, 8, _NT), lambda b, t: (b, 0, t)),
            pl.BlockSpec((D, D), lambda b, t: (0, 0)),
            pl.BlockSpec((D, D), lambda b, t: (0, 0)),
            pl.BlockSpec((D, 8), lambda b, t: (0, 0)),
            pl.BlockSpec((1, D), lambda b, t: (0, 0)),
        ],
        out_specs=[
            pl.BlockSpec((None, _NT, D), lambda b, t: (b, t, 0)),
            pl.BlockSpec((None, _NT, 2 * D), lambda b, t: (b, t, 0)),
        ],
        out_shape=[jax.ShapeDtypeStruct((B, n1, D), jnp.float32),
                   jax.ShapeDtypeStruct((B, n2, 2 * D), jnp.float32)],
    )(feat1, feat2, pc1p, pc2p, w1a, w1b, w1c, b1m)


def _gather(table, fidx):
    rows, d = fidx.shape[0], table.shape[1]
    per_w = rows // _NWORK
    nch = per_w // _RCH
    mesh = plsc.VectorSubcoreMesh(core_axis_name="c", subcore_axis_name="s")

    @functools.partial(
        pl.kernel,
        out_type=jax.ShapeDtypeStruct((rows, d), jnp.float32),
        mesh=mesh,
        scratch_types=[
            pltpu.VMEM((_RCH,), jnp.int32),
            pltpu.VMEM((_RCH, d), jnp.float32),
            pltpu.SemaphoreType.DMA,
        ],
    )
    def gk(table_hbm, idx_hbm, out_hbm, idx_v, rows_v, sem):
        wid = lax.axis_index("s") * _SC_CORES + lax.axis_index("c")

        def step(j, carry):
            base = wid * per_w + j * _RCH
            pltpu.sync_copy(idx_hbm.at[pl.ds(base, _RCH)], idx_v)
            pltpu.async_copy(table_hbm.at[idx_v], rows_v, sem).wait()
            pltpu.sync_copy(rows_v, out_hbm.at[pl.ds(base, _RCH)])
            return carry

        lax.fori_loop(0, nch, step, 0)

    return gk(table, fidx)


def _mlp_body(g_ref, q_ref, w2_ref, b2_ref, o_ref):
    q = q_ref[:, :]
    acc = jnp.full(q.shape, -_BIG, jnp.float32)
    dn = (((1,), (1,)), ((), ()))
    for k in range(_K):
        h = _leaky(g_ref[k, :, 0:64] + q)
        y = _leaky(lax.dot_general(h, w2_ref[:, :], dn, **_HP) + b2_ref[:, :])
        acc = jnp.maximum(acc, y)
    o_ref[:, :] = acc


def _mlp(gath, q, W2, b2m):
    B, K, n1, Dp = gath.shape
    D = q.shape[2]
    return pl.pallas_call(
        _mlp_body,
        grid=(B, n1 // _NT),
        in_specs=[
            pl.BlockSpec((None, K, _NT, Dp), lambda b, t: (b, 0, t, 0)),
            pl.BlockSpec((None, _NT, D), lambda b, t: (b, t, 0)),
            pl.BlockSpec((D, D), lambda b, t: (0, 0)),
            pl.BlockSpec((1, D), lambda b, t: (0, 0)),
        ],
        out_specs=pl.BlockSpec((None, _NT, D), lambda b, t: (b, t, 0)),
        out_shape=jax.ShapeDtypeStruct((B, n1, D), jnp.float32),
    )(gath, q, W2, b2m)


def _bf(x):
    u = lax.bitcast_convert_type(x, jnp.uint32)
    r = (u + jnp.uint32(0x7FFF) + ((u >> 16) & jnp.uint32(1))) \
        & jnp.uint32(0xFFFF0000)
    return lax.bitcast_convert_type(r, jnp.float32)


def kernel(pc1, pc2, feat1, feat2, W1, b1, W2, b2):
    B, _, n1 = pc1.shape
    n2 = pc2.shape[2]
    D = feat1.shape[1]
    f32 = jnp.float32

    xyz2t = jnp.transpose(pc2, (0, 2, 1))
    a2 = jnp.concatenate(
        [-2.0 * xyz2t,
         jnp.sum(xyz2t ** 2, axis=-1, keepdims=True),
         jnp.zeros((B, n2, 4), f32)], axis=-1)
    a2p = a2.reshape(B, _NG, _GS, 8).transpose(0, 2, 1, 3).reshape(B, n2, 8)
    b1m = jnp.concatenate([pc1, jnp.zeros((B, 5, n1), f32)], axis=1)
    grp = _topk(a2p, b1m)

    kx, ky, kz = _bf(-2.0 * pc2[:, 0]), _bf(-2.0 * pc2[:, 1]), _bf(-2.0 * pc2[:, 2])
    cn2 = jnp.sum(xyz2t ** 2, axis=-1)
    qx, qy, qz = _bf(pc1[:, 0]), _bf(pc1[:, 1]), _bf(pc1[:, 2])
    rn1 = (pc1[:, 0] * pc1[:, 0] + pc1[:, 1] * pc1[:, 1]) + pc1[:, 2] * pc1[:, 2]
    knn_f = _refine(grp.astype(f32).reshape(-1), kx.reshape(-1),
                    ky.reshape(-1), kz.reshape(-1), cn2.reshape(-1),
                    qx.reshape(-1), qy.reshape(-1), qz.reshape(-1),
                    rn1.reshape(-1), B, n1, n2)
    knn = knn_f.reshape(B, _K, n1)

    pc1p = jnp.concatenate([pc1, jnp.zeros((B, 5, n1), f32)], axis=1)
    pc2p = jnp.concatenate([pc2, jnp.zeros((B, 5, n2), f32)], axis=1)
    w1a = W1[:, :D]
    w1b = W1[:, D:2 * D]
    w1c = jnp.concatenate([W1[:, 2 * D:], jnp.zeros((D, 5), f32)], axis=1)
    q, g2 = _pre(feat1, feat2, pc1p, pc2p, w1a, w1b, w1c, b1.reshape(1, D))

    fidx = (knn + (jnp.arange(B, dtype=jnp.int32) * n2)[:, None, None]
            ).reshape(-1)
    gath = _gather(g2.reshape(B * n2, 2 * D), fidx).reshape(B, _K, n1, 2 * D)
    out = _mlp(gath, q, W2, b2.reshape(1, D))
    return jnp.transpose(out, (0, 2, 1))

# --- scband reference (transcript-rebuilt; emitter-appended) ---
"""Pipeline reference for scband-no-cross-layer-51170240364935 (READ-ONLY COPY).

The authoritative reference and input builder live on the scoring server;
editing this copy changes nothing except your own understanding.
"""

import jax, jax.numpy as jnp
import numpy as np

NSAMPLE = 16


def setup_inputs(seed: int = 0) -> dict:
    key = jax.random.key(seed)
    ks = jax.random.split(key, 6)
    B, N1, N2, D = 2, 8192, 8192, 64
    pc1 = jax.random.normal(ks[0], (B, 3, N1), dtype=jnp.float32)
    pc2 = jax.random.normal(ks[1], (B, 3, N2), dtype=jnp.float32)
    feat1 = jax.random.normal(ks[2], (B, D, N1), dtype=jnp.float32)
    feat2 = jax.random.normal(ks[3], (B, D, N2), dtype=jnp.float32)
    c_in = 2 * D + 3
    W1 = jax.random.normal(ks[4], (64, c_in), dtype=jnp.float32) * (1.0 / np.sqrt(c_in))
    b1 = jnp.zeros((64,), dtype=jnp.float32)
    W2 = jax.random.normal(ks[5], (64, 64), dtype=jnp.float32) * (1.0 / np.sqrt(64.0))
    b2 = jnp.zeros((64,), dtype=jnp.float32)
    return {"pc1": pc1, "pc2": pc2, "feat1": feat1, "feat2": feat2, "W1": W1, "b1": b1, "W2": W2, "b2": b2}


def _leaky(x):
    return jnp.where(x > 0, x, 0.1 * x)


def _cross(pc1, pc2, feat1, feat2, W1, b1, W2, b2):
    # xyz: [B, N, 3], points: [B, N, D]
    xyz1 = jnp.transpose(pc1, (0, 2, 1))
    xyz2 = jnp.transpose(pc2, (0, 2, 1))
    points1 = jnp.transpose(feat1, (0, 2, 1))
    points2 = jnp.transpose(feat2, (0, 2, 1))
    B, N1, _ = xyz1.shape
    # square_distance: [B, N1, N2]
    sqrdists = -2.0 * jnp.einsum('bnc,bmc->bnm', xyz1, xyz2)
    sqrdists = sqrdists + jnp.sum(xyz1 ** 2, axis=-1)[:, :, None]
    sqrdists = sqrdists + jnp.sum(xyz2 ** 2, axis=-1)[:, None, :]
    # knn: smallest nsample distances
    _, knn_idx = jax.lax.top_k(-sqrdists, NSAMPLE)  # [B, N1, K]
    # gather neighbor xyz: [B, N1, K, 3]
    neighbor_xyz = jnp.take_along_axis(xyz2[:, None, :, :], knn_idx[..., None], axis=2)
    direction_xyz = neighbor_xyz - xyz1[:, :, None, :]
    # gather neighbor features: [B, N1, K, D]
    grouped_points2 = jnp.take_along_axis(points2[:, None, :, :], knn_idx[..., None], axis=2)
    grouped_points1 = jnp.broadcast_to(points1[:, :, None, :], (B, N1, NSAMPLE, points1.shape[-1]))
    new_points = jnp.concatenate([grouped_points1, grouped_points2, direction_xyz], axis=-1)  # [B, N1, K, C]
    x = jnp.transpose(new_points, (0, 3, 2, 1))  # [B, C, K, N1]
    # 1x1 conv mlp stack
    x = jnp.einsum('oc,bckn->bokn', W1, x) + b1[None, :, None, None]
    x = _leaky(x)
    x = jnp.einsum('oc,bckn->bokn', W2, x) + b2[None, :, None, None]
    x = _leaky(x)
    # max-pool over the K (neighbor) dimension
    max_points = jnp.max(x, axis=2)  # [B, C_out, N1]
    return max_points


def reference(pc1, pc2, feat1, feat2, W1, b1, W2, b2):
    return _cross(pc1, pc2, feat1, feat2, W1, b1, W2, b2)

if __name__ == "__main__":
    import jax
    _d = setup_inputs()
    print(jax.jit(kernel)(*tuple(_d.values())))

</pallas_src>

<mosaic_0001>
#map = affine_map<(d0, d1) -> (0, 0)>
#map1 = affine_map<(d0, d1) -> (0)>
module attributes {stable_mosaic.version = 14 : i64} {
  func.func @gk(%arg0: i32, %arg1: i32, %arg2: memref<16384x128xf32, #tpu.memory_space<hbm>>, %arg3: memref<262144xi32, #tpu.memory_space<hbm>>, %arg4: memref<262144x128xf32, #tpu.memory_space<hbm>>, %arg5: memref<512xi32, #tpu.memory_space<vmem>>, %arg6: memref<512x128xf32, #tpu.memory_space<vmem>>, %arg7: memref<!tpu.dma_semaphore, #tpu.memory_space<semaphore_mem>>) attributes {dimension_semantics = [#tpu.dimension_semantics<core_parallel>, #tpu.dimension_semantics<subcore_parallel>], iteration_bounds = array<i64: 2, 16>, scalar_prefetch = 0 : i64, scratch_operands = 3 : i64, tpu.core_type = #tpu.core_type<sc_vector_subcore>, window_params = [{transform_indices = #map}, {transform_indices = #map1}, {transform_indices = #map}]} {
    %mul3A = arith.constant 2 : i32
    %mul3A_0 = arith.muli %arg1, %mul3A : i32
    %add3A = arith.addi %mul3A_0, %arg0 : i32
    %scan3A = arith.constant 0 : i32
    %scan3A_1 = arith.constant 0 : i32
    %scan3A_2 = arith.constant 16 : i32
    %scan3A_3 = arith.addi %scan3A_1, %scan3A_2 : i32
    %scan3A_4 = arith.constant 1 : i32
    scf.for %scan3A_6 = %scan3A_1 to %scan3A_3 step %scan3A_4  : i32 {
      %mul3A_7 = arith.constant 8192 : i32
      %mul3A_8 = arith.muli %add3A, %mul3A_7 : i32
      %mul3A_9 = arith.constant 512 : i32
      %mul3A_10 = arith.muli %scan3A_6, %mul3A_9 : i32
      %add3A_11 = arith.addi %mul3A_8, %mul3A_10 : i32
      "tpu.region"() ({
        %run_scoped3A = tpu.sem_alloc : memref<!tpu.dma_semaphore, #tpu.memory_space<semaphore_mem>>
        %dma_start3A_16 = tpu.memref_slice %arg3[%add3A_11] : memref<262144xi32, #tpu.memory_space<hbm>> -> memref<512xi32, #tpu.memory_space<hbm>>
        %dma_start3A_17 = tpu.memref_slice %arg3[%add3A_11] : memref<262144xi32, #tpu.memory_space<hbm>> -> memref<512xi32, #tpu.memory_space<hbm>>
        tpu.enqueue_dma source(%dma_start3A_17 : memref<512xi32, #tpu.memory_space<hbm>>) target(%arg5 : memref<512xi32, #tpu.memory_space<vmem>>) target_semaphore(%run_scoped3A : memref<!tpu.dma_semaphore, #tpu.memory_space<semaphore_mem>>)
        %dma_wait3A_18 = tpu.memref_slice %arg3[%add3A_11] : memref<262144xi32, #tpu.memory_space<hbm>> -> memref<512xi32, #tpu.memory_space<hbm>>
        %dma_wait3A_19 = tpu.memref_slice %arg3[%add3A_11] : memref<262144xi32, #tpu.memory_space<hbm>> -> memref<512xi32, #tpu.memory_space<hbm>>
        tpu.wait_dma2 semaphore(%run_scoped3A : memref<!tpu.dma_semaphore, #tpu.memory_space<semaphore_mem>>) src(%dma_wait3A_19 : memref<512xi32, #tpu.memory_space<hbm>>) dst(%arg5 : memref<512xi32, #tpu.memory_space<vmem>>)
        tpu.yield
      }) : () -> ()
      %dma_start3A = arith.constant 0 : i32
      %dma_start3A_12 = arith.constant 0 : i32
      %dma_start3A_13 = tpu.memref_slice %arg2[%dma_start3A, %dma_start3A_12] : memref<16384x128xf32, #tpu.memory_space<hbm>> -> memref<16384x128xf32, #tpu.memory_space<hbm>>
      tpu.enqueue_indirect_dma source(%dma_start3A_13 : memref<16384x128xf32, #tpu.memory_space<hbm>>) target(%arg6 : memref<512x128xf32, #tpu.memory_space<vmem>>) offsets(%arg5 : memref<512xi32, #tpu.memory_space<vmem>>) semaphore(%arg7 : memref<!tpu.dma_semaphore, #tpu.memory_space<semaphore_mem>>)
      %dma_wait3A = arith.constant 0 : i32
      %dma_wait3A_14 = arith.constant 0 : i32
      %dma_wait3A_15 = tpu.memref_slice %arg2[%dma_wait3A, %dma_wait3A_14] : memref<16384x128xf32, #tpu.memory_space<hbm>> -> memref<16384x128xf32, #tpu.memory_space<hbm>>
      tpu.wait_indirect_dma semaphore(%arg7 : memref<!tpu.dma_semaphore, #tpu.memory_space<semaphore_mem>>) src(%dma_wait3A_15 : memref<16384x128xf32, #tpu.memory_space<hbm>>) dst(%arg6 : memref<512x128xf32, #tpu.memory_space<vmem>>)
      "tpu.region"() ({
        %run_scoped3A = tpu.sem_alloc : memref<!tpu.dma_semaphore, #tpu.memory_space<semaphore_mem>>
        %dma_start3A_16 = arith.constant 0 : i32
        %dma_start3A_17 = tpu.memref_slice %arg4[%add3A_11, %dma_start3A_16] : memref<262144x128xf32, #tpu.memory_space<hbm>> -> memref<512x128xf32, #tpu.memory_space<hbm>>
        %dma_start3A_18 = arith.constant 0 : i32
        %dma_start3A_19 = tpu.memref_slice %arg4[%add3A_11, %dma_start3A_18] : memref<262144x128xf32, #tpu.memory_space<hbm>> -> memref<512x128xf32, #tpu.memory_space<hbm>>
        tpu.enqueue_dma source(%arg6 : memref<512x128xf32, #tpu.memory_space<vmem>>) target(%dma_start3A_19 : memref<512x128xf32, #tpu.memory_space<hbm>>) target_semaphore(%run_scoped3A : memref<!tpu.dma_semaphore, #tpu.memory_space<semaphore_mem>>)
        %dma_wait3A_20 = arith.constant 0 : i32
        %dma_wait3A_21 = tpu.memref_slice %arg4[%add3A_11, %dma_wait3A_20] : memref<262144x128xf32, #tpu.memory_space<hbm>> -> memref<512x128xf32, #tpu.memory_space<hbm>>
        %dma_wait3A_22 = arith.constant 0 : i32
        %dma_wait3A_23 = tpu.memref_slice %arg4[%add3A_11, %dma_wait3A_22] : memref<262144x128xf32, #tpu.memory_space<hbm>> -> memref<512x128xf32, #tpu.memory_space<hbm>>
        tpu.wait_dma2 semaphore(%run_scoped3A : memref<!tpu.dma_semaphore, #tpu.memory_space<semaphore_mem>>) src(%arg6 : memref<512x128xf32, #tpu.memory_space<vmem>>) dst(%dma_wait3A_23 : memref<512x128xf32, #tpu.memory_space<hbm>>)
        tpu.yield
      }) : () -> ()
    }
    %scan3A_5 = arith.constant 16 : i32
    return
  }
}

#map = affine_map<(d0, d1) -> (0)>
module attributes {stable_mosaic.version = 14 : i64} {
  func.func @rk(%arg0: i32, %arg1: i32, %arg2: memref<262144xf32, #tpu.memory_space<hbm>>, %arg3: memref<16384xf32, #tpu.memory_space<hbm>>, %arg4: memref<16384xf32, #tpu.memory_space<hbm>>, %arg5: memref<16384xf32, #tpu.memory_space<hbm>>, %arg6: memref<16384xf32, #tpu.memory_space<hbm>>, %arg7: memref<16384xf32, #tpu.memory_space<hbm>>, %arg8: memref<16384xf32, #tpu.memory_space<hbm>>, %arg9: memref<16384xf32, #tpu.memory_space<hbm>>, %arg10: memref<16384xf32, #tpu.memory_space<hbm>>, %arg11: memref<262144xi32, #tpu.memory_space<hbm>>, %arg12: memref<8192xf32, #tpu.memory_space<vmem>>, %arg13: memref<8192xf32, #tpu.memory_space<vmem>>, %arg14: memref<8192xf32, #tpu.memory_space<vmem>>, %arg15: memref<8192xf32, #tpu.memory_space<vmem>>, %arg16: memref<512xf32, #tpu.memory_space<vmem>>, %arg17: memref<512xf32, #tpu.memory_space<vmem>>, %arg18: memref<512xf32, #tpu.memory_space<vmem>>, %arg19: memref<512xf32, #tpu.memory_space<vmem>>, %arg20: memref<8192xf32, #tpu.memory_space<vmem>>, %arg21: memref<4096xf32, #tpu.memory_space<vmem>>, %arg22: memref<256xf32, #tpu.memory_space<vmem>>, %arg23: memref<256xi32, #tpu.memory_space<vmem>>, %arg24: memref<8192xi32, #tpu.memory_space<vmem>>) attributes {dimension_semantics = [#tpu.dimension_semantics<core_parallel>, #tpu.dimension_semantics<subcore_parallel>], iteration_bounds = array<i64: 2, 16>, scalar_prefetch = 0 : i64, scratch_operands = 13 : i64, tpu.core_type = #tpu.core_type<sc_vector_subcore>, window_params = [{transform_indices = #map}, {transform_indices = #map}, {transform_indices = #map}, {transform_indices = #map}, {transform_indices = #map}, {transform_indices = #map}, {transform_indices = #map}, {transform_indices = #map}, {transform_indices = #map}, {transform_indices = #map}]} {
    %mul3A = arith.constant 2 : i32
    %mul3A_0 = arith.muli %arg1, %mul3A : i32
    %add3A = arith.addi %mul3A_0, %arg0 : i32
    %jit3A = arith.constant 16 : i32
    %div3A = arith.divsi %add3A, %jit3A : i32
    %sign3A = arith.constant 0 : i32
    %sign3A_1 = arith.cmpi sgt, %add3A, %sign3A : i32
    %sign3A_2 = arith.extui %sign3A_1 : i1 to i32
    %sign3A_3 = arith.constant 0 : i32
    %sign3A_4 = arith.cmpi slt, %add3A, %sign3A_3 : i32
    %sign3A_5 = arith.extui %sign3A_4 : i1 to i32
    %sign3A_6 = arith.subi %sign3A_2, %sign3A_5 : i32
    %sign3A_7 = arith.constant 0 : i32
    %sign3A_8 = arith.cmpi sgt, %jit3A, %sign3A_7 : i32
    %sign3A_9 = arith.extui %sign3A_8 : i1 to i32
    %sign3A_10 = arith.constant 0 : i32
    %sign3A_11 = arith.cmpi slt, %jit3A, %sign3A_10 : i32
    %sign3A_12 = arith.extui %sign3A_11 : i1 to i32
    %sign3A_13 = arith.subi %sign3A_9, %sign3A_12 : i32
    %ne3A = arith.cmpi ne, %sign3A_6, %sign3A_13 : i32
    %rem3A = arith.remsi %add3A, %jit3A : i32
    %ne3A_14 = arith.constant 0 : i32
    %ne3A_15 = arith.cmpi ne, %rem3A, %ne3A_14 : i32
    %and3A = arith.andi %ne3A, %ne3A_15 : i1
    %sub3A = arith.constant 1 : i32
    %sub3A_16 = arith.subi %div3A, %sub3A : i32
    %select_n3A = arith.select %and3A, %sub3A_16, %div3A : i32
    %jit3A_17 = arith.constant 16 : i32
    %eq3A = arith.constant 0 : i32
    %eq3A_18 = arith.cmpi eq, %jit3A_17, %eq3A : i32
    %jit3A_19 = arith.constant 1 : i32
    %select_n3A_20 = arith.select %eq3A_18, %jit3A_19, %jit3A_17 : i32
    %rem3A_21 = arith.remsi %add3A, %select_n3A_20 : i32
    %ne3A_22 = arith.constant 0 : i32
    %ne3A_23 = arith.cmpi ne, %rem3A_21, %ne3A_22 : i32
    %lt3A = arith.constant 0 : i32
    %lt3A_24 = arith.cmpi slt, %rem3A_21, %lt3A : i32
    %lt3A_25 = arith.constant 0 : i32
    %lt3A_26 = arith.cmpi slt, %select_n3A_20, %lt3A_25 : i32
    %ne3A_27 = arith.xori %lt3A_24, %lt3A_26 : i1
    %and3A_28 = arith.andi %ne3A_27, %ne3A_23 : i1
    %add3A_29 = arith.addi %rem3A_21, %select_n3A_20 : i32
    %select_n3A_30 = arith.select %and3A_28, %add3A_29, %rem3A_21 : i32
    %mul3A_31 = arith.constant 512 : i32
    %mul3A_32 = arith.muli %select_n3A_30, %mul3A_31 : i32
    %mul3A_33 = arith.constant 8192 : i32
    %mul3A_34 = arith.muli %select_n3A, %mul3A_33 : i32
    "tpu.region"() ({
      %run_scoped3A = tpu.sem_alloc : memref<!tpu.dma_semaphore, #tpu.memory_space<semaphore_mem>>
      %dma_start3A = tpu.memref_slice %arg3[%mul3A_34] : memref<16384xf32, #tpu.memory_space<hbm>> -> memref<8192xf32, #tpu.memory_space<hbm>>
      %dma_start3A_283 = tpu.memref_slice %arg3[%mul3A_34] : memref<16384xf32, #tpu.memory_space<hbm>> -> memref<8192xf32, #tpu.memory_space<hbm>>
      tpu.enqueue_dma source(%dma_start3A_283 : memref<8192xf32, #tpu.memory_space<hbm>>) target(%arg12 : memref<8192xf32, #tpu.memory_space<vmem>>) target_semaphore(%run_scoped3A : memref<!tpu.dma_semaphore, #tpu.memory_space<semaphore_mem>>)
      %dma_wait3A = tpu.memref_slice %arg3[%mul3A_34] : memref<16384xf32, #tpu.memory_space<hbm>> -> memref<8192xf32, #tpu.memory_space<hbm>>
      %dma_wait3A_284 = tpu.memref_slice %arg3[%mul3A_34] : memref<16384xf32, #tpu.memory_space<hbm>> -> memref<8192xf32, #tpu.memory_space<hbm>>
      tpu.wait_dma2 semaphore(%run_scoped3A : memref<!tpu.dma_semaphore, #tpu.memory_space<semaphore_mem>>) src(%dma_wait3A_284 : memref<8192xf32, #tpu.memory_space<hbm>>) dst(%arg12 : memref<8192xf32, #tpu.memory_space<vmem>>)
      tpu.yield
    }) : () -> ()
    %mul3A_35 = arith.constant 8192 : i32
    %mul3A_36 = arith.muli %select_n3A, %mul3A_35 : i32
    "tpu.region"() ({
      %run_scoped3A = tpu.sem_alloc : memref<!tpu.dma_semaphore, #tpu.memory_space<semaphore_mem>>
      %dma_start3A = tpu.memref_slice %arg4[%mul3A_36] : memref<16384xf32, #tpu.memory_space<hbm>> -> memref<8192xf32, #tpu.memory_space<hbm>>
      %dma_start3A_283 = tpu.memref_slice %arg4[%mul3A_36] : memref<16384xf32, #tpu.memory_space<hbm>> -> memref<8192xf32, #tpu.memory_space<hbm>>
      tpu.enqueue_dma source(%dma_start3A_283 : memref<8192xf32, #tpu.memory_space<hbm>>) target(%arg13 : memref<8192xf32, #tpu.memory_space<vmem>>) target_semaphore(%run_scoped3A : memref<!tpu.dma_semaphore, #tpu.memory_space<semaphore_mem>>)
      %dma_wait3A = tpu.memref_slice %arg4[%mul3A_36] : memref<16384xf32, #tpu.memory_space<hbm>> -> memref<8192xf32, #tpu.memory_space<hbm>>
      %dma_wait3A_284 = tpu.memref_slice %arg4[%mul3A_36] : memref<16384xf32, #tpu.memory_space<hbm>> -> memref<8192xf32, #tpu.memory_space<hbm>>
      tpu.wait_dma2 semaphore(%run_scoped3A : memref<!tpu.dma_semaphore, #tpu.memory_space<semaphore_mem>>) src(%dma_wait3A_284 : memref<8192xf32, #tpu.memory_space<hbm>>) dst(%arg13 : memref<8192xf32, #tpu.memory_space<vmem>>)
      tpu.yield
    }) : () -> ()
    %mul3A_37 = arith.constant 8192 : i32
    %mul3A_38 = arith.muli %select_n3A, %mul3A_37 : i32
    "tpu.region"() ({
      %run_scoped3A = tpu.sem_alloc : memref<!tpu.dma_semaphore, #tpu.memory_space<semaphore_mem>>
      %dma_start3A = tpu.memref_slice %arg5[%mul3A_38] : memref<16384xf32, #tpu.memory_space<hbm>> -> memref<8192xf32, #tpu.memory_space<hbm>>
      %dma_start3A_283 = tpu.memref_slice %arg5[%mul3A_38] : memref<16384xf32, #tpu.memory_space<hbm>> -> memref<8192xf32, #tpu.memory_space<hbm>>
      tpu.enqueue_dma source(%dma_start3A_283 : memref<8192xf32, #tpu.memory_space<hbm>>) target(%arg14 : memref<8192xf32, #tpu.memory_space<vmem>>) target_semaphore(%run_scoped3A : memref<!tpu.dma_semaphore, #tpu.memory_space<semaphore_mem>>)
      %dma_wait3A = tpu.memref_slice %arg5[%mul3A_38] : memref<16384xf32, #tpu.memory_space<hbm>> -> memref<8192xf32, #tpu.memory_space<hbm>>
      %dma_wait3A_284 = tpu.memref_slice %arg5[%mul3A_38] : memref<16384xf32, #tpu.memory_space<hbm>> -> memref<8192xf32, #tpu.memory_space<hbm>>
      tpu.wait_dma2 semaphore(%run_scoped3A : memref<!tpu.dma_semaphore, #tpu.memory_space<semaphore_mem>>) src(%dma_wait3A_284 : memref<8192xf32, #tpu.memory_space<hbm>>) dst(%arg14 : memref<8192xf32, #tpu.memory_space<vmem>>)
      tpu.yield
    }) : () -> ()
    %mul3A_39 = arith.constant 8192 : i32
    %mul3A_40 = arith.muli %select_n3A, %mul3A_39 : i32
    "tpu.region"() ({
      %run_scoped3A = tpu.sem_alloc : memref<!tpu.dma_semaphore, #tpu.memory_space<semaphore_mem>>
      %dma_start3A = tpu.memref_slice %arg6[%mul3A_40] : memref<16384xf32, #tpu.memory_space<hbm>> -> memref<8192xf32, #tpu.memory_space<hbm>>
      %dma_start3A_283 = tpu.memref_slice %arg6[%mul3A_40] : memref<16384xf32, #tpu.memory_space<hbm>> -> memref<8192xf32, #tpu.memory_space<hbm>>
      tpu.enqueue_dma source(%dma_start3A_283 : memref<8192xf32, #tpu.memory_space<hbm>>) target(%arg15 : memref<8192xf32, #tpu.memory_space<vmem>>) target_semaphore(%run_scoped3A : memref<!tpu.dma_semaphore, #tpu.memory_space<semaphore_mem>>)
      %dma_wait3A = tpu.memref_slice %arg6[%mul3A_40] : memref<16384xf32, #tpu.memory_space<hbm>> -> memref<8192xf32, #tpu.memory_space<hbm>>
      %dma_wait3A_284 = tpu.memref_slice %arg6[%mul3A_40] : memref<16384xf32, #tpu.memory_space<hbm>> -> memref<8192xf32, #tpu.memory_space<hbm>>
      tpu.wait_dma2 semaphore(%run_scoped3A : memref<!tpu.dma_semaphore, #tpu.memory_space<semaphore_mem>>) src(%dma_wait3A_284 : memref<8192xf32, #tpu.memory_space<hbm>>) dst(%arg15 : memref<8192xf32, #tpu.memory_space<vmem>>)
      tpu.yield
    }) : () -> ()
    %mul3A_41 = arith.constant 8192 : i32
    %mul3A_42 = arith.muli %select_n3A, %mul3A_41 : i32
    %add3A_43 = arith.addi %mul3A_42, %mul3A_32 : i32
    "tpu.region"() ({
      %run_scoped3A = tpu.sem_alloc : memref<!tpu.dma_semaphore, #tpu.memory_space<semaphore_mem>>
      %dma_start3A = tpu.memref_slice %arg7[%add3A_43] : memref<16384xf32, #tpu.memory_space<hbm>> -> memref<512xf32, #tpu.memory_space<hbm>>
      %dma_start3A_283 = tpu.memref_slice %arg7[%add3A_43] : memref<16384xf32, #tpu.memory_space<hbm>> -> memref<512xf32, #tpu.memory_space<hbm>>
      tpu.enqueue_dma source(%dma_start3A_283 : memref<512xf32, #tpu.memory_space<hbm>>) target(%arg16 : memref<512xf32, #tpu.memory_space<vmem>>) target_semaphore(%run_scoped3A : memref<!tpu.dma_semaphore, #tpu.memory_space<semaphore_mem>>)
      %dma_wait3A = tpu.memref_slice %arg7[%add3A_43] : memref<16384xf32, #tpu.memory_space<hbm>> -> memref<512xf32, #tpu.memory_space<hbm>>
      %dma_wait3A_284 = tpu.memref_slice %arg7[%add3A_43] : memref<16384xf32, #tpu.memory_space<hbm>> -> memref<512xf32, #tpu.memory_space<hbm>>
      tpu.wait_dma2 semaphore(%run_scoped3A : memref<!tpu.dma_semaphore, #tpu.memory_space<semaphore_mem>>) src(%dma_wait3A_284 : memref<512xf32, #tpu.memory_space<hbm>>) dst(%arg16 : memref<512xf32, #tpu.memory_space<vmem>>)
      tpu.yield
    }) : () -> ()
    %mul3A_44 = arith.constant 8192 : i32
    %mul3A_45 = arith.muli %select_n3A, %mul3A_44 : i32
    %add3A_46 = arith.addi %mul3A_45, %mul3A_32 : i32
    "tpu.region"() ({
      %run_scoped3A = tpu.sem_alloc : memref<!tpu.dma_semaphore, #tpu.memory_space<semaphore_mem>>
      %dma_start3A = tpu.memref_slice %arg8[%add3A_46] : memref<16384xf32, #tpu.memory_space<hbm>> -> memref<512xf32, #tpu.memory_space<hbm>>
      %dma_start3A_283 = tpu.memref_slice %arg8[%add3A_46] : memref<16384xf32, #tpu.memory_space<hbm>> -> memref<512xf32, #tpu.memory_space<hbm>>
      tpu.enqueue_dma source(%dma_start3A_283 : memref<512xf32, #tpu.memory_space<hbm>>) target(%arg17 : memref<512xf32, #tpu.memory_space<vmem>>) target_semaphore(%run_scoped3A : memref<!tpu.dma_semaphore, #tpu.memory_space<semaphore_mem>>)
      %dma_wait3A = tpu.memref_slice %arg8[%add3A_46] : memref<16384xf32, #tpu.memory_space<hbm>> -> memref<512xf32, #tpu.memory_space<hbm>>
      %dma_wait3A_284 = tpu.memref_slice %arg8[%add3A_46] : memref<16384xf32, #tpu.memory_space<hbm>> -> memref<512xf32, #tpu.memory_space<hbm>>
      tpu.wait_dma2 semaphore(%run_scoped3A : memref<!tpu.dma_semaphore, #tpu.memory_space<semaphore_mem>>) src(%dma_wait3A_284 : memref<512xf32, #tpu.memory_space<hbm>>) dst(%arg17 : memref<512xf32, #tpu.memory_space<vmem>>)
      tpu.yield
    }) : () -> ()
    %mul3A_47 = arith.constant 8192 : i32
    %mul3A_48 = arith.muli %select_n3A, %mul3A_47 : i32
    %add3A_49 = arith.addi %mul3A_48, %mul3A_32 : i32
    "tpu.region"() ({
      %run_scoped3A = tpu.sem_alloc : memref<!tpu.dma_semaphore, #tpu.memory_space<semaphore_mem>>
      %dma_start3A = tpu.memref_slice %arg9[%add3A_49] : memref<16384xf32, #tpu.memory_space<hbm>> -> memref<512xf32, #tpu.memory_space<hbm>>
      %dma_start3A_283 = tpu.memref_slice %arg9[%add3A_49] : memref<16384xf32, #tpu.memory_space<hbm>> -> memref<512xf32, #tpu.memory_space<hbm>>
      tpu.enqueue_dma source(%dma_start3A_283 : memref<512xf32, #tpu.memory_space<hbm>>) target(%arg18 : memref<512xf32, #tpu.memory_space<vmem>>) target_semaphore(%run_scoped3A : memref<!tpu.dma_semaphore, #tpu.memory_space<semaphore_mem>>)
      %dma_wait3A = tpu.memref_slice %arg9[%add3A_49] : memref<16384xf32, #tpu.memory_space<hbm>> -> memref<512xf32, #tpu.memory_space<hbm>>
      %dma_wait3A_284 = tpu.memref_slice %arg9[%add3A_49] : memref<16384xf32, #tpu.memory_space<hbm>> -> memref<512xf32, #tpu.memory_space<hbm>>
      tpu.wait_dma2 semaphore(%run_scoped3A : memref<!tpu.dma_semaphore, #tpu.memory_space<semaphore_mem>>) src(%dma_wait3A_284 : memref<512xf32, #tpu.memory_space<hbm>>) dst(%arg18 : memref<512xf32, #tpu.memory_space<vmem>>)
      tpu.yield
    }) : () -> ()
    %mul3A_50 = arith.constant 8192 : i32
    %mul3A_51 = arith.muli %select_n3A, %mul3A_50 : i32
    %add3A_52 = arith.addi %mul3A_51, %mul3A_32 : i32
    "tpu.region"() ({
      %run_scoped3A = tpu.sem_alloc : memref<!tpu.dma_semaphore, #tpu.memory_space<semaphore_mem>>
      %dma_start3A = tpu.memref_slice %arg10[%add3A_52] : memref<16384xf32, #tpu.memory_space<hbm>> -> memref<512xf32, #tpu.memory_space<hbm>>
      %dma_start3A_283 = tpu.memref_slice %arg10[%add3A_52] : memref<16384xf32, #tpu.memory_space<hbm>> -> memref<512xf32, #tpu.memory_space<hbm>>
      tpu.enqueue_dma source(%dma_start3A_283 : memref<512xf32, #tpu.memory_space<hbm>>) target(%arg19 : memref<512xf32, #tpu.memory_space<vmem>>) target_semaphore(%run_scoped3A : memref<!tpu.dma_semaphore, #tpu.memory_space<semaphore_mem>>)
      %dma_wait3A = tpu.memref_slice %arg10[%add3A_52] : memref<16384xf32, #tpu.memory_space<hbm>> -> memref<512xf32, #tpu.memory_space<hbm>>
      %dma_wait3A_284 = tpu.memref_slice %arg10[%add3A_52] : memref<16384xf32, #tpu.memory_space<hbm>> -> memref<512xf32, #tpu.memory_space<hbm>>
      tpu.wait_dma2 semaphore(%run_scoped3A : memref<!tpu.dma_semaphore, #tpu.memory_space<semaphore_mem>>) src(%dma_wait3A_284 : memref<512xf32, #tpu.memory_space<hbm>>) dst(%arg19 : memref<512xf32, #tpu.memory_space<vmem>>)
      tpu.yield
    }) : () -> ()
    %mul3A_53 = arith.constant 16 : i32
    %mul3A_54 = arith.muli %select_n3A, %mul3A_53 : i32
    %add3A_55 = arith.constant 0 : i32
    %add3A_56 = arith.addi %mul3A_54, %add3A_55 : i32
    %mul3A_57 = arith.constant 8192 : i32
    %mul3A_58 = arith.muli %add3A_56, %mul3A_57 : i32
    %add3A_59 = arith.addi %mul3A_58, %mul3A_32 : i32
    "tpu.region"() ({
      %run_scoped3A = tpu.sem_alloc : memref<!tpu.dma_semaphore, #tpu.memory_space<semaphore_mem>>
      %dma_start3A = arith.constant 0 : i32
      %dma_start3A_283 = tpu.memref_slice %arg20[%dma_start3A] : memref<8192xf32, #tpu.memory_space<vmem>> -> memref<512xf32, #tpu.memory_space<vmem>>
      %dma_start3A_284 = tpu.memref_slice %arg2[%add3A_59] : memref<262144xf32, #tpu.memory_space<hbm>> -> memref<512xf32, #tpu.memory_space<hbm>>
      %dma_start3A_285 = arith.constant 0 : i32
      %dma_start3A_286 = tpu.memref_slice %arg20[%dma_start3A_285] : memref<8192xf32, #tpu.memory_space<vmem>> -> memref<512xf32, #tpu.memory_space<vmem>>
      %dma_start3A_287 = tpu.memref_slice %arg2[%add3A_59] : memref<262144xf32, #tpu.memory_space<hbm>> -> memref<512xf32, #tpu.memory_space<hbm>>
      tpu.enqueue_dma source(%dma_start3A_287 : memref<512xf32, #tpu.memory_space<hbm>>) target(%dma_start3A_286 : memref<512xf32, #tpu.memory_space<vmem>>) target_semaphore(%run_scoped3A : memref<!tpu.dma_semaphore, #tpu.memory_space<semaphore_mem>>)
      %dma_wait3A = arith.constant 0 : i32
      %dma_wait3A_288 = tpu.memref_slice %arg20[%dma_wait3A] : memref<8192xf32, #tpu.memory_space<vmem>> -> memref<512xf32, #tpu.memory_space<vmem>>
      %dma_wait3A_289 = tpu.memref_slice %arg2[%add3A_59] : memref<262144xf32, #tpu.memory_space<hbm>> -> memref<512xf32, #tpu.memory_space<hbm>>
      %dma_wait3A_290 = arith.constant 0 : i32
      %dma_wait3A_291 = tpu.memref_slice %arg20[%dma_wait3A_290] : memref<8192xf32, #tpu.memory_space<vmem>> -> memref<512xf32, #tpu.memory_space<vmem>>
      %dma_wait3A_292 = tpu.memref_slice %arg2[%add3A_59] : memref<262144xf32, #tpu.memory_space<hbm>> -> memref<512xf32, #tpu.memory_space<hbm>>
      tpu.wait_dma2 semaphore(%run_scoped3A : memref<!tpu.dma_semaphore, #tpu.memory_space<semaphore_mem>>) src(%dma_wait3A_292 : memref<512xf32, #tpu.memory_space<hbm>>) dst(%dma_wait3A_291 : memref<512xf32, #tpu.memory_space<vmem>>)
      tpu.yield
    }) : () -> ()
    %mul3A_60 = arith.constant 16 : i32
    %mul3A_61 = arith.muli %select_n3A, %mul3A_60 : i32
    %add3A_62 = arith.constant 1 : i32
    %add3A_63 = arith.addi %mul3A_61, %add3A_62 : i32
    %mul3A_64 = arith.constant 8192 : i32
    %mul3A_65 = arith.muli %add3A_63, %mul3A_64 : i32
    %add3A_66 = arith.addi %mul3A_65, %mul3A_32 : i32
    "tpu.region"() ({
      %run_scoped3A = tpu.sem_alloc : memref<!tpu.dma_semaphore, #tpu.memory_space<semaphore_mem>>
      %dma_start3A = arith.constant 512 : i32
      %dma_start3A_283 = tpu.memref_slice %arg20[%dma_start3A] : memref<8192xf32, #tpu.memory_space<vmem>> -> memref<512xf32, #tpu.memory_space<vmem>>
      %dma_start3A_284 = tpu.memref_slice %arg2[%add3A_66] : memref<262144xf32, #tpu.memory_space<hbm>> -> memref<512xf32, #tpu.memory_space<hbm>>
      %dma_start3A_285 = arith.constant 512 : i32
      %dma_start3A_286 = tpu.memref_slice %arg20[%dma_start3A_285] : memref<8192xf32, #tpu.memory_space<vmem>> -> memref<512xf32, #tpu.memory_space<vmem>>
      %dma_start3A_287 = tpu.memref_slice %arg2[%add3A_66] : memref<262144xf32, #tpu.memory_space<hbm>> -> memref<512xf32, #tpu.memory_space<hbm>>
      tpu.enqueue_dma source(%dma_start3A_287 : memref<512xf32, #tpu.memory_space<hbm>>) target(%dma_start3A_286 : memref<512xf32, #tpu.memory_space<vmem>>) target_semaphore(%run_scoped3A : memref<!tpu.dma_semaphore, #tpu.memory_space<semaphore_mem>>)
      %dma_wait3A = arith.constant 512 : i32
      %dma_wait3A_288 = tpu.memref_slice %arg20[%dma_wait3A] : memref<8192xf32, #tpu.memory_space<vmem>> -> memref<512xf32, #tpu.memory_space<vmem>>
      %dma_wait3A_289 = tpu.memref_slice %arg2[%add3A_66] : memref<262144xf32, #tpu.memory_space<hbm>> -> memref<512xf32, #tpu.memory_space<hbm>>
      %dma_wait3A_290 = arith.constant 512 : i32
      %dma_wait3A_291 = tpu.memref_slice %arg20[%dma_wait3A_290] : memref<8192xf32, #tpu.memory_space<vmem>> -> memref<512xf32, #tpu.memory_space<vmem>>
      %dma_wait3A_292 = tpu.memref_slice %arg2[%add3A_66] : memref<262144xf32, #tpu.memory_space<hbm>> -> memref<512xf32, #tpu.memory_space<hbm>>
      tpu.wait_dma2 semaphore(%run_scoped3A : memref<!tpu.dma_semaphore, #tpu.memory_space<semaphore_mem>>) src(%dma_wait3A_292 : memref<512xf32, #tpu.memory_space<hbm>>) dst(%dma_wait3A_291 : memref<512xf32, #tpu.memory_space<vmem>>)
      tpu.yield
    }) : () -> ()
    %mul3A_67 = arith.constant 16 : i32
    %mul3A_68 = arith.muli %select_n3A, %mul3A_67 : i32
    %add3A_69 = arith.constant 2 : i32
    %add3A_70 = arith.addi %mul3A_68, %add3A_69 : i32
    %mul3A_71 = arith.constant 8192 : i32
    %mul3A_72 = arith.muli %add3A_70, %mul3A_71 : i32
    %add3A_73 = arith.addi %mul3A_72, %mul3A_32 : i32
    "tpu.region"() ({
      %run_scoped3A = tpu.sem_alloc : memref<!tpu.dma_semaphore, #tpu.memory_space<semaphore_mem>>
      %dma_start3A = arith.constant 1024 : i32
      %dma_start3A_283 = tpu.memref_slice %arg20[%dma_start3A] : memref<8192xf32, #tpu.memory_space<vmem>> -> memref<512xf32, #tpu.memory_space<vmem>>
      %dma_start3A_284 = tpu.memref_slice %arg2[%add3A_73] : memref<262144xf32, #tpu.memory_space<hbm>> -> memref<512xf32, #tpu.memory_space<hbm>>
      %dma_start3A_285 = arith.constant 1024 : i32
      %dma_start3A_286 = tpu.memref_slice %arg20[%dma_start3A_285] : memref<8192xf32, #tpu.memory_space<vmem>> -> memref<512xf32, #tpu.memory_space<vmem>>
      %dma_start3A_287 = tpu.memref_slice %arg2[%add3A_73] : memref<262144xf32, #tpu.memory_space<hbm>> -> memref<512xf32, #tpu.memory_space<hbm>>
      tpu.enqueue_dma source(%dma_start3A_287 : memref<512xf32, #tpu.memory_space<hbm>>) target(%dma_start3A_286 : memref<512xf32, #tpu.memory_space<vmem>>) target_semaphore(%run_scoped3A : memref<!tpu.dma_semaphore, #tpu.memory_space<semaphore_mem>>)
      %dma_wait3A = arith.constant 1024 : i32
      %dma_wait3A_288 = tpu.memref_slice %arg20[%dma_wait3A] : memref<8192xf32, #tpu.memory_space<vmem>> -> memref<512xf32, #tpu.memory_space<vmem>>
      %dma_wait3A_289 = tpu.memref_slice %arg2[%add3A_73] : memref<262144xf32, #tpu.memory_space<hbm>> -> memref<512xf32, #tpu.memory_space<hbm>>
      %dma_wait3A_290 = arith.constant 1024 : i32
      %dma_wait3A_291 = tpu.memref_slice %arg20[%dma_wait3A_290] : memref<8192xf32, #tpu.memory_space<vmem>> -> memref<512xf32, #tpu.memory_space<vmem>>
      %dma_wait3A_292 = tpu.memref_slice %arg2[%add3A_73] : memref<262144xf32, #tpu.memory_space<hbm>> -> memref<512xf32, #tpu.memory_space<hbm>>
      tpu.wait_dma2 semaphore(%run_scoped3A : memref<!tpu.dma_semaphore, #tpu.memory_space<semaphore_mem>>) src(%dma_wait3A_292 : memref<512xf32, #tpu.memory_space<hbm>>) dst(%dma_wait3A_291 : memref<512xf32, #tpu.memory_space<vmem>>)
      tpu.yield
    }) : () -> ()
    %mul3A_74 = arith.constant 16 : i32
    %mul3A_75 = arith.muli %select_n3A, %mul3A_74 : i32
    %add3A_76 = arith.constant 3 : i32
    %add3A_77 = arith.addi %mul3A_75, %add3A_76 : i32
    %mul3A_78 = arith.constant 8192 : i32
    %mul3A_79 = arith.muli %add3A_77, %mul3A_78 : i32
    %add3A_80 = arith.addi %mul3A_79, %mul3A_32 : i32
    "tpu.region"() ({
      %run_scoped3A = tpu.sem_alloc : memref<!tpu.dma_semaphore, #tpu.memory_space<semaphore_mem>>
      %dma_start3A = arith.constant 1536 : i32
      %dma_start3A_283 = tpu.memref_slice %arg20[%dma_start3A] : memref<8192xf32, #tpu.memory_space<vmem>> -> memref<512xf32, #tpu.memory_space<vmem>>
      %dma_start3A_284 = tpu.memref_slice %arg2[%add3A_80] : memref<262144xf32, #tpu.memory_space<hbm>> -> memref<512xf32, #tpu.memory_space<hbm>>
      %dma_start3A_285 = arith.constant 1536 : i32
      %dma_start3A_286 = tpu.memref_slice %arg20[%dma_start3A_285] : memref<8192xf32, #tpu.memory_space<vmem>> -> memref<512xf32, #tpu.memory_space<vmem>>
      %dma_start3A_287 = tpu.memref_slice %arg2[%add3A_80] : memref<262144xf32, #tpu.memory_space<hbm>> -> memref<512xf32, #tpu.memory_space<hbm>>
      tpu.enqueue_dma source(%dma_start3A_287 : memref<512xf32, #tpu.memory_space<hbm>>) target(%dma_start3A_286 : memref<512xf32, #tpu.memory_space<vmem>>) target_semaphore(%run_scoped3A : memref<!tpu.dma_semaphore, #tpu.memory_space<semaphore_mem>>)
      %dma_wait3A = arith.constant 1536 : i32
      %dma_wait3A_288 = tpu.memref_slice %arg20[%dma_wait3A] : memref<8192xf32, #tpu.memory_space<vmem>> -> memref<512xf32, #tpu.memory_space<vmem>>
      %dma_wait3A_289 = tpu.memref_slice %arg2[%add3A_80] : memref<262144xf32, #tpu.memory_space<hbm>> -> memref<512xf32, #tpu.memory_space<hbm>>
      %dma_wait3A_290 = arith.constant 1536 : i32
      %dma_wait3A_291 = tpu.memref_slice %arg20[%dma_wait3A_290] : memref<8192xf32, #tpu.memory_space<vmem>> -> memref<512xf32, #tpu.memory_space<vmem>>
      %dma_wait3A_292 = tpu.memref_slice %arg2[%add3A_80] : memref<262144xf32, #tpu.memory_space<hbm>> -> memref<512xf32, #tpu.memory_space<hbm>>
      tpu.wait_dma2 semaphore(%run_scoped3A : memref<!tpu.dma_semaphore, #tpu.memory_space<semaphore_mem>>) src(%dma_wait3A_292 : memref<512xf32, #tpu.memory_space<hbm>>) dst(%dma_wait3A_291 : memref<512xf32, #tpu.memory_space<vmem>>)
      tpu.yield
    }) : () -> ()
    %mul3A_81 = arith.constant 16 : i32
    %mul3A_82 = arith.muli %select_n3A, %mul3A_81 : i32
    %add3A_83 = arith.constant 4 : i32
    %add3A_84 = arith.addi %mul3A_82, %add3A_83 : i32
    %mul3A_85 = arith.constant 8192 : i32
    %mul3A_86 = arith.muli %add3A_84, %mul3A_85 : i32
    %add3A_87 = arith.addi %mul3A_86, %mul3A_32 : i32
    "tpu.region"() ({
      %run_scoped3A = tpu.sem_alloc : memref<!tpu.dma_semaphore, #tpu.memory_space<semaphore_mem>>
      %dma_start3A = arith.constant 2048 : i32
      %dma_start3A_283 = tpu.memref_slice %arg20[%dma_start3A] : memref<8192xf32, #tpu.memory_space<vmem>> -> memref<512xf32, #tpu.memory_space<vmem>>
      %dma_start3A_284 = tpu.memref_slice %arg2[%add3A_87] : memref<262144xf32, #tpu.memory_space<hbm>> -> memref<512xf32, #tpu.memory_space<hbm>>
      %dma_start3A_285 = arith.constant 2048 : i32
      %dma_start3A_286 = tpu.memref_slice %arg20[%dma_start3A_285] : memref<8192xf32, #tpu.memory_space<vmem>> -> memref<512xf32, #tpu.memory_space<vmem>>
      %dma_start3A_287 = tpu.memref_slice %arg2[%add3A_87] : memref<262144xf32, #tpu.memory_space<hbm>> -> memref<512xf32, #tpu.memory_space<hbm>>
      tpu.enqueue_dma source(%dma_start3A_287 : memref<512xf32, #tpu.memory_space<hbm>>) target(%dma_start3A_286 : memref<512xf32, #tpu.memory_space<vmem>>) target_semaphore(%run_scoped3A : memref<!tpu.dma_semaphore, #tpu.memory_space<semaphore_mem>>)
      %dma_wait3A = arith.constant 2048 : i32
      %dma_wait3A_288 = tpu.memref_slice %arg20[%dma_wait3A] : memref<8192xf32, #tpu.memory_space<vmem>> -> memref<512xf32, #tpu.memory_space<vmem>>
      %dma_wait3A_289 = tpu.memref_slice %arg2[%add3A_87] : memref<262144xf32, #tpu.memory_space<hbm>> -> memref<512xf32, #tpu.memory_space<hbm>>
      %dma_wait3A_290 = arith.constant 2048 : i32
      %dma_wait3A_291 = tpu.memref_slice %arg20[%dma_wait3A_290] : memref<8192xf32, #tpu.memory_space<vmem>> -> memref<512xf32, #tpu.memory_space<vmem>>
      %dma_wait3A_292 = tpu.memref_slice %arg2[%add3A_87] : memref<262144xf32, #tpu.memory_space<hbm>> -> memref<512xf32, #tpu.memory_space<hbm>>
      tpu.wait_dma2 semaphore(%run_scoped3A : memref<!tpu.dma_semaphore, #tpu.memory_space<semaphore_mem>>) src(%dma_wait3A_292 : memref<512xf32, #tpu.memory_space<hbm>>) dst(%dma_wait3A_291 : memref<512xf32, #tpu.memory_space<vmem>>)
      tpu.yield
    }) : () -> ()
    %mul3A_88 = arith.constant 16 : i32
    %mul3A_89 = arith.muli %select_n3A, %mul3A_88 : i32
    %add3A_90 = arith.constant 5 : i32
    %add3A_91 = arith.addi %mul3A_89, %add3A_90 : i32
    %mul3A_92 = arith.constant 8192 : i32
    %mul3A_93 = arith.muli %add3A_91, %mul3A_92 : i32
    %add3A_94 = arith.addi %mul3A_93, %mul3A_32 : i32
    "tpu.region"() ({
      %run_scoped3A = tpu.sem_alloc : memref<!tpu.dma_semaphore, #tpu.memory_space<semaphore_mem>>
      %dma_start3A = arith.constant 2560 : i32
      %dma_start3A_283 = tpu.memref_slice %arg20[%dma_start3A] : memref<8192xf32, #tpu.memory_space<vmem>> -> memref<512xf32, #tpu.memory_space<vmem>>
      %dma_start3A_284 = tpu.memref_slice %arg2[%add3A_94] : memref<262144xf32, #tpu.memory_space<hbm>> -> memref<512xf32, #tpu.memory_space<hbm>>
      %dma_start3A_285 = arith.constant 2560 : i32
      %dma_start3A_286 = tpu.memref_slice %arg20[%dma_start3A_285] : memref<8192xf32, #tpu.memory_space<vmem>> -> memref<512xf32, #tpu.memory_space<vmem>>
      %dma_start3A_287 = tpu.memref_slice %arg2[%add3A_94] : memref<262144xf32, #tpu.memory_space<hbm>> -> memref<512xf32, #tpu.memory_space<hbm>>
      tpu.enqueue_dma source(%dma_start3A_287 : memref<512xf32, #tpu.memory_space<hbm>>) target(%dma_start3A_286 : memref<512xf32, #tpu.memory_space<vmem>>) target_semaphore(%run_scoped3A : memref<!tpu.dma_semaphore, #tpu.memory_space<semaphore_mem>>)
      %dma_wait3A = arith.constant 2560 : i32
      %dma_wait3A_288 = tpu.memref_slice %arg20[%dma_wait3A] : memref<8192xf32, #tpu.memory_space<vmem>> -> memref<512xf32, #tpu.memory_space<vmem>>
      %dma_wait3A_289 = tpu.memref_slice %arg2[%add3A_94] : memref<262144xf32, #tpu.memory_space<hbm>> -> memref<512xf32, #tpu.memory_space<hbm>>
      %dma_wait3A_290 = arith.constant 2560 : i32
      %dma_wait3A_291 = tpu.memref_slice %arg20[%dma_wait3A_290] : memref<8192xf32, #tpu.memory_space<vmem>> -> memref<512xf32, #tpu.memory_space<vmem>>
      %dma_wait3A_292 = tpu.memref_slice %arg2[%add3A_94] : memref<262144xf32, #tpu.memory_space<hbm>> -> memref<512xf32, #tpu.memory_space<hbm>>
      tpu.wait_dma2 semaphore(%run_scoped3A : memref<!tpu.dma_semaphore, #tpu.memory_space<semaphore_mem>>) src(%dma_wait3A_292 : memref<512xf32, #tpu.memory_space<hbm>>) dst(%dma_wait3A_291 : memref<512xf32, #tpu.memory_space<vmem>>)
      tpu.yield
    }) : () -> ()
    %mul3A_95 = arith.constant 16 : i32
    %mul3A_96 = arith.muli %select_n3A, %mul3A_95 : i32
    %add3A_97 = arith.constant 6 : i32
    %add3A_98 = arith.addi %mul3A_96, %add3A_97 : i32
    %mul3A_99 = arith.constant 8192 : i32
    %mul3A_100 = arith.muli %add3A_98, %mul3A_99 : i32
    %add3A_101 = arith.addi %mul3A_100, %mul3A_32 : i32
    "tpu.region"() ({
      %run_scoped3A = tpu.sem_alloc : memref<!tpu.dma_semaphore, #tpu.memory_space<semaphore_mem>>
      %dma_start3A = arith.constant 3072 : i32
      %dma_start3A_283 = tpu.memref_slice %arg20[%dma_start3A] : memref<8192xf32, #tpu.memory_space<vmem>> -> memref<512xf32, #tpu.memory_space<vmem>>
      %dma_start3A_284 = tpu.memref_slice %arg2[%add3A_101] : memref<262144xf32, #tpu.memory_space<hbm>> -> memref<512xf32, #tpu.memory_space<hbm>>
      %dma_start3A_285 = arith.constant 3072 : i32
      %dma_start3A_286 = tpu.memref_slice %arg20[%dma_start3A_285] : memref<8192xf32, #tpu.memory_space<vmem>> -> memref<512xf32, #tpu.memory_space<vmem>>
      %dma_start3A_287 = tpu.memref_slice %arg2[%add3A_101] : memref<262144xf32, #tpu.memory_space<hbm>> -> memref<512xf32, #tpu.memory_space<hbm>>
      tpu.enqueue_dma source(%dma_start3A_287 : memref<512xf32, #tpu.memory_space<hbm>>) target(%dma_start3A_286 : memref<512xf32, #tpu.memory_space<vmem>>) target_semaphore(%run_scoped3A : memref<!tpu.dma_semaphore, #tpu.memory_space<semaphore_mem>>)
      %dma_wait3A = arith.constant 3072 : i32
      %dma_wait3A_288 = tpu.memref_slice %arg20[%dma_wait3A] : memref<8192xf32, #tpu.memory_space<vmem>> -> memref<512xf32, #tpu.memory_space<vmem>>
      %dma_wait3A_289 = tpu.memref_slice %arg2[%add3A_101] : memref<262144xf32, #tpu.memory_space<hbm>> -> memref<512xf32, #tpu.memory_space<hbm>>
      %dma_wait3A_290 = arith.constant 3072 : i32
      %dma_wait3A_291 = tpu.memref_slice %arg20[%dma_wait3A_290] : memref<8192xf32, #tpu.memory_space<vmem>> -> memref<512xf32, #tpu.memory_space<vmem>>
      %dma_wait3A_292 = tpu.memref_slice %arg2[%add3A_101] : memref<262144xf32, #tpu.memory_space<hbm>> -> memref<512xf32, #tpu.memory_space<hbm>>
      tpu.wait_dma2 semaphore(%run_scoped3A : memref<!tpu.dma_semaphore, #tpu.memory_space<semaphore_mem>>) src(%dma_wait3A_292 : memref<512xf32, #tpu.memory_space<hbm>>) dst(%dma_wait3A_291 : memref<512xf32, #tpu.memory_space<vmem>>)
      tpu.yield
    }) : () -> ()
    %mul3A_102 = arith.constant 16 : i32
    %mul3A_103 = arith.muli %select_n3A, %mul3A_102 : i32
    %add3A_104 = arith.constant 7 : i32
    %add3A_105 = arith.addi %mul3A_103, %add3A_104 : i32
    %mul3A_106 = arith.constant 8192 : i32
    %mul3A_107 = arith.muli %add3A_105, %mul3A_106 : i32
    %add3A_108 = arith.addi %mul3A_107, %mul3A_32 : i32
    "tpu.region"() ({
      %run_scoped3A = tpu.sem_alloc : memref<!tpu.dma_semaphore, #tpu.memory_space<semaphore_mem>>
      %dma_start3A = arith.constant 3584 : i32
      %dma_start3A_283 = tpu.memref_slice %arg20[%dma_start3A] : memref<8192xf32, #tpu.memory_space<vmem>> -> memref<512xf32, #tpu.memory_space<vmem>>
      %dma_start3A_284 = tpu.memref_slice %arg2[%add3A_108] : memref<262144xf32, #tpu.memory_space<hbm>> -> memref<512xf32, #tpu.memory_space<hbm>>
      %dma_start3A_285 = arith.constant 3584 : i32
      %dma_start3A_286 = tpu.memref_slice %arg20[%dma_start3A_285] : memref<8192xf32, #tpu.memory_space<vmem>> -> memref<512xf32, #tpu.memory_space<vmem>>
      %dma_start3A_287 = tpu.memref_slice %arg2[%add3A_108] : memref<262144xf32, #tpu.memory_space<hbm>> -> memref<512xf32, #tpu.memory_space<hbm>>
      tpu.enqueue_dma source(%dma_start3A_287 : memref<512xf32, #tpu.memory_space<hbm>>) target(%dma_start3A_286 : memref<512xf32, #tpu.memory_space<vmem>>) target_semaphore(%run_scoped3A : memref<!tpu.dma_semaphore, #tpu.memory_space<semaphore_mem>>)
      %dma_wait3A = arith.constant 3584 : i32
      %dma_wait3A_288 = tpu.memref_slice %arg20[%dma_wait3A] : memref<8192xf32, #tpu.memory_space<vmem>> -> memref<512xf32, #tpu.memory_space<vmem>>
      %dma_wait3A_289 = tpu.memref_slice %arg2[%add3A_108] : memref<262144xf32, #tpu.memory_space<hbm>> -> memref<512xf32, #tpu.memory_space<hbm>>
      %dma_wait3A_290 = arith.constant 3584 : i32
      %dma_wait3A_291 = tpu.memref_slice %arg20[%dma_wait3A_290] : memref<8192xf32, #tpu.memory_space<vmem>> -> memref<512xf32, #tpu.memory_space<vmem>>
      %dma_wait3A_292 = tpu.memref_slice %arg2[%add3A_108] : memref<262144xf32, #tpu.memory_space<hbm>> -> memref<512xf32, #tpu.memory_space<hbm>>
      tpu.wait_dma2 semaphore(%run_scoped3A : memref<!tpu.dma_semaphore, #tpu.memory_space<semaphore_mem>>) src(%dma_wait3A_292 : memref<512xf32, #tpu.memory_space<hbm>>) dst(%dma_wait3A_291 : memref<512xf32, #tpu.memory_space<vmem>>)
      tpu.yield
    }) : () -> ()
    %mul3A_109 = arith.constant 16 : i32
    %mul3A_110 = arith.muli %select_n3A, %mul3A_109 : i32
    %add3A_111 = arith.constant 8 : i32
    %add3A_112 = arith.addi %mul3A_110, %add3A_111 : i32
    %mul3A_113 = arith.constant 8192 : i32
    %mul3A_114 = arith.muli %add3A_112, %mul3A_113 : i32
    %add3A_115 = arith.addi %mul3A_114, %mul3A_32 : i32
    "tpu.region"() ({
      %run_scoped3A = tpu.sem_alloc : memref<!tpu.dma_semaphore, #tpu.memory_space<semaphore_mem>>
      %dma_start3A = arith.constant 4096 : i32
      %dma_start3A_283 = tpu.memref_slice %arg20[%dma_start3A] : memref<8192xf32, #tpu.memory_space<vmem>> -> memref<512xf32, #tpu.memory_space<vmem>>
      %dma_start3A_284 = tpu.memref_slice %arg2[%add3A_115] : memref<262144xf32, #tpu.memory_space<hbm>> -> memref<512xf32, #tpu.memory_space<hbm>>
      %dma_start3A_285 = arith.constant 4096 : i32
      %dma_start3A_286 = tpu.memref_slice %arg20[%dma_start3A_285] : memref<8192xf32, #tpu.memory_space<vmem>> -> memref<512xf32, #tpu.memory_space<vmem>>
      %dma_start3A_287 = tpu.memref_slice %arg2[%add3A_115] : memref<262144xf32, #tpu.memory_space<hbm>> -> memref<512xf32, #tpu.memory_space<hbm>>
      tpu.enqueue_dma source(%dma_start3A_287 : memref<512xf32, #tpu.memory_space<hbm>>) target(%dma_start3A_286 : memref<512xf32, #tpu.memory_space<vmem>>) target_semaphore(%run_scoped3A : memref<!tpu.dma_semaphore, #tpu.memory_space<semaphore_mem>>)
      %dma_wait3A = arith.constant 4096 : i32
      %dma_wait3A_288 = tpu.memref_slice %arg20[%dma_wait3A] : memref<8192xf32, #tpu.memory_space<vmem>> -> memref<512xf32, #tpu.memory_space<vmem>>
      %dma_wait3A_289 = tpu.memref_slice %arg2[%add3A_115] : memref<262144xf32, #tpu.memory_space<hbm>> -> memref<512xf32, #tpu.memory_space<hbm>>
      %dma_wait3A_290 = arith.constant 4096 : i32
      %dma_wait3A_291 = tpu.memref_slice %arg20[%dma_wait3A_290] : memref<8192xf32, #tpu.memory_space<vmem>> -> memref<512xf32, #tpu.memory_space<vmem>>
      %dma_wait3A_292 = tpu.memref_slice %arg2[%add3A_115] : memref<262144xf32, #tpu.memory_space<hbm>> -> memref<512xf32, #tpu.memory_space<hbm>>
      tpu.wait_dma2 semaphore(%run_scoped3A : memref<!tpu.dma_semaphore, #tpu.memory_space<semaphore_mem>>) src(%dma_wait3A_292 : memref<512xf32, #tpu.memory_space<hbm>>) dst(%dma_wait3A_291 : memref<512xf32, #tpu.memory_space<vmem>>)
      tpu.yield
    }) : () -> ()
    %mul3A_116 = arith.constant 16 : i32
    %mul3A_117 = arith.muli %select_n3A, %mul3A_116 : i32
    %add3A_118 = arith.constant 9 : i32
    %add3A_119 = arith.addi %mul3A_117, %add3A_118 : i32
    %mul3A_120 = arith.constant 8192 : i32
    %mul3A_121 = arith.muli %add3A_119, %mul3A_120 : i32
    %add3A_122 = arith.addi %mul3A_121, %mul3A_32 : i32
    "tpu.region"() ({
      %run_scoped3A = tpu.sem_alloc : memref<!tpu.dma_semaphore, #tpu.memory_space<semaphore_mem>>
      %dma_start3A = arith.constant 4608 : i32
      %dma_start3A_283 = tpu.memref_slice %arg20[%dma_start3A] : memref<8192xf32, #tpu.memory_space<vmem>> -> memref<512xf32, #tpu.memory_space<vmem>>
      %dma_start3A_284 = tpu.memref_slice %arg2[%add3A_122] : memref<262144xf32, #tpu.memory_space<hbm>> -> memref<512xf32, #tpu.memory_space<hbm>>
      %dma_start3A_285 = arith.constant 4608 : i32
      %dma_start3A_286 = tpu.memref_slice %arg20[%dma_start3A_285] : memref<8192xf32, #tpu.memory_space<vmem>> -> memref<512xf32, #tpu.memory_space<vmem>>
      %dma_start3A_287 = tpu.memref_slice %arg2[%add3A_122] : memref<262144xf32, #tpu.memory_space<hbm>> -> memref<512xf32, #tpu.memory_space<hbm>>
      tpu.enqueue_dma source(%dma_start3A_287 : memref<512xf32, #tpu.memory_space<hbm>>) target(%dma_start3A_286 : memref<512xf32, #tpu.memory_space<vmem>>) target_semaphore(%run_scoped3A : memref<!tpu.dma_semaphore, #tpu.memory_space<semaphore_mem>>)
      %dma_wait3A = arith.constant 4608 : i32
      %dma_wait3A_288 = tpu.memref_slice %arg20[%dma_wait3A] : memref<8192xf32, #tpu.memory_space<vmem>> -> memref<512xf32, #tpu.memory_space<vmem>>
      %dma_wait3A_289 = tpu.memref_slice %arg2[%add3A_122] : memref<262144xf32, #tpu.memory_space<hbm>> -> memref<512xf32, #tpu.memory_space<hbm>>
      %dma_wait3A_290 = arith.constant 4608 : i32
      %dma_wait3A_291 = tpu.memref_slice %arg20[%dma_wait3A_290] : memref<8192xf32, #tpu.memory_space<vmem>> -> memref<512xf32, #tpu.memory_space<vmem>>
      %dma_wait3A_292 = tpu.memref_slice %arg2[%add3A_122] : memref<262144xf32, #tpu.memory_space<hbm>> -> memref<512xf32, #tpu.memory_space<hbm>>
      tpu.wait_dma2 semaphore(%run_scoped3A : memref<!tpu.dma_semaphore, #tpu.memory_space<semaphore_mem>>) src(%dma_wait3A_292 : memref<512xf32, #tpu.memory_space<hbm>>) dst(%dma_wait3A_291 : memref<512xf32, #tpu.memory_space<vmem>>)
      tpu.yield
    }) : () -> ()
    %mul3A_123 = arith.constant 16 : i32
    %mul3A_124 = arith.muli %select_n3A, %mul3A_123 : i32
    %add3A_125 = arith.constant 10 : i32
    %add3A_126 = arith.addi %mul3A_124, %add3A_125 : i32
    %mul3A_127 = arith.constant 8192 : i32
    %mul3A_128 = arith.muli %add3A_126, %mul3A_127 : i32
    %add3A_129 = arith.addi %mul3A_128, %mul3A_32 : i32
    "tpu.region"() ({
      %run_scoped3A = tpu.sem_alloc : memref<!tpu.dma_semaphore, #tpu.memory_space<semaphore_mem>>
      %dma_start3A = arith.constant 5120 : i32
      %dma_start3A_283 = tpu.memref_slice %arg20[%dma_start3A] : memref<8192xf32, #tpu.memory_space<vmem>> -> memref<512xf32, #tpu.memory_space<vmem>>
      %dma_start3A_284 = tpu.memref_slice %arg2[%add3A_129] : memref<262144xf32, #tpu.memory_space<hbm>> -> memref<512xf32, #tpu.memory_space<hbm>>
      %dma_start3A_285 = arith.constant 5120 : i32
      %dma_start3A_286 = tpu.memref_slice %arg20[%dma_start3A_285] : memref<8192xf32, #tpu.memory_space<vmem>> -> memref<512xf32, #tpu.memory_space<vmem>>
      %dma_start3A_287 = tpu.memref_slice %arg2[%add3A_129] : memref<262144xf32, #tpu.memory_space<hbm>> -> memref<512xf32, #tpu.memory_space<hbm>>
      tpu.enqueue_dma source(%dma_start3A_287 : memref<512xf32, #tpu.memory_space<hbm>>) target(%dma_start3A_286 : memref<512xf32, #tpu.memory_space<vmem>>) target_semaphore(%run_scoped3A : memref<!tpu.dma_semaphore, #tpu.memory_space<semaphore_mem>>)
      %dma_wait3A = arith.constant 5120 : i32
      %dma_wait3A_288 = tpu.memref_slice %arg20[%dma_wait3A] : memref<8192xf32, #tpu.memory_space<vmem>> -> memref<512xf32, #tpu.memory_space<vmem>>
      %dma_wait3A_289 = tpu.memref_slice %arg2[%add3A_129] : memref<262144xf32, #tpu.memory_space<hbm>> -> memref<512xf32, #tpu.memory_space<hbm>>
      %dma_wait3A_290 = arith.constant 5120 : i32
      %dma_wait3A_291 = tpu.memref_slice %arg20[%dma_wait3A_290] : memref<8192xf32, #tpu.memory_space<vmem>> -> memref<512xf32, #tpu.memory_space<vmem>>
      %dma_wait3A_292 = tpu.memref_slice %arg2[%add3A_129] : memref<262144xf32, #tpu.memory_space<hbm>> -> memref<512xf32, #tpu.memory_space<hbm>>
      tpu.wait_dma2 semaphore(%run_scoped3A : memref<!tpu.dma_semaphore, #tpu.memory_space<semaphore_mem>>) src(%dma_wait3A_292 : memref<512xf32, #tpu.memory_space<hbm>>) dst(%dma_wait3A_291 : memref<512xf32, #tpu.memory_space<vmem>>)
      tpu.yield
    }) : () -> ()
    %mul3A_130 = arith.constant 16 : i32
    %mul3A_131 = arith.muli %select_n3A, %mul3A_130 : i32
    %add3A_132 = arith.constant 11 : i32
    %add3A_133 = arith.addi %mul3A_131, %add3A_132 : i32
    %mul3A_134 = arith.constant 8192 : i32
    %mul3A_135 = arith.muli %add3A_133, %mul3A_134 : i32
    %add3A_136 = arith.addi %mul3A_135, %mul3A_32 : i32
    "tpu.region"() ({
      %run_scoped3A = tpu.sem_alloc : memref<!tpu.dma_semaphore, #tpu.memory_space<semaphore_mem>>
      %dma_start3A = arith.constant 5632 : i32
      %dma_start3A_283 = tpu.memref_slice %arg20[%dma_start3A] : memref<8192xf32, #tpu.memory_space<vmem>> -> memref<512xf32, #tpu.memory_space<vmem>>
      %dma_start3A_284 = tpu.memref_slice %arg2[%add3A_136] : memref<262144xf32, #tpu.memory_space<hbm>> -> memref<512xf32, #tpu.memory_space<hbm>>
      %dma_start3A_285 = arith.constant 5632 : i32
      %dma_start3A_286 = tpu.memref_slice %arg20[%dma_start3A_285] : memref<8192xf32, #tpu.memory_space<vmem>> -> memref<512xf32, #tpu.memory_space<vmem>>
      %dma_start3A_287 = tpu.memref_slice %arg2[%add3A_136] : memref<262144xf32, #tpu.memory_space<hbm>> -> memref<512xf32, #tpu.memory_space<hbm>>
      tpu.enqueue_dma source(%dma_start3A_287 : memref<512xf32, #tpu.memory_space<hbm>>) target(%dma_start3A_286 : memref<512xf32, #tpu.memory_space<vmem>>) target_semaphore(%run_scoped3A : memref<!tpu.dma_semaphore, #tpu.memory_space<semaphore_mem>>)
      %dma_wait3A = arith.constant 5632 : i32
      %dma_wait3A_288 = tpu.memref_slice %arg20[%dma_wait3A] : memref<8192xf32, #tpu.memory_space<vmem>> -> memref<512xf32, #tpu.memory_space<vmem>>
      %dma_wait3A_289 = tpu.memref_slice %arg2[%add3A_136] : memref<262144xf32, #tpu.memory_space<hbm>> -> memref<512xf32, #tpu.memory_space<hbm>>
      %dma_wait3A_290 = arith.constant 5632 : i32
      %dma_wait3A_291 = tpu.memref_slice %arg20[%dma_wait3A_290] : memref<8192xf32, #tpu.memory_space<vmem>> -> memref<512xf32, #tpu.memory_space<vmem>>
      %dma_wait3A_292 = tpu.memref_slice %arg2[%add3A_136] : memref<262144xf32, #tpu.memory_space<hbm>> -> memref<512xf32, #tpu.memory_space<hbm>>
      tpu.wait_dma2 semaphore(%run_scoped3A : memref<!tpu.dma_semaphore, #tpu.memory_space<semaphore_mem>>) src(%dma_wait3A_292 : memref<512xf32, #tpu.memory_space<hbm>>) dst(%dma_wait3A_291 : memref<512xf32, #tpu.memory_space<vmem>>)
      tpu.yield
    }) : () -> ()
    %mul3A_137 = arith.constant 16 : i32
    %mul3A_138 = arith.muli %select_n3A, %mul3A_137 : i32
    %add3A_139 = arith.constant 12 : i32
    %add3A_140 = arith.addi %mul3A_138, %add3A_139 : i32
    %mul3A_141 = arith.constant 8192 : i32
    %mul3A_142 = arith.muli %add3A_140, %mul3A_141 : i32
    %add3A_143 = arith.addi %mul3A_142, %mul3A_32 : i32
    "tpu.region"() ({
      %run_scoped3A = tpu.sem_alloc : memref<!tpu.dma_semaphore, #tpu.memory_space<semaphore_mem>>
      %dma_start3A = arith.constant 6144 : i32
      %dma_start3A_283 = tpu.memref_slice %arg20[%dma_start3A] : memref<8192xf32, #tpu.memory_space<vmem>> -> memref<512xf32, #tpu.memory_space<vmem>>
      %dma_start3A_284 = tpu.memref_slice %arg2[%add3A_143] : memref<262144xf32, #tpu.memory_space<hbm>> -> memref<512xf32, #tpu.memory_space<hbm>>
      %dma_start3A_285 = arith.constant 6144 : i32
      %dma_start3A_286 = tpu.memref_slice %arg20[%dma_start3A_285] : memref<8192xf32, #tpu.memory_space<vmem>> -> memref<512xf32, #tpu.memory_space<vmem>>
      %dma_start3A_287 = tpu.memref_slice %arg2[%add3A_143] : memref<262144xf32, #tpu.memory_space<hbm>> -> memref<512xf32, #tpu.memory_space<hbm>>
      tpu.enqueue_dma source(%dma_start3A_287 : memref<512xf32, #tpu.memory_space<hbm>>) target(%dma_start3A_286 : memref<512xf32, #tpu.memory_space<vmem>>) target_semaphore(%run_scoped3A : memref<!tpu.dma_semaphore, #tpu.memory_space<semaphore_mem>>)
      %dma_wait3A = arith.constant 6144 : i32
      %dma_wait3A_288 = tpu.memref_slice %arg20[%dma_wait3A] : memref<8192xf32, #tpu.memory_space<vmem>> -> memref<512xf32, #tpu.memory_space<vmem>>
      %dma_wait3A_289 = tpu.memref_slice %arg2[%add3A_143] : memref<262144xf32, #tpu.memory_space<hbm>> -> memref<512xf32, #tpu.memory_space<hbm>>
      %dma_wait3A_290 = arith.constant 6144 : i32
      %dma_wait3A_291 = tpu.memref_slice %arg20[%dma_wait3A_290] : memref<8192xf32, #tpu.memory_space<vmem>> -> memref<512xf32, #tpu.memory_space<vmem>>
      %dma_wait3A_292 = tpu.memref_slice %arg2[%add3A_143] : memref<262144xf32, #tpu.memory_space<hbm>> -> memref<512xf32, #tpu.memory_space<hbm>>
      tpu.wait_dma2 semaphore(%run_scoped3A : memref<!tpu.dma_semaphore, #tpu.memory_space<semaphore_mem>>) src(%dma_wait3A_292 : memref<512xf32, #tpu.memory_space<hbm>>) dst(%dma_wait3A_291 : memref<512xf32, #tpu.memory_space<vmem>>)
      tpu.yield
    }) : () -> ()
    %mul3A_144 = arith.constant 16 : i32
    %mul3A_145 = arith.muli %select_n3A, %mul3A_144 : i32
    %add3A_146 = arith.constant 13 : i32
    %add3A_147 = arith.addi %mul3A_145, %add3A_146 : i32
    %mul3A_148 = arith.constant 8192 : i32
    %mul3A_149 = arith.muli %add3A_147, %mul3A_148 : i32
    %add3A_150 = arith.addi %mul3A_149, %mul3A_32 : i32
    "tpu.region"() ({
      %run_scoped3A = tpu.sem_alloc : memref<!tpu.dma_semaphore, #tpu.memory_space<semaphore_mem>>
      %dma_start3A = arith.constant 6656 : i32
      %dma_start3A_283 = tpu.memref_slice %arg20[%dma_start3A] : memref<8192xf32, #tpu.memory_space<vmem>> -> memref<512xf32, #tpu.memory_space<vmem>>
      %dma_start3A_284 = tpu.memref_slice %arg2[%add3A_150] : memref<262144xf32, #tpu.memory_space<hbm>> -> memref<512xf32, #tpu.memory_space<hbm>>
      %dma_start3A_285 = arith.constant 6656 : i32
      %dma_start3A_286 = tpu.memref_slice %arg20[%dma_start3A_285] : memref<8192xf32, #tpu.memory_space<vmem>> -> memref<512xf32, #tpu.memory_space<vmem>>
      %dma_start3A_287 = tpu.memref_slice %arg2[%add3A_150] : memref<262144xf32, #tpu.memory_space<hbm>> -> memref<512xf32, #tpu.memory_space<hbm>>
      tpu.enqueue_dma source(%dma_start3A_287 : memref<512xf32, #tpu.memory_space<hbm>>) target(%dma_start3A_286 : memref<512xf32, #tpu.memory_space<vmem>>) target_semaphore(%run_scoped3A : memref<!tpu.dma_semaphore, #tpu.memory_space<semaphore_mem>>)
      %dma_wait3A = arith.constant 6656 : i32
      %dma_wait3A_288 = tpu.memref_slice %arg20[%dma_wait3A] : memref<8192xf32, #tpu.memory_space<vmem>> -> memref<512xf32, #tpu.memory_space<vmem>>
      %dma_wait3A_289 = tpu.memref_slice %arg2[%add3A_150] : memref<262144xf32, #tpu.memory_space<hbm>> -> memref<512xf32, #tpu.memory_space<hbm>>
      %dma_wait3A_290 = arith.constant 6656 : i32
      %dma_wait3A_291 = tpu.memref_slice %arg20[%dma_wait3A_290] : memref<8192xf32, #tpu.memory_space<vmem>> -> memref<512xf32, #tpu.memory_space<vmem>>
      %dma_wait3A_292 = tpu.memref_slice %arg2[%add3A_150] : memref<262144xf32, #tpu.memory_space<hbm>> -> memref<512xf32, #tpu.memory_space<hbm>>
      tpu.wait_dma2 semaphore(%run_scoped3A : memref<!tpu.dma_semaphore, #tpu.memory_space<semaphore_mem>>) src(%dma_wait3A_292 : memref<512xf32, #tpu.memory_space<hbm>>) dst(%dma_wait3A_291 : memref<512xf32, #tpu.memory_space<vmem>>)
      tpu.yield
    }) : () -> ()
    %mul3A_151 = arith.constant 16 : i32
    %mul3A_152 = arith.muli %select_n3A, %mul3A_151 : i32
    %add3A_153 = arith.constant 14 : i32
    %add3A_154 = arith.addi %mul3A_152, %add3A_153 : i32
    %mul3A_155 = arith.constant 8192 : i32
    %mul3A_156 = arith.muli %add3A_154, %mul3A_155 : i32
    %add3A_157 = arith.addi %mul3A_156, %mul3A_32 : i32
    "tpu.region"() ({
      %run_scoped3A = tpu.sem_alloc : memref<!tpu.dma_semaphore, #tpu.memory_space<semaphore_mem>>
      %dma_start3A = arith.constant 7168 : i32
      %dma_start3A_283 = tpu.memref_slice %arg20[%dma_start3A] : memref<8192xf32, #tpu.memory_space<vmem>> -> memref<512xf32, #tpu.memory_space<vmem>>
      %dma_start3A_284 = tpu.memref_slice %arg2[%add3A_157] : memref<262144xf32, #tpu.memory_space<hbm>> -> memref<512xf32, #tpu.memory_space<hbm>>
      %dma_start3A_285 = arith.constant 7168 : i32
      %dma_start3A_286 = tpu.memref_slice %arg20[%dma_start3A_285] : memref<8192xf32, #tpu.memory_space<vmem>> -> memref<512xf32, #tpu.memory_space<vmem>>
      %dma_start3A_287 = tpu.memref_slice %arg2[%add3A_157] : memref<262144xf32, #tpu.memory_space<hbm>> -> memref<512xf32, #tpu.memory_space<hbm>>
      tpu.enqueue_dma source(%dma_start3A_287 : memref<512xf32, #tpu.memory_space<hbm>>) target(%dma_start3A_286 : memref<512xf32, #tpu.memory_space<vmem>>) target_semaphore(%run_scoped3A : memref<!tpu.dma_semaphore, #tpu.memory_space<semaphore_mem>>)
      %dma_wait3A = arith.constant 7168 : i32
      %dma_wait3A_288 = tpu.memref_slice %arg20[%dma_wait3A] : memref<8192xf32, #tpu.memory_space<vmem>> -> memref<512xf32, #tpu.memory_space<vmem>>
      %dma_wait3A_289 = tpu.memref_slice %arg2[%add3A_157] : memref<262144xf32, #tpu.memory_space<hbm>> -> memref<512xf32, #tpu.memory_space<hbm>>
      %dma_wait3A_290 = arith.constant 7168 : i32
      %dma_wait3A_291 = tpu.memref_slice %arg20[%dma_wait3A_290] : memref<8192xf32, #tpu.memory_space<vmem>> -> memref<512xf32, #tpu.memory_space<vmem>>
      %dma_wait3A_292 = tpu.memref_slice %arg2[%add3A_157] : memref<262144xf32, #tpu.memory_space<hbm>> -> memref<512xf32, #tpu.memory_space<hbm>>
      tpu.wait_dma2 semaphore(%run_scoped3A : memref<!tpu.dma_semaphore, #tpu.memory_space<semaphore_mem>>) src(%dma_wait3A_292 : memref<512xf32, #tpu.memory_space<hbm>>) dst(%dma_wait3A_291 : memref<512xf32, #tpu.memory_space<vmem>>)
      tpu.yield
    }) : () -> ()
    %mul3A_158 = arith.constant 16 : i32
    %mul3A_159 = arith.muli %select_n3A, %mul3A_158 : i32
    %add3A_160 = arith.constant 15 : i32
    %add3A_161 = arith.addi %mul3A_159, %add3A_160 : i32
    %mul3A_162 = arith.constant 8192 : i32
    %mul3A_163 = arith.muli %add3A_161, %mul3A_162 : i32
    %add3A_164 = arith.addi %mul3A_163, %mul3A_32 : i32
    "tpu.region"() ({
      %run_scoped3A = tpu.sem_alloc : memref<!tpu.dma_semaphore, #tpu.memory_space<semaphore_mem>>
      %dma_start3A = arith.constant 7680 : i32
      %dma_start3A_283 = tpu.memref_slice %arg20[%dma_start3A] : memref<8192xf32, #tpu.memory_space<vmem>> -> memref<512xf32, #tpu.memory_space<vmem>>
      %dma_start3A_284 = tpu.memref_slice %arg2[%add3A_164] : memref<262144xf32, #tpu.memory_space<hbm>> -> memref<512xf32, #tpu.memory_space<hbm>>
      %dma_start3A_285 = arith.constant 7680 : i32
      %dma_start3A_286 = tpu.memref_slice %arg20[%dma_start3A_285] : memref<8192xf32, #tpu.memory_space<vmem>> -> memref<512xf32, #tpu.memory_space<vmem>>
      %dma_start3A_287 = tpu.memref_slice %arg2[%add3A_164] : memref<262144xf32, #tpu.memory_space<hbm>> -> memref<512xf32, #tpu.memory_space<hbm>>
      tpu.enqueue_dma source(%dma_start3A_287 : memref<512xf32, #tpu.memory_space<hbm>>) target(%dma_start3A_286 : memref<512xf32, #tpu.memory_space<vmem>>) target_semaphore(%run_scoped3A : memref<!tpu.dma_semaphore, #tpu.memory_space<semaphore_mem>>)
      %dma_wait3A = arith.constant 7680 : i32
      %dma_wait3A_288 = tpu.memref_slice %arg20[%dma_wait3A] : memref<8192xf32, #tpu.memory_space<vmem>> -> memref<512xf32, #tpu.memory_space<vmem>>
      %dma_wait3A_289 = tpu.memref_slice %arg2[%add3A_164] : memref<262144xf32, #tpu.memory_space<hbm>> -> memref<512xf32, #tpu.memory_space<hbm>>
      %dma_wait3A_290 = arith.constant 7680 : i32
      %dma_wait3A_291 = tpu.memref_slice %arg20[%dma_wait3A_290] : memref<8192xf32, #tpu.memory_space<vmem>> -> memref<512xf32, #tpu.memory_space<vmem>>
      %dma_wait3A_292 = tpu.memref_slice %arg2[%add3A_164] : memref<262144xf32, #tpu.memory_space<hbm>> -> memref<512xf32, #tpu.memory_space<hbm>>
      tpu.wait_dma2 semaphore(%run_scoped3A : memref<!tpu.dma_semaphore, #tpu.memory_space<semaphore_mem>>) src(%dma_wait3A_292 : memref<512xf32, #tpu.memory_space<hbm>>) dst(%dma_wait3A_291 : memref<512xf32, #tpu.memory_space<vmem>>)
      tpu.yield
    }) : () -> ()
    %iota3A = tpu.iota {dimensions = array<i32: 0>} : vector<16xi32>
    %broadcast_in_dim3A = arith.constant 0 : i32
    %broadcast_in_dim3A_165 = vector.broadcast %broadcast_in_dim3A : i32 to vector<16xi32>
    %scan3A = arith.constant 0 : i32
    %scan3A_166 = arith.constant 0 : i32
    %scan3A_167 = arith.constant 32 : i32
    %scan3A_168 = arith.addi %scan3A_166, %scan3A_167 : i32
    %scan3A_169 = arith.constant 1 : i32
    scf.for %scan3A_283 = %scan3A_166 to %scan3A_168 step %scan3A_169  : i32 {
      %mul3A_284 = arith.constant 16 : i32
      %mul3A_285 = arith.muli %scan3A_283, %mul3A_284 : i32
      %get3A = arith.index_cast %mul3A_285 : i32 to index
      %get3A_286 = tpu.vector_load %arg16[%get3A] {strides = array<i32>} : memref<512xf32, #tpu.memory_space<vmem>>, vector<16xf32>,
      %mul3A_287 = arith.constant 16 : i32
      %mul3A_288 = arith.muli %scan3A_283, %mul3A_287 : i32
      %get3A_289 = arith.index_cast %mul3A_288 : i32 to index
      %get3A_290 = tpu.vector_load %arg17[%get3A_289] {strides = array<i32>} : memref<512xf32, #tpu.memory_space<vmem>>, vector<16xf32>,
      %mul3A_291 = arith.constant 16 : i32
      %mul3A_292 = arith.muli %scan3A_283, %mul3A_291 : i32
      %get3A_293 = arith.index_cast %mul3A_292 : i32 to index
      %get3A_294 = tpu.vector_load %arg18[%get3A_293] {strides = array<i32>} : memref<512xf32, #tpu.memory_space<vmem>>, vector<16xf32>,
      %mul3A_295 = arith.constant 16 : i32
      %mul3A_296 = arith.muli %scan3A_283, %mul3A_295 : i32
      %get3A_297 = arith.index_cast %mul3A_296 : i32 to index
      %get3A_298 = tpu.vector_load %arg19[%get3A_297] {strides = array<i32>} : memref<512xf32, #tpu.memory_space<vmem>>, vector<16xf32>,
      %mul3A_299 = arith.constant 16 : i32
      %mul3A_300 = arith.muli %scan3A_283, %mul3A_299 : i32
      %add3A_301 = vector.broadcast %mul3A_300 : i32 to vector<16xi32>
      %add3A_302 = arith.addi %add3A_301, %iota3A : vector<16xi32>
      %scan3A_303 = arith.constant 0 : i32
      %scan3A_304 = arith.constant 0 : i32
      %scan3A_305 = arith.constant 16 : i32
      %scan3A_306 = arith.addi %scan3A_304, %scan3A_305 : i32
      %scan3A_307 = arith.constant 1 : i32
      scf.for %scan3A_315 = %scan3A_304 to %scan3A_306 step %scan3A_307  : i32 {
        %mul3A_316 = arith.constant 512 : i32
        %mul3A_317 = arith.muli %scan3A_315, %mul3A_316 : i32
        %add3A_318 = vector.broadcast %mul3A_317 : i32 to vector<16xi32>
        %add3A_319 = arith.addi %add3A_318, %add3A_302 : vector<16xi32>
        %gather3A = tpu.vector_load_idx %arg20[%add3A_319] : memref<8192xf32, #tpu.memory_space<vmem>>[vector<16xi32>], vector<16xf32>,
        %convert_element_type3A = arith.fptosi %gather3A : vector<16xf32> to vector<16xi32>
        %broadcast_in_dim3A_320 = arith.constant 3.000000e+38 : f32
        %broadcast_in_dim3A_321 = vector.broadcast %broadcast_in_dim3A_320 : f32 to vector<16xf32>
        %broadcast_in_dim3A_322 = arith.constant 2147483647 : i32
        %broadcast_in_dim3A_323 = vector.broadcast %broadcast_in_dim3A_322 : i32 to vector<16xi32>
        %mul3A_324 = arith.constant 16 : i32
        %mul3A_325 = vector.broadcast %mul3A_324 : i32 to vector<16xi32>
        %mul3A_326 = arith.muli %convert_element_type3A, %mul3A_325 : vector<16xi32>
        %add3A_327 = arith.constant 0 : i32
        %add3A_328 = vector.broadcast %add3A_327 : i32 to vector<16xi32>
        %add3A_329 = arith.addi %mul3A_326, %add3A_328 : vector<16xi32>
        %gather3A_330 = tpu.vector_load_idx %arg12[%add3A_329] : memref<8192xf32, #tpu.memory_space<vmem>>[vector<16xi32>], vector<16xf32>,
        %gather3A_331 = tpu.vector_load_idx %arg13[%add3A_329] : memref<8192xf32, #tpu.memory_space<vmem>>[vector<16xi32>], vector<16xf32>,
        %gather3A_332 = tpu.vector_load_idx %arg14[%add3A_329] : memref<8192xf32, #tpu.memory_space<vmem>>[vector<16xi32>], vector<16xf32>,
        %gather3A_333 = tpu.vector_load_idx %arg15[%add3A_329] : memref<8192xf32, #tpu.memory_space<vmem>>[vector<16xi32>], vector<16xf32>,
        %mul3A_334 = arith.mulf %gather3A_330, %get3A_286 : vector<16xf32>
        %mul3A_335 = arith.mulf %gather3A_331, %get3A_290 : vector<16xf32>
        %add3A_336 = arith.addf %mul3A_334, %mul3A_335 : vector<16xf32>
        %mul3A_337 = arith.mulf %gather3A_332, %get3A_294 : vector<16xf32>
        %add3A_338 = arith.addf %add3A_336, %mul3A_337 : vector<16xf32>
        %add3A_339 = arith.addf %add3A_338, %get3A_298 : vector<16xf32>
        %add3A_340 = arith.addf %add3A_339, %gather3A_333 : vector<16xf32>
        %mul3A_341 = arith.constant 16 : i32
        %mul3A_342 = arith.muli %scan3A_315, %mul3A_341 : i32
        %add3A_343 = arith.constant 0 : i32
        %add3A_344 = arith.addi %mul3A_342, %add3A_343 : i32
        %mul3A_345 = arith.constant 16 : i32
        %mul3A_346 = arith.muli %add3A_344, %mul3A_345 : i32
        %add3A_347 = vector.broadcast %mul3A_346 : i32 to vector<16xi32>
        %add3A_348 = arith.addi %add3A_347, %iota3A : vector<16xi32>
        tpu.vector_store_idx %arg21[%add3A_348], %add3A_340 : memref<4096xf32, #tpu.memory_space<vmem>>[vector<16xi32>], vector<16xf32>,
        %lt3A_349 = arith.cmpf olt, %add3A_340, %broadcast_in_dim3A_321 : vector<16xf32>
        %eq3A_350 = arith.cmpf oeq, %add3A_340, %broadcast_in_dim3A_321 : vector<16xf32>
        %lt3A_351 = arith.cmpi slt, %add3A_329, %broadcast_in_dim3A_323 : vector<16xi32>
        %and3A_352 = arith.andi %eq3A_350, %lt3A_351 : vector<16xi1>
        %or3A = arith.ori %lt3A_349, %and3A_352 : vector<16xi1>
        %select_n3A_353 = arith.select %or3A, %add3A_340, %broadcast_in_dim3A_321 : vector<16xi1>, vector<16xf32>
        %select_n3A_354 = arith.select %or3A, %add3A_329, %broadcast_in_dim3A_323 : vector<16xi1>, vector<16xi32>
        %mul3A_355 = arith.constant 16 : i32
        %mul3A_356 = vector.broadcast %mul3A_355 : i32 to vector<16xi32>
        %mul3A_357 = arith.muli %convert_element_type3A, %mul3A_356 : vector<16xi32>
        %add3A_358 = arith.constant 1 : i32
        %add3A_359 = vector.broadcast %add3A_358 : i32 to vector<16xi32>
        %add3A_360 = arith.addi %mul3A_357, %add3A_359 : vector<16xi32>
        %gather3A_361 = tpu.vector_load_idx %arg12[%add3A_360] : memref<8192xf32, #tpu.memory_space<vmem>>[vector<16xi32>], vector<16xf32>,
        %gather3A_362 = tpu.vector_load_idx %arg13[%add3A_360] : memref<8192xf32, #tpu.memory_space<vmem>>[vector<16xi32>], vector<16xf32>,
        %gather3A_363 = tpu.vector_load_idx %arg14[%add3A_360] : memref<8192xf32, #tpu.memory_space<vmem>>[vector<16xi32>], vector<16xf32>,
        %gather3A_364 = tpu.vector_load_idx %arg15[%add3A_360] : memref<8192xf32, #tpu.memory_space<vmem>>[vector<16xi32>], vector<16xf32>,
        %mul3A_365 = arith.mulf %gather3A_361, %get3A_286 : vector<16xf32>
        %mul3A_366 = arith.mulf %gather3A_362, %get3A_290 : vector<16xf32>
        %add3A_367 = arith.addf %mul3A_365, %mul3A_366 : vector<16xf32>
        %mul3A_368 = arith.mulf %gather3A_363, %get3A_294 : vector<16xf32>
        %add3A_369 = arith.addf %add3A_367, %mul3A_368 : vector<16xf32>
        %add3A_370 = arith.addf %add3A_369, %get3A_298 : vector<16xf32>
        %add3A_371 = arith.addf %add3A_370, %gather3A_364 : vector<16xf32>
        %mul3A_372 = arith.constant 16 : i32
        %mul3A_373 = arith.muli %scan3A_315, %mul3A_372 : i32
        %add3A_374 = arith.constant 1 : i32
        %add3A_375 = arith.addi %mul3A_373, %add3A_374 : i32
        %mul3A_376 = arith.constant 16 : i32
        %mul3A_377 = arith.muli %add3A_375, %mul3A_376 : i32
        %add3A_378 = vector.broadcast %mul3A_377 : i32 to vector<16xi32>
        %add3A_379 = arith.addi %add3A_378, %iota3A : vector<16xi32>
        tpu.vector_store_idx %arg21[%add3A_379], %add3A_371 : memref<4096xf32, #tpu.memory_space<vmem>>[vector<16xi32>], vector<16xf32>,
        %lt3A_380 = arith.cmpf olt, %add3A_371, %select_n3A_353 : vector<16xf32>
        %eq3A_381 = arith.cmpf oeq, %add3A_371, %select_n3A_353 : vector<16xf32>
        %lt3A_382 = arith.cmpi slt, %add3A_360, %select_n3A_354 : vector<16xi32>
        %and3A_383 = arith.andi %eq3A_381, %lt3A_382 : vector<16xi1>
        %or3A_384 = arith.ori %lt3A_380, %and3A_383 : vector<16xi1>
        %select_n3A_385 = arith.select %or3A_384, %add3A_371, %select_n3A_353 : vector<16xi1>, vector<16xf32>
        %select_n3A_386 = arith.select %or3A_384, %add3A_360, %select_n3A_354 : vector<16xi1>, vector<16xi32>
        %mul3A_387 = arith.constant 16 : i32
        %mul3A_388 = vector.broadcast %mul3A_387 : i32 to vector<16xi32>
        %mul3A_389 = arith.muli %convert_element_type3A, %mul3A_388 : vector<16xi32>
        %add3A_390 = arith.constant 2 : i32
        %add3A_391 = vector.broadcast %add3A_390 : i32 to vector<16xi32>
        %add3A_392 = arith.addi %mul3A_389, %add3A_391 : vector<16xi32>
        %gather3A_393 = tpu.vector_load_idx %arg12[%add3A_392] : memref<8192xf32, #tpu.memory_space<vmem>>[vector<16xi32>], vector<16xf32>,
        %gather3A_394 = tpu.vector_load_idx %arg13[%add3A_392] : memref<8192xf32, #tpu.memory_space<vmem>>[vector<16xi32>], vector<16xf32>,
        %gather3A_395 = tpu.vector_load_idx %arg14[%add3A_392] : memref<8192xf32, #tpu.memory_space<vmem>>[vector<16xi32>], vector<16xf32>,
        %gather3A_396 = tpu.vector_load_idx %arg15[%add3A_392] : memref<8192xf32, #tpu.memory_space<vmem>>[vector<16xi32>], vector<16xf32>,
        %mul3A_397 = arith.mulf %gather3A_393, %get3A_286 : vector<16xf32>
        %mul3A_398 = arith.mulf %gather3A_394, %get3A_290 : vector<16xf32>
        %add3A_399 = arith.addf %mul3A_397, %mul3A_398 : vector<16xf32>
        %mul3A_400 = arith.mulf %gather3A_395, %get3A_294 : vector<16xf32>
        %add3A_401 = arith.addf %add3A_399, %mul3A_400 : vector<16xf32>
        %add3A_402 = arith.addf %add3A_401, %get3A_298 : vector<16xf32>
        %add3A_403 = arith.addf %add3A_402, %gather3A_396 : vector<16xf32>
        %mul3A_404 = arith.constant 16 : i32
        %mul3A_405 = arith.muli %scan3A_315, %mul3A_404 : i32
        %add3A_406 = arith.constant 2 : i32
        %add3A_407 = arith.addi %mul3A_405, %add3A_406 : i32
        %mul3A_408 = arith.constant 16 : i32
        %mul3A_409 = arith.muli %add3A_407, %mul3A_408 : i32
        %add3A_410 = vector.broadcast %mul3A_409 : i32 to vector<16xi32>
        %add3A_411 = arith.addi %add3A_410, %iota3A : vector<16xi32>
        tpu.vector_store_idx %arg21[%add3A_411], %add3A_403 : memref<4096xf32, #tpu.memory_space<vmem>>[vector<16xi32>], vector<16xf32>,
        %lt3A_412 = arith.cmpf olt, %add3A_403, %select_n3A_385 : vector<16xf32>
        %eq3A_413 = arith.cmpf oeq, %add3A_403, %select_n3A_385 : vector<16xf32>
        %lt3A_414 = arith.cmpi slt, %add3A_392, %select_n3A_386 : vector<16xi32>
        %and3A_415 = arith.andi %eq3A_413, %lt3A_414 : vector<16xi1>
        %or3A_416 = arith.ori %lt3A_412, %and3A_415 : vector<16xi1>
        %select_n3A_417 = arith.select %or3A_416, %add3A_403, %select_n3A_385 : vector<16xi1>, vector<16xf32>
        %select_n3A_418 = arith.select %or3A_416, %add3A_392, %select_n3A_386 : vector<16xi1>, vector<16xi32>
        %mul3A_419 = arith.constant 16 : i32
        %mul3A_420 = vector.broadcast %mul3A_419 : i32 to vector<16xi32>
        %mul3A_421 = arith.muli %convert_element_type3A, %mul3A_420 : vector<16xi32>
        %add3A_422 = arith.constant 3 : i32
        %add3A_423 = vector.broadcast %add3A_422 : i32 to vector<16xi32>
        %add3A_424 = arith.addi %mul3A_421, %add3A_423 : vector<16xi32>
        %gather3A_425 = tpu.vector_load_idx %arg12[%add3A_424] : memref<8192xf32, #tpu.memory_space<vmem>>[vector<16xi32>], vector<16xf32>,
        %gather3A_426 = tpu.vector_load_idx %arg13[%add3A_424] : memref<8192xf32, #tpu.memory_space<vmem>>[vector<16xi32>], vector<16xf32>,
        %gather3A_427 = tpu.vector_load_idx %arg14[%add3A_424] : memref<8192xf32, #tpu.memory_space<vmem>>[vector<16xi32>], vector<16xf32>,
        %gather3A_428 = tpu.vector_load_idx %arg15[%add3A_424] : memref<8192xf32, #tpu.memory_space<vmem>>[vector<16xi32>], vector<16xf32>,
        %mul3A_429 = arith.mulf %gather3A_425, %get3A_286 : vector<16xf32>
        %mul3A_430 = arith.mulf %gather3A_426, %get3A_290 : vector<16xf32>
        %add3A_431 = arith.addf %mul3A_429, %mul3A_430 : vector<16xf32>
        %mul3A_432 = arith.mulf %gather3A_427, %get3A_294 : vector<16xf32>
        %add3A_433 = arith.addf %add3A_431, %mul3A_432 : vector<16xf32>
        %add3A_434 = arith.addf %add3A_433, %get3A_298 : vector<16xf32>
        %add3A_435 = arith.addf %add3A_434, %gather3A_428 : vector<16xf32>
        %mul3A_436 = arith.constant 16 : i32
        %mul3A_437 = arith.muli %scan3A_315, %mul3A_436 : i32
        %add3A_438 = arith.constant 3 : i32
        %add3A_439 = arith.addi %mul3A_437, %add3A_438 : i32
        %mul3A_440 = arith.constant 16 : i32
        %mul3A_441 = arith.muli %add3A_439, %mul3A_440 : i32
        %add3A_442 = vector.broadcast %mul3A_441 : i32 to vector<16xi32>
        %add3A_443 = arith.addi %add3A_442, %iota3A : vector<16xi32>
        tpu.vector_store_idx %arg21[%add3A_443], %add3A_435 : memref<4096xf32, #tpu.memory_space<vmem>>[vector<16xi32>], vector<16xf32>,
        %lt3A_444 = arith.cmpf olt, %add3A_435, %select_n3A_417 : vector<16xf32>
        %eq3A_445 = arith.cmpf oeq, %add3A_435, %select_n3A_417 : vector<16xf32>
        %lt3A_446 = arith.cmpi slt, %add3A_424, %select_n3A_418 : vector<16xi32>
        %and3A_447 = arith.andi %eq3A_445, %lt3A_446 : vector<16xi1>
        %or3A_448 = arith.ori %lt3A_444, %and3A_447 : vector<16xi1>
        %select_n3A_449 = arith.select %or3A_448, %add3A_435, %select_n3A_417 : vector<16xi1>, vector<16xf32>
        %select_n3A_450 = arith.select %or3A_448, %add3A_424, %select_n3A_418 : vector<16xi1>, vector<16xi32>
        %mul3A_451 = arith.constant 16 : i32
        %mul3A_452 = vector.broadcast %mul3A_451 : i32 to vector<16xi32>
        %mul3A_453 = arith.muli %convert_element_type3A, %mul3A_452 : vector<16xi32>
        %add3A_454 = arith.constant 4 : i32
        %add3A_455 = vector.broadcast %add3A_454 : i32 to vector<16xi32>
        %add3A_456 = arith.addi %mul3A_453, %add3A_455 : vector<16xi32>
        %gather3A_457 = tpu.vector_load_idx %arg12[%add3A_456] : memref<8192xf32, #tpu.memory_space<vmem>>[vector<16xi32>], vector<16xf32>,
        %gather3A_458 = tpu.vector_load_idx %arg13[%add3A_456] : memref<8192xf32, #tpu.memory_space<vmem>>[vector<16xi32>], vector<16xf32>,
        %gather3A_459 = tpu.vector_load_idx %arg14[%add3A_456] : memref<8192xf32, #tpu.memory_space<vmem>>[vector<16xi32>], vector<16xf32>,
        %gather3A_460 = tpu.vector_load_idx %arg15[%add3A_456] : memref<8192xf32, #tpu.memory_space<vmem>>[vector<16xi32>], vector<16xf32>,
        %mul3A_461 = arith.mulf %gather3A_457, %get3A_286 : vector<16xf32>
        %mul3A_462 = arith.mulf %gather3A_458, %get3A_290 : vector<16xf32>
        %add3A_463 = arith.addf %mul3A_461, %mul3A_462 : vector<16xf32>
        %mul3A_464 = arith.mulf %gather3A_459, %get3A_294 : vector<16xf32>
        %add3A_465 = arith.addf %add3A_463, %mul3A_464 : vector<16xf32>
        %add3A_466 = arith.addf %add3A_465, %get3A_298 : vector<16xf32>
        %add3A_467 = arith.addf %add3A_466, %gather3A_460 : vector<16xf32>
        %mul3A_468 = arith.constant 16 : i32
        %mul3A_469 = arith.muli %scan3A_315, %mul3A_468 : i32
        %add3A_470 = arith.constant 4 : i32
        %add3A_471 = arith.addi %mul3A_469, %add3A_470 : i32
        %mul3A_472 = arith.constant 16 : i32
        %mul3A_473 = arith.muli %add3A_471, %mul3A_472 : i32
        %add3A_474 = vector.broadcast %mul3A_473 : i32 to vector<16xi32>
        %add3A_475 = arith.addi %add3A_474, %iota3A : vector<16xi32>
        tpu.vector_store_idx %arg21[%add3A_475], %add3A_467 : memref<4096xf32, #tpu.memory_space<vmem>>[vector<16xi32>], vector<16xf32>,
        %lt3A_476 = arith.cmpf olt, %add3A_467, %select_n3A_449 : vector<16xf32>
        %eq3A_477 = arith.cmpf oeq, %add3A_467, %select_n3A_449 : vector<16xf32>
        %lt3A_478 = arith.cmpi slt, %add3A_456, %select_n3A_450 : vector<16xi32>
        %and3A_479 = arith.andi %eq3A_477, %lt3A_478 : vector<16xi1>
        %or3A_480 = arith.ori %lt3A_476, %and3A_479 : vector<16xi1>
        %select_n3A_481 = arith.select %or3A_480, %add3A_467, %select_n3A_449 : vector<16xi1>, vector<16xf32>
        %select_n3A_482 = arith.select %or3A_480, %add3A_456, %select_n3A_450 : vector<16xi1>, vector<16xi32>
        %mul3A_483 = arith.constant 16 : i32
        %mul3A_484 = vector.broadcast %mul3A_483 : i32 to vector<16xi32>
        %mul3A_485 = arith.muli %convert_element_type3A, %mul3A_484 : vector<16xi32>
        %add3A_486 = arith.constant 5 : i32
        %add3A_487 = vector.broadcast %add3A_486 : i32 to vector<16xi32>
        %add3A_488 = arith.addi %mul3A_485, %add3A_487 : vector<16xi32>
        %gather3A_489 = tpu.vector_load_idx %arg12[%add3A_488] : memref<8192xf32, #tpu.memory_space<vmem>>[vector<16xi32>], vector<16xf32>,
        %gather3A_490 = tpu.vector_load_idx %arg13[%add3A_488] : memref<8192xf32, #tpu.memory_space<vmem>>[vector<16xi32>], vector<16xf32>,
        %gather3A_491 = tpu.vector_load_idx %arg14[%add3A_488] : memref<8192xf32, #tpu.memory_space<vmem>>[vector<16xi32>], vector<16xf32>,
        %gather3A_492 = tpu.vector_load_idx %arg15[%add3A_488] : memref<8192xf32, #tpu.memory_space<vmem>>[vector<16xi32>], vector<16xf32>,
        %mul3A_493 = arith.mulf %gather3A_489, %get3A_286 : vector<16xf32>
        %mul3A_494 = arith.mulf %gather3A_490, %get3A_290 : vector<16xf32>
        %add3A_495 = arith.addf %mul3A_493, %mul3A_494 : vector<16xf32>
        %mul3A_496 = arith.mulf %gather3A_491, %get3A_294 : vector<16xf32>
        %add3A_497 = arith.addf %add3A_495, %mul3A_496 : vector<16xf32>
        %add3A_498 = arith.addf %add3A_497, %get3A_298 : vector<16xf32>
        %add3A_499 = arith.addf %add3A_498, %gather3A_492 : vector<16xf32>
        %mul3A_500 = arith.constant 16 : i32
        %mul3A_501 = arith.muli %scan3A_315, %mul3A_500 : i32
        %add3A_502 = arith.constant 5 : i32
        %add3A_503 = arith.addi %mul3A_501, %add3A_502 : i32
        %mul3A_504 = arith.constant 16 : i32
        %mul3A_505 = arith.muli %add3A_503, %mul3A_504 : i32
        %add3A_506 = vector.broadcast %mul3A_505 : i32 to vector<16xi32>
        %add3A_507 = arith.addi %add3A_506, %iota3A : vector<16xi32>
        tpu.vector_store_idx %arg21[%add3A_507], %add3A_499 : memref<4096xf32, #tpu.memory_space<vmem>>[vector<16xi32>], vector<16xf32>,
        %lt3A_508 = arith.cmpf olt, %add3A_499, %select_n3A_481 : vector<16xf32>
        %eq3A_509 = arith.cmpf oeq, %add3A_499, %select_n3A_481 : vector<16xf32>
        %lt3A_510 = arith.cmpi slt, %add3A_488, %select_n3A_482 : vector<16xi32>
        %and3A_511 = arith.andi %eq3A_509, %lt3A_510 : vector<16xi1>
        %or3A_512 = arith.ori %lt3A_508, %and3A_511 : vector<16xi1>
        %select_n3A_513 = arith.select %or3A_512, %add3A_499, %select_n3A_481 : vector<16xi1>, vector<16xf32>
        %select_n3A_514 = arith.select %or3A_512, %add3A_488, %select_n3A_482 : vector<16xi1>, vector<16xi32>
        %mul3A_515 = arith.constant 16 : i32
        %mul3A_516 = vector.broadcast %mul3A_515 : i32 to vector<16xi32>
        %mul3A_517 = arith.muli %convert_element_type3A, %mul3A_516 : vector<16xi32>
        %add3A_518 = arith.constant 6 : i32
        %add3A_519 = vector.broadcast %add3A_518 : i32 to vector<16xi32>
        %add3A_520 = arith.addi %mul3A_517, %add3A_519 : vector<16xi32>
        %gather3A_521 = tpu.vector_load_idx %arg12[%add3A_520] : memref<8192xf32, #tpu.memory_space<vmem>>[vector<16xi32>], vector<16xf32>,
        %gather3A_522 = tpu.vector_load_idx %arg13[%add3A_520] : memref<8192xf32, #tpu.memory_space<vmem>>[vector<16xi32>], vector<16xf32>,
        %gather3A_523 = tpu.vector_load_idx %arg14[%add3A_520] : memref<8192xf32, #tpu.memory_space<vmem>>[vector<16xi32>], vector<16xf32>,
        %gather3A_524 = tpu.vector_load_idx %arg15[%add3A_520] : memref<8192xf32, #tpu.memory_space<vmem>>[vector<16xi32>], vector<16xf32>,
        %mul3A_525 = arith.mulf %gather3A_521, %get3A_286 : vector<16xf32>
        %mul3A_526 = arith.mulf %gather3A_522, %get3A_290 : vector<16xf32>
        %add3A_527 = arith.addf %mul3A_525, %mul3A_526 : vector<16xf32>
        %mul3A_528 = arith.mulf %gather3A_523, %get3A_294 : vector<16xf32>
        %add3A_529 = arith.addf %add3A_527, %mul3A_528 : vector<16xf32>
        %add3A_530 = arith.addf %add3A_529, %get3A_298 : vector<16xf32>
        %add3A_531 = arith.addf %add3A_530, %gather3A_524 : vector<16xf32>
        %mul3A_532 = arith.constant 16 : i32
        %mul3A_533 = arith.muli %scan3A_315, %mul3A_532 : i32
        %add3A_534 = arith.constant 6 : i32
        %add3A_535 = arith.addi %mul3A_533, %add3A_534 : i32
        %mul3A_536 = arith.constant 16 : i32
        %mul3A_537 = arith.muli %add3A_535, %mul3A_536 : i32
        %add3A_538 = vector.broadcast %mul3A_537 : i32 to vector<16xi32>
        %add3A_539 = arith.addi %add3A_538, %iota3A : vector<16xi32>
        tpu.vector_store_idx %arg21[%add3A_539], %add3A_531 : memref<4096xf32, #tpu.memory_space<vmem>>[vector<16xi32>], vector<16xf32>,
        %lt3A_540 = arith.cmpf olt, %add3A_531, %select_n3A_513 : vector<16xf32>
        %eq3A_541 = arith.cmpf oeq, %add3A_531, %select_n3A_513 : vector<16xf32>
        %lt3A_542 = arith.cmpi slt, %add3A_520, %select_n3A_514 : vector<16xi32>
        %and3A_543 = arith.andi %eq3A_541, %lt3A_542 : vector<16xi1>
        %or3A_544 = arith.ori %lt3A_540, %and3A_543 : vector<16xi1>
        %select_n3A_545 = arith.select %or3A_544, %add3A_531, %select_n3A_513 : vector<16xi1>, vector<16xf32>
        %select_n3A_546 = arith.select %or3A_544, %add3A_520, %select_n3A_514 : vector<16xi1>, vector<16xi32>
        %mul3A_547 = arith.constant 16 : i32
        %mul3A_548 = vector.broadcast %mul3A_547 : i32 to vector<16xi32>
        %mul3A_549 = arith.muli %convert_element_type3A, %mul3A_548 : vector<16xi32>
        %add3A_550 = arith.constant 7 : i32
        %add3A_551 = vector.broadcast %add3A_550 : i32 to vector<16xi32>
        %add3A_552 = arith.addi %mul3A_549, %add3A_551 : vector<16xi32>
        %gather3A_553 = tpu.vector_load_idx %arg12[%add3A_552] : memref<8192xf32, #tpu.memory_space<vmem>>[vector<16xi32>], vector<16xf32>,
        %gather3A_554 = tpu.vector_load_idx %arg13[%add3A_552] : memref<8192xf32, #tpu.memory_space<vmem>>[vector<16xi32>], vector<16xf32>,
        %gather3A_555 = tpu.vector_load_idx %arg14[%add3A_552] : memref<8192xf32, #tpu.memory_space<vmem>>[vector<16xi32>], vector<16xf32>,
        %gather3A_556 = tpu.vector_load_idx %arg15[%add3A_552] : memref<8192xf32, #tpu.memory_space<vmem>>[vector<16xi32>], vector<16xf32>,
        %mul3A_557 = arith.mulf %gather3A_553, %get3A_286 : vector<16xf32>
        %mul3A_558 = arith.mulf %gather3A_554, %get3A_290 : vector<16xf32>
        %add3A_559 = arith.addf %mul3A_557, %mul3A_558 : vector<16xf32>
        %mul3A_560 = arith.mulf %gather3A_555, %get3A_294 : vector<16xf32>
        %add3A_561 = arith.addf %add3A_559, %mul3A_560 : vector<16xf32>
        %add3A_562 = arith.addf %add3A_561, %get3A_298 : vector<16xf32>
        %add3A_563 = arith.addf %add3A_562, %gather3A_556 : vector<16xf32>
        %mul3A_564 = arith.constant 16 : i32
        %mul3A_565 = arith.muli %scan3A_315, %mul3A_564 : i32
        %add3A_566 = arith.constant 7 : i32
        %add3A_567 = arith.addi %mul3A_565, %add3A_566 : i32
        %mul3A_568 = arith.constant 16 : i32
        %mul3A_569 = arith.muli %add3A_567, %mul3A_568 : i32
        %add3A_570 = vector.broadcast %mul3A_569 : i32 to vector<16xi32>
        %add3A_571 = arith.addi %add3A_570, %iota3A : vector<16xi32>
        tpu.vector_store_idx %arg21[%add3A_571], %add3A_563 : memref<4096xf32, #tpu.memory_space<vmem>>[vector<16xi32>], vector<16xf32>,
        %lt3A_572 = arith.cmpf olt, %add3A_563, %select_n3A_545 : vector<16xf32>
        %eq3A_573 = arith.cmpf oeq, %add3A_563, %select_n3A_545 : vector<16xf32>
        %lt3A_574 = arith.cmpi slt, %add3A_552, %select_n3A_546 : vector<16xi32>
        %and3A_575 = arith.andi %eq3A_573, %lt3A_574 : vector<16xi1>
        %or3A_576 = arith.ori %lt3A_572, %and3A_575 : vector<16xi1>
        %select_n3A_577 = arith.select %or3A_576, %add3A_563, %select_n3A_545 : vector<16xi1>, vector<16xf32>
        %select_n3A_578 = arith.select %or3A_576, %add3A_552, %select_n3A_546 : vector<16xi1>, vector<16xi32>
        %mul3A_579 = arith.constant 16 : i32
        %mul3A_580 = vector.broadcast %mul3A_579 : i32 to vector<16xi32>
        %mul3A_581 = arith.muli %convert_element_type3A, %mul3A_580 : vector<16xi32>
        %add3A_582 = arith.constant 8 : i32
        %add3A_583 = vector.broadcast %add3A_582 : i32 to vector<16xi32>
        %add3A_584 = arith.addi %mul3A_581, %add3A_583 : vector<16xi32>
        %gather3A_585 = tpu.vector_load_idx %arg12[%add3A_584] : memref<8192xf32, #tpu.memory_space<vmem>>[vector<16xi32>], vector<16xf32>,
        %gather3A_586 = tpu.vector_load_idx %arg13[%add3A_584] : memref<8192xf32, #tpu.memory_space<vmem>>[vector<16xi32>], vector<16xf32>,
        %gather3A_587 = tpu.vector_load_idx %arg14[%add3A_584] : memref<8192xf32, #tpu.memory_space<vmem>>[vector<16xi32>], vector<16xf32>,
        %gather3A_588 = tpu.vector_load_idx %arg15[%add3A_584] : memref<8192xf32, #tpu.memory_space<vmem>>[vector<16xi32>], vector<16xf32>,
        %mul3A_589 = arith.mulf %gather3A_585, %get3A_286 : vector<16xf32>
        %mul3A_590 = arith.mulf %gather3A_586, %get3A_290 : vector<16xf32>
        %add3A_591 = arith.addf %mul3A_589, %mul3A_590 : vector<16xf32>
        %mul3A_592 = arith.mulf %gather3A_587, %get3A_294 : vector<16xf32>
        %add3A_593 = arith.addf %add3A_591, %mul3A_592 : vector<16xf32>
        %add3A_594 = arith.addf %add3A_593, %get3A_298 : vector<16xf32>
        %add3A_595 = arith.addf %add3A_594, %gather3A_588 : vector<16xf32>
        %mul3A_596 = arith.constant 16 : i32
        %mul3A_597 = arith.muli %scan3A_315, %mul3A_596 : i32
        %add3A_598 = arith.constant 8 : i32
        %add3A_599 = arith.addi %mul3A_597, %add3A_598 : i32
        %mul3A_600 = arith.constant 16 : i32
        %mul3A_601 = arith.muli %add3A_599, %mul3A_600 : i32
        %add3A_602 = vector.broadcast %mul3A_601 : i32 to vector<16xi32>
        %add3A_603 = arith.addi %add3A_602, %iota3A : vector<16xi32>
        tpu.vector_store_idx %arg21[%add3A_603], %add3A_595 : memref<4096xf32, #tpu.memory_space<vmem>>[vector<16xi32>], vector<16xf32>,
        %lt3A_604 = arith.cmpf olt, %add3A_595, %select_n3A_577 : vector<16xf32>
        %eq3A_605 = arith.cmpf oeq, %add3A_595, %select_n3A_577 : vector<16xf32>
        %lt3A_606 = arith.cmpi slt, %add3A_584, %select_n3A_578 : vector<16xi32>
        %and3A_607 = arith.andi %eq3A_605, %lt3A_606 : vector<16xi1>
        %or3A_608 = arith.ori %lt3A_604, %and3A_607 : vector<16xi1>
        %select_n3A_609 = arith.select %or3A_608, %add3A_595, %select_n3A_577 : vector<16xi1>, vector<16xf32>
        %select_n3A_610 = arith.select %or3A_608, %add3A_584, %select_n3A_578 : vector<16xi1>, vector<16xi32>
        %mul3A_611 = arith.constant 16 : i32
        %mul3A_612 = vector.broadcast %mul3A_611 : i32 to vector<16xi32>
        %mul3A_613 = arith.muli %convert_element_type3A, %mul3A_612 : vector<16xi32>
        %add3A_614 = arith.constant 9 : i32
        %add3A_615 = vector.broadcast %add3A_614 : i32 to vector<16xi32>
        %add3A_616 = arith.addi %mul3A_613, %add3A_615 : vector<16xi32>
        %gather3A_617 = tpu.vector_load_idx %arg12[%add3A_616] : memref<8192xf32, #tpu.memory_space<vmem>>[vector<16xi32>], vector<16xf32>,
        %gather3A_618 = tpu.vector_load_idx %arg13[%add3A_616] : memref<8192xf32, #tpu.memory_space<vmem>>[vector<16xi32>], vector<16xf32>,
        %gather3A_619 = tpu.vector_load_idx %arg14[%add3A_616] : memref<8192xf32, #tpu.memory_space<vmem>>[vector<16xi32>], vector<16xf32>,
        %gather3A_620 = tpu.vector_load_idx %arg15[%add3A_616] : memref<8192xf32, #tpu.memory_space<vmem>>[vector<16xi32>], vector<16xf32>,
        %mul3A_621 = arith.mulf %gather3A_617, %get3A_286 : vector<16xf32>
        %mul3A_622 = arith.mulf %gather3A_618, %get3A_290 : vector<16xf32>
        %add3A_623 = arith.addf %mul3A_621, %mul3A_622 : vector<16xf32>
        %mul3A_624 = arith.mulf %gather3A_619, %get3A_294 : vector<16xf32>
        %add3A_625 = arith.addf %add3A_623, %mul3A_624 : vector<16xf32>
        %add3A_626 = arith.addf %add3A_625, %get3A_298 : vector<16xf32>
        %add3A_627 = arith.addf %add3A_626, %gather3A_620 : vector<16xf32>
        %mul3A_628 = arith.constant 16 : i32
        %mul3A_629 = arith.muli %scan3A_315, %mul3A_628 : i32
        %add3A_630 = arith.constant 9 : i32
        %add3A_631 = arith.addi %mul3A_629, %add3A_630 : i32
        %mul3A_632 = arith.constant 16 : i32
        %mul3A_633 = arith.muli %add3A_631, %mul3A_632 : i32
        %add3A_634 = vector.broadcast %mul3A_633 : i32 to vector<16xi32>
        %add3A_635 = arith.addi %add3A_634, %iota3A : vector<16xi32>
        tpu.vector_store_idx %arg21[%add3A_635], %add3A_627 : memref<4096xf32, #tpu.memory_space<vmem>>[vector<16xi32>], vector<16xf32>,
        %lt3A_636 = arith.cmpf olt, %add3A_627, %select_n3A_609 : vector<16xf32>
        %eq3A_637 = arith.cmpf oeq, %add3A_627, %select_n3A_609 : vector<16xf32>
        %lt3A_638 = arith.cmpi slt, %add3A_616, %select_n3A_610 : vector<16xi32>
        %and3A_639 = arith.andi %eq3A_637, %lt3A_638 : vector<16xi1>
        %or3A_640 = arith.ori %lt3A_636, %and3A_639 : vector<16xi1>
        %select_n3A_641 = arith.select %or3A_640, %add3A_627, %select_n3A_609 : vector<16xi1>, vector<16xf32>
        %select_n3A_642 = arith.select %or3A_640, %add3A_616, %select_n3A_610 : vector<16xi1>, vector<16xi32>
        %mul3A_643 = arith.constant 16 : i32
        %mul3A_644 = vector.broadcast %mul3A_643 : i32 to vector<16xi32>
        %mul3A_645 = arith.muli %convert_element_type3A, %mul3A_644 : vector<16xi32>
        %add3A_646 = arith.constant 10 : i32
        %add3A_647 = vector.broadcast %add3A_646 : i32 to vector<16xi32>
        %add3A_648 = arith.addi %mul3A_645, %add3A_647 : vector<16xi32>
        %gather3A_649 = tpu.vector_load_idx %arg12[%add3A_648] : memref<8192xf32, #tpu.memory_space<vmem>>[vector<16xi32>], vector<16xf32>,
        %gather3A_650 = tpu.vector_load_idx %arg13[%add3A_648] : memref<8192xf32, #tpu.memory_space<vmem>>[vector<16xi32>], vector<16xf32>,
        %gather3A_651 = tpu.vector_load_idx %arg14[%add3A_648] : memref<8192xf32, #tpu.memory_space<vmem>>[vector<16xi32>], vector<16xf32>,
        %gather3A_652 = tpu.vector_load_idx %arg15[%add3A_648] : memref<8192xf32, #tpu.memory_space<vmem>>[vector<16xi32>], vector<16xf32>,
        %mul3A_653 = arith.mulf %gather3A_649, %get3A_286 : vector<16xf32>
        %mul3A_654 = arith.mulf %gather3A_650, %get3A_290 : vector<16xf32>
        %add3A_655 = arith.addf %mul3A_653, %mul3A_654 : vector<16xf32>
        %mul3A_656 = arith.mulf %gather3A_651, %get3A_294 : vector<16xf32>
        %add3A_657 = arith.addf %add3A_655, %mul3A_656 : vector<16xf32>
        %add3A_658 = arith.addf %add3A_657, %get3A_298 : vector<16xf32>
        %add3A_659 = arith.addf %add3A_658, %gather3A_652 : vector<16xf32>
        %mul3A_660 = arith.constant 16 : i32
        %mul3A_661 = arith.muli %scan3A_315, %mul3A_660 : i32
        %add3A_662 = arith.constant 10 : i32
        %add3A_663 = arith.addi %mul3A_661, %add3A_662 : i32
        %mul3A_664 = arith.constant 16 : i32
        %mul3A_665 = arith.muli %add3A_663, %mul3A_664 : i32
        %add3A_666 = vector.broadcast %mul3A_665 : i32 to vector<16xi32>
        %add3A_667 = arith.addi %add3A_666, %iota3A : vector<16xi32>
        tpu.vector_store_idx %arg21[%add3A_667], %add3A_659 : memref<4096xf32, #tpu.memory_space<vmem>>[vector<16xi32>], vector<16xf32>,
        %lt3A_668 = arith.cmpf olt, %add3A_659, %select_n3A_641 : vector<16xf32>
        %eq3A_669 = arith.cmpf oeq, %add3A_659, %select_n3A_641 : vector<16xf32>
        %lt3A_670 = arith.cmpi slt, %add3A_648, %select_n3A_642 : vector<16xi32>
        %and3A_671 = arith.andi %eq3A_669, %lt3A_670 : vector<16xi1>
        %or3A_672 = arith.ori %lt3A_668, %and3A_671 : vector<16xi1>
        %select_n3A_673 = arith.select %or3A_672, %add3A_659, %select_n3A_641 : vector<16xi1>, vector<16xf32>
        %select_n3A_674 = arith.select %or3A_672, %add3A_648, %select_n3A_642 : vector<16xi1>, vector<16xi32>
        %mul3A_675 = arith.constant 16 : i32
        %mul3A_676 = vector.broadcast %mul3A_675 : i32 to vector<16xi32>
        %mul3A_677 = arith.muli %convert_element_type3A, %mul3A_676 : vector<16xi32>
        %add3A_678 = arith.constant 11 : i32
        %add3A_679 = vector.broadcast %add3A_678 : i32 to vector<16xi32>
        %add3A_680 = arith.addi %mul3A_677, %add3A_679 : vector<16xi32>
        %gather3A_681 = tpu.vector_load_idx %arg12[%add3A_680] : memref<8192xf32, #tpu.memory_space<vmem>>[vector<16xi32>], vector<16xf32>,
        %gather3A_682 = tpu.vector_load_idx %arg13[%add3A_680] : memref<8192xf32, #tpu.memory_space<vmem>>[vector<16xi32>], vector<16xf32>,
        %gather3A_683 = tpu.vector_load_idx %arg14[%add3A_680] : memref<8192xf32, #tpu.memory_space<vmem>>[vector<16xi32>], vector<16xf32>,
        %gather3A_684 = tpu.vector_load_idx %arg15[%add3A_680] : memref<8192xf32, #tpu.memory_space<vmem>>[vector<16xi32>], vector<16xf32>,
        %mul3A_685 = arith.mulf %gather3A_681, %get3A_286 : vector<16xf32>
        %mul3A_686 = arith.mulf %gather3A_682, %get3A_290 : vector<16xf32>
        %add3A_687 = arith.addf %mul3A_685, %mul3A_686 : vector<16xf32>
        %mul3A_688 = arith.mulf %gather3A_683, %get3A_294 : vector<16xf32>
        %add3A_689 = arith.addf %add3A_687, %mul3A_688 : vector<16xf32>
        %add3A_690 = arith.addf %add3A_689, %get3A_298 : vector<16xf32>
        %add3A_691 = arith.addf %add3A_690, %gather3A_684 : vector<16xf32>
        %mul3A_692 = arith.constant 16 : i32
        %mul3A_693 = arith.muli %scan3A_315, %mul3A_692 : i32
        %add3A_694 = arith.constant 11 : i32
        %add3A_695 = arith.addi %mul3A_693, %add3A_694 : i32
        %mul3A_696 = arith.constant 16 : i32
        %mul3A_697 = arith.muli %add3A_695, %mul3A_696 : i32
        %add3A_698 = vector.broadcast %mul3A_697 : i32 to vector<16xi32>
        %add3A_699 = arith.addi %add3A_698, %iota3A : vector<16xi32>
        tpu.vector_store_idx %arg21[%add3A_699], %add3A_691 : memref<4096xf32, #tpu.memory_space<vmem>>[vector<16xi32>], vector<16xf32>,
        %lt3A_700 = arith.cmpf olt, %add3A_691, %select_n3A_673 : vector<16xf32>
        %eq3A_701 = arith.cmpf oeq, %add3A_691, %select_n3A_673 : vector<16xf32>
        %lt3A_702 = arith.cmpi slt, %add3A_680, %select_n3A_674 : vector<16xi32>
        %and3A_703 = arith.andi %eq3A_701, %lt3A_702 : vector<16xi1>
        %or3A_704 = arith.ori %lt3A_700, %and3A_703 : vector<16xi1>
        %select_n3A_705 = arith.select %or3A_704, %add3A_691, %select_n3A_673 : vector<16xi1>, vector<16xf32>
        %select_n3A_706 = arith.select %or3A_704, %add3A_680, %select_n3A_674 : vector<16xi1>, vector<16xi32>
        %mul3A_707 = arith.constant 16 : i32
        %mul3A_708 = vector.broadcast %mul3A_707 : i32 to vector<16xi32>
        %mul3A_709 = arith.muli %convert_element_type3A, %mul3A_708 : vector<16xi32>
        %add3A_710 = arith.constant 12 : i32
        %add3A_711 = vector.broadcast %add3A_710 : i32 to vector<16xi32>
        %add3A_712 = arith.addi %mul3A_709, %add3A_711 : vector<16xi32>
        %gather3A_713 = tpu.vector_load_idx %arg12[%add3A_712] : memref<8192xf32, #tpu.memory_space<vmem>>[vector<16xi32>], vector<16xf32>,
        %gather3A_714 = tpu.vector_load_idx %arg13[%add3A_712] : memref<8192xf32, #tpu.memory_space<vmem>>[vector<16xi32>], vector<16xf32>,
        %gather3A_715 = tpu.vector_load_idx %arg14[%add3A_712] : memref<8192xf32, #tpu.memory_space<vmem>>[vector<16xi32>], vector<16xf32>,
        %gather3A_716 = tpu.vector_load_idx %arg15[%add3A_712] : memref<8192xf32, #tpu.memory_space<vmem>>[vector<16xi32>], vector<16xf32>,
        %mul3A_717 = arith.mulf %gather3A_713, %get3A_286 : vector<16xf32>
        %mul3A_718 = arith.mulf %gather3A_714, %get3A_290 : vector<16xf32>
        %add3A_719 = arith.addf %mul3A_717, %mul3A_718 : vector<16xf32>
        %mul3A_720 = arith.mulf %gather3A_715, %get3A_294 : vector<16xf32>
        %add3A_721 = arith.addf %add3A_719, %mul3A_720 : vector<16xf32>
        %add3A_722 = arith.addf %add3A_721, %get3A_298 : vector<16xf32>
        %add3A_723 = arith.addf %add3A_722, %gather3A_716 : vector<16xf32>
        %mul3A_724 = arith.constant 16 : i32
        %mul3A_725 = arith.muli %scan3A_315, %mul3A_724 : i32
        %add3A_726 = arith.constant 12 : i32
        %add3A_727 = arith.addi %mul3A_725, %add3A_726 : i32
        %mul3A_728 = arith.constant 16 : i32
        %mul3A_729 = arith.muli %add3A_727, %mul3A_728 : i32
        %add3A_730 = vector.broadcast %mul3A_729 : i32 to vector<16xi32>
        %add3A_731 = arith.addi %add3A_730, %iota3A : vector<16xi32>
        tpu.vector_store_idx %arg21[%add3A_731], %add3A_723 : memref<4096xf32, #tpu.memory_space<vmem>>[vector<16xi32>], vector<16xf32>,
        %lt3A_732 = arith.cmpf olt, %add3A_723, %select_n3A_705 : vector<16xf32>
        %eq3A_733 = arith.cmpf oeq, %add3A_723, %select_n3A_705 : vector<16xf32>
        %lt3A_734 = arith.cmpi slt, %add3A_712, %select_n3A_706 : vector<16xi32>
        %and3A_735 = arith.andi %eq3A_733, %lt3A_734 : vector<16xi1>
        %or3A_736 = arith.ori %lt3A_732, %and3A_735 : vector<16xi1>
        %select_n3A_737 = arith.select %or3A_736, %add3A_723, %select_n3A_705 : vector<16xi1>, vector<16xf32>
        %select_n3A_738 = arith.select %or3A_736, %add3A_712, %select_n3A_706 : vector<16xi1>, vector<16xi32>
        %mul3A_739 = arith.constant 16 : i32
        %mul3A_740 = vector.broadcast %mul3A_739 : i32 to vector<16xi32>
        %mul3A_741 = arith.muli %convert_element_type3A, %mul3A_740 : vector<16xi32>
        %add3A_742 = arith.constant 13 : i32
        %add3A_743 = vector.broadcast %add3A_742 : i32 to vector<16xi32>
        %add3A_744 = arith.addi %mul3A_741, %add3A_743 : vector<16xi32>
        %gather3A_745 = tpu.vector_load_idx %arg12[%add3A_744] : memref<8192xf32, #tpu.memory_space<vmem>>[vector<16xi32>], vector<16xf32>,
        %gather3A_746 = tpu.vector_load_idx %arg13[%add3A_744] : memref<8192xf32, #tpu.memory_space<vmem>>[vector<16xi32>], vector<16xf32>,
        %gather3A_747 = tpu.vector_load_idx %arg14[%add3A_744] : memref<8192xf32, #tpu.memory_space<vmem>>[vector<16xi32>], vector<16xf32>,
        %gather3A_748 = tpu.vector_load_idx %arg15[%add3A_744] : memref<8192xf32, #tpu.memory_space<vmem>>[vector<16xi32>], vector<16xf32>,
        %mul3A_749 = arith.mulf %gather3A_745, %get3A_286 : vector<16xf32>
        %mul3A_750 = arith.mulf %gather3A_746, %get3A_290 : vector<16xf32>
        %add3A_751 = arith.addf %mul3A_749, %mul3A_750 : vector<16xf32>
        %mul3A_752 = arith.mulf %gather3A_747, %get3A_294 : vector<16xf32>
        %add3A_753 = arith.addf %add3A_751, %mul3A_752 : vector<16xf32>
        %add3A_754 = arith.addf %add3A_753, %get3A_298 : vector<16xf32>
        %add3A_755 = arith.addf %add3A_754, %gather3A_748 : vector<16xf32>
        %mul3A_756 = arith.constant 16 : i32
        %mul3A_757 = arith.muli %scan3A_315, %mul3A_756 : i32
        %add3A_758 = arith.constant 13 : i32
        %add3A_759 = arith.addi %mul3A_757, %add3A_758 : i32
        %mul3A_760 = arith.constant 16 : i32
        %mul3A_761 = arith.muli %add3A_759, %mul3A_760 : i32
        %add3A_762 = vector.broadcast %mul3A_761 : i32 to vector<16xi32>
        %add3A_763 = arith.addi %add3A_762, %iota3A : vector<16xi32>
        tpu.vector_store_idx %arg21[%add3A_763], %add3A_755 : memref<4096xf32, #tpu.memory_space<vmem>>[vector<16xi32>], vector<16xf32>,
        %lt3A_764 = arith.cmpf olt, %add3A_755, %select_n3A_737 : vector<16xf32>
        %eq3A_765 = arith.cmpf oeq, %add3A_755, %select_n3A_737 : vector<16xf32>
        %lt3A_766 = arith.cmpi slt, %add3A_744, %select_n3A_738 : vector<16xi32>
        %and3A_767 = arith.andi %eq3A_765, %lt3A_766 : vector<16xi1>
        %or3A_768 = arith.ori %lt3A_764, %and3A_767 : vector<16xi1>
        %select_n3A_769 = arith.select %or3A_768, %add3A_755, %select_n3A_737 : vector<16xi1>, vector<16xf32>
        %select_n3A_770 = arith.select %or3A_768, %add3A_744, %select_n3A_738 : vector<16xi1>, vector<16xi32>
        %mul3A_771 = arith.constant 16 : i32
        %mul3A_772 = vector.broadcast %mul3A_771 : i32 to vector<16xi32>
        %mul3A_773 = arith.muli %convert_element_type3A, %mul3A_772 : vector<16xi32>
        %add3A_774 = arith.constant 14 : i32
        %add3A_775 = vector.broadcast %add3A_774 : i32 to vector<16xi32>
        %add3A_776 = arith.addi %mul3A_773, %add3A_775 : vector<16xi32>
        %gather3A_777 = tpu.vector_load_idx %arg12[%add3A_776] : memref<8192xf32, #tpu.memory_space<vmem>>[vector<16xi32>], vector<16xf32>,
        %gather3A_778 = tpu.vector_load_idx %arg13[%add3A_776] : memref<8192xf32, #tpu.memory_space<vmem>>[vector<16xi32>], vector<16xf32>,
        %gather3A_779 = tpu.vector_load_idx %arg14[%add3A_776] : memref<8192xf32, #tpu.memory_space<vmem>>[vector<16xi32>], vector<16xf32>,
        %gather3A_780 = tpu.vector_load_idx %arg15[%add3A_776] : memref<8192xf32, #tpu.memory_space<vmem>>[vector<16xi32>], vector<16xf32>,
        %mul3A_781 = arith.mulf %gather3A_777, %get3A_286 : vector<16xf32>
        %mul3A_782 = arith.mulf %gather3A_778, %get3A_290 : vector<16xf32>
        %add3A_783 = arith.addf %mul3A_781, %mul3A_782 : vector<16xf32>
        %mul3A_784 = arith.mulf %gather3A_779, %get3A_294 : vector<16xf32>
        %add3A_785 = arith.addf %add3A_783, %mul3A_784 : vector<16xf32>
        %add3A_786 = arith.addf %add3A_785, %get3A_298 : vector<16xf32>
        %add3A_787 = arith.addf %add3A_786, %gather3A_780 : vector<16xf32>
        %mul3A_788 = arith.constant 16 : i32
        %mul3A_789 = arith.muli %scan3A_315, %mul3A_788 : i32
        %add3A_790 = arith.constant 14 : i32
        %add3A_791 = arith.addi %mul3A_789, %add3A_790 : i32
        %mul3A_792 = arith.constant 16 : i32
        %mul3A_793 = arith.muli %add3A_791, %mul3A_792 : i32
        %add3A_794 = vector.broadcast %mul3A_793 : i32 to vector<16xi32>
        %add3A_795 = arith.addi %add3A_794, %iota3A : vector<16xi32>
        tpu.vector_store_idx %arg21[%add3A_795], %add3A_787 : memref<4096xf32, #tpu.memory_space<vmem>>[vector<16xi32>], vector<16xf32>,
        %lt3A_796 = arith.cmpf olt, %add3A_787, %select_n3A_769 : vector<16xf32>
        %eq3A_797 = arith.cmpf oeq, %add3A_787, %select_n3A_769 : vector<16xf32>
        %lt3A_798 = arith.cmpi slt, %add3A_776, %select_n3A_770 : vector<16xi32>
        %and3A_799 = arith.andi %eq3A_797, %lt3A_798 : vector<16xi1>
        %or3A_800 = arith.ori %lt3A_796, %and3A_799 : vector<16xi1>
        %select_n3A_801 = arith.select %or3A_800, %add3A_787, %select_n3A_769 : vector<16xi1>, vector<16xf32>
        %select_n3A_802 = arith.select %or3A_800, %add3A_776, %select_n3A_770 : vector<16xi1>, vector<16xi32>
        %mul3A_803 = arith.constant 16 : i32
        %mul3A_804 = vector.broadcast %mul3A_803 : i32 to vector<16xi32>
        %mul3A_805 = arith.muli %convert_element_type3A, %mul3A_804 : vector<16xi32>
        %add3A_806 = arith.constant 15 : i32
        %add3A_807 = vector.broadcast %add3A_806 : i32 to vector<16xi32>
        %add3A_808 = arith.addi %mul3A_805, %add3A_807 : vector<16xi32>
        %gather3A_809 = tpu.vector_load_idx %arg12[%add3A_808] : memref<8192xf32, #tpu.memory_space<vmem>>[vector<16xi32>], vector<16xf32>,
        %gather3A_810 = tpu.vector_load_idx %arg13[%add3A_808] : memref<8192xf32, #tpu.memory_space<vmem>>[vector<16xi32>], vector<16xf32>,
        %gather3A_811 = tpu.vector_load_idx %arg14[%add3A_808] : memref<8192xf32, #tpu.memory_space<vmem>>[vector<16xi32>], vector<16xf32>,
        %gather3A_812 = tpu.vector_load_idx %arg15[%add3A_808] : memref<8192xf32, #tpu.memory_space<vmem>>[vector<16xi32>], vector<16xf32>,
        %mul3A_813 = arith.mulf %gather3A_809, %get3A_286 : vector<16xf32>
        %mul3A_814 = arith.mulf %gather3A_810, %get3A_290 : vector<16xf32>
        %add3A_815 = arith.addf %mul3A_813, %mul3A_814 : vector<16xf32>
        %mul3A_816 = arith.mulf %gather3A_811, %get3A_294 : vector<16xf32>
        %add3A_817 = arith.addf %add3A_815, %mul3A_816 : vector<16xf32>
        %add3A_818 = arith.addf %add3A_817, %get3A_298 : vector<16xf32>
        %add3A_819 = arith.addf %add3A_818, %gather3A_812 : vector<16xf32>
        %mul3A_820 = arith.constant 16 : i32
        %mul3A_821 = arith.muli %scan3A_315, %mul3A_820 : i32
        %add3A_822 = arith.constant 15 : i32
        %add3A_823 = arith.addi %mul3A_821, %add3A_822 : i32
        %mul3A_824 = arith.constant 16 : i32
        %mul3A_825 = arith.muli %add3A_823, %mul3A_824 : i32
        %add3A_826 = vector.broadcast %mul3A_825 : i32 to vector<16xi32>
        %add3A_827 = arith.addi %add3A_826, %iota3A : vector<16xi32>
        tpu.vector_store_idx %arg21[%add3A_827], %add3A_819 : memref<4096xf32, #tpu.memory_space<vmem>>[vector<16xi32>], vector<16xf32>,
        %lt3A_828 = arith.cmpf olt, %add3A_819, %select_n3A_801 : vector<16xf32>
        %eq3A_829 = arith.cmpf oeq, %add3A_819, %select_n3A_801 : vector<16xf32>
        %lt3A_830 = arith.cmpi slt, %add3A_808, %select_n3A_802 : vector<16xi32>
        %and3A_831 = arith.andi %eq3A_829, %lt3A_830 : vector<16xi1>
        %or3A_832 = arith.ori %lt3A_828, %and3A_831 : vector<16xi1>
        %select_n3A_833 = arith.select %or3A_832, %add3A_819, %select_n3A_801 : vector<16xi1>, vector<16xf32>
        %select_n3A_834 = arith.select %or3A_832, %add3A_808, %select_n3A_802 : vector<16xi1>, vector<16xi32>
        %mul3A_835 = arith.constant 16 : i32
        %mul3A_836 = arith.muli %scan3A_315, %mul3A_835 : i32
        %add3A_837 = vector.broadcast %mul3A_836 : i32 to vector<16xi32>
        %add3A_838 = arith.addi %add3A_837, %iota3A : vector<16xi32>
        tpu.vector_store_idx %arg22[%add3A_838], %select_n3A_833 : memref<256xf32, #tpu.memory_space<vmem>>[vector<16xi32>], vector<16xf32>,
        %mul3A_839 = arith.constant 16 : i32
        %mul3A_840 = arith.muli %scan3A_315, %mul3A_839 : i32
        %add3A_841 = vector.broadcast %mul3A_840 : i32 to vector<16xi32>
        %add3A_842 = arith.addi %add3A_841, %iota3A : vector<16xi32>
        tpu.vector_store_idx %arg23[%add3A_842], %select_n3A_834 : memref<256xi32, #tpu.memory_space<vmem>>[vector<16xi32>], vector<16xi32>,
      }
      %scan3A_308 = arith.constant 16 : i32
      %scan3A_309 = arith.constant 0 : i32
      %scan3A_310 = arith.constant 0 : i32
      %scan3A_311 = arith.constant 16 : i32
      %scan3A_312 = arith.addi %scan3A_310, %scan3A_311 : i32
      %scan3A_313 = arith.constant 1 : i32
      scf.for %scan3A_315 = %scan3A_310 to %scan3A_312 step %scan3A_313  : i32 {
        %broadcast_in_dim3A_316 = arith.constant 3.000000e+38 : f32
        %broadcast_in_dim3A_317 = vector.broadcast %broadcast_in_dim3A_316 : f32 to vector<16xf32>
        %broadcast_in_dim3A_318 = arith.constant 2147483647 : i32
        %broadcast_in_dim3A_319 = vector.broadcast %broadcast_in_dim3A_318 : i32 to vector<16xi32>
        %broadcast_in_dim3A_320 = arith.constant 0 : i32
        %broadcast_in_dim3A_321 = vector.broadcast %broadcast_in_dim3A_320 : i32 to vector<16xi32>
        %get3A_322 = arith.constant 0 : index
        %get3A_323 = tpu.vector_load %arg22[%get3A_322] {strides = array<i32>} : memref<256xf32, #tpu.memory_space<vmem>>, vector<16xf32>,
        %get3A_324 = arith.constant 0 : index
        %get3A_325 = tpu.vector_load %arg23[%get3A_324] {strides = array<i32>} : memref<256xi32, #tpu.memory_space<vmem>>, vector<16xi32>,
        %lt3A_326 = arith.cmpf olt, %get3A_323, %broadcast_in_dim3A_317 : vector<16xf32>
        %eq3A_327 = arith.cmpf oeq, %get3A_323, %broadcast_in_dim3A_317 : vector<16xf32>
        %lt3A_328 = arith.cmpi slt, %get3A_325, %broadcast_in_dim3A_319 : vector<16xi32>
        %and3A_329 = arith.andi %eq3A_327, %lt3A_328 : vector<16xi1>
        %or3A = arith.ori %lt3A_326, %and3A_329 : vector<16xi1>
        %select_n3A_330 = arith.select %or3A, %get3A_323, %broadcast_in_dim3A_317 : vector<16xi1>, vector<16xf32>
        %select_n3A_331 = arith.select %or3A, %get3A_325, %broadcast_in_dim3A_319 : vector<16xi1>, vector<16xi32>
        %add3A_332 = arith.constant 0 : i32
        %add3A_333 = vector.broadcast %add3A_332 : i32 to vector<16xi32>
        %add3A_334 = arith.addi %broadcast_in_dim3A_165, %add3A_333 : vector<16xi32>
        %select_n3A_335 = arith.select %or3A, %add3A_334, %broadcast_in_dim3A_321 : vector<16xi1>, vector<16xi32>
        %get3A_336 = arith.constant 16 : index
        %get3A_337 = tpu.vector_load %arg22[%get3A_336] {strides = array<i32>} : memref<256xf32, #tpu.memory_space<vmem>>, vector<16xf32>,
        %get3A_338 = arith.constant 16 : index
        %get3A_339 = tpu.vector_load %arg23[%get3A_338] {strides = array<i32>} : memref<256xi32, #tpu.memory_space<vmem>>, vector<16xi32>,
        %lt3A_340 = arith.cmpf olt, %get3A_337, %select_n3A_330 : vector<16xf32>
        %eq3A_341 = arith.cmpf oeq, %get3A_337, %select_n3A_330 : vector<16xf32>
        %lt3A_342 = arith.cmpi slt, %get3A_339, %select_n3A_331 : vector<16xi32>
        %and3A_343 = arith.andi %eq3A_341, %lt3A_342 : vector<16xi1>
        %or3A_344 = arith.ori %lt3A_340, %and3A_343 : vector<16xi1>
        %select_n3A_345 = arith.select %or3A_344, %get3A_337, %select_n3A_330 : vector<16xi1>, vector<16xf32>
        %select_n3A_346 = arith.select %or3A_344, %get3A_339, %select_n3A_331 : vector<16xi1>, vector<16xi32>
        %add3A_347 = arith.constant 1 : i32
        %add3A_348 = vector.broadcast %add3A_347 : i32 to vector<16xi32>
        %add3A_349 = arith.addi %broadcast_in_dim3A_165, %add3A_348 : vector<16xi32>
        %select_n3A_350 = arith.select %or3A_344, %add3A_349, %select_n3A_335 : vector<16xi1>, vector<16xi32>
        %get3A_351 = arith.constant 32 : index
        %get3A_352 = tpu.vector_load %arg22[%get3A_351] {strides = array<i32>} : memref<256xf32, #tpu.memory_space<vmem>>, vector<16xf32>,
        %get3A_353 = arith.constant 32 : index
        %get3A_354 = tpu.vector_load %arg23[%get3A_353] {strides = array<i32>} : memref<256xi32, #tpu.memory_space<vmem>>, vector<16xi32>,
        %lt3A_355 = arith.cmpf olt, %get3A_352, %select_n3A_345 : vector<16xf32>
        %eq3A_356 = arith.cmpf oeq, %get3A_352, %select_n3A_345 : vector<16xf32>
        %lt3A_357 = arith.cmpi slt, %get3A_354, %select_n3A_346 : vector<16xi32>
        %and3A_358 = arith.andi %eq3A_356, %lt3A_357 : vector<16xi1>
        %or3A_359 = arith.ori %lt3A_355, %and3A_358 : vector<16xi1>
        %select_n3A_360 = arith.select %or3A_359, %get3A_352, %select_n3A_345 : vector<16xi1>, vector<16xf32>
        %select_n3A_361 = arith.select %or3A_359, %get3A_354, %select_n3A_346 : vector<16xi1>, vector<16xi32>
        %add3A_362 = arith.constant 2 : i32
        %add3A_363 = vector.broadcast %add3A_362 : i32 to vector<16xi32>
        %add3A_364 = arith.addi %broadcast_in_dim3A_165, %add3A_363 : vector<16xi32>
        %select_n3A_365 = arith.select %or3A_359, %add3A_364, %select_n3A_350 : vector<16xi1>, vector<16xi32>
        %get3A_366 = arith.constant 48 : index
        %get3A_367 = tpu.vector_load %arg22[%get3A_366] {strides = array<i32>} : memref<256xf32, #tpu.memory_space<vmem>>, vector<16xf32>,
        %get3A_368 = arith.constant 48 : index
        %get3A_369 = tpu.vector_load %arg23[%get3A_368] {strides = array<i32>} : memref<256xi32, #tpu.memory_space<vmem>>, vector<16xi32>,
        %lt3A_370 = arith.cmpf olt, %get3A_367, %select_n3A_360 : vector<16xf32>
        %eq3A_371 = arith.cmpf oeq, %get3A_367, %select_n3A_360 : vector<16xf32>
        %lt3A_372 = arith.cmpi slt, %get3A_369, %select_n3A_361 : vector<16xi32>
        %and3A_373 = arith.andi %eq3A_371, %lt3A_372 : vector<16xi1>
        %or3A_374 = arith.ori %lt3A_370, %and3A_373 : vector<16xi1>
        %select_n3A_375 = arith.select %or3A_374, %get3A_367, %select_n3A_360 : vector<16xi1>, vector<16xf32>
        %select_n3A_376 = arith.select %or3A_374, %get3A_369, %select_n3A_361 : vector<16xi1>, vector<16xi32>
        %add3A_377 = arith.constant 3 : i32
        %add3A_378 = vector.broadcast %add3A_377 : i32 to vector<16xi32>
        %add3A_379 = arith.addi %broadcast_in_dim3A_165, %add3A_378 : vector<16xi32>
        %select_n3A_380 = arith.select %or3A_374, %add3A_379, %select_n3A_365 : vector<16xi1>, vector<16xi32>
        %get3A_381 = arith.constant 64 : index
        %get3A_382 = tpu.vector_load %arg22[%get3A_381] {strides = array<i32>} : memref<256xf32, #tpu.memory_space<vmem>>, vector<16xf32>,
        %get3A_383 = arith.constant 64 : index
        %get3A_384 = tpu.vector_load %arg23[%get3A_383] {strides = array<i32>} : memref<256xi32, #tpu.memory_space<vmem>>, vector<16xi32>,
        %lt3A_385 = arith.cmpf olt, %get3A_382, %select_n3A_375 : vector<16xf32>
        %eq3A_386 = arith.cmpf oeq, %get3A_382, %select_n3A_375 : vector<16xf32>
        %lt3A_387 = arith.cmpi slt, %get3A_384, %select_n3A_376 : vector<16xi32>
        %and3A_388 = arith.andi %eq3A_386, %lt3A_387 : vector<16xi1>
        %or3A_389 = arith.ori %lt3A_385, %and3A_388 : vector<16xi1>
        %select_n3A_390 = arith.select %or3A_389, %get3A_382, %select_n3A_375 : vector<16xi1>, vector<16xf32>
        %select_n3A_391 = arith.select %or3A_389, %get3A_384, %select_n3A_376 : vector<16xi1>, vector<16xi32>
        %add3A_392 = arith.constant 4 : i32
        %add3A_393 = vector.broadcast %add3A_392 : i32 to vector<16xi32>
        %add3A_394 = arith.addi %broadcast_in_dim3A_165, %add3A_393 : vector<16xi32>
        %select_n3A_395 = arith.select %or3A_389, %add3A_394, %select_n3A_380 : vector<16xi1>, vector<16xi32>
        %get3A_396 = arith.constant 80 : index
        %get3A_397 = tpu.vector_load %arg22[%get3A_396] {strides = array<i32>} : memref<256xf32, #tpu.memory_space<vmem>>, vector<16xf32>,
        %get3A_398 = arith.constant 80 : index
        %get3A_399 = tpu.vector_load %arg23[%get3A_398] {strides = array<i32>} : memref<256xi32, #tpu.memory_space<vmem>>, vector<16xi32>,
        %lt3A_400 = arith.cmpf olt, %get3A_397, %select_n3A_390 : vector<16xf32>
        %eq3A_401 = arith.cmpf oeq, %get3A_397, %select_n3A_390 : vector<16xf32>
        %lt3A_402 = arith.cmpi slt, %get3A_399, %select_n3A_391 : vector<16xi32>
        %and3A_403 = arith.andi %eq3A_401, %lt3A_402 : vector<16xi1>
        %or3A_404 = arith.ori %lt3A_400, %and3A_403 : vector<16xi1>
        %select_n3A_405 = arith.select %or3A_404, %get3A_397, %select_n3A_390 : vector<16xi1>, vector<16xf32>
        %select_n3A_406 = arith.select %or3A_404, %get3A_399, %select_n3A_391 : vector<16xi1>, vector<16xi32>
        %add3A_407 = arith.constant 5 : i32
        %add3A_408 = vector.broadcast %add3A_407 : i32 to vector<16xi32>
        %add3A_409 = arith.addi %broadcast_in_dim3A_165, %add3A_408 : vector<16xi32>
        %select_n3A_410 = arith.select %or3A_404, %add3A_409, %select_n3A_395 : vector<16xi1>, vector<16xi32>
        %get3A_411 = arith.constant 96 : index
        %get3A_412 = tpu.vector_load %arg22[%get3A_411] {strides = array<i32>} : memref<256xf32, #tpu.memory_space<vmem>>, vector<16xf32>,
        %get3A_413 = arith.constant 96 : index
        %get3A_414 = tpu.vector_load %arg23[%get3A_413] {strides = array<i32>} : memref<256xi32, #tpu.memory_space<vmem>>, vector<16xi32>,
        %lt3A_415 = arith.cmpf olt, %get3A_412, %select_n3A_405 : vector<16xf32>
        %eq3A_416 = arith.cmpf oeq, %get3A_412, %select_n3A_405 : vector<16xf32>
        %lt3A_417 = arith.cmpi slt, %get3A_414, %select_n3A_406 : vector<16xi32>
        %and3A_418 = arith.andi %eq3A_416, %lt3A_417 : vector<16xi1>
        %or3A_419 = arith.ori %lt3A_415, %and3A_418 : vector<16xi1>
        %select_n3A_420 = arith.select %or3A_419, %get3A_412, %select_n3A_405 : vector<16xi1>, vector<16xf32>
        %select_n3A_421 = arith.select %or3A_419, %get3A_414, %select_n3A_406 : vector<16xi1>, vector<16xi32>
        %add3A_422 = arith.constant 6 : i32
        %add3A_423 = vector.broadcast %add3A_422 : i32 to vector<16xi32>
        %add3A_424 = arith.addi %broadcast_in_dim3A_165, %add3A_423 : vector<16xi32>
        %select_n3A_425 = arith.select %or3A_419, %add3A_424, %select_n3A_410 : vector<16xi1>, vector<16xi32>
        %get3A_426 = arith.constant 112 : index
        %get3A_427 = tpu.vector_load %arg22[%get3A_426] {strides = array<i32>} : memref<256xf32, #tpu.memory_space<vmem>>, vector<16xf32>,
        %get3A_428 = arith.constant 112 : index
        %get3A_429 = tpu.vector_load %arg23[%get3A_428] {strides = array<i32>} : memref<256xi32, #tpu.memory_space<vmem>>, vector<16xi32>,
        %lt3A_430 = arith.cmpf olt, %get3A_427, %select_n3A_420 : vector<16xf32>
        %eq3A_431 = arith.cmpf oeq, %get3A_427, %select_n3A_420 : vector<16xf32>
        %lt3A_432 = arith.cmpi slt, %get3A_429, %select_n3A_421 : vector<16xi32>
        %and3A_433 = arith.andi %eq3A_431, %lt3A_432 : vector<16xi1>
        %or3A_434 = arith.ori %lt3A_430, %and3A_433 : vector<16xi1>
        %select_n3A_435 = arith.select %or3A_434, %get3A_427, %select_n3A_420 : vector<16xi1>, vector<16xf32>
        %select_n3A_436 = arith.select %or3A_434, %get3A_429, %select_n3A_421 : vector<16xi1>, vector<16xi32>
        %add3A_437 = arith.constant 7 : i32
        %add3A_438 = vector.broadcast %add3A_437 : i32 to vector<16xi32>
        %add3A_439 = arith.addi %broadcast_in_dim3A_165, %add3A_438 : vector<16xi32>
        %select_n3A_440 = arith.select %or3A_434, %add3A_439, %select_n3A_425 : vector<16xi1>, vector<16xi32>
        %get3A_441 = arith.constant 128 : index
        %get3A_442 = tpu.vector_load %arg22[%get3A_441] {strides = array<i32>} : memref<256xf32, #tpu.memory_space<vmem>>, vector<16xf32>,
        %get3A_443 = arith.constant 128 : index
        %get3A_444 = tpu.vector_load %arg23[%get3A_443] {strides = array<i32>} : memref<256xi32, #tpu.memory_space<vmem>>, vector<16xi32>,
        %lt3A_445 = arith.cmpf olt, %get3A_442, %select_n3A_435 : vector<16xf32>
        %eq3A_446 = arith.cmpf oeq, %get3A_442, %select_n3A_435 : vector<16xf32>
        %lt3A_447 = arith.cmpi slt, %get3A_444, %select_n3A_436 : vector<16xi32>
        %and3A_448 = arith.andi %eq3A_446, %lt3A_447 : vector<16xi1>
        %or3A_449 = arith.ori %lt3A_445, %and3A_448 : vector<16xi1>
        %select_n3A_450 = arith.select %or3A_449, %get3A_442, %select_n3A_435 : vector<16xi1>, vector<16xf32>
        %select_n3A_451 = arith.select %or3A_449, %get3A_444, %select_n3A_436 : vector<16xi1>, vector<16xi32>
        %add3A_452 = arith.constant 8 : i32
        %add3A_453 = vector.broadcast %add3A_452 : i32 to vector<16xi32>
        %add3A_454 = arith.addi %broadcast_in_dim3A_165, %add3A_453 : vector<16xi32>
        %select_n3A_455 = arith.select %or3A_449, %add3A_454, %select_n3A_440 : vector<16xi1>, vector<16xi32>
        %get3A_456 = arith.constant 144 : index
        %get3A_457 = tpu.vector_load %arg22[%get3A_456] {strides = array<i32>} : memref<256xf32, #tpu.memory_space<vmem>>, vector<16xf32>,
        %get3A_458 = arith.constant 144 : index
        %get3A_459 = tpu.vector_load %arg23[%get3A_458] {strides = array<i32>} : memref<256xi32, #tpu.memory_space<vmem>>, vector<16xi32>,
        %lt3A_460 = arith.cmpf olt, %get3A_457, %select_n3A_450 : vector<16xf32>
        %eq3A_461 = arith.cmpf oeq, %get3A_457, %select_n3A_450 : vector<16xf32>
        %lt3A_462 = arith.cmpi slt, %get3A_459, %select_n3A_451 : vector<16xi32>
        %and3A_463 = arith.andi %eq3A_461, %lt3A_462 : vector<16xi1>
        %or3A_464 = arith.ori %lt3A_460, %and3A_463 : vector<16xi1>
        %select_n3A_465 = arith.select %or3A_464, %get3A_457, %select_n3A_450 : vector<16xi1>, vector<16xf32>
        %select_n3A_466 = arith.select %or3A_464, %get3A_459, %select_n3A_451 : vector<16xi1>, vector<16xi32>
        %add3A_467 = arith.constant 9 : i32
        %add3A_468 = vector.broadcast %add3A_467 : i32 to vector<16xi32>
        %add3A_469 = arith.addi %broadcast_in_dim3A_165, %add3A_468 : vector<16xi32>
        %select_n3A_470 = arith.select %or3A_464, %add3A_469, %select_n3A_455 : vector<16xi1>, vector<16xi32>
        %get3A_471 = arith.constant 160 : index
        %get3A_472 = tpu.vector_load %arg22[%get3A_471] {strides = array<i32>} : memref<256xf32, #tpu.memory_space<vmem>>, vector<16xf32>,
        %get3A_473 = arith.constant 160 : index
        %get3A_474 = tpu.vector_load %arg23[%get3A_473] {strides = array<i32>} : memref<256xi32, #tpu.memory_space<vmem>>, vector<16xi32>,
        %lt3A_475 = arith.cmpf olt, %get3A_472, %select_n3A_465 : vector<16xf32>
        %eq3A_476 = arith.cmpf oeq, %get3A_472, %select_n3A_465 : vector<16xf32>
        %lt3A_477 = arith.cmpi slt, %get3A_474, %select_n3A_466 : vector<16xi32>
        %and3A_478 = arith.andi %eq3A_476, %lt3A_477 : vector<16xi1>
        %or3A_479 = arith.ori %lt3A_475, %and3A_478 : vector<16xi1>
        %select_n3A_480 = arith.select %or3A_479, %get3A_472, %select_n3A_465 : vector<16xi1>, vector<16xf32>
        %select_n3A_481 = arith.select %or3A_479, %get3A_474, %select_n3A_466 : vector<16xi1>, vector<16xi32>
        %add3A_482 = arith.constant 10 : i32
        %add3A_483 = vector.broadcast %add3A_482 : i32 to vector<16xi32>
        %add3A_484 = arith.addi %broadcast_in_dim3A_165, %add3A_483 : vector<16xi32>
        %select_n3A_485 = arith.select %or3A_479, %add3A_484, %select_n3A_470 : vector<16xi1>, vector<16xi32>
        %get3A_486 = arith.constant 176 : index
        %get3A_487 = tpu.vector_load %arg22[%get3A_486] {strides = array<i32>} : memref<256xf32, #tpu.memory_space<vmem>>, vector<16xf32>,
        %get3A_488 = arith.constant 176 : index
        %get3A_489 = tpu.vector_load %arg23[%get3A_488] {strides = array<i32>} : memref<256xi32, #tpu.memory_space<vmem>>, vector<16xi32>,
        %lt3A_490 = arith.cmpf olt, %get3A_487, %select_n3A_480 : vector<16xf32>
        %eq3A_491 = arith.cmpf oeq, %get3A_487, %select_n3A_480 : vector<16xf32>
        %lt3A_492 = arith.cmpi slt, %get3A_489, %select_n3A_481 : vector<16xi32>
        %and3A_493 = arith.andi %eq3A_491, %lt3A_492 : vector<16xi1>
        %or3A_494 = arith.ori %lt3A_490, %and3A_493 : vector<16xi1>
        %select_n3A_495 = arith.select %or3A_494, %get3A_487, %select_n3A_480 : vector<16xi1>, vector<16xf32>
        %select_n3A_496 = arith.select %or3A_494, %get3A_489, %select_n3A_481 : vector<16xi1>, vector<16xi32>
        %add3A_497 = arith.constant 11 : i32
        %add3A_498 = vector.broadcast %add3A_497 : i32 to vector<16xi32>
        %add3A_499 = arith.addi %broadcast_in_dim3A_165, %add3A_498 : vector<16xi32>
        %select_n3A_500 = arith.select %or3A_494, %add3A_499, %select_n3A_485 : vector<16xi1>, vector<16xi32>
        %get3A_501 = arith.constant 192 : index
        %get3A_502 = tpu.vector_load %arg22[%get3A_501] {strides = array<i32>} : memref<256xf32, #tpu.memory_space<vmem>>, vector<16xf32>,
        %get3A_503 = arith.constant 192 : index
        %get3A_504 = tpu.vector_load %arg23[%get3A_503] {strides = array<i32>} : memref<256xi32, #tpu.memory_space<vmem>>, vector<16xi32>,
        %lt3A_505 = arith.cmpf olt, %get3A_502, %select_n3A_495 : vector<16xf32>
        %eq3A_506 = arith.cmpf oeq, %get3A_502, %select_n3A_495 : vector<16xf32>
        %lt3A_507 = arith.cmpi slt, %get3A_504, %select_n3A_496 : vector<16xi32>
        %and3A_508 = arith.andi %eq3A_506, %lt3A_507 : vector<16xi1>
        %or3A_509 = arith.ori %lt3A_505, %and3A_508 : vector<16xi1>
        %select_n3A_510 = arith.select %or3A_509, %get3A_502, %select_n3A_495 : vector<16xi1>, vector<16xf32>
        %select_n3A_511 = arith.select %or3A_509, %get3A_504, %select_n3A_496 : vector<16xi1>, vector<16xi32>
        %add3A_512 = arith.constant 12 : i32
        %add3A_513 = vector.broadcast %add3A_512 : i32 to vector<16xi32>
        %add3A_514 = arith.addi %broadcast_in_dim3A_165, %add3A_513 : vector<16xi32>
        %select_n3A_515 = arith.select %or3A_509, %add3A_514, %select_n3A_500 : vector<16xi1>, vector<16xi32>
        %get3A_516 = arith.constant 208 : index
        %get3A_517 = tpu.vector_load %arg22[%get3A_516] {strides = array<i32>} : memref<256xf32, #tpu.memory_space<vmem>>, vector<16xf32>,
        %get3A_518 = arith.constant 208 : index
        %get3A_519 = tpu.vector_load %arg23[%get3A_518] {strides = array<i32>} : memref<256xi32, #tpu.memory_space<vmem>>, vector<16xi32>,
        %lt3A_520 = arith.cmpf olt, %get3A_517, %select_n3A_510 : vector<16xf32>
        %eq3A_521 = arith.cmpf oeq, %get3A_517, %select_n3A_510 : vector<16xf32>
        %lt3A_522 = arith.cmpi slt, %get3A_519, %select_n3A_511 : vector<16xi32>
        %and3A_523 = arith.andi %eq3A_521, %lt3A_522 : vector<16xi1>
        %or3A_524 = arith.ori %lt3A_520, %and3A_523 : vector<16xi1>
        %select_n3A_525 = arith.select %or3A_524, %get3A_517, %select_n3A_510 : vector<16xi1>, vector<16xf32>
        %select_n3A_526 = arith.select %or3A_524, %get3A_519, %select_n3A_511 : vector<16xi1>, vector<16xi32>
        %add3A_527 = arith.constant 13 : i32
        %add3A_528 = vector.broadcast %add3A_527 : i32 to vector<16xi32>
        %add3A_529 = arith.addi %broadcast_in_dim3A_165, %add3A_528 : vector<16xi32>
        %select_n3A_530 = arith.select %or3A_524, %add3A_529, %select_n3A_515 : vector<16xi1>, vector<16xi32>
        %get3A_531 = arith.constant 224 : index
        %get3A_532 = tpu.vector_load %arg22[%get3A_531] {strides = array<i32>} : memref<256xf32, #tpu.memory_space<vmem>>, vector<16xf32>,
        %get3A_533 = arith.constant 224 : index
        %get3A_534 = tpu.vector_load %arg23[%get3A_533] {strides = array<i32>} : memref<256xi32, #tpu.memory_space<vmem>>, vector<16xi32>,
        %lt3A_535 = arith.cmpf olt, %get3A_532, %select_n3A_525 : vector<16xf32>
        %eq3A_536 = arith.cmpf oeq, %get3A_532, %select_n3A_525 : vector<16xf32>
        %lt3A_537 = arith.cmpi slt, %get3A_534, %select_n3A_526 : vector<16xi32>
        %and3A_538 = arith.andi %eq3A_536, %lt3A_537 : vector<16xi1>
        %or3A_539 = arith.ori %lt3A_535, %and3A_538 : vector<16xi1>
        %select_n3A_540 = arith.select %or3A_539, %get3A_532, %select_n3A_525 : vector<16xi1>, vector<16xf32>
        %select_n3A_541 = arith.select %or3A_539, %get3A_534, %select_n3A_526 : vector<16xi1>, vector<16xi32>
        %add3A_542 = arith.constant 14 : i32
        %add3A_543 = vector.broadcast %add3A_542 : i32 to vector<16xi32>
        %add3A_544 = arith.addi %broadcast_in_dim3A_165, %add3A_543 : vector<16xi32>
        %select_n3A_545 = arith.select %or3A_539, %add3A_544, %select_n3A_530 : vector<16xi1>, vector<16xi32>
        %get3A_546 = arith.constant 240 : index
        %get3A_547 = tpu.vector_load %arg22[%get3A_546] {strides = array<i32>} : memref<256xf32, #tpu.memory_space<vmem>>, vector<16xf32>,
        %get3A_548 = arith.constant 240 : index
        %get3A_549 = tpu.vector_load %arg23[%get3A_548] {strides = array<i32>} : memref<256xi32, #tpu.memory_space<vmem>>, vector<16xi32>,
        %lt3A_550 = arith.cmpf olt, %get3A_547, %select_n3A_540 : vector<16xf32>
        %eq3A_551 = arith.cmpf oeq, %get3A_547, %select_n3A_540 : vector<16xf32>
        %lt3A_552 = arith.cmpi slt, %get3A_549, %select_n3A_541 : vector<16xi32>
        %and3A_553 = arith.andi %eq3A_551, %lt3A_552 : vector<16xi1>
        %or3A_554 = arith.ori %lt3A_550, %and3A_553 : vector<16xi1>
        %select_n3A_555 = arith.select %or3A_554, %get3A_547, %select_n3A_540 : vector<16xi1>, vector<16xf32>
        %select_n3A_556 = arith.select %or3A_554, %get3A_549, %select_n3A_541 : vector<16xi1>, vector<16xi32>
        %add3A_557 = arith.constant 15 : i32
        %add3A_558 = vector.broadcast %add3A_557 : i32 to vector<16xi32>
        %add3A_559 = arith.addi %broadcast_in_dim3A_165, %add3A_558 : vector<16xi32>
        %select_n3A_560 = arith.select %or3A_554, %add3A_559, %select_n3A_545 : vector<16xi1>, vector<16xi32>
        %mul3A_561 = arith.constant 512 : i32
        %mul3A_562 = arith.muli %scan3A_315, %mul3A_561 : i32
        %add3A_563 = vector.broadcast %mul3A_562 : i32 to vector<16xi32>
        %add3A_564 = arith.addi %add3A_563, %add3A_302 : vector<16xi32>
        tpu.vector_store_idx %arg24[%add3A_564], %select_n3A_556 : memref<8192xi32, #tpu.memory_space<vmem>>[vector<16xi32>], vector<16xi32>,
        %mul3A_565 = arith.constant 512 : i32
        %mul3A_566 = vector.broadcast %mul3A_565 : i32 to vector<16xi32>
        %mul3A_567 = arith.muli %select_n3A_560, %mul3A_566 : vector<16xi32>
        %add3A_568 = arith.addi %mul3A_567, %add3A_302 : vector<16xi32>
        %gather3A = tpu.vector_load_idx %arg20[%add3A_568] : memref<8192xf32, #tpu.memory_space<vmem>>[vector<16xi32>], vector<16xf32>,
        %convert_element_type3A = arith.fptosi %gather3A : vector<16xf32> to vector<16xi32>
        %broadcast_in_dim3A_569 = arith.constant 3.000000e+38 : f32
        %broadcast_in_dim3A_570 = vector.broadcast %broadcast_in_dim3A_569 : f32 to vector<16xf32>
        %broadcast_in_dim3A_571 = arith.constant 2147483647 : i32
        %broadcast_in_dim3A_572 = vector.broadcast %broadcast_in_dim3A_571 : i32 to vector<16xi32>
        %mul3A_573 = arith.constant 16 : i32
        %mul3A_574 = vector.broadcast %mul3A_573 : i32 to vector<16xi32>
        %mul3A_575 = arith.muli %select_n3A_560, %mul3A_574 : vector<16xi32>
        %add3A_576 = arith.constant 0 : i32
        %add3A_577 = vector.broadcast %add3A_576 : i32 to vector<16xi32>
        %add3A_578 = arith.addi %mul3A_575, %add3A_577 : vector<16xi32>
        %mul3A_579 = arith.constant 16 : i32
        %mul3A_580 = vector.broadcast %mul3A_579 : i32 to vector<16xi32>
        %mul3A_581 = arith.muli %add3A_578, %mul3A_580 : vector<16xi32>
        %add3A_582 = arith.addi %mul3A_581, %iota3A : vector<16xi32>
        %gather3A_583 = tpu.vector_load_idx %arg21[%add3A_582] : memref<4096xf32, #tpu.memory_space<vmem>>[vector<16xi32>], vector<16xf32>,
        %mul3A_584 = arith.constant 16 : i32
        %mul3A_585 = vector.broadcast %mul3A_584 : i32 to vector<16xi32>
        %mul3A_586 = arith.muli %convert_element_type3A, %mul3A_585 : vector<16xi32>
        %add3A_587 = arith.constant 0 : i32
        %add3A_588 = vector.broadcast %add3A_587 : i32 to vector<16xi32>
        %add3A_589 = arith.addi %mul3A_586, %add3A_588 : vector<16xi32>
        %gt3A = arith.cmpf ogt, %gather3A_583, %select_n3A_555 : vector<16xf32>
        %eq3A_590 = arith.cmpf oeq, %gather3A_583, %select_n3A_555 : vector<16xf32>
        %gt3A_591 = arith.cmpi sgt, %add3A_589, %select_n3A_556 : vector<16xi32>
        %and3A_592 = arith.andi %eq3A_590, %gt3A_591 : vector<16xi1>
        %or3A_593 = arith.ori %gt3A, %and3A_592 : vector<16xi1>
        %jit3A_594 = arith.constant 3.000000e+38 : f32
        %broadcast_in_dim3A_595 = vector.broadcast %jit3A_594 : f32 to vector<16xf32>
        %select_n3A_596 = arith.select %or3A_593, %gather3A_583, %broadcast_in_dim3A_595 : vector<16xi1>, vector<16xf32>
        %jit3A_597 = arith.constant 2147483647 : i32
        %broadcast_in_dim3A_598 = vector.broadcast %jit3A_597 : i32 to vector<16xi32>
        %select_n3A_599 = arith.select %or3A_593, %add3A_589, %broadcast_in_dim3A_598 : vector<16xi1>, vector<16xi32>
        %lt3A_600 = arith.cmpf olt, %select_n3A_596, %broadcast_in_dim3A_570 : vector<16xf32>
        %eq3A_601 = arith.cmpf oeq, %select_n3A_596, %broadcast_in_dim3A_570 : vector<16xf32>
        %lt3A_602 = arith.cmpi slt, %select_n3A_599, %broadcast_in_dim3A_572 : vector<16xi32>
        %and3A_603 = arith.andi %eq3A_601, %lt3A_602 : vector<16xi1>
        %or3A_604 = arith.ori %lt3A_600, %and3A_603 : vector<16xi1>
        %select_n3A_605 = arith.select %or3A_604, %select_n3A_596, %broadcast_in_dim3A_570 : vector<16xi1>, vector<16xf32>
        %select_n3A_606 = arith.select %or3A_604, %select_n3A_599, %broadcast_in_dim3A_572 : vector<16xi1>, vector<16xi32>
        %mul3A_607 = arith.constant 16 : i32
        %mul3A_608 = vector.broadcast %mul3A_607 : i32 to vector<16xi32>
        %mul3A_609 = arith.muli %select_n3A_560, %mul3A_608 : vector<16xi32>
        %add3A_610 = arith.constant 1 : i32
        %add3A_611 = vector.broadcast %add3A_610 : i32 to vector<16xi32>
        %add3A_612 = arith.addi %mul3A_609, %add3A_611 : vector<16xi32>
        %mul3A_613 = arith.constant 16 : i32
        %mul3A_614 = vector.broadcast %mul3A_613 : i32 to vector<16xi32>
        %mul3A_615 = arith.muli %add3A_612, %mul3A_614 : vector<16xi32>
        %add3A_616 = arith.addi %mul3A_615, %iota3A : vector<16xi32>
        %gather3A_617 = tpu.vector_load_idx %arg21[%add3A_616] : memref<4096xf32, #tpu.memory_space<vmem>>[vector<16xi32>], vector<16xf32>,
        %mul3A_618 = arith.constant 16 : i32
        %mul3A_619 = vector.broadcast %mul3A_618 : i32 to vector<16xi32>
        %mul3A_620 = arith.muli %convert_element_type3A, %mul3A_619 : vector<16xi32>
        %add3A_621 = arith.constant 1 : i32
        %add3A_622 = vector.broadcast %add3A_621 : i32 to vector<16xi32>
        %add3A_623 = arith.addi %mul3A_620, %add3A_622 : vector<16xi32>
        %gt3A_624 = arith.cmpf ogt, %gather3A_617, %select_n3A_555 : vector<16xf32>
        %eq3A_625 = arith.cmpf oeq, %gather3A_617, %select_n3A_555 : vector<16xf32>
        %gt3A_626 = arith.cmpi sgt, %add3A_623, %select_n3A_556 : vector<16xi32>
        %and3A_627 = arith.andi %eq3A_625, %gt3A_626 : vector<16xi1>
        %or3A_628 = arith.ori %gt3A_624, %and3A_627 : vector<16xi1>
        %jit3A_629 = arith.constant 3.000000e+38 : f32
        %broadcast_in_dim3A_630 = vector.broadcast %jit3A_629 : f32 to vector<16xf32>
        %select_n3A_631 = arith.select %or3A_628, %gather3A_617, %broadcast_in_dim3A_630 : vector<16xi1>, vector<16xf32>
        %jit3A_632 = arith.constant 2147483647 : i32
        %broadcast_in_dim3A_633 = vector.broadcast %jit3A_632 : i32 to vector<16xi32>
        %select_n3A_634 = arith.select %or3A_628, %add3A_623, %broadcast_in_dim3A_633 : vector<16xi1>, vector<16xi32>
        %lt3A_635 = arith.cmpf olt, %select_n3A_631, %select_n3A_605 : vector<16xf32>
        %eq3A_636 = arith.cmpf oeq, %select_n3A_631, %select_n3A_605 : vector<16xf32>
        %lt3A_637 = arith.cmpi slt, %select_n3A_634, %select_n3A_606 : vector<16xi32>
        %and3A_638 = arith.andi %eq3A_636, %lt3A_637 : vector<16xi1>
        %or3A_639 = arith.ori %lt3A_635, %and3A_638 : vector<16xi1>
        %select_n3A_640 = arith.select %or3A_639, %select_n3A_631, %select_n3A_605 : vector<16xi1>, vector<16xf32>
        %select_n3A_641 = arith.select %or3A_639, %select_n3A_634, %select_n3A_606 : vector<16xi1>, vector<16xi32>
        %mul3A_642 = arith.constant 16 : i32
        %mul3A_643 = vector.broadcast %mul3A_642 : i32 to vector<16xi32>
        %mul3A_644 = arith.muli %select_n3A_560, %mul3A_643 : vector<16xi32>
        %add3A_645 = arith.constant 2 : i32
        %add3A_646 = vector.broadcast %add3A_645 : i32 to vector<16xi32>
        %add3A_647 = arith.addi %mul3A_644, %add3A_646 : vector<16xi32>
        %mul3A_648 = arith.constant 16 : i32
        %mul3A_649 = vector.broadcast %mul3A_648 : i32 to vector<16xi32>
        %mul3A_650 = arith.muli %add3A_647, %mul3A_649 : vector<16xi32>
        %add3A_651 = arith.addi %mul3A_650, %iota3A : vector<16xi32>
        %gather3A_652 = tpu.vector_load_idx %arg21[%add3A_651] : memref<4096xf32, #tpu.memory_space<vmem>>[vector<16xi32>], vector<16xf32>,
        %mul3A_653 = arith.constant 16 : i32
        %mul3A_654 = vector.broadcast %mul3A_653 : i32 to vector<16xi32>
        %mul3A_655 = arith.muli %convert_element_type3A, %mul3A_654 : vector<16xi32>
        %add3A_656 = arith.constant 2 : i32
        %add3A_657 = vector.broadcast %add3A_656 : i32 to vector<16xi32>
        %add3A_658 = arith.addi %mul3A_655, %add3A_657 : vector<16xi32>
        %gt3A_659 = arith.cmpf ogt, %gather3A_652, %select_n3A_555 : vector<16xf32>
        %eq3A_660 = arith.cmpf oeq, %gather3A_652, %select_n3A_555 : vector<16xf32>
        %gt3A_661 = arith.cmpi sgt, %add3A_658, %select_n3A_556 : vector<16xi32>
        %and3A_662 = arith.andi %eq3A_660, %gt3A_661 : vector<16xi1>
        %or3A_663 = arith.ori %gt3A_659, %and3A_662 : vector<16xi1>
        %jit3A_664 = arith.constant 3.000000e+38 : f32
        %broadcast_in_dim3A_665 = vector.broadcast %jit3A_664 : f32 to vector<16xf32>
        %select_n3A_666 = arith.select %or3A_663, %gather3A_652, %broadcast_in_dim3A_665 : vector<16xi1>, vector<16xf32>
        %jit3A_667 = arith.constant 2147483647 : i32
        %broadcast_in_dim3A_668 = vector.broadcast %jit3A_667 : i32 to vector<16xi32>
        %select_n3A_669 = arith.select %or3A_663, %add3A_658, %broadcast_in_dim3A_668 : vector<16xi1>, vector<16xi32>
        %lt3A_670 = arith.cmpf olt, %select_n3A_666, %select_n3A_640 : vector<16xf32>
        %eq3A_671 = arith.cmpf oeq, %select_n3A_666, %select_n3A_640 : vector<16xf32>
        %lt3A_672 = arith.cmpi slt, %select_n3A_669, %select_n3A_641 : vector<16xi32>
        %and3A_673 = arith.andi %eq3A_671, %lt3A_672 : vector<16xi1>
        %or3A_674 = arith.ori %lt3A_670, %and3A_673 : vector<16xi1>
        %select_n3A_675 = arith.select %or3A_674, %select_n3A_666, %select_n3A_640 : vector<16xi1>, vector<16xf32>
        %select_n3A_676 = arith.select %or3A_674, %select_n3A_669, %select_n3A_641 : vector<16xi1>, vector<16xi32>
        %mul3A_677 = arith.constant 16 : i32
        %mul3A_678 = vector.broadcast %mul3A_677 : i32 to vector<16xi32>
        %mul3A_679 = arith.muli %select_n3A_560, %mul3A_678 : vector<16xi32>
        %add3A_680 = arith.constant 3 : i32
        %add3A_681 = vector.broadcast %add3A_680 : i32 to vector<16xi32>
        %add3A_682 = arith.addi %mul3A_679, %add3A_681 : vector<16xi32>
        %mul3A_683 = arith.constant 16 : i32
        %mul3A_684 = vector.broadcast %mul3A_683 : i32 to vector<16xi32>
        %mul3A_685 = arith.muli %add3A_682, %mul3A_684 : vector<16xi32>
        %add3A_686 = arith.addi %mul3A_685, %iota3A : vector<16xi32>
        %gather3A_687 = tpu.vector_load_idx %arg21[%add3A_686] : memref<4096xf32, #tpu.memory_space<vmem>>[vector<16xi32>], vector<16xf32>,
        %mul3A_688 = arith.constant 16 : i32
        %mul3A_689 = vector.broadcast %mul3A_688 : i32 to vector<16xi32>
        %mul3A_690 = arith.muli %convert_element_type3A, %mul3A_689 : vector<16xi32>
        %add3A_691 = arith.constant 3 : i32
        %add3A_692 = vector.broadcast %add3A_691 : i32 to vector<16xi32>
        %add3A_693 = arith.addi %mul3A_690, %add3A_692 : vector<16xi32>
        %gt3A_694 = arith.cmpf ogt, %gather3A_687, %select_n3A_555 : vector<16xf32>
        %eq3A_695 = arith.cmpf oeq, %gather3A_687, %select_n3A_555 : vector<16xf32>
        %gt3A_696 = arith.cmpi sgt, %add3A_693, %select_n3A_556 : vector<16xi32>
        %and3A_697 = arith.andi %eq3A_695, %gt3A_696 : vector<16xi1>
        %or3A_698 = arith.ori %gt3A_694, %and3A_697 : vector<16xi1>
        %jit3A_699 = arith.constant 3.000000e+38 : f32
        %broadcast_in_dim3A_700 = vector.broadcast %jit3A_699 : f32 to vector<16xf32>
        %select_n3A_701 = arith.select %or3A_698, %gather3A_687, %broadcast_in_dim3A_700 : vector<16xi1>, vector<16xf32>
        %jit3A_702 = arith.constant 2147483647 : i32
        %broadcast_in_dim3A_703 = vector.broadcast %jit3A_702 : i32 to vector<16xi32>
        %select_n3A_704 = arith.select %or3A_698, %add3A_693, %broadcast_in_dim3A_703 : vector<16xi1>, vector<16xi32>
        %lt3A_705 = arith.cmpf olt, %select_n3A_701, %select_n3A_675 : vector<16xf32>
        %eq3A_706 = arith.cmpf oeq, %select_n3A_701, %select_n3A_675 : vector<16xf32>
        %lt3A_707 = arith.cmpi slt, %select_n3A_704, %select_n3A_676 : vector<16xi32>
        %and3A_708 = arith.andi %eq3A_706, %lt3A_707 : vector<16xi1>
        %or3A_709 = arith.ori %lt3A_705, %and3A_708 : vector<16xi1>
        %select_n3A_710 = arith.select %or3A_709, %select_n3A_701, %select_n3A_675 : vector<16xi1>, vector<16xf32>
        %select_n3A_711 = arith.select %or3A_709, %select_n3A_704, %select_n3A_676 : vector<16xi1>, vector<16xi32>
        %mul3A_712 = arith.constant 16 : i32
        %mul3A_713 = vector.broadcast %mul3A_712 : i32 to vector<16xi32>
        %mul3A_714 = arith.muli %select_n3A_560, %mul3A_713 : vector<16xi32>
        %add3A_715 = arith.constant 4 : i32
        %add3A_716 = vector.broadcast %add3A_715 : i32 to vector<16xi32>
        %add3A_717 = arith.addi %mul3A_714, %add3A_716 : vector<16xi32>
        %mul3A_718 = arith.constant 16 : i32
        %mul3A_719 = vector.broadcast %mul3A_718 : i32 to vector<16xi32>
        %mul3A_720 = arith.muli %add3A_717, %mul3A_719 : vector<16xi32>
        %add3A_721 = arith.addi %mul3A_720, %iota3A : vector<16xi32>
        %gather3A_722 = tpu.vector_load_idx %arg21[%add3A_721] : memref<4096xf32, #tpu.memory_space<vmem>>[vector<16xi32>], vector<16xf32>,
        %mul3A_723 = arith.constant 16 : i32
        %mul3A_724 = vector.broadcast %mul3A_723 : i32 to vector<16xi32>
        %mul3A_725 = arith.muli %convert_element_type3A, %mul3A_724 : vector<16xi32>
        %add3A_726 = arith.constant 4 : i32
        %add3A_727 = vector.broadcast %add3A_726 : i32 to vector<16xi32>
        %add3A_728 = arith.addi %mul3A_725, %add3A_727 : vector<16xi32>
        %gt3A_729 = arith.cmpf ogt, %gather3A_722, %select_n3A_555 : vector<16xf32>
        %eq3A_730 = arith.cmpf oeq, %gather3A_722, %select_n3A_555 : vector<16xf32>
        %gt3A_731 = arith.cmpi sgt, %add3A_728, %select_n3A_556 : vector<16xi32>
        %and3A_732 = arith.andi %eq3A_730, %gt3A_731 : vector<16xi1>
        %or3A_733 = arith.ori %gt3A_729, %and3A_732 : vector<16xi1>
        %jit3A_734 = arith.constant 3.000000e+38 : f32
        %broadcast_in_dim3A_735 = vector.broadcast %jit3A_734 : f32 to vector<16xf32>
        %select_n3A_736 = arith.select %or3A_733, %gather3A_722, %broadcast_in_dim3A_735 : vector<16xi1>, vector<16xf32>
        %jit3A_737 = arith.constant 2147483647 : i32
        %broadcast_in_dim3A_738 = vector.broadcast %jit3A_737 : i32 to vector<16xi32>
        %select_n3A_739 = arith.select %or3A_733, %add3A_728, %broadcast_in_dim3A_738 : vector<16xi1>, vector<16xi32>
        %lt3A_740 = arith.cmpf olt, %select_n3A_736, %select_n3A_710 : vector<16xf32>
        %eq3A_741 = arith.cmpf oeq, %select_n3A_736, %select_n3A_710 : vector<16xf32>
        %lt3A_742 = arith.cmpi slt, %select_n3A_739, %select_n3A_711 : vector<16xi32>
        %and3A_743 = arith.andi %eq3A_741, %lt3A_742 : vector<16xi1>
        %or3A_744 = arith.ori %lt3A_740, %and3A_743 : vector<16xi1>
        %select_n3A_745 = arith.select %or3A_744, %select_n3A_736, %select_n3A_710 : vector<16xi1>, vector<16xf32>
        %select_n3A_746 = arith.select %or3A_744, %select_n3A_739, %select_n3A_711 : vector<16xi1>, vector<16xi32>
        %mul3A_747 = arith.constant 16 : i32
        %mul3A_748 = vector.broadcast %mul3A_747 : i32 to vector<16xi32>
        %mul3A_749 = arith.muli %select_n3A_560, %mul3A_748 : vector<16xi32>
        %add3A_750 = arith.constant 5 : i32
        %add3A_751 = vector.broadcast %add3A_750 : i32 to vector<16xi32>
        %add3A_752 = arith.addi %mul3A_749, %add3A_751 : vector<16xi32>
        %mul3A_753 = arith.constant 16 : i32
        %mul3A_754 = vector.broadcast %mul3A_753 : i32 to vector<16xi32>
        %mul3A_755 = arith.muli %add3A_752, %mul3A_754 : vector<16xi32>
        %add3A_756 = arith.addi %mul3A_755, %iota3A : vector<16xi32>
        %gather3A_757 = tpu.vector_load_idx %arg21[%add3A_756] : memref<4096xf32, #tpu.memory_space<vmem>>[vector<16xi32>], vector<16xf32>,
        %mul3A_758 = arith.constant 16 : i32
        %mul3A_759 = vector.broadcast %mul3A_758 : i32 to vector<16xi32>
        %mul3A_760 = arith.muli %convert_element_type3A, %mul3A_759 : vector<16xi32>
        %add3A_761 = arith.constant 5 : i32
        %add3A_762 = vector.broadcast %add3A_761 : i32 to vector<16xi32>
        %add3A_763 = arith.addi %mul3A_760, %add3A_762 : vector<16xi32>
        %gt3A_764 = arith.cmpf ogt, %gather3A_757, %select_n3A_555 : vector<16xf32>
        %eq3A_765 = arith.cmpf oeq, %gather3A_757, %select_n3A_555 : vector<16xf32>
        %gt3A_766 = arith.cmpi sgt, %add3A_763, %select_n3A_556 : vector<16xi32>
        %and3A_767 = arith.andi %eq3A_765, %gt3A_766 : vector<16xi1>
        %or3A_768 = arith.ori %gt3A_764, %and3A_767 : vector<16xi1>
        %jit3A_769 = arith.constant 3.000000e+38 : f32
        %broadcast_in_dim3A_770 = vector.broadcast %jit3A_769 : f32 to vector<16xf32>
        %select_n3A_771 = arith.select %or3A_768, %gather3A_757, %broadcast_in_dim3A_770 : vector<16xi1>, vector<16xf32>
        %jit3A_772 = arith.constant 2147483647 : i32
        %broadcast_in_dim3A_773 = vector.broadcast %jit3A_772 : i32 to vector<16xi32>
        %select_n3A_774 = arith.select %or3A_768, %add3A_763, %broadcast_in_dim3A_773 : vector<16xi1>, vector<16xi32>
        %lt3A_775 = arith.cmpf olt, %select_n3A_771, %select_n3A_745 : vector<16xf32>
        %eq3A_776 = arith.cmpf oeq, %select_n3A_771, %select_n3A_745 : vector<16xf32>
        %lt3A_777 = arith.cmpi slt, %select_n3A_774, %select_n3A_746 : vector<16xi32>
        %and3A_778 = arith.andi %eq3A_776, %lt3A_777 : vector<16xi1>
        %or3A_779 = arith.ori %lt3A_775, %and3A_778 : vector<16xi1>
        %select_n3A_780 = arith.select %or3A_779, %select_n3A_771, %select_n3A_745 : vector<16xi1>, vector<16xf32>
        %select_n3A_781 = arith.select %or3A_779, %select_n3A_774, %select_n3A_746 : vector<16xi1>, vector<16xi32>
        %mul3A_782 = arith.constant 16 : i32
        %mul3A_783 = vector.broadcast %mul3A_782 : i32 to vector<16xi32>
        %mul3A_784 = arith.muli %select_n3A_560, %mul3A_783 : vector<16xi32>
        %add3A_785 = arith.constant 6 : i32
        %add3A_786 = vector.broadcast %add3A_785 : i32 to vector<16xi32>
        %add3A_787 = arith.addi %mul3A_784, %add3A_786 : vector<16xi32>
        %mul3A_788 = arith.constant 16 : i32
        %mul3A_789 = vector.broadcast %mul3A_788 : i32 to vector<16xi32>
        %mul3A_790 = arith.muli %add3A_787, %mul3A_789 : vector<16xi32>
        %add3A_791 = arith.addi %mul3A_790, %iota3A : vector<16xi32>
        %gather3A_792 = tpu.vector_load_idx %arg21[%add3A_791] : memref<4096xf32, #tpu.memory_space<vmem>>[vector<16xi32>], vector<16xf32>,
        %mul3A_793 = arith.constant 16 : i32
        %mul3A_794 = vector.broadcast %mul3A_793 : i32 to vector<16xi32>
        %mul3A_795 = arith.muli %convert_element_type3A, %mul3A_794 : vector<16xi32>
        %add3A_796 = arith.constant 6 : i32
        %add3A_797 = vector.broadcast %add3A_796 : i32 to vector<16xi32>
        %add3A_798 = arith.addi %mul3A_795, %add3A_797 : vector<16xi32>
        %gt3A_799 = arith.cmpf ogt, %gather3A_792, %select_n3A_555 : vector<16xf32>
        %eq3A_800 = arith.cmpf oeq, %gather3A_792, %select_n3A_555 : vector<16xf32>
        %gt3A_801 = arith.cmpi sgt, %add3A_798, %select_n3A_556 : vector<16xi32>
        %and3A_802 = arith.andi %eq3A_800, %gt3A_801 : vector<16xi1>
        %or3A_803 = arith.ori %gt3A_799, %and3A_802 : vector<16xi1>
        %jit3A_804 = arith.constant 3.000000e+38 : f32
        %broadcast_in_dim3A_805 = vector.broadcast %jit3A_804 : f32 to vector<16xf32>
        %select_n3A_806 = arith.select %or3A_803, %gather3A_792, %broadcast_in_dim3A_805 : vector<16xi1>, vector<16xf32>
        %jit3A_807 = arith.constant 2147483647 : i32
        %broadcast_in_dim3A_808 = vector.broadcast %jit3A_807 : i32 to vector<16xi32>
        %select_n3A_809 = arith.select %or3A_803, %add3A_798, %broadcast_in_dim3A_808 : vector<16xi1>, vector<16xi32>
        %lt3A_810 = arith.cmpf olt, %select_n3A_806, %select_n3A_780 : vector<16xf32>
        %eq3A_811 = arith.cmpf oeq, %select_n3A_806, %select_n3A_780 : vector<16xf32>
        %lt3A_812 = arith.cmpi slt, %select_n3A_809, %select_n3A_781 : vector<16xi32>
        %and3A_813 = arith.andi %eq3A_811, %lt3A_812 : vector<16xi1>
        %or3A_814 = arith.ori %lt3A_810, %and3A_813 : vector<16xi1>
        %select_n3A_815 = arith.select %or3A_814, %select_n3A_806, %select_n3A_780 : vector<16xi1>, vector<16xf32>
        %select_n3A_816 = arith.select %or3A_814, %select_n3A_809, %select_n3A_781 : vector<16xi1>, vector<16xi32>
        %mul3A_817 = arith.constant 16 : i32
        %mul3A_818 = vector.broadcast %mul3A_817 : i32 to vector<16xi32>
        %mul3A_819 = arith.muli %select_n3A_560, %mul3A_818 : vector<16xi32>
        %add3A_820 = arith.constant 7 : i32
        %add3A_821 = vector.broadcast %add3A_820 : i32 to vector<16xi32>
        %add3A_822 = arith.addi %mul3A_819, %add3A_821 : vector<16xi32>
        %mul3A_823 = arith.constant 16 : i32
        %mul3A_824 = vector.broadcast %mul3A_823 : i32 to vector<16xi32>
        %mul3A_825 = arith.muli %add3A_822, %mul3A_824 : vector<16xi32>
        %add3A_826 = arith.addi %mul3A_825, %iota3A : vector<16xi32>
        %gather3A_827 = tpu.vector_load_idx %arg21[%add3A_826] : memref<4096xf32, #tpu.memory_space<vmem>>[vector<16xi32>], vector<16xf32>,
        %mul3A_828 = arith.constant 16 : i32
        %mul3A_829 = vector.broadcast %mul3A_828 : i32 to vector<16xi32>
        %mul3A_830 = arith.muli %convert_element_type3A, %mul3A_829 : vector<16xi32>
        %add3A_831 = arith.constant 7 : i32
        %add3A_832 = vector.broadcast %add3A_831 : i32 to vector<16xi32>
        %add3A_833 = arith.addi %mul3A_830, %add3A_832 : vector<16xi32>
        %gt3A_834 = arith.cmpf ogt, %gather3A_827, %select_n3A_555 : vector<16xf32>
        %eq3A_835 = arith.cmpf oeq, %gather3A_827, %select_n3A_555 : vector<16xf32>
        %gt3A_836 = arith.cmpi sgt, %add3A_833, %select_n3A_556 : vector<16xi32>
        %and3A_837 = arith.andi %eq3A_835, %gt3A_836 : vector<16xi1>
        %or3A_838 = arith.ori %gt3A_834, %and3A_837 : vector<16xi1>
        %jit3A_839 = arith.constant 3.000000e+38 : f32
        %broadcast_in_dim3A_840 = vector.broadcast %jit3A_839 : f32 to vector<16xf32>
        %select_n3A_841 = arith.select %or3A_838, %gather3A_827, %broadcast_in_dim3A_840 : vector<16xi1>, vector<16xf32>
        %jit3A_842 = arith.constant 2147483647 : i32
        %broadcast_in_dim3A_843 = vector.broadcast %jit3A_842 : i32 to vector<16xi32>
        %select_n3A_844 = arith.select %or3A_838, %add3A_833, %broadcast_in_dim3A_843 : vector<16xi1>, vector<16xi32>
        %lt3A_845 = arith.cmpf olt, %select_n3A_841, %select_n3A_815 : vector<16xf32>
        %eq3A_846 = arith.cmpf oeq, %select_n3A_841, %select_n3A_815 : vector<16xf32>
        %lt3A_847 = arith.cmpi slt, %select_n3A_844, %select_n3A_816 : vector<16xi32>
        %and3A_848 = arith.andi %eq3A_846, %lt3A_847 : vector<16xi1>
        %or3A_849 = arith.ori %lt3A_845, %and3A_848 : vector<16xi1>
        %select_n3A_850 = arith.select %or3A_849, %select_n3A_841, %select_n3A_815 : vector<16xi1>, vector<16xf32>
        %select_n3A_851 = arith.select %or3A_849, %select_n3A_844, %select_n3A_816 : vector<16xi1>, vector<16xi32>
        %mul3A_852 = arith.constant 16 : i32
        %mul3A_853 = vector.broadcast %mul3A_852 : i32 to vector<16xi32>
        %mul3A_854 = arith.muli %select_n3A_560, %mul3A_853 : vector<16xi32>
        %add3A_855 = arith.constant 8 : i32
        %add3A_856 = vector.broadcast %add3A_855 : i32 to vector<16xi32>
        %add3A_857 = arith.addi %mul3A_854, %add3A_856 : vector<16xi32>
        %mul3A_858 = arith.constant 16 : i32
        %mul3A_859 = vector.broadcast %mul3A_858 : i32 to vector<16xi32>
        %mul3A_860 = arith.muli %add3A_857, %mul3A_859 : vector<16xi32>
        %add3A_861 = arith.addi %mul3A_860, %iota3A : vector<16xi32>
        %gather3A_862 = tpu.vector_load_idx %arg21[%add3A_861] : memref<4096xf32, #tpu.memory_space<vmem>>[vector<16xi32>], vector<16xf32>,
        %mul3A_863 = arith.constant 16 : i32
        %mul3A_864 = vector.broadcast %mul3A_863 : i32 to vector<16xi32>
        %mul3A_865 = arith.muli %convert_element_type3A, %mul3A_864 : vector<16xi32>
        %add3A_866 = arith.constant 8 : i32
        %add3A_867 = vector.broadcast %add3A_866 : i32 to vector<16xi32>
        %add3A_868 = arith.addi %mul3A_865, %add3A_867 : vector<16xi32>
        %gt3A_869 = arith.cmpf ogt, %gather3A_862, %select_n3A_555 : vector<16xf32>
        %eq3A_870 = arith.cmpf oeq, %gather3A_862, %select_n3A_555 : vector<16xf32>
        %gt3A_871 = arith.cmpi sgt, %add3A_868, %select_n3A_556 : vector<16xi32>
        %and3A_872 = arith.andi %eq3A_870, %gt3A_871 : vector<16xi1>
        %or3A_873 = arith.ori %gt3A_869, %and3A_872 : vector<16xi1>
        %jit3A_874 = arith.constant 3.000000e+38 : f32
        %broadcast_in_dim3A_875 = vector.broadcast %jit3A_874 : f32 to vector<16xf32>
        %select_n3A_876 = arith.select %or3A_873, %gather3A_862, %broadcast_in_dim3A_875 : vector<16xi1>, vector<16xf32>
        %jit3A_877 = arith.constant 2147483647 : i32
        %broadcast_in_dim3A_878 = vector.broadcast %jit3A_877 : i32 to vector<16xi32>
        %select_n3A_879 = arith.select %or3A_873, %add3A_868, %broadcast_in_dim3A_878 : vector<16xi1>, vector<16xi32>
        %lt3A_880 = arith.cmpf olt, %select_n3A_876, %select_n3A_850 : vector<16xf32>
        %eq3A_881 = arith.cmpf oeq, %select_n3A_876, %select_n3A_850 : vector<16xf32>
        %lt3A_882 = arith.cmpi slt, %select_n3A_879, %select_n3A_851 : vector<16xi32>
        %and3A_883 = arith.andi %eq3A_881, %lt3A_882 : vector<16xi1>
        %or3A_884 = arith.ori %lt3A_880, %and3A_883 : vector<16xi1>
        %select_n3A_885 = arith.select %or3A_884, %select_n3A_876, %select_n3A_850 : vector<16xi1>, vector<16xf32>
        %select_n3A_886 = arith.select %or3A_884, %select_n3A_879, %select_n3A_851 : vector<16xi1>, vector<16xi32>
        %mul3A_887 = arith.constant 16 : i32
        %mul3A_888 = vector.broadcast %mul3A_887 : i32 to vector<16xi32>
        %mul3A_889 = arith.muli %select_n3A_560, %mul3A_888 : vector<16xi32>
        %add3A_890 = arith.constant 9 : i32
        %add3A_891 = vector.broadcast %add3A_890 : i32 to vector<16xi32>
        %add3A_892 = arith.addi %mul3A_889, %add3A_891 : vector<16xi32>
        %mul3A_893 = arith.constant 16 : i32
        %mul3A_894 = vector.broadcast %mul3A_893 : i32 to vector<16xi32>
        %mul3A_895 = arith.muli %add3A_892, %mul3A_894 : vector<16xi32>
        %add3A_896 = arith.addi %mul3A_895, %iota3A : vector<16xi32>
        %gather3A_897 = tpu.vector_load_idx %arg21[%add3A_896] : memref<4096xf32, #tpu.memory_space<vmem>>[vector<16xi32>], vector<16xf32>,
        %mul3A_898 = arith.constant 16 : i32
        %mul3A_899 = vector.broadcast %mul3A_898 : i32 to vector<16xi32>
        %mul3A_900 = arith.muli %convert_element_type3A, %mul3A_899 : vector<16xi32>
        %add3A_901 = arith.constant 9 : i32
        %add3A_902 = vector.broadcast %add3A_901 : i32 to vector<16xi32>
        %add3A_903 = arith.addi %mul3A_900, %add3A_902 : vector<16xi32>
        %gt3A_904 = arith.cmpf ogt, %gather3A_897, %select_n3A_555 : vector<16xf32>
        %eq3A_905 = arith.cmpf oeq, %gather3A_897, %select_n3A_555 : vector<16xf32>
        %gt3A_906 = arith.cmpi sgt, %add3A_903, %select_n3A_556 : vector<16xi32>
        %and3A_907 = arith.andi %eq3A_905, %gt3A_906 : vector<16xi1>
        %or3A_908 = arith.ori %gt3A_904, %and3A_907 : vector<16xi1>
        %jit3A_909 = arith.constant 3.000000e+38 : f32
        %broadcast_in_dim3A_910 = vector.broadcast %jit3A_909 : f32 to vector<16xf32>
        %select_n3A_911 = arith.select %or3A_908, %gather3A_897, %broadcast_in_dim3A_910 : vector<16xi1>, vector<16xf32>
        %jit3A_912 = arith.constant 2147483647 : i32
        %broadcast_in_dim3A_913 = vector.broadcast %jit3A_912 : i32 to vector<16xi32>
        %select_n3A_914 = arith.select %or3A_908, %add3A_903, %broadcast_in_dim3A_913 : vector<16xi1>, vector<16xi32>
        %lt3A_915 = arith.cmpf olt, %select_n3A_911, %select_n3A_885 : vector<16xf32>
        %eq3A_916 = arith.cmpf oeq, %select_n3A_911, %select_n3A_885 : vector<16xf32>
        %lt3A_917 = arith.cmpi slt, %select_n3A_914, %select_n3A_886 : vector<16xi32>
        %and3A_918 = arith.andi %eq3A_916, %lt3A_917 : vector<16xi1>
        %or3A_919 = arith.ori %lt3A_915, %and3A_918 : vector<16xi1>
        %select_n3A_920 = arith.select %or3A_919, %select_n3A_911, %select_n3A_885 : vector<16xi1>, vector<16xf32>
        %select_n3A_921 = arith.select %or3A_919, %select_n3A_914, %select_n3A_886 : vector<16xi1>, vector<16xi32>
        %mul3A_922 = arith.constant 16 : i32
        %mul3A_923 = vector.broadcast %mul3A_922 : i32 to vector<16xi32>
        %mul3A_924 = arith.muli %select_n3A_560, %mul3A_923 : vector<16xi32>
        %add3A_925 = arith.constant 10 : i32
        %add3A_926 = vector.broadcast %add3A_925 : i32 to vector<16xi32>
        %add3A_927 = arith.addi %mul3A_924, %add3A_926 : vector<16xi32>
        %mul3A_928 = arith.constant 16 : i32
        %mul3A_929 = vector.broadcast %mul3A_928 : i32 to vector<16xi32>
        %mul3A_930 = arith.muli %add3A_927, %mul3A_929 : vector<16xi32>
        %add3A_931 = arith.addi %mul3A_930, %iota3A : vector<16xi32>
        %gather3A_932 = tpu.vector_load_idx %arg21[%add3A_931] : memref<4096xf32, #tpu.memory_space<vmem>>[vector<16xi32>], vector<16xf32>,
        %mul3A_933 = arith.constant 16 : i32
        %mul3A_934 = vector.broadcast %mul3A_933 : i32 to vector<16xi32>
        %mul3A_935 = arith.muli %convert_element_type3A, %mul3A_934 : vector<16xi32>
        %add3A_936 = arith.constant 10 : i32
        %add3A_937 = vector.broadcast %add3A_936 : i32 to vector<16xi32>
        %add3A_938 = arith.addi %mul3A_935, %add3A_937 : vector<16xi32>
        %gt3A_939 = arith.cmpf ogt, %gather3A_932, %select_n3A_555 : vector<16xf32>
        %eq3A_940 = arith.cmpf oeq, %gather3A_932, %select_n3A_555 : vector<16xf32>
        %gt3A_941 = arith.cmpi sgt, %add3A_938, %select_n3A_556 : vector<16xi32>
        %and3A_942 = arith.andi %eq3A_940, %gt3A_941 : vector<16xi1>
        %or3A_943 = arith.ori %gt3A_939, %and3A_942 : vector<16xi1>
        %jit3A_944 = arith.constant 3.000000e+38 : f32
        %broadcast_in_dim3A_945 = vector.broadcast %jit3A_944 : f32 to vector<16xf32>
        %select_n3A_946 = arith.select %or3A_943, %gather3A_932, %broadcast_in_dim3A_945 : vector<16xi1>, vector<16xf32>
        %jit3A_947 = arith.constant 2147483647 : i32
        %broadcast_in_dim3A_948 = vector.broadcast %jit3A_947 : i32 to vector<16xi32>
        %select_n3A_949 = arith.select %or3A_943, %add3A_938, %broadcast_in_dim3A_948 : vector<16xi1>, vector<16xi32>
        %lt3A_950 = arith.cmpf olt, %select_n3A_946, %select_n3A_920 : vector<16xf32>
        %eq3A_951 = arith.cmpf oeq, %select_n3A_946, %select_n3A_920 : vector<16xf32>
        %lt3A_952 = arith.cmpi slt, %select_n3A_949, %select_n3A_921 : vector<16xi32>
        %and3A_953 = arith.andi %eq3A_951, %lt3A_952 : vector<16xi1>
        %or3A_954 = arith.ori %lt3A_950, %and3A_953 : vector<16xi1>
        %select_n3A_955 = arith.select %or3A_954, %select_n3A_946, %select_n3A_920 : vector<16xi1>, vector<16xf32>
        %select_n3A_956 = arith.select %or3A_954, %select_n3A_949, %select_n3A_921 : vector<16xi1>, vector<16xi32>
        %mul3A_957 = arith.constant 16 : i32
        %mul3A_958 = vector.broadcast %mul3A_957 : i32 to vector<16xi32>
        %mul3A_959 = arith.muli %select_n3A_560, %mul3A_958 : vector<16xi32>
        %add3A_960 = arith.constant 11 : i32
        %add3A_961 = vector.broadcast %add3A_960 : i32 to vector<16xi32>
        %add3A_962 = arith.addi %mul3A_959, %add3A_961 : vector<16xi32>
        %mul3A_963 = arith.constant 16 : i32
        %mul3A_964 = vector.broadcast %mul3A_963 : i32 to vector<16xi32>
        %mul3A_965 = arith.muli %add3A_962, %mul3A_964 : vector<16xi32>
        %add3A_966 = arith.addi %mul3A_965, %iota3A : vector<16xi32>
        %gather3A_967 = tpu.vector_load_idx %arg21[%add3A_966] : memref<4096xf32, #tpu.memory_space<vmem>>[vector<16xi32>], vector<16xf32>,
        %mul3A_968 = arith.constant 16 : i32
        %mul3A_969 = vector.broadcast %mul3A_968 : i32 to vector<16xi32>
        %mul3A_970 = arith.muli %convert_element_type3A, %mul3A_969 : vector<16xi32>
        %add3A_971 = arith.constant 11 : i32
        %add3A_972 = vector.broadcast %add3A_971 : i32 to vector<16xi32>
        %add3A_973 = arith.addi %mul3A_970, %add3A_972 : vector<16xi32>
        %gt3A_974 = arith.cmpf ogt, %gather3A_967, %select_n3A_555 : vector<16xf32>
        %eq3A_975 = arith.cmpf oeq, %gather3A_967, %select_n3A_555 : vector<16xf32>
        %gt3A_976 = arith.cmpi sgt, %add3A_973, %select_n3A_556 : vector<16xi32>
        %and3A_977 = arith.andi %eq3A_975, %gt3A_976 : vector<16xi1>
        %or3A_978 = arith.ori %gt3A_974, %and3A_977 : vector<16xi1>
        %jit3A_979 = arith.constant 3.000000e+38 : f32
        %broadcast_in_dim3A_980 = vector.broadcast %jit3A_979 : f32 to vector<16xf32>
        %select_n3A_981 = arith.select %or3A_978, %gather3A_967, %broadcast_in_dim3A_980 : vector<16xi1>, vector<16xf32>
        %jit3A_982 = arith.constant 2147483647 : i32
        %broadcast_in_dim3A_983 = vector.broadcast %jit3A_982 : i32 to vector<16xi32>
        %select_n3A_984 = arith.select %or3A_978, %add3A_973, %broadcast_in_dim3A_983 : vector<16xi1>, vector<16xi32>
        %lt3A_985 = arith.cmpf olt, %select_n3A_981, %select_n3A_955 : vector<16xf32>
        %eq3A_986 = arith.cmpf oeq, %select_n3A_981, %select_n3A_955 : vector<16xf32>
        %lt3A_987 = arith.cmpi slt, %select_n3A_984, %select_n3A_956 : vector<16xi32>
        %and3A_988 = arith.andi %eq3A_986, %lt3A_987 : vector<16xi1>
        %or3A_989 = arith.ori %lt3A_985, %and3A_988 : vector<16xi1>
        %select_n3A_990 = arith.select %or3A_989, %select_n3A_981, %select_n3A_955 : vector<16xi1>, vector<16xf32>
        %select_n3A_991 = arith.select %or3A_989, %select_n3A_984, %select_n3A_956 : vector<16xi1>, vector<16xi32>
        %mul3A_992 = arith.constant 16 : i32
        %mul3A_993 = vector.broadcast %mul3A_992 : i32 to vector<16xi32>
        %mul3A_994 = arith.muli %select_n3A_560, %mul3A_993 : vector<16xi32>
        %add3A_995 = arith.constant 12 : i32
        %add3A_996 = vector.broadcast %add3A_995 : i32 to vector<16xi32>
        %add3A_997 = arith.addi %mul3A_994, %add3A_996 : vector<16xi32>
        %mul3A_998 = arith.constant 16 : i32
        %mul3A_999 = vector.broadcast %mul3A_998 : i32 to vector<16xi32>
        %mul3A_1000 = arith.muli %add3A_997, %mul3A_999 : vector<16xi32>
        %add3A_1001 = arith.addi %mul3A_1000, %iota3A : vector<16xi32>
        %gather3A_1002 = tpu.vector_load_idx %arg21[%add3A_1001] : memref<4096xf32, #tpu.memory_space<vmem>>[vector<16xi32>], vector<16xf32>,
        %mul3A_1003 = arith.constant 16 : i32
        %mul3A_1004 = vector.broadcast %mul3A_1003 : i32 to vector<16xi32>
        %mul3A_1005 = arith.muli %convert_element_type3A, %mul3A_1004 : vector<16xi32>
        %add3A_1006 = arith.constant 12 : i32
        %add3A_1007 = vector.broadcast %add3A_1006 : i32 to vector<16xi32>
        %add3A_1008 = arith.addi %mul3A_1005, %add3A_1007 : vector<16xi32>
        %gt3A_1009 = arith.cmpf ogt, %gather3A_1002, %select_n3A_555 : vector<16xf32>
        %eq3A_1010 = arith.cmpf oeq, %gather3A_1002, %select_n3A_555 : vector<16xf32>
        %gt3A_1011 = arith.cmpi sgt, %add3A_1008, %select_n3A_556 : vector<16xi32>
        %and3A_1012 = arith.andi %eq3A_1010, %gt3A_1011 : vector<16xi1>
        %or3A_1013 = arith.ori %gt3A_1009, %and3A_1012 : vector<16xi1>
        %jit3A_1014 = arith.constant 3.000000e+38 : f32
        %broadcast_in_dim3A_1015 = vector.broadcast %jit3A_1014 : f32 to vector<16xf32>
        %select_n3A_1016 = arith.select %or3A_1013, %gather3A_1002, %broadcast_in_dim3A_1015 : vector<16xi1>, vector<16xf32>
        %jit3A_1017 = arith.constant 2147483647 : i32
        %broadcast_in_dim3A_1018 = vector.broadcast %jit3A_1017 : i32 to vector<16xi32>
        %select_n3A_1019 = arith.select %or3A_1013, %add3A_1008, %broadcast_in_dim3A_1018 : vector<16xi1>, vector<16xi32>
        %lt3A_1020 = arith.cmpf olt, %select_n3A_1016, %select_n3A_990 : vector<16xf32>
        %eq3A_1021 = arith.cmpf oeq, %select_n3A_1016, %select_n3A_990 : vector<16xf32>
        %lt3A_1022 = arith.cmpi slt, %select_n3A_1019, %select_n3A_991 : vector<16xi32>
        %and3A_1023 = arith.andi %eq3A_1021, %lt3A_1022 : vector<16xi1>
        %or3A_1024 = arith.ori %lt3A_1020, %and3A_1023 : vector<16xi1>
        %select_n3A_1025 = arith.select %or3A_1024, %select_n3A_1016, %select_n3A_990 : vector<16xi1>, vector<16xf32>
        %select_n3A_1026 = arith.select %or3A_1024, %select_n3A_1019, %select_n3A_991 : vector<16xi1>, vector<16xi32>
        %mul3A_1027 = arith.constant 16 : i32
        %mul3A_1028 = vector.broadcast %mul3A_1027 : i32 to vector<16xi32>
        %mul3A_1029 = arith.muli %select_n3A_560, %mul3A_1028 : vector<16xi32>
        %add3A_1030 = arith.constant 13 : i32
        %add3A_1031 = vector.broadcast %add3A_1030 : i32 to vector<16xi32>
        %add3A_1032 = arith.addi %mul3A_1029, %add3A_1031 : vector<16xi32>
        %mul3A_1033 = arith.constant 16 : i32
        %mul3A_1034 = vector.broadcast %mul3A_1033 : i32 to vector<16xi32>
        %mul3A_1035 = arith.muli %add3A_1032, %mul3A_1034 : vector<16xi32>
        %add3A_1036 = arith.addi %mul3A_1035, %iota3A : vector<16xi32>
        %gather3A_1037 = tpu.vector_load_idx %arg21[%add3A_1036] : memref<4096xf32, #tpu.memory_space<vmem>>[vector<16xi32>], vector<16xf32>,
        %mul3A_1038 = arith.constant 16 : i32
        %mul3A_1039 = vector.broadcast %mul3A_1038 : i32 to vector<16xi32>
        %mul3A_1040 = arith.muli %convert_element_type3A, %mul3A_1039 : vector<16xi32>
        %add3A_1041 = arith.constant 13 : i32
        %add3A_1042 = vector.broadcast %add3A_1041 : i32 to vector<16xi32>
        %add3A_1043 = arith.addi %mul3A_1040, %add3A_1042 : vector<16xi32>
        %gt3A_1044 = arith.cmpf ogt, %gather3A_1037, %select_n3A_555 : vector<16xf32>
        %eq3A_1045 = arith.cmpf oeq, %gather3A_1037, %select_n3A_555 : vector<16xf32>
        %gt3A_1046 = arith.cmpi sgt, %add3A_1043, %select_n3A_556 : vector<16xi32>
        %and3A_1047 = arith.andi %eq3A_1045, %gt3A_1046 : vector<16xi1>
        %or3A_1048 = arith.ori %gt3A_1044, %and3A_1047 : vector<16xi1>
        %jit3A_1049 = arith.constant 3.000000e+38 : f32
        %broadcast_in_dim3A_1050 = vector.broadcast %jit3A_1049 : f32 to vector<16xf32>
        %select_n3A_1051 = arith.select %or3A_1048, %gather3A_1037, %broadcast_in_dim3A_1050 : vector<16xi1>, vector<16xf32>
        %jit3A_1052 = arith.constant 2147483647 : i32
        %broadcast_in_dim3A_1053 = vector.broadcast %jit3A_1052 : i32 to vector<16xi32>
        %select_n3A_1054 = arith.select %or3A_1048, %add3A_1043, %broadcast_in_dim3A_1053 : vector<16xi1>, vector<16xi32>
        %lt3A_1055 = arith.cmpf olt, %select_n3A_1051, %select_n3A_1025 : vector<16xf32>
        %eq3A_1056 = arith.cmpf oeq, %select_n3A_1051, %select_n3A_1025 : vector<16xf32>
        %lt3A_1057 = arith.cmpi slt, %select_n3A_1054, %select_n3A_1026 : vector<16xi32>
        %and3A_1058 = arith.andi %eq3A_1056, %lt3A_1057 : vector<16xi1>
        %or3A_1059 = arith.ori %lt3A_1055, %and3A_1058 : vector<16xi1>
        %select_n3A_1060 = arith.select %or3A_1059, %select_n3A_1051, %select_n3A_1025 : vector<16xi1>, vector<16xf32>
        %select_n3A_1061 = arith.select %or3A_1059, %select_n3A_1054, %select_n3A_1026 : vector<16xi1>, vector<16xi32>
        %mul3A_1062 = arith.constant 16 : i32
        %mul3A_1063 = vector.broadcast %mul3A_1062 : i32 to vector<16xi32>
        %mul3A_1064 = arith.muli %select_n3A_560, %mul3A_1063 : vector<16xi32>
        %add3A_1065 = arith.constant 14 : i32
        %add3A_1066 = vector.broadcast %add3A_1065 : i32 to vector<16xi32>
        %add3A_1067 = arith.addi %mul3A_1064, %add3A_1066 : vector<16xi32>
        %mul3A_1068 = arith.constant 16 : i32
        %mul3A_1069 = vector.broadcast %mul3A_1068 : i32 to vector<16xi32>
        %mul3A_1070 = arith.muli %add3A_1067, %mul3A_1069 : vector<16xi32>
        %add3A_1071 = arith.addi %mul3A_1070, %iota3A : vector<16xi32>
        %gather3A_1072 = tpu.vector_load_idx %arg21[%add3A_1071] : memref<4096xf32, #tpu.memory_space<vmem>>[vector<16xi32>], vector<16xf32>,
        %mul3A_1073 = arith.constant 16 : i32
        %mul3A_1074 = vector.broadcast %mul3A_1073 : i32 to vector<16xi32>
        %mul3A_1075 = arith.muli %convert_element_type3A, %mul3A_1074 : vector<16xi32>
        %add3A_1076 = arith.constant 14 : i32
        %add3A_1077 = vector.broadcast %add3A_1076 : i32 to vector<16xi32>
        %add3A_1078 = arith.addi %mul3A_1075, %add3A_1077 : vector<16xi32>
        %gt3A_1079 = arith.cmpf ogt, %gather3A_1072, %select_n3A_555 : vector<16xf32>
        %eq3A_1080 = arith.cmpf oeq, %gather3A_1072, %select_n3A_555 : vector<16xf32>
        %gt3A_1081 = arith.cmpi sgt, %add3A_1078, %select_n3A_556 : vector<16xi32>
        %and3A_1082 = arith.andi %eq3A_1080, %gt3A_1081 : vector<16xi1>
        %or3A_1083 = arith.ori %gt3A_1079, %and3A_1082 : vector<16xi1>
        %jit3A_1084 = arith.constant 3.000000e+38 : f32
        %broadcast_in_dim3A_1085 = vector.broadcast %jit3A_1084 : f32 to vector<16xf32>
        %select_n3A_1086 = arith.select %or3A_1083, %gather3A_1072, %broadcast_in_dim3A_1085 : vector<16xi1>, vector<16xf32>
        %jit3A_1087 = arith.constant 2147483647 : i32
        %broadcast_in_dim3A_1088 = vector.broadcast %jit3A_1087 : i32 to vector<16xi32>
        %select_n3A_1089 = arith.select %or3A_1083, %add3A_1078, %broadcast_in_dim3A_1088 : vector<16xi1>, vector<16xi32>
        %lt3A_1090 = arith.cmpf olt, %select_n3A_1086, %select_n3A_1060 : vector<16xf32>
        %eq3A_1091 = arith.cmpf oeq, %select_n3A_1086, %select_n3A_1060 : vector<16xf32>
        %lt3A_1092 = arith.cmpi slt, %select_n3A_1089, %select_n3A_1061 : vector<16xi32>
        %and3A_1093 = arith.andi %eq3A_1091, %lt3A_1092 : vector<16xi1>
        %or3A_1094 = arith.ori %lt3A_1090, %and3A_1093 : vector<16xi1>
        %select_n3A_1095 = arith.select %or3A_1094, %select_n3A_1086, %select_n3A_1060 : vector<16xi1>, vector<16xf32>
        %select_n3A_1096 = arith.select %or3A_1094, %select_n3A_1089, %select_n3A_1061 : vector<16xi1>, vector<16xi32>
        %mul3A_1097 = arith.constant 16 : i32
        %mul3A_1098 = vector.broadcast %mul3A_1097 : i32 to vector<16xi32>
        %mul3A_1099 = arith.muli %select_n3A_560, %mul3A_1098 : vector<16xi32>
        %add3A_1100 = arith.constant 15 : i32
        %add3A_1101 = vector.broadcast %add3A_1100 : i32 to vector<16xi32>
        %add3A_1102 = arith.addi %mul3A_1099, %add3A_1101 : vector<16xi32>
        %mul3A_1103 = arith.constant 16 : i32
        %mul3A_1104 = vector.broadcast %mul3A_1103 : i32 to vector<16xi32>
        %mul3A_1105 = arith.muli %add3A_1102, %mul3A_1104 : vector<16xi32>
        %add3A_1106 = arith.addi %mul3A_1105, %iota3A : vector<16xi32>
        %gather3A_1107 = tpu.vector_load_idx %arg21[%add3A_1106] : memref<4096xf32, #tpu.memory_space<vmem>>[vector<16xi32>], vector<16xf32>,
        %mul3A_1108 = arith.constant 16 : i32
        %mul3A_1109 = vector.broadcast %mul3A_1108 : i32 to vector<16xi32>
        %mul3A_1110 = arith.muli %convert_element_type3A, %mul3A_1109 : vector<16xi32>
        %add3A_1111 = arith.constant 15 : i32
        %add3A_1112 = vector.broadcast %add3A_1111 : i32 to vector<16xi32>
        %add3A_1113 = arith.addi %mul3A_1110, %add3A_1112 : vector<16xi32>
        %gt3A_1114 = arith.cmpf ogt, %gather3A_1107, %select_n3A_555 : vector<16xf32>
        %eq3A_1115 = arith.cmpf oeq, %gather3A_1107, %select_n3A_555 : vector<16xf32>
        %gt3A_1116 = arith.cmpi sgt, %add3A_1113, %select_n3A_556 : vector<16xi32>
        %and3A_1117 = arith.andi %eq3A_1115, %gt3A_1116 : vector<16xi1>
        %or3A_1118 = arith.ori %gt3A_1114, %and3A_1117 : vector<16xi1>
        %jit3A_1119 = arith.constant 3.000000e+38 : f32
        %broadcast_in_dim3A_1120 = vector.broadcast %jit3A_1119 : f32 to vector<16xf32>
        %select_n3A_1121 = arith.select %or3A_1118, %gather3A_1107, %broadcast_in_dim3A_1120 : vector<16xi1>, vector<16xf32>
        %jit3A_1122 = arith.constant 2147483647 : i32
        %broadcast_in_dim3A_1123 = vector.broadcast %jit3A_1122 : i32 to vector<16xi32>
        %select_n3A_1124 = arith.select %or3A_1118, %add3A_1113, %broadcast_in_dim3A_1123 : vector<16xi1>, vector<16xi32>
        %lt3A_1125 = arith.cmpf olt, %select_n3A_1121, %select_n3A_1095 : vector<16xf32>
        %eq3A_1126 = arith.cmpf oeq, %select_n3A_1121, %select_n3A_1095 : vector<16xf32>
        %lt3A_1127 = arith.cmpi slt, %select_n3A_1124, %select_n3A_1096 : vector<16xi32>
        %and3A_1128 = arith.andi %eq3A_1126, %lt3A_1127 : vector<16xi1>
        %or3A_1129 = arith.ori %lt3A_1125, %and3A_1128 : vector<16xi1>
        %select_n3A_1130 = arith.select %or3A_1129, %select_n3A_1121, %select_n3A_1095 : vector<16xi1>, vector<16xf32>
        %select_n3A_1131 = arith.select %or3A_1129, %select_n3A_1124, %select_n3A_1096 : vector<16xi1>, vector<16xi32>
        %mul3A_1132 = arith.constant 16 : i32
        %mul3A_1133 = vector.broadcast %mul3A_1132 : i32 to vector<16xi32>
        %mul3A_1134 = arith.muli %select_n3A_560, %mul3A_1133 : vector<16xi32>
        %add3A_1135 = arith.addi %mul3A_1134, %iota3A : vector<16xi32>
        tpu.vector_store_idx %arg22[%add3A_1135], %select_n3A_1130 : memref<256xf32, #tpu.memory_space<vmem>>[vector<16xi32>], vector<16xf32>,
        %mul3A_1136 = arith.constant 16 : i32
        %mul3A_1137 = vector.broadcast %mul3A_1136 : i32 to vector<16xi32>
        %mul3A_1138 = arith.muli %select_n3A_560, %mul3A_1137 : vector<16xi32>
        %add3A_1139 = arith.addi %mul3A_1138, %iota3A : vector<16xi32>
        tpu.vector_store_idx %arg23[%add3A_1139], %select_n3A_1131 : memref<256xi32, #tpu.memory_space<vmem>>[vector<16xi32>], vector<16xi32>,
      }
      %scan3A_314 = arith.constant 16 : i32
    }
    %scan3A_170 = arith.constant 32 : i32
    %mul3A_171 = arith.constant 16 : i32
    %mul3A_172 = arith.muli %select_n3A, %mul3A_171 : i32
    %add3A_173 = arith.constant 0 : i32
    %add3A_174 = arith.addi %mul3A_172, %add3A_173 : i32
    %mul3A_175 = arith.constant 8192 : i32
    %mul3A_176 = arith.muli %add3A_174, %mul3A_175 : i32
    %add3A_177 = arith.addi %mul3A_176, %mul3A_32 : i32
    "tpu.region"() ({
      %run_scoped3A = tpu.sem_alloc : memref<!tpu.dma_semaphore, #tpu.memory_space<semaphore_mem>>
      %dma_start3A = arith.constant 0 : i32
      %dma_start3A_283 = tpu.memref_slice %arg24[%dma_start3A] : memref<8192xi32, #tpu.memory_space<vmem>> -> memref<512xi32, #tpu.memory_space<vmem>>
      %dma_start3A_284 = tpu.memref_slice %arg11[%add3A_177] : memref<262144xi32, #tpu.memory_space<hbm>> -> memref<512xi32, #tpu.memory_space<hbm>>
      %dma_start3A_285 = tpu.memref_slice %arg11[%add3A_177] : memref<262144xi32, #tpu.memory_space<hbm>> -> memref<512xi32, #tpu.memory_space<hbm>>
      %dma_start3A_286 = arith.constant 0 : i32
      %dma_start3A_287 = tpu.memref_slice %arg24[%dma_start3A_286] : memref<8192xi32, #tpu.memory_space<vmem>> -> memref<512xi32, #tpu.memory_space<vmem>>
      tpu.enqueue_dma source(%dma_start3A_287 : memref<512xi32, #tpu.memory_space<vmem>>) target(%dma_start3A_285 : memref<512xi32, #tpu.memory_space<hbm>>) target_semaphore(%run_scoped3A : memref<!tpu.dma_semaphore, #tpu.memory_space<semaphore_mem>>)
      %dma_wait3A = arith.constant 0 : i32
      %dma_wait3A_288 = tpu.memref_slice %arg24[%dma_wait3A] : memref<8192xi32, #tpu.memory_space<vmem>> -> memref<512xi32, #tpu.memory_space<vmem>>
      %dma_wait3A_289 = tpu.memref_slice %arg11[%add3A_177] : memref<262144xi32, #tpu.memory_space<hbm>> -> memref<512xi32, #tpu.memory_space<hbm>>
      %dma_wait3A_290 = tpu.memref_slice %arg11[%add3A_177] : memref<262144xi32, #tpu.memory_space<hbm>> -> memref<512xi32, #tpu.memory_space<hbm>>
      %dma_wait3A_291 = arith.constant 0 : i32
      %dma_wait3A_292 = tpu.memref_slice %arg24[%dma_wait3A_291] : memref<8192xi32, #tpu.memory_space<vmem>> -> memref<512xi32, #tpu.memory_space<vmem>>
      tpu.wait_dma2 semaphore(%run_scoped3A : memref<!tpu.dma_semaphore, #tpu.memory_space<semaphore_mem>>) src(%dma_wait3A_292 : memref<512xi32, #tpu.memory_space<vmem>>) dst(%dma_wait3A_290 : memref<512xi32, #tpu.memory_space<hbm>>)
      tpu.yield
    }) : () -> ()
    %mul3A_178 = arith.constant 16 : i32
    %mul3A_179 = arith.muli %select_n3A, %mul3A_178 : i32
    %add3A_180 = arith.constant 1 : i32
    %add3A_181 = arith.addi %mul3A_179, %add3A_180 : i32
    %mul3A_182 = arith.constant 8192 : i32
    %mul3A_183 = arith.muli %add3A_181, %mul3A_182 : i32
    %add3A_184 = arith.addi %mul3A_183, %mul3A_32 : i32
    "tpu.region"() ({
      %run_scoped3A = tpu.sem_alloc : memref<!tpu.dma_semaphore, #tpu.memory_space<semaphore_mem>>
      %dma_start3A = arith.constant 512 : i32
      %dma_start3A_283 = tpu.memref_slice %arg24[%dma_start3A] : memref<8192xi32, #tpu.memory_space<vmem>> -> memref<512xi32, #tpu.memory_space<vmem>>
      %dma_start3A_284 = tpu.memref_slice %arg11[%add3A_184] : memref<262144xi32, #tpu.memory_space<hbm>> -> memref<512xi32, #tpu.memory_space<hbm>>
      %dma_start3A_285 = tpu.memref_slice %arg11[%add3A_184] : memref<262144xi32, #tpu.memory_space<hbm>> -> memref<512xi32, #tpu.memory_space<hbm>>
      %dma_start3A_286 = arith.constant 512 : i32
      %dma_start3A_287 = tpu.memref_slice %arg24[%dma_start3A_286] : memref<8192xi32, #tpu.memory_space<vmem>> -> memref<512xi32, #tpu.memory_space<vmem>>
      tpu.enqueue_dma source(%dma_start3A_287 : memref<512xi32, #tpu.memory_space<vmem>>) target(%dma_start3A_285 : memref<512xi32, #tpu.memory_space<hbm>>) target_semaphore(%run_scoped3A : memref<!tpu.dma_semaphore, #tpu.memory_space<semaphore_mem>>)
      %dma_wait3A = arith.constant 512 : i32
      %dma_wait3A_288 = tpu.memref_slice %arg24[%dma_wait3A] : memref<8192xi32, #tpu.memory_space<vmem>> -> memref<512xi32, #tpu.memory_space<vmem>>
      %dma_wait3A_289 = tpu.memref_slice %arg11[%add3A_184] : memref<262144xi32, #tpu.memory_space<hbm>> -> memref<512xi32, #tpu.memory_space<hbm>>
      %dma_wait3A_290 = tpu.memref_slice %arg11[%add3A_184] : memref<262144xi32, #tpu.memory_space<hbm>> -> memref<512xi32, #tpu.memory_space<hbm>>
      %dma_wait3A_291 = arith.constant 512 : i32
      %dma_wait3A_292 = tpu.memref_slice %arg24[%dma_wait3A_291] : memref<8192xi32, #tpu.memory_space<vmem>> -> memref<512xi32, #tpu.memory_space<vmem>>
      tpu.wait_dma2 semaphore(%run_scoped3A : memref<!tpu.dma_semaphore, #tpu.memory_space<semaphore_mem>>) src(%dma_wait3A_292 : memref<512xi32, #tpu.memory_space<vmem>>) dst(%dma_wait3A_290 : memref<512xi32, #tpu.memory_space<hbm>>)
      tpu.yield
    }) : () -> ()
    %mul3A_185 = arith.constant 16 : i32
    %mul3A_186 = arith.muli %select_n3A, %mul3A_185 : i32
    %add3A_187 = arith.constant 2 : i32
    %add3A_188 = arith.addi %mul3A_186, %add3A_187 : i32
    %mul3A_189 = arith.constant 8192 : i32
    %mul3A_190 = arith.muli %add3A_188, %mul3A_189 : i32
    %add3A_191 = arith.addi %mul3A_190, %mul3A_32 : i32
    "tpu.region"() ({
      %run_scoped3A = tpu.sem_alloc : memref<!tpu.dma_semaphore, #tpu.memory_space<semaphore_mem>>
      %dma_start3A = arith.constant 1024 : i32
      %dma_start3A_283 = tpu.memref_slice %arg24[%dma_start3A] : memref<8192xi32, #tpu.memory_space<vmem>> -> memref<512xi32, #tpu.memory_space<vmem>>
      %dma_start3A_284 = tpu.memref_slice %arg11[%add3A_191] : memref<262144xi32, #tpu.memory_space<hbm>> -> memref<512xi32, #tpu.memory_space<hbm>>
      %dma_start3A_285 = tpu.memref_slice %arg11[%add3A_191] : memref<262144xi32, #tpu.memory_space<hbm>> -> memref<512xi32, #tpu.memory_space<hbm>>
      %dma_start3A_286 = arith.constant 1024 : i32
      %dma_start3A_287 = tpu.memref_slice %arg24[%dma_start3A_286] : memref<8192xi32, #tpu.memory_space<vmem>> -> memref<512xi32, #tpu.memory_space<vmem>>
      tpu.enqueue_dma source(%dma_start3A_287 : memref<512xi32, #tpu.memory_space<vmem>>) target(%dma_start3A_285 : memref<512xi32, #tpu.memory_space<hbm>>) target_semaphore(%run_scoped3A : memref<!tpu.dma_semaphore, #tpu.memory_space<semaphore_mem>>)
      %dma_wait3A = arith.constant 1024 : i32
      %dma_wait3A_288 = tpu.memref_slice %arg24[%dma_wait3A] : memref<8192xi32, #tpu.memory_space<vmem>> -> memref<512xi32, #tpu.memory_space<vmem>>
      %dma_wait3A_289 = tpu.memref_slice %arg11[%add3A_191] : memref<262144xi32, #tpu.memory_space<hbm>> -> memref<512xi32, #tpu.memory_space<hbm>>
      %dma_wait3A_290 = tpu.memref_slice %arg11[%add3A_191] : memref<262144xi32, #tpu.memory_space<hbm>> -> memref<512xi32, #tpu.memory_space<hbm>>
      %dma_wait3A_291 = arith.constant 1024 : i32
      %dma_wait3A_292 = tpu.memref_slice %arg24[%dma_wait3A_291] : memref<8192xi32, #tpu.memory_space<vmem>> -> memref<512xi32, #tpu.memory_space<vmem>>
      tpu.wait_dma2 semaphore(%run_scoped3A : memref<!tpu.dma_semaphore, #tpu.memory_space<semaphore_mem>>) src(%dma_wait3A_292 : memref<512xi32, #tpu.memory_space<vmem>>) dst(%dma_wait3A_290 : memref<512xi32, #tpu.memory_space<hbm>>)
      tpu.yield
    }) : () -> ()
    %mul3A_192 = arith.constant 16 : i32
    %mul3A_193 = arith.muli %select_n3A, %mul3A_192 : i32
    %add3A_194 = arith.constant 3 : i32
    %add3A_195 = arith.addi %mul3A_193, %add3A_194 : i32
    %mul3A_196 = arith.constant 8192 : i32
    %mul3A_197 = arith.muli %add3A_195, %mul3A_196 : i32
    %add3A_198 = arith.addi %mul3A_197, %mul3A_32 : i32
    "tpu.region"() ({
      %run_scoped3A = tpu.sem_alloc : memref<!tpu.dma_semaphore, #tpu.memory_space<semaphore_mem>>
      %dma_start3A = arith.constant 1536 : i32
      %dma_start3A_283 = tpu.memref_slice %arg24[%dma_start3A] : memref<8192xi32, #tpu.memory_space<vmem>> -> memref<512xi32, #tpu.memory_space<vmem>>
      %dma_start3A_284 = tpu.memref_slice %arg11[%add3A_198] : memref<262144xi32, #tpu.memory_space<hbm>> -> memref<512xi32, #tpu.memory_space<hbm>>
      %dma_start3A_285 = tpu.memref_slice %arg11[%add3A_198] : memref<262144xi32, #tpu.memory_space<hbm>> -> memref<512xi32, #tpu.memory_space<hbm>>
      %dma_start3A_286 = arith.constant 1536 : i32
      %dma_start3A_287 = tpu.memref_slice %arg24[%dma_start3A_286] : memref<8192xi32, #tpu.memory_space<vmem>> -> memref<512xi32, #tpu.memory_space<vmem>>
      tpu.enqueue_dma source(%dma_start3A_287 : memref<512xi32, #tpu.memory_space<vmem>>) target(%dma_start3A_285 : memref<512xi32, #tpu.memory_space<hbm>>) target_semaphore(%run_scoped3A : memref<!tpu.dma_semaphore, #tpu.memory_space<semaphore_mem>>)
      %dma_wait3A = arith.constant 1536 : i32
      %dma_wait3A_288 = tpu.memref_slice %arg24[%dma_wait3A] : memref<8192xi32, #tpu.memory_space<vmem>> -> memref<512xi32, #tpu.memory_space<vmem>>
      %dma_wait3A_289 = tpu.memref_slice %arg11[%add3A_198] : memref<262144xi32, #tpu.memory_space<hbm>> -> memref<512xi32, #tpu.memory_space<hbm>>
      %dma_wait3A_290 = tpu.memref_slice %arg11[%add3A_198] : memref<262144xi32, #tpu.memory_space<hbm>> -> memref<512xi32, #tpu.memory_space<hbm>>
      %dma_wait3A_291 = arith.constant 1536 : i32
      %dma_wait3A_292 = tpu.memref_slice %arg24[%dma_wait3A_291] : memref<8192xi32, #tpu.memory_space<vmem>> -> memref<512xi32, #tpu.memory_space<vmem>>
      tpu.wait_dma2 semaphore(%run_scoped3A : memref<!tpu.dma_semaphore, #tpu.memory_space<semaphore_mem>>) src(%dma_wait3A_292 : memref<512xi32, #tpu.memory_space<vmem>>) dst(%dma_wait3A_290 : memref<512xi32, #tpu.memory_space<hbm>>)
      tpu.yield
    }) : () -> ()
    %mul3A_199 = arith.constant 16 : i32
    %mul3A_200 = arith.muli %select_n3A, %mul3A_199 : i32
    %add3A_201 = arith.constant 4 : i32
    %add3A_202 = arith.addi %mul3A_200, %add3A_201 : i32
    %mul3A_203 = arith.constant 8192 : i32
    %mul3A_204 = arith.muli %add3A_202, %mul3A_203 : i32
    %add3A_205 = arith.addi %mul3A_204, %mul3A_32 : i32
    "tpu.region"() ({
      %run_scoped3A = tpu.sem_alloc : memref<!tpu.dma_semaphore, #tpu.memory_space<semaphore_mem>>
      %dma_start3A = arith.constant 2048 : i32
      %dma_start3A_283 = tpu.memref_slice %arg24[%dma_start3A] : memref<8192xi32, #tpu.memory_space<vmem>> -> memref<512xi32, #tpu.memory_space<vmem>>
      %dma_start3A_284 = tpu.memref_slice %arg11[%add3A_205] : memref<262144xi32, #tpu.memory_space<hbm>> -> memref<512xi32, #tpu.memory_space<hbm>>
      %dma_start3A_285 = tpu.memref_slice %arg11[%add3A_205] : memref<262144xi32, #tpu.memory_space<hbm>> -> memref<512xi32, #tpu.memory_space<hbm>>
      %dma_start3A_286 = arith.constant 2048 : i32
      %dma_start3A_287 = tpu.memref_slice %arg24[%dma_start3A_286] : memref<8192xi32, #tpu.memory_space<vmem>> -> memref<512xi32, #tpu.memory_space<vmem>>
      tpu.enqueue_dma source(%dma_start3A_287 : memref<512xi32, #tpu.memory_space<vmem>>) target(%dma_start3A_285 : memref<512xi32, #tpu.memory_space<hbm>>) target_semaphore(%run_scoped3A : memref<!tpu.dma_semaphore, #tpu.memory_space<semaphore_mem>>)
      %dma_wait3A = arith.constant 2048 : i32
      %dma_wait3A_288 = tpu.memref_slice %arg24[%dma_wait3A] : memref<8192xi32, #tpu.memory_space<vmem>> -> memref<512xi32, #tpu.memory_space<vmem>>
      %dma_wait3A_289 = tpu.memref_slice %arg11[%add3A_205] : memref<262144xi32, #tpu.memory_space<hbm>> -> memref<512xi32, #tpu.memory_space<hbm>>
      %dma_wait3A_290 = tpu.memref_slice %arg11[%add3A_205] : memref<262144xi32, #tpu.memory_space<hbm>> -> memref<512xi32, #tpu.memory_space<hbm>>
      %dma_wait3A_291 = arith.constant 2048 : i32
      %dma_wait3A_292 = tpu.memref_slice %arg24[%dma_wait3A_291] : memref<8192xi32, #tpu.memory_space<vmem>> -> memref<512xi32, #tpu.memory_space<vmem>>
      tpu.wait_dma2 semaphore(%run_scoped3A : memref<!tpu.dma_semaphore, #tpu.memory_space<semaphore_mem>>) src(%dma_wait3A_292 : memref<512xi32, #tpu.memory_space<vmem>>) dst(%dma_wait3A_290 : memref<512xi32, #tpu.memory_space<hbm>>)
      tpu.yield
    }) : () -> ()
    %mul3A_206 = arith.constant 16 : i32
    %mul3A_207 = arith.muli %select_n3A, %mul3A_206 : i32
    %add3A_208 = arith.constant 5 : i32
    %add3A_209 = arith.addi %mul3A_207, %add3A_208 : i32
    %mul3A_210 = arith.constant 8192 : i32
    %mul3A_211 = arith.muli %add3A_209, %mul3A_210 : i32
    %add3A_212 = arith.addi %mul3A_211, %mul3A_32 : i32
    "tpu.region"() ({
      %run_scoped3A = tpu.sem_alloc : memref<!tpu.dma_semaphore, #tpu.memory_space<semaphore_mem>>
      %dma_start3A = arith.constant 2560 : i32
      %dma_start3A_283 = tpu.memref_slice %arg24[%dma_start3A] : memref<8192xi32, #tpu.memory_space<vmem>> -> memref<512xi32, #tpu.memory_space<vmem>>
      %dma_start3A_284 = tpu.memref_slice %arg11[%add3A_212] : memref<262144xi32, #tpu.memory_space<hbm>> -> memref<512xi32, #tpu.memory_space<hbm>>
      %dma_start3A_285 = tpu.memref_slice %arg11[%add3A_212] : memref<262144xi32, #tpu.memory_space<hbm>> -> memref<512xi32, #tpu.memory_space<hbm>>
      %dma_start3A_286 = arith.constant 2560 : i32
      %dma_start3A_287 = tpu.memref_slice %arg24[%dma_start3A_286] : memref<8192xi32, #tpu.memory_space<vmem>> -> memref<512xi32, #tpu.memory_space<vmem>>
      tpu.enqueue_dma source(%dma_start3A_287 : memref<512xi32, #tpu.memory_space<vmem>>) target(%dma_start3A_285 : memref<512xi32, #tpu.memory_space<hbm>>) target_semaphore(%run_scoped3A : memref<!tpu.dma_semaphore, #tpu.memory_space<semaphore_mem>>)
      %dma_wait3A = arith.constant 2560 : i32
      %dma_wait3A_288 = tpu.memref_slice %arg24[%dma_wait3A] : memref<8192xi32, #tpu.memory_space<vmem>> -> memref<512xi32, #tpu.memory_space<vmem>>
      %dma_wait3A_289 = tpu.memref_slice %arg11[%add3A_212] : memref<262144xi32, #tpu.memory_space<hbm>> -> memref<512xi32, #tpu.memory_space<hbm>>
      %dma_wait3A_290 = tpu.memref_slice %arg11[%add3A_212] : memref<262144xi32, #tpu.memory_space<hbm>> -> memref<512xi32, #tpu.memory_space<hbm>>
      %dma_wait3A_291 = arith.constant 2560 : i32
      %dma_wait3A_292 = tpu.memref_slice %arg24[%dma_wait3A_291] : memref<8192xi32, #tpu.memory_space<vmem>> -> memref<512xi32, #tpu.memory_space<vmem>>
      tpu.wait_dma2 semaphore(%run_scoped3A : memref<!tpu.dma_semaphore, #tpu.memory_space<semaphore_mem>>) src(%dma_wait3A_292 : memref<512xi32, #tpu.memory_space<vmem>>) dst(%dma_wait3A_290 : memref<512xi32, #tpu.memory_space<hbm>>)
      tpu.yield
    }) : () -> ()
    %mul3A_213 = arith.constant 16 : i32
    %mul3A_214 = arith.muli %select_n3A, %mul3A_213 : i32
    %add3A_215 = arith.constant 6 : i32
    %add3A_216 = arith.addi %mul3A_214, %add3A_215 : i32
    %mul3A_217 = arith.constant 8192 : i32
    %mul3A_218 = arith.muli %add3A_216, %mul3A_217 : i32
    %add3A_219 = arith.addi %mul3A_218, %mul3A_32 : i32
    "tpu.region"() ({
      %run_scoped3A = tpu.sem_alloc : memref<!tpu.dma_semaphore, #tpu.memory_space<semaphore_mem>>
      %dma_start3A = arith.constant 3072 : i32
      %dma_start3A_283 = tpu.memref_slice %arg24[%dma_start3A] : memref<8192xi32, #tpu.memory_space<vmem>> -> memref<512xi32, #tpu.memory_space<vmem>>
      %dma_start3A_284 = tpu.memref_slice %arg11[%add3A_219] : memref<262144xi32, #tpu.memory_space<hbm>> -> memref<512xi32, #tpu.memory_space<hbm>>
      %dma_start3A_285 = tpu.memref_slice %arg11[%add3A_219] : memref<262144xi32, #tpu.memory_space<hbm>> -> memref<512xi32, #tpu.memory_space<hbm>>
      %dma_start3A_286 = arith.constant 3072 : i32
      %dma_start3A_287 = tpu.memref_slice %arg24[%dma_start3A_286] : memref<8192xi32, #tpu.memory_space<vmem>> -> memref<512xi32, #tpu.memory_space<vmem>>
      tpu.enqueue_dma source(%dma_start3A_287 : memref<512xi32, #tpu.memory_space<vmem>>) target(%dma_start3A_285 : memref<512xi32, #tpu.memory_space<hbm>>) target_semaphore(%run_scoped3A : memref<!tpu.dma_semaphore, #tpu.memory_space<semaphore_mem>>)
      %dma_wait3A = arith.constant 3072 : i32
      %dma_wait3A_288 = tpu.memref_slice %arg24[%dma_wait3A] : memref<8192xi32, #tpu.memory_space<vmem>> -> memref<512xi32, #tpu.memory_space<vmem>>
      %dma_wait3A_289 = tpu.memref_slice %arg11[%add3A_219] : memref<262144xi32, #tpu.memory_space<hbm>> -> memref<512xi32, #tpu.memory_space<hbm>>
      %dma_wait3A_290 = tpu.memref_slice %arg11[%add3A_219] : memref<262144xi32, #tpu.memory_space<hbm>> -> memref<512xi32, #tpu.memory_space<hbm>>
      %dma_wait3A_291 = arith.constant 3072 : i32
      %dma_wait3A_292 = tpu.memref_slice %arg24[%dma_wait3A_291] : memref<8192xi32, #tpu.memory_space<vmem>> -> memref<512xi32, #tpu.memory_space<vmem>>
      tpu.wait_dma2 semaphore(%run_scoped3A : memref<!tpu.dma_semaphore, #tpu.memory_space<semaphore_mem>>) src(%dma_wait3A_292 : memref<512xi32, #tpu.memory_space<vmem>>) dst(%dma_wait3A_290 : memref<512xi32, #tpu.memory_space<hbm>>)
      tpu.yield
    }) : () -> ()
    %mul3A_220 = arith.constant 16 : i32
    %mul3A_221 = arith.muli %select_n3A, %mul3A_220 : i32
    %add3A_222 = arith.constant 7 : i32
    %add3A_223 = arith.addi %mul3A_221, %add3A_222 : i32
    %mul3A_224 = arith.constant 8192 : i32
    %mul3A_225 = arith.muli %add3A_223, %mul3A_224 : i32
    %add3A_226 = arith.addi %mul3A_225, %mul3A_32 : i32
    "tpu.region"() ({
      %run_scoped3A = tpu.sem_alloc : memref<!tpu.dma_semaphore, #tpu.memory_space<semaphore_mem>>
      %dma_start3A = arith.constant 3584 : i32
      %dma_start3A_283 = tpu.memref_slice %arg24[%dma_start3A] : memref<8192xi32, #tpu.memory_space<vmem>> -> memref<512xi32, #tpu.memory_space<vmem>>
      %dma_start3A_284 = tpu.memref_slice %arg11[%add3A_226] : memref<262144xi32, #tpu.memory_space<hbm>> -> memref<512xi32, #tpu.memory_space<hbm>>
      %dma_start3A_285 = tpu.memref_slice %arg11[%add3A_226] : memref<262144xi32, #tpu.memory_space<hbm>> -> memref<512xi32, #tpu.memory_space<hbm>>
      %dma_start3A_286 = arith.constant 3584 : i32
      %dma_start3A_287 = tpu.memref_slice %arg24[%dma_start3A_286] : memref<8192xi32, #tpu.memory_space<vmem>> -> memref<512xi32, #tpu.memory_space<vmem>>
      tpu.enqueue_dma source(%dma_start3A_287 : memref<512xi32, #tpu.memory_space<vmem>>) target(%dma_start3A_285 : memref<512xi32, #tpu.memory_space<hbm>>) target_semaphore(%run_scoped3A : memref<!tpu.dma_semaphore, #tpu.memory_space<semaphore_mem>>)
      %dma_wait3A = arith.constant 3584 : i32
      %dma_wait3A_288 = tpu.memref_slice %arg24[%dma_wait3A] : memref<8192xi32, #tpu.memory_space<vmem>> -> memref<512xi32, #tpu.memory_space<vmem>>
      %dma_wait3A_289 = tpu.memref_slice %arg11[%add3A_226] : memref<262144xi32, #tpu.memory_space<hbm>> -> memref<512xi32, #tpu.memory_space<hbm>>
      %dma_wait3A_290 = tpu.memref_slice %arg11[%add3A_226] : memref<262144xi32, #tpu.memory_space<hbm>> -> memref<512xi32, #tpu.memory_space<hbm>>
      %dma_wait3A_291 = arith.constant 3584 : i32
      %dma_wait3A_292 = tpu.memref_slice %arg24[%dma_wait3A_291] : memref<8192xi32, #tpu.memory_space<vmem>> -> memref<512xi32, #tpu.memory_space<vmem>>
      tpu.wait_dma2 semaphore(%run_scoped3A : memref<!tpu.dma_semaphore, #tpu.memory_space<semaphore_mem>>) src(%dma_wait3A_292 : memref<512xi32, #tpu.memory_space<vmem>>) dst(%dma_wait3A_290 : memref<512xi32, #tpu.memory_space<hbm>>)
      tpu.yield
    }) : () -> ()
    %mul3A_227 = arith.constant 16 : i32
    %mul3A_228 = arith.muli %select_n3A, %mul3A_227 : i32
    %add3A_229 = arith.constant 8 : i32
    %add3A_230 = arith.addi %mul3A_228, %add3A_229 : i32
    %mul3A_231 = arith.constant 8192 : i32
    %mul3A_232 = arith.muli %add3A_230, %mul3A_231 : i32
    %add3A_233 = arith.addi %mul3A_232, %mul3A_32 : i32
    "tpu.region"() ({
      %run_scoped3A = tpu.sem_alloc : memref<!tpu.dma_semaphore, #tpu.memory_space<semaphore_mem>>
      %dma_start3A = arith.constant 4096 : i32
      %dma_start3A_283 = tpu.memref_slice %arg24[%dma_start3A] : memref<8192xi32, #tpu.memory_space<vmem>> -> memref<512xi32, #tpu.memory_space<vmem>>
      %dma_start3A_284 = tpu.memref_slice %arg11[%add3A_233] : memref<262144xi32, #tpu.memory_space<hbm>> -> memref<512xi32, #tpu.memory_space<hbm>>
      %dma_start3A_285 = tpu.memref_slice %arg11[%add3A_233] : memref<262144xi32, #tpu.memory_space<hbm>> -> memref<512xi32, #tpu.memory_space<hbm>>
      %dma_start3A_286 = arith.constant 4096 : i32
      %dma_start3A_287 = tpu.memref_slice %arg24[%dma_start3A_286] : memref<8192xi32, #tpu.memory_space<vmem>> -> memref<512xi32, #tpu.memory_space<vmem>>
      tpu.enqueue_dma source(%dma_start3A_287 : memref<512xi32, #tpu.memory_space<vmem>>) target(%dma_start3A_285 : memref<512xi32, #tpu.memory_space<hbm>>) target_semaphore(%run_scoped3A : memref<!tpu.dma_semaphore, #tpu.memory_space<semaphore_mem>>)
      %dma_wait3A = arith.constant 4096 : i32
      %dma_wait3A_288 = tpu.memref_slice %arg24[%dma_wait3A] : memref<8192xi32, #tpu.memory_space<vmem>> -> memref<512xi32, #tpu.memory_space<vmem>>
      %dma_wait3A_289 = tpu.memref_slice %arg11[%add3A_233] : memref<262144xi32, #tpu.memory_space<hbm>> -> memref<512xi32, #tpu.memory_space<hbm>>
      %dma_wait3A_290 = tpu.memref_slice %arg11[%add3A_233] : memref<262144xi32, #tpu.memory_space<hbm>> -> memref<512xi32, #tpu.memory_space<hbm>>
      %dma_wait3A_291 = arith.constant 4096 : i32
      %dma_wait3A_292 = tpu.memref_slice %arg24[%dma_wait3A_291] : memref<8192xi32, #tpu.memory_space<vmem>> -> memref<512xi32, #tpu.memory_space<vmem>>
      tpu.wait_dma2 semaphore(%run_scoped3A : memref<!tpu.dma_semaphore, #tpu.memory_space<semaphore_mem>>) src(%dma_wait3A_292 : memref<512xi32, #tpu.memory_space<vmem>>) dst(%dma_wait3A_290 : memref<512xi32, #tpu.memory_space<hbm>>)
      tpu.yield
    }) : () -> ()
    %mul3A_234 = arith.constant 16 : i32
    %mul3A_235 = arith.muli %select_n3A, %mul3A_234 : i32
    %add3A_236 = arith.constant 9 : i32
    %add3A_237 = arith.addi %mul3A_235, %add3A_236 : i32
    %mul3A_238 = arith.constant 8192 : i32
    %mul3A_239 = arith.muli %add3A_237, %mul3A_238 : i32
    %add3A_240 = arith.addi %mul3A_239, %mul3A_32 : i32
    "tpu.region"() ({
      %run_scoped3A = tpu.sem_alloc : memref<!tpu.dma_semaphore, #tpu.memory_space<semaphore_mem>>
      %dma_start3A = arith.constant 4608 : i32
      %dma_start3A_283 = tpu.memref_slice %arg24[%dma_start3A] : memref<8192xi32, #tpu.memory_space<vmem>> -> memref<512xi32, #tpu.memory_space<vmem>>
      %dma_start3A_284 = tpu.memref_slice %arg11[%add3A_240] : memref<262144xi32, #tpu.memory_space<hbm>> -> memref<512xi32, #tpu.memory_space<hbm>>
      %dma_start3A_285 = tpu.memref_slice %arg11[%add3A_240] : memref<262144xi32, #tpu.memory_space<hbm>> -> memref<512xi32, #tpu.memory_space<hbm>>
      %dma_start3A_286 = arith.constant 4608 : i32
      %dma_start3A_287 = tpu.memref_slice %arg24[%dma_start3A_286] : memref<8192xi32, #tpu.memory_space<vmem>> -> memref<512xi32, #tpu.memory_space<vmem>>
      tpu.enqueue_dma source(%dma_start3A_287 : memref<512xi32, #tpu.memory_space<vmem>>) target(%dma_start3A_285 : memref<512xi32, #tpu.memory_space<hbm>>) target_semaphore(%run_scoped3A : memref<!tpu.dma_semaphore, #tpu.memory_space<semaphore_mem>>)
      %dma_wait3A = arith.constant 4608 : i32
      %dma_wait3A_288 = tpu.memref_slice %arg24[%dma_wait3A] : memref<8192xi32, #tpu.memory_space<vmem>> -> memref<512xi32, #tpu.memory_space<vmem>>
      %dma_wait3A_289 = tpu.memref_slice %arg11[%add3A_240] : memref<262144xi32, #tpu.memory_space<hbm>> -> memref<512xi32, #tpu.memory_space<hbm>>
      %dma_wait3A_290 = tpu.memref_slice %arg11[%add3A_240] : memref<262144xi32, #tpu.memory_space<hbm>> -> memref<512xi32, #tpu.memory_space<hbm>>
      %dma_wait3A_291 = arith.constant 4608 : i32
      %dma_wait3A_292 = tpu.memref_slice %arg24[%dma_wait3A_291] : memref<8192xi32, #tpu.memory_space<vmem>> -> memref<512xi32, #tpu.memory_space<vmem>>
      tpu.wait_dma2 semaphore(%run_scoped3A : memref<!tpu.dma_semaphore, #tpu.memory_space<semaphore_mem>>) src(%dma_wait3A_292 : memref<512xi32, #tpu.memory_space<vmem>>) dst(%dma_wait3A_290 : memref<512xi32, #tpu.memory_space<hbm>>)
      tpu.yield
    }) : () -> ()
    %mul3A_241 = arith.constant 16 : i32
    %mul3A_242 = arith.muli %select_n3A, %mul3A_241 : i32
    %add3A_243 = arith.constant 10 : i32
    %add3A_244 = arith.addi %mul3A_242, %add3A_243 : i32
    %mul3A_245 = arith.constant 8192 : i32
    %mul3A_246 = arith.muli %add3A_244, %mul3A_245 : i32
    %add3A_247 = arith.addi %mul3A_246, %mul3A_32 : i32
    "tpu.region"() ({
      %run_scoped3A = tpu.sem_alloc : memref<!tpu.dma_semaphore, #tpu.memory_space<semaphore_mem>>
      %dma_start3A = arith.constant 5120 : i32
      %dma_start3A_283 = tpu.memref_slice %arg24[%dma_start3A] : memref<8192xi32, #tpu.memory_space<vmem>> -> memref<512xi32, #tpu.memory_space<vmem>>
      %dma_start3A_284 = tpu.memref_slice %arg11[%add3A_247] : memref<262144xi32, #tpu.memory_space<hbm>> -> memref<512xi32, #tpu.memory_space<hbm>>
      %dma_start3A_285 = tpu.memref_slice %arg11[%add3A_247] : memref<262144xi32, #tpu.memory_space<hbm>> -> memref<512xi32, #tpu.memory_space<hbm>>
      %dma_start3A_286 = arith.constant 5120 : i32
      %dma_start3A_287 = tpu.memref_slice %arg24[%dma_start3A_286] : memref<8192xi32, #tpu.memory_space<vmem>> -> memref<512xi32, #tpu.memory_space<vmem>>
      tpu.enqueue_dma source(%dma_start3A_287 : memref<512xi32, #tpu.memory_space<vmem>>) target(%dma_start3A_285 : memref<512xi32, #tpu.memory_space<hbm>>) target_semaphore(%run_scoped3A : memref<!tpu.dma_semaphore, #tpu.memory_space<semaphore_mem>>)
      %dma_wait3A = arith.constant 5120 : i32
      %dma_wait3A_288 = tpu.memref_slice %arg24[%dma_wait3A] : memref<8192xi32, #tpu.memory_space<vmem>> -> memref<512xi32, #tpu.memory_space<vmem>>
      %dma_wait3A_289 = tpu.memref_slice %arg11[%add3A_247] : memref<262144xi32, #tpu.memory_space<hbm>> -> memref<512xi32, #tpu.memory_space<hbm>>
      %dma_wait3A_290 = tpu.memref_slice %arg11[%add3A_247] : memref<262144xi32, #tpu.memory_space<hbm>> -> memref<512xi32, #tpu.memory_space<hbm>>
      %dma_wait3A_291 = arith.constant 5120 : i32
      %dma_wait3A_292 = tpu.memref_slice %arg24[%dma_wait3A_291] : memref<8192xi32, #tpu.memory_space<vmem>> -> memref<512xi32, #tpu.memory_space<vmem>>
      tpu.wait_dma2 semaphore(%run_scoped3A : memref<!tpu.dma_semaphore, #tpu.memory_space<semaphore_mem>>) src(%dma_wait3A_292 : memref<512xi32, #tpu.memory_space<vmem>>) dst(%dma_wait3A_290 : memref<512xi32, #tpu.memory_space<hbm>>)
      tpu.yield
    }) : () -> ()
    %mul3A_248 = arith.constant 16 : i32
    %mul3A_249 = arith.muli %select_n3A, %mul3A_248 : i32
    %add3A_250 = arith.constant 11 : i32
    %add3A_251 = arith.addi %mul3A_249, %add3A_250 : i32
    %mul3A_252 = arith.constant 8192 : i32
    %mul3A_253 = arith.muli %add3A_251, %mul3A_252 : i32
    %add3A_254 = arith.addi %mul3A_253, %mul3A_32 : i32
    "tpu.region"() ({
      %run_scoped3A = tpu.sem_alloc : memref<!tpu.dma_semaphore, #tpu.memory_space<semaphore_mem>>
      %dma_start3A = arith.constant 5632 : i32
      %dma_start3A_283 = tpu.memref_slice %arg24[%dma_start3A] : memref<8192xi32, #tpu.memory_space<vmem>> -> memref<512xi32, #tpu.memory_space<vmem>>
      %dma_start3A_284 = tpu.memref_slice %arg11[%add3A_254] : memref<262144xi32, #tpu.memory_space<hbm>> -> memref<512xi32, #tpu.memory_space<hbm>>
      %dma_start3A_285 = tpu.memref_slice %arg11[%add3A_254] : memref<262144xi32, #tpu.memory_space<hbm>> -> memref<512xi32, #tpu.memory_space<hbm>>
      %dma_start3A_286 = arith.constant 5632 : i32
      %dma_start3A_287 = tpu.memref_slice %arg24[%dma_start3A_286] : memref<8192xi32, #tpu.memory_space<vmem>> -> memref<512xi32, #tpu.memory_space<vmem>>
      tpu.enqueue_dma source(%dma_start3A_287 : memref<512xi32, #tpu.memory_space<vmem>>) target(%dma_start3A_285 : memref<512xi32, #tpu.memory_space<hbm>>) target_semaphore(%run_scoped3A : memref<!tpu.dma_semaphore, #tpu.memory_space<semaphore_mem>>)
      %dma_wait3A = arith.constant 5632 : i32
      %dma_wait3A_288 = tpu.memref_slice %arg24[%dma_wait3A] : memref<8192xi32, #tpu.memory_space<vmem>> -> memref<512xi32, #tpu.memory_space<vmem>>
      %dma_wait3A_289 = tpu.memref_slice %arg11[%add3A_254] : memref<262144xi32, #tpu.memory_space<hbm>> -> memref<512xi32, #tpu.memory_space<hbm>>
      %dma_wait3A_290 = tpu.memref_slice %arg11[%add3A_254] : memref<262144xi32, #tpu.memory_space<hbm>> -> memref<512xi32, #tpu.memory_space<hbm>>
      %dma_wait3A_291 = arith.constant 5632 : i32
      %dma_wait3A_292 = tpu.memref_slice %arg24[%dma_wait3A_291] : memref<8192xi32, #tpu.memory_space<vmem>> -> memref<512xi32, #tpu.memory_space<vmem>>
      tpu.wait_dma2 semaphore(%run_scoped3A : memref<!tpu.dma_semaphore, #tpu.memory_space<semaphore_mem>>) src(%dma_wait3A_292 : memref<512xi32, #tpu.memory_space<vmem>>) dst(%dma_wait3A_290 : memref<512xi32, #tpu.memory_space<hbm>>)
      tpu.yield
    }) : () -> ()
    %mul3A_255 = arith.constant 16 : i32
    %mul3A_256 = arith.muli %select_n3A, %mul3A_255 : i32
    %add3A_257 = arith.constant 12 : i32
    %add3A_258 = arith.addi %mul3A_256, %add3A_257 : i32
    %mul3A_259 = arith.constant 8192 : i32
    %mul3A_260 = arith.muli %add3A_258, %mul3A_259 : i32
    %add3A_261 = arith.addi %mul3A_260, %mul3A_32 : i32
    "tpu.region"() ({
      %run_scoped3A = tpu.sem_alloc : memref<!tpu.dma_semaphore, #tpu.memory_space<semaphore_mem>>
      %dma_start3A = arith.constant 6144 : i32
      %dma_start3A_283 = tpu.memref_slice %arg24[%dma_start3A] : memref<8192xi32, #tpu.memory_space<vmem>> -> memref<512xi32, #tpu.memory_space<vmem>>
      %dma_start3A_284 = tpu.memref_slice %arg11[%add3A_261] : memref<262144xi32, #tpu.memory_space<hbm>> -> memref<512xi32, #tpu.memory_space<hbm>>
      %dma_start3A_285 = tpu.memref_slice %arg11[%add3A_261] : memref<262144xi32, #tpu.memory_space<hbm>> -> memref<512xi32, #tpu.memory_space<hbm>>
      %dma_start3A_286 = arith.constant 6144 : i32
      %dma_start3A_287 = tpu.memref_slice %arg24[%dma_start3A_286] : memref<8192xi32, #tpu.memory_space<vmem>> -> memref<512xi32, #tpu.memory_space<vmem>>
      tpu.enqueue_dma source(%dma_start3A_287 : memref<512xi32, #tpu.memory_space<vmem>>) target(%dma_start3A_285 : memref<512xi32, #tpu.memory_space<hbm>>) target_semaphore(%run_scoped3A : memref<!tpu.dma_semaphore, #tpu.memory_space<semaphore_mem>>)
      %dma_wait3A = arith.constant 6144 : i32
      %dma_wait3A_288 = tpu.memref_slice %arg24[%dma_wait3A] : memref<8192xi32, #tpu.memory_space<vmem>> -> memref<512xi32, #tpu.memory_space<vmem>>
      %dma_wait3A_289 = tpu.memref_slice %arg11[%add3A_261] : memref<262144xi32, #tpu.memory_space<hbm>> -> memref<512xi32, #tpu.memory_space<hbm>>
      %dma_wait3A_290 = tpu.memref_slice %arg11[%add3A_261] : memref<262144xi32, #tpu.memory_space<hbm>> -> memref<512xi32, #tpu.memory_space<hbm>>
      %dma_wait3A_291 = arith.constant 6144 : i32
      %dma_wait3A_292 = tpu.memref_slice %arg24[%dma_wait3A_291] : memref<8192xi32, #tpu.memory_space<vmem>> -> memref<512xi32, #tpu.memory_space<vmem>>
      tpu.wait_dma2 semaphore(%run_scoped3A : memref<!tpu.dma_semaphore, #tpu.memory_space<semaphore_mem>>) src(%dma_wait3A_292 : memref<512xi32, #tpu.memory_space<vmem>>) dst(%dma_wait3A_290 : memref<512xi32, #tpu.memory_space<hbm>>)
      tpu.yield
    }) : () -> ()
    %mul3A_262 = arith.constant 16 : i32
    %mul3A_263 = arith.muli %select_n3A, %mul3A_262 : i32
    %add3A_264 = arith.constant 13 : i32
    %add3A_265 = arith.addi %mul3A_263, %add3A_264 : i32
    %mul3A_266 = arith.constant 8192 : i32
    %mul3A_267 = arith.muli %add3A_265, %mul3A_266 : i32
    %add3A_268 = arith.addi %mul3A_267, %mul3A_32 : i32
    "tpu.region"() ({
      %run_scoped3A = tpu.sem_alloc : memref<!tpu.dma_semaphore, #tpu.memory_space<semaphore_mem>>
      %dma_start3A = arith.constant 6656 : i32
      %dma_start3A_283 = tpu.memref_slice %arg24[%dma_start3A] : memref<8192xi32, #tpu.memory_space<vmem>> -> memref<512xi32, #tpu.memory_space<vmem>>
      %dma_start3A_284 = tpu.memref_slice %arg11[%add3A_268] : memref<262144xi32, #tpu.memory_space<hbm>> -> memref<512xi32, #tpu.memory_space<hbm>>
      %dma_start3A_285 = tpu.memref_slice %arg11[%add3A_268] : memref<262144xi32, #tpu.memory_space<hbm>> -> memref<512xi32, #tpu.memory_space<hbm>>
      %dma_start3A_286 = arith.constant 6656 : i32
      %dma_start3A_287 = tpu.memref_slice %arg24[%dma_start3A_286] : memref<8192xi32, #tpu.memory_space<vmem>> -> memref<512xi32, #tpu.memory_space<vmem>>
      tpu.enqueue_dma source(%dma_start3A_287 : memref<512xi32, #tpu.memory_space<vmem>>) target(%dma_start3A_285 : memref<512xi32, #tpu.memory_space<hbm>>) target_semaphore(%run_scoped3A : memref<!tpu.dma_semaphore, #tpu.memory_space<semaphore_mem>>)
      %dma_wait3A = arith.constant 6656 : i32
      %dma_wait3A_288 = tpu.memref_slice %arg24[%dma_wait3A] : memref<8192xi32, #tpu.memory_space<vmem>> -> memref<512xi32, #tpu.memory_space<vmem>>
      %dma_wait3A_289 = tpu.memref_slice %arg11[%add3A_268] : memref<262144xi32, #tpu.memory_space<hbm>> -> memref<512xi32, #tpu.memory_space<hbm>>
      %dma_wait3A_290 = tpu.memref_slice %arg11[%add3A_268] : memref<262144xi32, #tpu.memory_space<hbm>> -> memref<512xi32, #tpu.memory_space<hbm>>
      %dma_wait3A_291 = arith.constant 6656 : i32
      %dma_wait3A_292 = tpu.memref_slice %arg24[%dma_wait3A_291] : memref<8192xi32, #tpu.memory_space<vmem>> -> memref<512xi32, #tpu.memory_space<vmem>>
      tpu.wait_dma2 semaphore(%run_scoped3A : memref<!tpu.dma_semaphore, #tpu.memory_space<semaphore_mem>>) src(%dma_wait3A_292 : memref<512xi32, #tpu.memory_space<vmem>>) dst(%dma_wait3A_290 : memref<512xi32, #tpu.memory_space<hbm>>)
      tpu.yield
    }) : () -> ()
    %mul3A_269 = arith.constant 16 : i32
    %mul3A_270 = arith.muli %select_n3A, %mul3A_269 : i32
    %add3A_271 = arith.constant 14 : i32
    %add3A_272 = arith.addi %mul3A_270, %add3A_271 : i32
    %mul3A_273 = arith.constant 8192 : i32
    %mul3A_274 = arith.muli %add3A_272, %mul3A_273 : i32
    %add3A_275 = arith.addi %mul3A_274, %mul3A_32 : i32
    "tpu.region"() ({
      %run_scoped3A = tpu.sem_alloc : memref<!tpu.dma_semaphore, #tpu.memory_space<semaphore_mem>>
      %dma_start3A = arith.constant 7168 : i32
      %dma_start3A_283 = tpu.memref_slice %arg24[%dma_start3A] : memref<8192xi32, #tpu.memory_space<vmem>> -> memref<512xi32, #tpu.memory_space<vmem>>
      %dma_start3A_284 = tpu.memref_slice %arg11[%add3A_275] : memref<262144xi32, #tpu.memory_space<hbm>> -> memref<512xi32, #tpu.memory_space<hbm>>
      %dma_start3A_285 = tpu.memref_slice %arg11[%add3A_275] : memref<262144xi32, #tpu.memory_space<hbm>> -> memref<512xi32, #tpu.memory_space<hbm>>
      %dma_start3A_286 = arith.constant 7168 : i32
      %dma_start3A_287 = tpu.memref_slice %arg24[%dma_start3A_286] : memref<8192xi32, #tpu.memory_space<vmem>> -> memref<512xi32, #tpu.memory_space<vmem>>
      tpu.enqueue_dma source(%dma_start3A_287 : memref<512xi32, #tpu.memory_space<vmem>>) target(%dma_start3A_285 : memref<512xi32, #tpu.memory_space<hbm>>) target_semaphore(%run_scoped3A : memref<!tpu.dma_semaphore, #tpu.memory_space<semaphore_mem>>)
      %dma_wait3A = arith.constant 7168 : i32
      %dma_wait3A_288 = tpu.memref_slice %arg24[%dma_wait3A] : memref<8192xi32, #tpu.memory_space<vmem>> -> memref<512xi32, #tpu.memory_space<vmem>>
      %dma_wait3A_289 = tpu.memref_slice %arg11[%add3A_275] : memref<262144xi32, #tpu.memory_space<hbm>> -> memref<512xi32, #tpu.memory_space<hbm>>
      %dma_wait3A_290 = tpu.memref_slice %arg11[%add3A_275] : memref<262144xi32, #tpu.memory_space<hbm>> -> memref<512xi32, #tpu.memory_space<hbm>>
      %dma_wait3A_291 = arith.constant 7168 : i32
      %dma_wait3A_292 = tpu.memref_slice %arg24[%dma_wait3A_291] : memref<8192xi32, #tpu.memory_space<vmem>> -> memref<512xi32, #tpu.memory_space<vmem>>
      tpu.wait_dma2 semaphore(%run_scoped3A : memref<!tpu.dma_semaphore, #tpu.memory_space<semaphore_mem>>) src(%dma_wait3A_292 : memref<512xi32, #tpu.memory_space<vmem>>) dst(%dma_wait3A_290 : memref<512xi32, #tpu.memory_space<hbm>>)
      tpu.yield
    }) : () -> ()
    %mul3A_276 = arith.constant 16 : i32
    %mul3A_277 = arith.muli %select_n3A, %mul3A_276 : i32
    %add3A_278 = arith.constant 15 : i32
    %add3A_279 = arith.addi %mul3A_277, %add3A_278 : i32
    %mul3A_280 = arith.constant 8192 : i32
    %mul3A_281 = arith.muli %add3A_279, %mul3A_280 : i32
    %add3A_282 = arith.addi %mul3A_281, %mul3A_32 : i32
    "tpu.region"() ({
      %run_scoped3A = tpu.sem_alloc : memref<!tpu.dma_semaphore, #tpu.memory_space<semaphore_mem>>
      %dma_start3A = arith.constant 7680 : i32
      %dma_start3A_283 = tpu.memref_slice %arg24[%dma_start3A] : memref<8192xi32, #tpu.memory_space<vmem>> -> memref<512xi32, #tpu.memory_space<vmem>>
      %dma_start3A_284 = tpu.memref_slice %arg11[%add3A_282] : memref<262144xi32, #tpu.memory_space<hbm>> -> memref<512xi32, #tpu.memory_space<hbm>>
      %dma_start3A_285 = tpu.memref_slice %arg11[%add3A_282] : memref<262144xi32, #tpu.memory_space<hbm>> -> memref<512xi32, #tpu.memory_space<hbm>>
      %dma_start3A_286 = arith.constant 7680 : i32
      %dma_start3A_287 = tpu.memref_slice %arg24[%dma_start3A_286] : memref<8192xi32, #tpu.memory_space<vmem>> -> memref<512xi32, #tpu.memory_space<vmem>>
      tpu.enqueue_dma source(%dma_start3A_287 : memref<512xi32, #tpu.memory_space<vmem>>) target(%dma_start3A_285 : memref<512xi32, #tpu.memory_space<hbm>>) target_semaphore(%run_scoped3A : memref<!tpu.dma_semaphore, #tpu.memory_space<semaphore_mem>>)
      %dma_wait3A = arith.constant 7680 : i32
      %dma_wait3A_288 = tpu.memref_slice %arg24[%dma_wait3A] : memref<8192xi32, #tpu.memory_space<vmem>> -> memref<512xi32, #tpu.memory_space<vmem>>
      %dma_wait3A_289 = tpu.memref_slice %arg11[%add3A_282] : memref<262144xi32, #tpu.memory_space<hbm>> -> memref<512xi32, #tpu.memory_space<hbm>>
      %dma_wait3A_290 = tpu.memref_slice %arg11[%add3A_282] : memref<262144xi32, #tpu.memory_space<hbm>> -> memref<512xi32, #tpu.memory_space<hbm>>
      %dma_wait3A_291 = arith.constant 7680 : i32
      %dma_wait3A_292 = tpu.memref_slice %arg24[%dma_wait3A_291] : memref<8192xi32, #tpu.memory_space<vmem>> -> memref<512xi32, #tpu.memory_space<vmem>>
      tpu.wait_dma2 semaphore(%run_scoped3A : memref<!tpu.dma_semaphore, #tpu.memory_space<semaphore_mem>>) src(%dma_wait3A_292 : memref<512xi32, #tpu.memory_space<vmem>>) dst(%dma_wait3A_290 : memref<512xi32, #tpu.memory_space<hbm>>)
      tpu.yield
    }) : () -> ()
    return
  }
}

module attributes {stable_mosaic.version = 14 : i64} {
  func.func @_topk_body(%arg0: i32, %arg1: i32, %arg2: memref<1x8192x8xf32, #tpu.memory_space<vmem>>, %arg3: memref<1x8x256xf32, #tpu.memory_space<vmem>>, %arg4: memref<1x16x256xi32, #tpu.memory_space<vmem>>, %arg5: memref<8192x256xf32, #tpu.memory_space<vmem>>) attributes {dimension_semantics = [#tpu.dimension_semantics<arbitrary>, #tpu.dimension_semantics<arbitrary>], iteration_bounds = array<i64: 2, 32>, scalar_prefetch = 0 : i64, scratch_operands = 1 : i64, tpu.core_type = #tpu.core_type<tc>, window_params = [{transform_indices = @transform_0, window_bounds = array<i64: 1, 8192, 8>}, {transform_indices = @transform_1, window_bounds = array<i64: 1, 8, 256>}, {transform_indices = @transform_2, window_bounds = array<i64: 1, 16, 256>}]} {
    %get3A = arith.constant 0 : index
    %get3A_0 = arith.constant 0 : index
    %get3A_1 = arith.constant 0 : index
    %get3A_2 = vector.load %arg2[%get3A, %get3A_0, %get3A_1] : memref<1x8192x8xf32, #tpu.memory_space<vmem>>, vector<1x8192x8xf32>
    %get3A_3 = vector.shape_cast %get3A_2 : vector<1x8192x8xf32> to vector<8192x8xf32>
    %convert_element_type3A = arith.truncf %get3A_3 : vector<8192x8xf32> to vector<8192x8xbf16>
    %get3A_4 = arith.constant 0 : index
    %get3A_5 = arith.constant 0 : index
    %get3A_6 = arith.constant 0 : index
    %get3A_7 = vector.load %arg3[%get3A_4, %get3A_5, %get3A_6] : memref<1x8x256xf32, #tpu.memory_space<vmem>>, vector<1x8x256xf32>
    %get3A_8 = vector.shape_cast %get3A_7 : vector<1x8x256xf32> to vector<8x256xf32>
    %convert_element_type3A_9 = arith.truncf %get3A_8 : vector<8x256xf32> to vector<8x256xbf16>
    %dot_general3A = arith.constant dense<0.000000e+00> : vector<8192x256xf32>
    %dot_general3A_10 = tpu.matmul %convert_element_type3A, %convert_element_type3A_9, %dot_general3A {dimension_numbers = #tpu.dot_dimension_numbers<[1], [0], [0], [1], [0, 0, 1, 1], [], []>, transpose_lhs_hint = false} : vector<8192x8xbf16>, vector<8x256xbf16>, vector<8192x256xf32> -> vector<8192x256xf32>
    %get3A_11 = arith.constant 0 : index
    %get3A_12 = arith.constant 0 : index
    %get3A_13 = arith.constant 0 : index
    %get3A_14 = vector.load %arg3[%get3A_11, %get3A_12, %get3A_13] : memref<1x8x256xf32, #tpu.memory_space<vmem>>, vector<1x1x256xf32>
    %get3A_15 = vector.shape_cast %get3A_14 : vector<1x1x256xf32> to vector<1x256xf32>
    %get3A_16 = arith.constant 0 : index
    %get3A_17 = arith.constant 1 : index
    %get3A_18 = arith.constant 0 : index
    %get3A_19 = vector.load %arg3[%get3A_16, %get3A_17, %get3A_18] : memref<1x8x256xf32, #tpu.memory_space<vmem>>, vector<1x1x256xf32>
    %get3A_20 = vector.shape_cast %get3A_19 : vector<1x1x256xf32> to vector<1x256xf32>
    %get3A_21 = arith.constant 0 : index
    %get3A_22 = arith.constant 2 : index
    %get3A_23 = arith.constant 0 : index
    %get3A_24 = vector.load %arg3[%get3A_21, %get3A_22, %get3A_23] : memref<1x8x256xf32, #tpu.memory_space<vmem>>, vector<1x1x256xf32>
    %get3A_25 = vector.shape_cast %get3A_24 : vector<1x1x256xf32> to vector<1x256xf32>
    %mul3A = arith.mulf %get3A_15, %get3A_15 : vector<1x256xf32>
    %mul3A_26 = arith.mulf %get3A_20, %get3A_20 : vector<1x256xf32>
    %add3A = arith.addf %mul3A, %mul3A_26 : vector<1x256xf32>
    %mul3A_27 = arith.mulf %get3A_25, %get3A_25 : vector<1x256xf32>
    %add3A_28 = arith.addf %add3A, %mul3A_27 : vector<1x256xf32>
    %get3A_29 = arith.constant 0 : index
    %get3A_30 = arith.constant 0 : index
    %get3A_31 = arith.constant 3 : index
    %get3A_32 = vector.load %arg2[%get3A_29, %get3A_30, %get3A_31] : memref<1x8192x8xf32, #tpu.memory_space<vmem>>, vector<1x8192x1xf32>
    %get3A_33 = vector.shape_cast %get3A_32 : vector<1x8192x1xf32> to vector<8192x1xf32>
    %add3A_34 = vector.broadcast %add3A_28 : vector<1x256xf32> to vector<8192x256xf32>
    %add3A_35 = arith.addf %dot_general3A_10, %add3A_34 : vector<8192x256xf32>
    %add3A_36 = vector.broadcast %get3A_33 : vector<8192x1xf32> to vector<8192x256xf32>
    %add3A_37 = arith.addf %add3A_35, %add3A_36 : vector<8192x256xf32>
    %swap3A = arith.constant 0 : index
    %swap3A_38 = arith.constant 0 : index
    %swap3A_39 = vector.load %arg5[%swap3A, %swap3A_38] : memref<8192x256xf32, #tpu.memory_space<vmem>>, vector<8192x256xf32>
    tpu.vector_store %arg5[%swap3A, %swap3A_38], %add3A_37 {strides = array<i32>} : memref<8192x256xf32, #tpu.memory_space<vmem>>, vector<8192x256xf32>,
    %get3A_40 = arith.constant 0 : index
    %get3A_41 = arith.constant 0 : index
    %get3A_42 = vector.load %arg5[%get3A_40, %get3A_41] : memref<8192x256xf32, #tpu.memory_space<vmem>>, vector<512x256xf32>
    %get3A_43 = arith.constant 512 : index
    %get3A_44 = arith.constant 0 : index
    %get3A_45 = vector.load %arg5[%get3A_43, %get3A_44] : memref<8192x256xf32, #tpu.memory_space<vmem>>, vector<512x256xf32>
    %min3A = arith.minimumf %get3A_42, %get3A_45 : vector<512x256xf32>
    %get3A_46 = arith.constant 1024 : index
    %get3A_47 = arith.constant 0 : index
    %get3A_48 = vector.load %arg5[%get3A_46, %get3A_47] : memref<8192x256xf32, #tpu.memory_space<vmem>>, vector<512x256xf32>
    %min3A_49 = arith.minimumf %min3A, %get3A_48 : vector<512x256xf32>
    %get3A_50 = arith.constant 1536 : index
    %get3A_51 = arith.constant 0 : index
    %get3A_52 = vector.load %arg5[%get3A_50, %get3A_51] : memref<8192x256xf32, #tpu.memory_space<vmem>>, vector<512x256xf32>
    %min3A_53 = arith.minimumf %min3A_49, %get3A_52 : vector<512x256xf32>
    %get3A_54 = arith.constant 2048 : index
    %get3A_55 = arith.constant 0 : index
    %get3A_56 = vector.load %arg5[%get3A_54, %get3A_55] : memref<8192x256xf32, #tpu.memory_space<vmem>>, vector<512x256xf32>
    %min3A_57 = arith.minimumf %min3A_53, %get3A_56 : vector<512x256xf32>
    %get3A_58 = arith.constant 2560 : index
    %get3A_59 = arith.constant 0 : index
    %get3A_60 = vector.load %arg5[%get3A_58, %get3A_59] : memref<8192x256xf32, #tpu.memory_space<vmem>>, vector<512x256xf32>
    %min3A_61 = arith.minimumf %min3A_57, %get3A_60 : vector<512x256xf32>
    %get3A_62 = arith.constant 3072 : index
    %get3A_63 = arith.constant 0 : index
    %get3A_64 = vector.load %arg5[%get3A_62, %get3A_63] : memref<8192x256xf32, #tpu.memory_space<vmem>>, vector<512x256xf32>
    %min3A_65 = arith.minimumf %min3A_61, %get3A_64 : vector<512x256xf32>
    %get3A_66 = arith.constant 3584 : index
    %get3A_67 = arith.constant 0 : index
    %get3A_68 = vector.load %arg5[%get3A_66, %get3A_67] : memref<8192x256xf32, #tpu.memory_space<vmem>>, vector<512x256xf32>
    %min3A_69 = arith.minimumf %min3A_65, %get3A_68 : vector<512x256xf32>
    %get3A_70 = arith.constant 4096 : index
    %get3A_71 = arith.constant 0 : index
    %get3A_72 = vector.load %arg5[%get3A_70, %get3A_71] : memref<8192x256xf32, #tpu.memory_space<vmem>>, vector<512x256xf32>
    %min3A_73 = arith.minimumf %min3A_69, %get3A_72 : vector<512x256xf32>
    %get3A_74 = arith.constant 4608 : index
    %get3A_75 = arith.constant 0 : index
    %get3A_76 = vector.load %arg5[%get3A_74, %get3A_75] : memref<8192x256xf32, #tpu.memory_space<vmem>>, vector<512x256xf32>
    %min3A_77 = arith.minimumf %min3A_73, %get3A_76 : vector<512x256xf32>
    %get3A_78 = arith.constant 5120 : index
    %get3A_79 = arith.constant 0 : index
    %get3A_80 = vector.load %arg5[%get3A_78, %get3A_79] : memref<8192x256xf32, #tpu.memory_space<vmem>>, vector<512x256xf32>
    %min3A_81 = arith.minimumf %min3A_77, %get3A_80 : vector<512x256xf32>
    %get3A_82 = arith.constant 5632 : index
    %get3A_83 = arith.constant 0 : index
    %get3A_84 = vector.load %arg5[%get3A_82, %get3A_83] : memref<8192x256xf32, #tpu.memory_space<vmem>>, vector<512x256xf32>
    %min3A_85 = arith.minimumf %min3A_81, %get3A_84 : vector<512x256xf32>
    %get3A_86 = arith.constant 6144 : index
    %get3A_87 = arith.constant 0 : index
    %get3A_88 = vector.load %arg5[%get3A_86, %get3A_87] : memref<8192x256xf32, #tpu.memory_space<vmem>>, vector<512x256xf32>
    %min3A_89 = arith.minimumf %min3A_85, %get3A_88 : vector<512x256xf32>
    %get3A_90 = arith.constant 6656 : index
    %get3A_91 = arith.constant 0 : index
    %get3A_92 = vector.load %arg5[%get3A_90, %get3A_91] : memref<8192x256xf32, #tpu.memory_space<vmem>>, vector<512x256xf32>
    %min3A_93 = arith.minimumf %min3A_89, %get3A_92 : vector<512x256xf32>
    %get3A_94 = arith.constant 7168 : index
    %get3A_95 = arith.constant 0 : index
    %get3A_96 = vector.load %arg5[%get3A_94, %get3A_95] : memref<8192x256xf32, #tpu.memory_space<vmem>>, vector<512x256xf32>
    %min3A_97 = arith.minimumf %min3A_93, %get3A_96 : vector<512x256xf32>
    %get3A_98 = arith.constant 7680 : index
    %get3A_99 = arith.constant 0 : index
    %get3A_100 = vector.load %arg5[%get3A_98, %get3A_99] : memref<8192x256xf32, #tpu.memory_space<vmem>>, vector<512x256xf32>
    %min3A_101 = arith.minimumf %min3A_97, %get3A_100 : vector<512x256xf32>
    %iota3A = tpu.iota {dimensions = array<i32: 0>} : vector<512x256xi32>
    %broadcast_in_dim3A = arith.constant -3.000000e+38 : f32
    %broadcast_in_dim3A_102 = vector.broadcast %broadcast_in_dim3A : f32 to vector<256xf32>
    %broadcast_in_dim3A_103 = arith.constant -1 : i32
    %broadcast_in_dim3A_104 = vector.broadcast %broadcast_in_dim3A_103 : i32 to vector<256xi32>
    %broadcast_in_dim3A_105 = vector.shape_cast %broadcast_in_dim3A_102 : vector<256xf32> to vector<1x256xf32>
    %gt3A = vector.broadcast %broadcast_in_dim3A_105 : vector<1x256xf32> to vector<512x256xf32>
    %gt3A_106 = arith.cmpf ogt, %min3A_101, %gt3A : vector<512x256xf32>
    %broadcast_in_dim3A_107 = vector.shape_cast %broadcast_in_dim3A_102 : vector<256xf32> to vector<1x256xf32>
    %eq3A = vector.broadcast %broadcast_in_dim3A_107 : vector<1x256xf32> to vector<512x256xf32>
    %eq3A_108 = arith.cmpf oeq, %min3A_101, %eq3A : vector<512x256xf32>
    %broadcast_in_dim3A_109 = vector.shape_cast %broadcast_in_dim3A_104 : vector<256xi32> to vector<1x256xi32>
    %gt3A_110 = vector.broadcast %broadcast_in_dim3A_109 : vector<1x256xi32> to vector<512x256xi32>
    %gt3A_111 = arith.cmpi sgt, %iota3A, %gt3A_110 : vector<512x256xi32>
    %and3A = arith.andi %eq3A_108, %gt3A_111 : vector<512x256xi1>
    %or3A = arith.ori %gt3A_106, %and3A : vector<512x256xi1>
    %jit3A = arith.constant 3.000000e+38 : f32
    %broadcast_in_dim3A_112 = vector.broadcast %jit3A : f32 to vector<512x256xf32>
    %select_n3A = arith.select %or3A, %min3A_101, %broadcast_in_dim3A_112 : vector<512x256xi1>, vector<512x256xf32>
    %reduce_min3A = arith.constant dense<0x7F800000> : vector<256xf32>
    %reduce_min3A_113 = vector.multi_reduction <minimumf>, %select_n3A, %reduce_min3A [0] : vector<512x256xf32> to vector<256xf32>
    %broadcast_in_dim3A_114 = vector.shape_cast %reduce_min3A_113 : vector<256xf32> to vector<1x256xf32>
    %eq3A_115 = vector.broadcast %broadcast_in_dim3A_114 : vector<1x256xf32> to vector<512x256xf32>
    %eq3A_116 = arith.cmpf oeq, %select_n3A, %eq3A_115 : vector<512x256xf32>
    %jit3A_117 = arith.constant 2147483647 : i32
    %broadcast_in_dim3A_118 = vector.broadcast %jit3A_117 : i32 to vector<512x256xi32>
    %select_n3A_119 = arith.select %eq3A_116, %iota3A, %broadcast_in_dim3A_118 : vector<512x256xi1>, vector<512x256xi32>
    %reduce_min3A_120 = arith.constant dense<2147483647> : vector<256xi32>
    %reduce_min3A_121 = vector.multi_reduction <minsi>, %select_n3A_119, %reduce_min3A_120 [0] : vector<512x256xi32> to vector<256xi32>
    %swap3A_122 = arith.constant 0 : index
    %swap3A_123 = arith.constant 0 : index
    %swap3A_124 = arith.constant 0 : index
    %swap3A_125 = vector.load %arg4[%swap3A_122, %swap3A_123, %swap3A_124] : memref<1x16x256xi32, #tpu.memory_space<vmem>>, vector<1x1x256xi32>
    %swap3A_126 = vector.shape_cast %swap3A_125 : vector<1x1x256xi32> to vector<256xi32>
    %swap3A_127 = vector.shape_cast %reduce_min3A_121 : vector<256xi32> to vector<1x1x256xi32>
    tpu.vector_store %arg4[%swap3A_122, %swap3A_123, %swap3A_124], %swap3A_127 {strides = array<i32>} : memref<1x16x256xi32, #tpu.memory_space<vmem>>, vector<1x1x256xi32>,
    %broadcast_in_dim3A_128 = vector.shape_cast %reduce_min3A_113 : vector<256xf32> to vector<1x256xf32>
    %gt3A_129 = vector.broadcast %broadcast_in_dim3A_128 : vector<1x256xf32> to vector<512x256xf32>
    %gt3A_130 = arith.cmpf ogt, %min3A_101, %gt3A_129 : vector<512x256xf32>
    %broadcast_in_dim3A_131 = vector.shape_cast %reduce_min3A_113 : vector<256xf32> to vector<1x256xf32>
    %eq3A_132 = vector.broadcast %broadcast_in_dim3A_131 : vector<1x256xf32> to vector<512x256xf32>
    %eq3A_133 = arith.cmpf oeq, %min3A_101, %eq3A_132 : vector<512x256xf32>
    %broadcast_in_dim3A_134 = vector.shape_cast %reduce_min3A_121 : vector<256xi32> to vector<1x256xi32>
    %gt3A_135 = vector.broadcast %broadcast_in_dim3A_134 : vector<1x256xi32> to vector<512x256xi32>
    %gt3A_136 = arith.cmpi sgt, %iota3A, %gt3A_135 : vector<512x256xi32>
    %and3A_137 = arith.andi %eq3A_133, %gt3A_136 : vector<512x256xi1>
    %or3A_138 = arith.ori %gt3A_130, %and3A_137 : vector<512x256xi1>
    %jit3A_139 = arith.constant 3.000000e+38 : f32
    %broadcast_in_dim3A_140 = vector.broadcast %jit3A_139 : f32 to vector<512x256xf32>
    %select_n3A_141 = arith.select %or3A_138, %min3A_101, %broadcast_in_dim3A_140 : vector<512x256xi1>, vector<512x256xf32>
    %reduce_min3A_142 = arith.constant dense<0x7F800000> : vector<256xf32>
    %reduce_min3A_143 = vector.multi_reduction <minimumf>, %select_n3A_141, %reduce_min3A_142 [0] : vector<512x256xf32> to vector<256xf32>
    %broadcast_in_dim3A_144 = vector.shape_cast %reduce_min3A_143 : vector<256xf32> to vector<1x256xf32>
    %eq3A_145 = vector.broadcast %broadcast_in_dim3A_144 : vector<1x256xf32> to vector<512x256xf32>
    %eq3A_146 = arith.cmpf oeq, %select_n3A_141, %eq3A_145 : vector<512x256xf32>
    %jit3A_147 = arith.constant 2147483647 : i32
    %broadcast_in_dim3A_148 = vector.broadcast %jit3A_147 : i32 to vector<512x256xi32>
    %select_n3A_149 = arith.select %eq3A_146, %iota3A, %broadcast_in_dim3A_148 : vector<512x256xi1>, vector<512x256xi32>
    %reduce_min3A_150 = arith.constant dense<2147483647> : vector<256xi32>
    %reduce_min3A_151 = vector.multi_reduction <minsi>, %select_n3A_149, %reduce_min3A_150 [0] : vector<512x256xi32> to vector<256xi32>
    %swap3A_152 = arith.constant 0 : index
    %swap3A_153 = arith.constant 1 : index
    %swap3A_154 = arith.constant 0 : index
    %swap3A_155 = vector.load %arg4[%swap3A_152, %swap3A_153, %swap3A_154] : memref<1x16x256xi32, #tpu.memory_space<vmem>>, vector<1x1x256xi32>
    %swap3A_156 = vector.shape_cast %swap3A_155 : vector<1x1x256xi32> to vector<256xi32>
    %swap3A_157 = vector.shape_cast %reduce_min3A_151 : vector<256xi32> to vector<1x1x256xi32>
    tpu.vector_store %arg4[%swap3A_152, %swap3A_153, %swap3A_154], %swap3A_157 {strides = array<i32>} : memref<1x16x256xi32, #tpu.memory_space<vmem>>, vector<1x1x256xi32>,
    %broadcast_in_dim3A_158 = vector.shape_cast %reduce_min3A_143 : vector<256xf32> to vector<1x256xf32>
    %gt3A_159 = vector.broadcast %broadcast_in_dim3A_158 : vector<1x256xf32> to vector<512x256xf32>
    %gt3A_160 = arith.cmpf ogt, %min3A_101, %gt3A_159 : vector<512x256xf32>
    %broadcast_in_dim3A_161 = vector.shape_cast %reduce_min3A_143 : vector<256xf32> to vector<1x256xf32>
    %eq3A_162 = vector.broadcast %broadcast_in_dim3A_161 : vector<1x256xf32> to vector<512x256xf32>
    %eq3A_163 = arith.cmpf oeq, %min3A_101, %eq3A_162 : vector<512x256xf32>
    %broadcast_in_dim3A_164 = vector.shape_cast %reduce_min3A_151 : vector<256xi32> to vector<1x256xi32>
    %gt3A_165 = vector.broadcast %broadcast_in_dim3A_164 : vector<1x256xi32> to vector<512x256xi32>
    %gt3A_166 = arith.cmpi sgt, %iota3A, %gt3A_165 : vector<512x256xi32>
    %and3A_167 = arith.andi %eq3A_163, %gt3A_166 : vector<512x256xi1>
    %or3A_168 = arith.ori %gt3A_160, %and3A_167 : vector<512x256xi1>
    %jit3A_169 = arith.constant 3.000000e+38 : f32
    %broadcast_in_dim3A_170 = vector.broadcast %jit3A_169 : f32 to vector<512x256xf32>
    %select_n3A_171 = arith.select %or3A_168, %min3A_101, %broadcast_in_dim3A_170 : vector<512x256xi1>, vector<512x256xf32>
    %reduce_min3A_172 = arith.constant dense<0x7F800000> : vector<256xf32>
    %reduce_min3A_173 = vector.multi_reduction <minimumf>, %select_n3A_171, %reduce_min3A_172 [0] : vector<512x256xf32> to vector<256xf32>
    %broadcast_in_dim3A_174 = vector.shape_cast %reduce_min3A_173 : vector<256xf32> to vector<1x256xf32>
    %eq3A_175 = vector.broadcast %broadcast_in_dim3A_174 : vector<1x256xf32> to vector<512x256xf32>
    %eq3A_176 = arith.cmpf oeq, %select_n3A_171, %eq3A_175 : vector<512x256xf32>
    %jit3A_177 = arith.constant 2147483647 : i32
    %broadcast_in_dim3A_178 = vector.broadcast %jit3A_177 : i32 to vector<512x256xi32>
    %select_n3A_179 = arith.select %eq3A_176, %iota3A, %broadcast_in_dim3A_178 : vector<512x256xi1>, vector<512x256xi32>
    %reduce_min3A_180 = arith.constant dense<2147483647> : vector<256xi32>
    %reduce_min3A_181 = vector.multi_reduction <minsi>, %select_n3A_179, %reduce_min3A_180 [0] : vector<512x256xi32> to vector<256xi32>
    %swap3A_182 = arith.constant 0 : index
    %swap3A_183 = arith.constant 2 : index
    %swap3A_184 = arith.constant 0 : index
    %swap3A_185 = vector.load %arg4[%swap3A_182, %swap3A_183, %swap3A_184] : memref<1x16x256xi32, #tpu.memory_space<vmem>>, vector<1x1x256xi32>
    %swap3A_186 = vector.shape_cast %swap3A_185 : vector<1x1x256xi32> to vector<256xi32>
    %swap3A_187 = vector.shape_cast %reduce_min3A_181 : vector<256xi32> to vector<1x1x256xi32>
    tpu.vector_store %arg4[%swap3A_182, %swap3A_183, %swap3A_184], %swap3A_187 {strides = array<i32>} : memref<1x16x256xi32, #tpu.memory_space<vmem>>, vector<1x1x256xi32>,
    %broadcast_in_dim3A_188 = vector.shape_cast %reduce_min3A_173 : vector<256xf32> to vector<1x256xf32>
    %gt3A_189 = vector.broadcast %broadcast_in_dim3A_188 : vector<1x256xf32> to vector<512x256xf32>
    %gt3A_190 = arith.cmpf ogt, %min3A_101, %gt3A_189 : vector<512x256xf32>
    %broadcast_in_dim3A_191 = vector.shape_cast %reduce_min3A_173 : vector<256xf32> to vector<1x256xf32>
    %eq3A_192 = vector.broadcast %broadcast_in_dim3A_191 : vector<1x256xf32> to vector<512x256xf32>
    %eq3A_193 = arith.cmpf oeq, %min3A_101, %eq3A_192 : vector<512x256xf32>
    %broadcast_in_dim3A_194 = vector.shape_cast %reduce_min3A_181 : vector<256xi32> to vector<1x256xi32>
    %gt3A_195 = vector.broadcast %broadcast_in_dim3A_194 : vector<1x256xi32> to vector<512x256xi32>
    %gt3A_196 = arith.cmpi sgt, %iota3A, %gt3A_195 : vector<512x256xi32>
    %and3A_197 = arith.andi %eq3A_193, %gt3A_196 : vector<512x256xi1>
    %or3A_198 = arith.ori %gt3A_190, %and3A_197 : vector<512x256xi1>
    %jit3A_199 = arith.constant 3.000000e+38 : f32
    %broadcast_in_dim3A_200 = vector.broadcast %jit3A_199 : f32 to vector<512x256xf32>
    %select_n3A_201 = arith.select %or3A_198, %min3A_101, %broadcast_in_dim3A_200 : vector<512x256xi1>, vector<512x256xf32>
    %reduce_min3A_202 = arith.constant dense<0x7F800000> : vector<256xf32>
    %reduce_min3A_203 = vector.multi_reduction <minimumf>, %select_n3A_201, %reduce_min3A_202 [0] : vector<512x256xf32> to vector<256xf32>
    %broadcast_in_dim3A_204 = vector.shape_cast %reduce_min3A_203 : vector<256xf32> to vector<1x256xf32>
    %eq3A_205 = vector.broadcast %broadcast_in_dim3A_204 : vector<1x256xf32> to vector<512x256xf32>
    %eq3A_206 = arith.cmpf oeq, %select_n3A_201, %eq3A_205 : vector<512x256xf32>
    %jit3A_207 = arith.constant 2147483647 : i32
    %broadcast_in_dim3A_208 = vector.broadcast %jit3A_207 : i32 to vector<512x256xi32>
    %select_n3A_209 = arith.select %eq3A_206, %iota3A, %broadcast_in_dim3A_208 : vector<512x256xi1>, vector<512x256xi32>
    %reduce_min3A_210 = arith.constant dense<2147483647> : vector<256xi32>
    %reduce_min3A_211 = vector.multi_reduction <minsi>, %select_n3A_209, %reduce_min3A_210 [0] : vector<512x256xi32> to vector<256xi32>
    %swap3A_212 = arith.constant 0 : index
    %swap3A_213 = arith.constant 3 : index
    %swap3A_214 = arith.constant 0 : index
    %swap3A_215 = vector.load %arg4[%swap3A_212, %swap3A_213, %swap3A_214] : memref<1x16x256xi32, #tpu.memory_space<vmem>>, vector<1x1x256xi32>
    %swap3A_216 = vector.shape_cast %swap3A_215 : vector<1x1x256xi32> to vector<256xi32>
    %swap3A_217 = vector.shape_cast %reduce_min3A_211 : vector<256xi32> to vector<1x1x256xi32>
    tpu.vector_store %arg4[%swap3A_212, %swap3A_213, %swap3A_214], %swap3A_217 {strides = array<i32>} : memref<1x16x256xi32, #tpu.memory_space<vmem>>, vector<1x1x256xi32>,
    %broadcast_in_dim3A_218 = vector.shape_cast %reduce_min3A_203 : vector<256xf32> to vector<1x256xf32>
    %gt3A_219 = vector.broadcast %broadcast_in_dim3A_218 : vector<1x256xf32> to vector<512x256xf32>
    %gt3A_220 = arith.cmpf ogt, %min3A_101, %gt3A_219 : vector<512x256xf32>
    %broadcast_in_dim3A_221 = vector.shape_cast %reduce_min3A_203 : vector<256xf32> to vector<1x256xf32>
    %eq3A_222 = vector.broadcast %broadcast_in_dim3A_221 : vector<1x256xf32> to vector<512x256xf32>
    %eq3A_223 = arith.cmpf oeq, %min3A_101, %eq3A_222 : vector<512x256xf32>
    %broadcast_in_dim3A_224 = vector.shape_cast %reduce_min3A_211 : vector<256xi32> to vector<1x256xi32>
    %gt3A_225 = vector.broadcast %broadcast_in_dim3A_224 : vector<1x256xi32> to vector<512x256xi32>
    %gt3A_226 = arith.cmpi sgt, %iota3A, %gt3A_225 : vector<512x256xi32>
    %and3A_227 = arith.andi %eq3A_223, %gt3A_226 : vector<512x256xi1>
    %or3A_228 = arith.ori %gt3A_220, %and3A_227 : vector<512x256xi1>
    %jit3A_229 = arith.constant 3.000000e+38 : f32
    %broadcast_in_dim3A_230 = vector.broadcast %jit3A_229 : f32 to vector<512x256xf32>
    %select_n3A_231 = arith.select %or3A_228, %min3A_101, %broadcast_in_dim3A_230 : vector<512x256xi1>, vector<512x256xf32>
    %reduce_min3A_232 = arith.constant dense<0x7F800000> : vector<256xf32>
    %reduce_min3A_233 = vector.multi_reduction <minimumf>, %select_n3A_231, %reduce_min3A_232 [0] : vector<512x256xf32> to vector<256xf32>
    %broadcast_in_dim3A_234 = vector.shape_cast %reduce_min3A_233 : vector<256xf32> to vector<1x256xf32>
    %eq3A_235 = vector.broadcast %broadcast_in_dim3A_234 : vector<1x256xf32> to vector<512x256xf32>
    %eq3A_236 = arith.cmpf oeq, %select_n3A_231, %eq3A_235 : vector<512x256xf32>
    %jit3A_237 = arith.constant 2147483647 : i32
    %broadcast_in_dim3A_238 = vector.broadcast %jit3A_237 : i32 to vector<512x256xi32>
    %select_n3A_239 = arith.select %eq3A_236, %iota3A, %broadcast_in_dim3A_238 : vector<512x256xi1>, vector<512x256xi32>
    %reduce_min3A_240 = arith.constant dense<2147483647> : vector<256xi32>
    %reduce_min3A_241 = vector.multi_reduction <minsi>, %select_n3A_239, %reduce_min3A_240 [0] : vector<512x256xi32> to vector<256xi32>
    %swap3A_242 = arith.constant 0 : index
    %swap3A_243 = arith.constant 4 : index
    %swap3A_244 = arith.constant 0 : index
    %swap3A_245 = vector.load %arg4[%swap3A_242, %swap3A_243, %swap3A_244] : memref<1x16x256xi32, #tpu.memory_space<vmem>>, vector<1x1x256xi32>
    %swap3A_246 = vector.shape_cast %swap3A_245 : vector<1x1x256xi32> to vector<256xi32>
    %swap3A_247 = vector.shape_cast %reduce_min3A_241 : vector<256xi32> to vector<1x1x256xi32>
    tpu.vector_store %arg4[%swap3A_242, %swap3A_243, %swap3A_244], %swap3A_247 {strides = array<i32>} : memref<1x16x256xi32, #tpu.memory_space<vmem>>, vector<1x1x256xi32>,
    %broadcast_in_dim3A_248 = vector.shape_cast %reduce_min3A_233 : vector<256xf32> to vector<1x256xf32>
    %gt3A_249 = vector.broadcast %broadcast_in_dim3A_248 : vector<1x256xf32> to vector<512x256xf32>
    %gt3A_250 = arith.cmpf ogt, %min3A_101, %gt3A_249 : vector<512x256xf32>
    %broadcast_in_dim3A_251 = vector.shape_cast %reduce_min3A_233 : vector<256xf32> to vector<1x256xf32>
    %eq3A_252 = vector.broadcast %broadcast_in_dim3A_251 : vector<1x256xf32> to vector<512x256xf32>
    %eq3A_253 = arith.cmpf oeq, %min3A_101, %eq3A_252 : vector<512x256xf32>
    %broadcast_in_dim3A_254 = vector.shape_cast %reduce_min3A_241 : vector<256xi32> to vector<1x256xi32>
    %gt3A_255 = vector.broadcast %broadcast_in_dim3A_254 : vector<1x256xi32> to vector<512x256xi32>
    %gt3A_256 = arith.cmpi sgt, %iota3A, %gt3A_255 : vector<512x256xi32>
    %and3A_257 = arith.andi %eq3A_253, %gt3A_256 : vector<512x256xi1>
    %or3A_258 = arith.ori %gt3A_250, %and3A_257 : vector<512x256xi1>
    %jit3A_259 = arith.constant 3.000000e+38 : f32
    %broadcast_in_dim3A_260 = vector.broadcast %jit3A_259 : f32 to vector<512x256xf32>
    %select_n3A_261 = arith.select %or3A_258, %min3A_101, %broadcast_in_dim3A_260 : vector<512x256xi1>, vector<512x256xf32>
    %reduce_min3A_262 = arith.constant dense<0x7F800000> : vector<256xf32>
    %reduce_min3A_263 = vector.multi_reduction <minimumf>, %select_n3A_261, %reduce_min3A_262 [0] : vector<512x256xf32> to vector<256xf32>
    %broadcast_in_dim3A_264 = vector.shape_cast %reduce_min3A_263 : vector<256xf32> to vector<1x256xf32>
    %eq3A_265 = vector.broadcast %broadcast_in_dim3A_264 : vector<1x256xf32> to vector<512x256xf32>
    %eq3A_266 = arith.cmpf oeq, %select_n3A_261, %eq3A_265 : vector<512x256xf32>
    %jit3A_267 = arith.constant 2147483647 : i32
    %broadcast_in_dim3A_268 = vector.broadcast %jit3A_267 : i32 to vector<512x256xi32>
    %select_n3A_269 = arith.select %eq3A_266, %iota3A, %broadcast_in_dim3A_268 : vector<512x256xi1>, vector<512x256xi32>
    %reduce_min3A_270 = arith.constant dense<2147483647> : vector<256xi32>
    %reduce_min3A_271 = vector.multi_reduction <minsi>, %select_n3A_269, %reduce_min3A_270 [0] : vector<512x256xi32> to vector<256xi32>
    %swap3A_272 = arith.constant 0 : index
    %swap3A_273 = arith.constant 5 : index
    %swap3A_274 = arith.constant 0 : index
    %swap3A_275 = vector.load %arg4[%swap3A_272, %swap3A_273, %swap3A_274] : memref<1x16x256xi32, #tpu.memory_space<vmem>>, vector<1x1x256xi32>
    %swap3A_276 = vector.shape_cast %swap3A_275 : vector<1x1x256xi32> to vector<256xi32>
    %swap3A_277 = vector.shape_cast %reduce_min3A_271 : vector<256xi32> to vector<1x1x256xi32>
    tpu.vector_store %arg4[%swap3A_272, %swap3A_273, %swap3A_274], %swap3A_277 {strides = array<i32>} : memref<1x16x256xi32, #tpu.memory_space<vmem>>, vector<1x1x256xi32>,
    %broadcast_in_dim3A_278 = vector.shape_cast %reduce_min3A_263 : vector<256xf32> to vector<1x256xf32>
    %gt3A_279 = vector.broadcast %broadcast_in_dim3A_278 : vector<1x256xf32> to vector<512x256xf32>
    %gt3A_280 = arith.cmpf ogt, %min3A_101, %gt3A_279 : vector<512x256xf32>
    %broadcast_in_dim3A_281 = vector.shape_cast %reduce_min3A_263 : vector<256xf32> to vector<1x256xf32>
    %eq3A_282 = vector.broadcast %broadcast_in_dim3A_281 : vector<1x256xf32> to vector<512x256xf32>
    %eq3A_283 = arith.cmpf oeq, %min3A_101, %eq3A_282 : vector<512x256xf32>
    %broadcast_in_dim3A_284 = vector.shape_cast %reduce_min3A_271 : vector<256xi32> to vector<1x256xi32>
    %gt3A_285 = vector.broadcast %broadcast_in_dim3A_284 : vector<1x256xi32> to vector<512x256xi32>
    %gt3A_286 = arith.cmpi sgt, %iota3A, %gt3A_285 : vector<512x256xi32>
    %and3A_287 = arith.andi %eq3A_283, %gt3A_286 : vector<512x256xi1>
    %or3A_288 = arith.ori %gt3A_280, %and3A_287 : vector<512x256xi1>
    %jit3A_289 = arith.constant 3.000000e+38 : f32
    %broadcast_in_dim3A_290 = vector.broadcast %jit3A_289 : f32 to vector<512x256xf32>
    %select_n3A_291 = arith.select %or3A_288, %min3A_101, %broadcast_in_dim3A_290 : vector<512x256xi1>, vector<512x256xf32>
    %reduce_min3A_292 = arith.constant dense<0x7F800000> : vector<256xf32>
    %reduce_min3A_293 = vector.multi_reduction <minimumf>, %select_n3A_291, %reduce_min3A_292 [0] : vector<512x256xf32> to vector<256xf32>
    %broadcast_in_dim3A_294 = vector.shape_cast %reduce_min3A_293 : vector<256xf32> to vector<1x256xf32>
    %eq3A_295 = vector.broadcast %broadcast_in_dim3A_294 : vector<1x256xf32> to vector<512x256xf32>
    %eq3A_296 = arith.cmpf oeq, %select_n3A_291, %eq3A_295 : vector<512x256xf32>
    %jit3A_297 = arith.constant 2147483647 : i32
    %broadcast_in_dim3A_298 = vector.broadcast %jit3A_297 : i32 to vector<512x256xi32>
    %select_n3A_299 = arith.select %eq3A_296, %iota3A, %broadcast_in_dim3A_298 : vector<512x256xi1>, vector<512x256xi32>
    %reduce_min3A_300 = arith.constant dense<2147483647> : vector<256xi32>
    %reduce_min3A_301 = vector.multi_reduction <minsi>, %select_n3A_299, %reduce_min3A_300 [0] : vector<512x256xi32> to vector<256xi32>
    %swap3A_302 = arith.constant 0 : index
    %swap3A_303 = arith.constant 6 : index
    %swap3A_304 = arith.constant 0 : index
    %swap3A_305 = vector.load %arg4[%swap3A_302, %swap3A_303, %swap3A_304] : memref<1x16x256xi32, #tpu.memory_space<vmem>>, vector<1x1x256xi32>
    %swap3A_306 = vector.shape_cast %swap3A_305 : vector<1x1x256xi32> to vector<256xi32>
    %swap3A_307 = vector.shape_cast %reduce_min3A_301 : vector<256xi32> to vector<1x1x256xi32>
    tpu.vector_store %arg4[%swap3A_302, %swap3A_303, %swap3A_304], %swap3A_307 {strides = array<i32>} : memref<1x16x256xi32, #tpu.memory_space<vmem>>, vector<1x1x256xi32>,
    %broadcast_in_dim3A_308 = vector.shape_cast %reduce_min3A_293 : vector<256xf32> to vector<1x256xf32>
    %gt3A_309 = vector.broadcast %broadcast_in_dim3A_308 : vector<1x256xf32> to vector<512x256xf32>
    %gt3A_310 = arith.cmpf ogt, %min3A_101, %gt3A_309 : vector<512x256xf32>
    %broadcast_in_dim3A_311 = vector.shape_cast %reduce_min3A_293 : vector<256xf32> to vector<1x256xf32>
    %eq3A_312 = vector.broadcast %broadcast_in_dim3A_311 : vector<1x256xf32> to vector<512x256xf32>
    %eq3A_313 = arith.cmpf oeq, %min3A_101, %eq3A_312 : vector<512x256xf32>
    %broadcast_in_dim3A_314 = vector.shape_cast %reduce_min3A_301 : vector<256xi32> to vector<1x256xi32>
    %gt3A_315 = vector.broadcast %broadcast_in_dim3A_314 : vector<1x256xi32> to vector<512x256xi32>
    %gt3A_316 = arith.cmpi sgt, %iota3A, %gt3A_315 : vector<512x256xi32>
    %and3A_317 = arith.andi %eq3A_313, %gt3A_316 : vector<512x256xi1>
    %or3A_318 = arith.ori %gt3A_310, %and3A_317 : vector<512x256xi1>
    %jit3A_319 = arith.constant 3.000000e+38 : f32
    %broadcast_in_dim3A_320 = vector.broadcast %jit3A_319 : f32 to vector<512x256xf32>
    %select_n3A_321 = arith.select %or3A_318, %min3A_101, %broadcast_in_dim3A_320 : vector<512x256xi1>, vector<512x256xf32>
    %reduce_min3A_322 = arith.constant dense<0x7F800000> : vector<256xf32>
    %reduce_min3A_323 = vector.multi_reduction <minimumf>, %select_n3A_321, %reduce_min3A_322 [0] : vector<512x256xf32> to vector<256xf32>
    %broadcast_in_dim3A_324 = vector.shape_cast %reduce_min3A_323 : vector<256xf32> to vector<1x256xf32>
    %eq3A_325 = vector.broadcast %broadcast_in_dim3A_324 : vector<1x256xf32> to vector<512x256xf32>
    %eq3A_326 = arith.cmpf oeq, %select_n3A_321, %eq3A_325 : vector<512x256xf32>
    %jit3A_327 = arith.constant 2147483647 : i32
    %broadcast_in_dim3A_328 = vector.broadcast %jit3A_327 : i32 to vector<512x256xi32>
    %select_n3A_329 = arith.select %eq3A_326, %iota3A, %broadcast_in_dim3A_328 : vector<512x256xi1>, vector<512x256xi32>
    %reduce_min3A_330 = arith.constant dense<2147483647> : vector<256xi32>
    %reduce_min3A_331 = vector.multi_reduction <minsi>, %select_n3A_329, %reduce_min3A_330 [0] : vector<512x256xi32> to vector<256xi32>
    %swap3A_332 = arith.constant 0 : index
    %swap3A_333 = arith.constant 7 : index
    %swap3A_334 = arith.constant 0 : index
    %swap3A_335 = vector.load %arg4[%swap3A_332, %swap3A_333, %swap3A_334] : memref<1x16x256xi32, #tpu.memory_space<vmem>>, vector<1x1x256xi32>
    %swap3A_336 = vector.shape_cast %swap3A_335 : vector<1x1x256xi32> to vector<256xi32>
    %swap3A_337 = vector.shape_cast %reduce_min3A_331 : vector<256xi32> to vector<1x1x256xi32>
    tpu.vector_store %arg4[%swap3A_332, %swap3A_333, %swap3A_334], %swap3A_337 {strides = array<i32>} : memref<1x16x256xi32, #tpu.memory_space<vmem>>, vector<1x1x256xi32>,
    %broadcast_in_dim3A_338 = vector.shape_cast %reduce_min3A_323 : vector<256xf32> to vector<1x256xf32>
    %gt3A_339 = vector.broadcast %broadcast_in_dim3A_338 : vector<1x256xf32> to vector<512x256xf32>
    %gt3A_340 = arith.cmpf ogt, %min3A_101, %gt3A_339 : vector<512x256xf32>
    %broadcast_in_dim3A_341 = vector.shape_cast %reduce_min3A_323 : vector<256xf32> to vector<1x256xf32>
    %eq3A_342 = vector.broadcast %broadcast_in_dim3A_341 : vector<1x256xf32> to vector<512x256xf32>
    %eq3A_343 = arith.cmpf oeq, %min3A_101, %eq3A_342 : vector<512x256xf32>
    %broadcast_in_dim3A_344 = vector.shape_cast %reduce_min3A_331 : vector<256xi32> to vector<1x256xi32>
    %gt3A_345 = vector.broadcast %broadcast_in_dim3A_344 : vector<1x256xi32> to vector<512x256xi32>
    %gt3A_346 = arith.cmpi sgt, %iota3A, %gt3A_345 : vector<512x256xi32>
    %and3A_347 = arith.andi %eq3A_343, %gt3A_346 : vector<512x256xi1>
    %or3A_348 = arith.ori %gt3A_340, %and3A_347 : vector<512x256xi1>
    %jit3A_349 = arith.constant 3.000000e+38 : f32
    %broadcast_in_dim3A_350 = vector.broadcast %jit3A_349 : f32 to vector<512x256xf32>
    %select_n3A_351 = arith.select %or3A_348, %min3A_101, %broadcast_in_dim3A_350 : vector<512x256xi1>, vector<512x256xf32>
    %reduce_min3A_352 = arith.constant dense<0x7F800000> : vector<256xf32>
    %reduce_min3A_353 = vector.multi_reduction <minimumf>, %select_n3A_351, %reduce_min3A_352 [0] : vector<512x256xf32> to vector<256xf32>
    %broadcast_in_dim3A_354 = vector.shape_cast %reduce_min3A_353 : vector<256xf32> to vector<1x256xf32>
    %eq3A_355 = vector.broadcast %broadcast_in_dim3A_354 : vector<1x256xf32> to vector<512x256xf32>
    %eq3A_356 = arith.cmpf oeq, %select_n3A_351, %eq3A_355 : vector<512x256xf32>
    %jit3A_357 = arith.constant 2147483647 : i32
    %broadcast_in_dim3A_358 = vector.broadcast %jit3A_357 : i32 to vector<512x256xi32>
    %select_n3A_359 = arith.select %eq3A_356, %iota3A, %broadcast_in_dim3A_358 : vector<512x256xi1>, vector<512x256xi32>
    %reduce_min3A_360 = arith.constant dense<2147483647> : vector<256xi32>
    %reduce_min3A_361 = vector.multi_reduction <minsi>, %select_n3A_359, %reduce_min3A_360 [0] : vector<512x256xi32> to vector<256xi32>
    %swap3A_362 = arith.constant 0 : index
    %swap3A_363 = arith.constant 8 : index
    %swap3A_364 = arith.constant 0 : index
    %swap3A_365 = vector.load %arg4[%swap3A_362, %swap3A_363, %swap3A_364] : memref<1x16x256xi32, #tpu.memory_space<vmem>>, vector<1x1x256xi32>
    %swap3A_366 = vector.shape_cast %swap3A_365 : vector<1x1x256xi32> to vector<256xi32>
    %swap3A_367 = vector.shape_cast %reduce_min3A_361 : vector<256xi32> to vector<1x1x256xi32>
    tpu.vector_store %arg4[%swap3A_362, %swap3A_363, %swap3A_364], %swap3A_367 {strides = array<i32>} : memref<1x16x256xi32, #tpu.memory_space<vmem>>, vector<1x1x256xi32>,
    %broadcast_in_dim3A_368 = vector.shape_cast %reduce_min3A_353 : vector<256xf32> to vector<1x256xf32>
    %gt3A_369 = vector.broadcast %broadcast_in_dim3A_368 : vector<1x256xf32> to vector<512x256xf32>
    %gt3A_370 = arith.cmpf ogt, %min3A_101, %gt3A_369 : vector<512x256xf32>
    %broadcast_in_dim3A_371 = vector.shape_cast %reduce_min3A_353 : vector<256xf32> to vector<1x256xf32>
    %eq3A_372 = vector.broadcast %broadcast_in_dim3A_371 : vector<1x256xf32> to vector<512x256xf32>
    %eq3A_373 = arith.cmpf oeq, %min3A_101, %eq3A_372 : vector<512x256xf32>
    %broadcast_in_dim3A_374 = vector.shape_cast %reduce_min3A_361 : vector<256xi32> to vector<1x256xi32>
    %gt3A_375 = vector.broadcast %broadcast_in_dim3A_374 : vector<1x256xi32> to vector<512x256xi32>
    %gt3A_376 = arith.cmpi sgt, %iota3A, %gt3A_375 : vector<512x256xi32>
    %and3A_377 = arith.andi %eq3A_373, %gt3A_376 : vector<512x256xi1>
    %or3A_378 = arith.ori %gt3A_370, %and3A_377 : vector<512x256xi1>
    %jit3A_379 = arith.constant 3.000000e+38 : f32
    %broadcast_in_dim3A_380 = vector.broadcast %jit3A_379 : f32 to vector<512x256xf32>
    %select_n3A_381 = arith.select %or3A_378, %min3A_101, %broadcast_in_dim3A_380 : vector<512x256xi1>, vector<512x256xf32>
    %reduce_min3A_382 = arith.constant dense<0x7F800000> : vector<256xf32>
    %reduce_min3A_383 = vector.multi_reduction <minimumf>, %select_n3A_381, %reduce_min3A_382 [0] : vector<512x256xf32> to vector<256xf32>
    %broadcast_in_dim3A_384 = vector.shape_cast %reduce_min3A_383 : vector<256xf32> to vector<1x256xf32>
    %eq3A_385 = vector.broadcast %broadcast_in_dim3A_384 : vector<1x256xf32> to vector<512x256xf32>
    %eq3A_386 = arith.cmpf oeq, %select_n3A_381, %eq3A_385 : vector<512x256xf32>
    %jit3A_387 = arith.constant 2147483647 : i32
    %broadcast_in_dim3A_388 = vector.broadcast %jit3A_387 : i32 to vector<512x256xi32>
    %select_n3A_389 = arith.select %eq3A_386, %iota3A, %broadcast_in_dim3A_388 : vector<512x256xi1>, vector<512x256xi32>
    %reduce_min3A_390 = arith.constant dense<2147483647> : vector<256xi32>
    %reduce_min3A_391 = vector.multi_reduction <minsi>, %select_n3A_389, %reduce_min3A_390 [0] : vector<512x256xi32> to vector<256xi32>
    %swap3A_392 = arith.constant 0 : index
    %swap3A_393 = arith.constant 9 : index
    %swap3A_394 = arith.constant 0 : index
    %swap3A_395 = vector.load %arg4[%swap3A_392, %swap3A_393, %swap3A_394] : memref<1x16x256xi32, #tpu.memory_space<vmem>>, vector<1x1x256xi32>
    %swap3A_396 = vector.shape_cast %swap3A_395 : vector<1x1x256xi32> to vector<256xi32>
    %swap3A_397 = vector.shape_cast %reduce_min3A_391 : vector<256xi32> to vector<1x1x256xi32>
    tpu.vector_store %arg4[%swap3A_392, %swap3A_393, %swap3A_394], %swap3A_397 {strides = array<i32>} : memref<1x16x256xi32, #tpu.memory_space<vmem>>, vector<1x1x256xi32>,
    %broadcast_in_dim3A_398 = vector.shape_cast %reduce_min3A_383 : vector<256xf32> to vector<1x256xf32>
    %gt3A_399 = vector.broadcast %broadcast_in_dim3A_398 : vector<1x256xf32> to vector<512x256xf32>
    %gt3A_400 = arith.cmpf ogt, %min3A_101, %gt3A_399 : vector<512x256xf32>
    %broadcast_in_dim3A_401 = vector.shape_cast %reduce_min3A_383 : vector<256xf32> to vector<1x256xf32>
    %eq3A_402 = vector.broadcast %broadcast_in_dim3A_401 : vector<1x256xf32> to vector<512x256xf32>
    %eq3A_403 = arith.cmpf oeq, %min3A_101, %eq3A_402 : vector<512x256xf32>
    %broadcast_in_dim3A_404 = vector.shape_cast %reduce_min3A_391 : vector<256xi32> to vector<1x256xi32>
    %gt3A_405 = vector.broadcast %broadcast_in_dim3A_404 : vector<1x256xi32> to vector<512x256xi32>
    %gt3A_406 = arith.cmpi sgt, %iota3A, %gt3A_405 : vector<512x256xi32>
    %and3A_407 = arith.andi %eq3A_403, %gt3A_406 : vector<512x256xi1>
    %or3A_408 = arith.ori %gt3A_400, %and3A_407 : vector<512x256xi1>
    %jit3A_409 = arith.constant 3.000000e+38 : f32
    %broadcast_in_dim3A_410 = vector.broadcast %jit3A_409 : f32 to vector<512x256xf32>
    %select_n3A_411 = arith.select %or3A_408, %min3A_101, %broadcast_in_dim3A_410 : vector<512x256xi1>, vector<512x256xf32>
    %reduce_min3A_412 = arith.constant dense<0x7F800000> : vector<256xf32>
    %reduce_min3A_413 = vector.multi_reduction <minimumf>, %select_n3A_411, %reduce_min3A_412 [0] : vector<512x256xf32> to vector<256xf32>
    %broadcast_in_dim3A_414 = vector.shape_cast %reduce_min3A_413 : vector<256xf32> to vector<1x256xf32>
    %eq3A_415 = vector.broadcast %broadcast_in_dim3A_414 : vector<1x256xf32> to vector<512x256xf32>
    %eq3A_416 = arith.cmpf oeq, %select_n3A_411, %eq3A_415 : vector<512x256xf32>
    %jit3A_417 = arith.constant 2147483647 : i32
    %broadcast_in_dim3A_418 = vector.broadcast %jit3A_417 : i32 to vector<512x256xi32>
    %select_n3A_419 = arith.select %eq3A_416, %iota3A, %broadcast_in_dim3A_418 : vector<512x256xi1>, vector<512x256xi32>
    %reduce_min3A_420 = arith.constant dense<2147483647> : vector<256xi32>
    %reduce_min3A_421 = vector.multi_reduction <minsi>, %select_n3A_419, %reduce_min3A_420 [0] : vector<512x256xi32> to vector<256xi32>
    %swap3A_422 = arith.constant 0 : index
    %swap3A_423 = arith.constant 10 : index
    %swap3A_424 = arith.constant 0 : index
    %swap3A_425 = vector.load %arg4[%swap3A_422, %swap3A_423, %swap3A_424] : memref<1x16x256xi32, #tpu.memory_space<vmem>>, vector<1x1x256xi32>
    %swap3A_426 = vector.shape_cast %swap3A_425 : vector<1x1x256xi32> to vector<256xi32>
    %swap3A_427 = vector.shape_cast %reduce_min3A_421 : vector<256xi32> to vector<1x1x256xi32>
    tpu.vector_store %arg4[%swap3A_422, %swap3A_423, %swap3A_424], %swap3A_427 {strides = array<i32>} : memref<1x16x256xi32, #tpu.memory_space<vmem>>, vector<1x1x256xi32>,
    %broadcast_in_dim3A_428 = vector.shape_cast %reduce_min3A_413 : vector<256xf32> to vector<1x256xf32>
    %gt3A_429 = vector.broadcast %broadcast_in_dim3A_428 : vector<1x256xf32> to vector<512x256xf32>
    %gt3A_430 = arith.cmpf ogt, %min3A_101, %gt3A_429 : vector<512x256xf32>
    %broadcast_in_dim3A_431 = vector.shape_cast %reduce_min3A_413 : vector<256xf32> to vector<1x256xf32>
    %eq3A_432 = vector.broadcast %broadcast_in_dim3A_431 : vector<1x256xf32> to vector<512x256xf32>
    %eq3A_433 = arith.cmpf oeq, %min3A_101, %eq3A_432 : vector<512x256xf32>
    %broadcast_in_dim3A_434 = vector.shape_cast %reduce_min3A_421 : vector<256xi32> to vector<1x256xi32>
    %gt3A_435 = vector.broadcast %broadcast_in_dim3A_434 : vector<1x256xi32> to vector<512x256xi32>
    %gt3A_436 = arith.cmpi sgt, %iota3A, %gt3A_435 : vector<512x256xi32>
    %and3A_437 = arith.andi %eq3A_433, %gt3A_436 : vector<512x256xi1>
    %or3A_438 = arith.ori %gt3A_430, %and3A_437 : vector<512x256xi1>
    %jit3A_439 = arith.constant 3.000000e+38 : f32
    %broadcast_in_dim3A_440 = vector.broadcast %jit3A_439 : f32 to vector<512x256xf32>
    %select_n3A_441 = arith.select %or3A_438, %min3A_101, %broadcast_in_dim3A_440 : vector<512x256xi1>, vector<512x256xf32>
    %reduce_min3A_442 = arith.constant dense<0x7F800000> : vector<256xf32>
    %reduce_min3A_443 = vector.multi_reduction <minimumf>, %select_n3A_441, %reduce_min3A_442 [0] : vector<512x256xf32> to vector<256xf32>
    %broadcast_in_dim3A_444 = vector.shape_cast %reduce_min3A_443 : vector<256xf32> to vector<1x256xf32>
    %eq3A_445 = vector.broadcast %broadcast_in_dim3A_444 : vector<1x256xf32> to vector<512x256xf32>
    %eq3A_446 = arith.cmpf oeq, %select_n3A_441, %eq3A_445 : vector<512x256xf32>
    %jit3A_447 = arith.constant 2147483647 : i32
    %broadcast_in_dim3A_448 = vector.broadcast %jit3A_447 : i32 to vector<512x256xi32>
    %select_n3A_449 = arith.select %eq3A_446, %iota3A, %broadcast_in_dim3A_448 : vector<512x256xi1>, vector<512x256xi32>
    %reduce_min3A_450 = arith.constant dense<2147483647> : vector<256xi32>
    %reduce_min3A_451 = vector.multi_reduction <minsi>, %select_n3A_449, %reduce_min3A_450 [0] : vector<512x256xi32> to vector<256xi32>
    %swap3A_452 = arith.constant 0 : index
    %swap3A_453 = arith.constant 11 : index
    %swap3A_454 = arith.constant 0 : index
    %swap3A_455 = vector.load %arg4[%swap3A_452, %swap3A_453, %swap3A_454] : memref<1x16x256xi32, #tpu.memory_space<vmem>>, vector<1x1x256xi32>
    %swap3A_456 = vector.shape_cast %swap3A_455 : vector<1x1x256xi32> to vector<256xi32>
    %swap3A_457 = vector.shape_cast %reduce_min3A_451 : vector<256xi32> to vector<1x1x256xi32>
    tpu.vector_store %arg4[%swap3A_452, %swap3A_453, %swap3A_454], %swap3A_457 {strides = array<i32>} : memref<1x16x256xi32, #tpu.memory_space<vmem>>, vector<1x1x256xi32>,
    %broadcast_in_dim3A_458 = vector.shape_cast %reduce_min3A_443 : vector<256xf32> to vector<1x256xf32>
    %gt3A_459 = vector.broadcast %broadcast_in_dim3A_458 : vector<1x256xf32> to vector<512x256xf32>
    %gt3A_460 = arith.cmpf ogt, %min3A_101, %gt3A_459 : vector<512x256xf32>
    %broadcast_in_dim3A_461 = vector.shape_cast %reduce_min3A_443 : vector<256xf32> to vector<1x256xf32>
    %eq3A_462 = vector.broadcast %broadcast_in_dim3A_461 : vector<1x256xf32> to vector<512x256xf32>
    %eq3A_463 = arith.cmpf oeq, %min3A_101, %eq3A_462 : vector<512x256xf32>
    %broadcast_in_dim3A_464 = vector.shape_cast %reduce_min3A_451 : vector<256xi32> to vector<1x256xi32>
    %gt3A_465 = vector.broadcast %broadcast_in_dim3A_464 : vector<1x256xi32> to vector<512x256xi32>
    %gt3A_466 = arith.cmpi sgt, %iota3A, %gt3A_465 : vector<512x256xi32>
    %and3A_467 = arith.andi %eq3A_463, %gt3A_466 : vector<512x256xi1>
    %or3A_468 = arith.ori %gt3A_460, %and3A_467 : vector<512x256xi1>
    %jit3A_469 = arith.constant 3.000000e+38 : f32
    %broadcast_in_dim3A_470 = vector.broadcast %jit3A_469 : f32 to vector<512x256xf32>
    %select_n3A_471 = arith.select %or3A_468, %min3A_101, %broadcast_in_dim3A_470 : vector<512x256xi1>, vector<512x256xf32>
    %reduce_min3A_472 = arith.constant dense<0x7F800000> : vector<256xf32>
    %reduce_min3A_473 = vector.multi_reduction <minimumf>, %select_n3A_471, %reduce_min3A_472 [0] : vector<512x256xf32> to vector<256xf32>
    %broadcast_in_dim3A_474 = vector.shape_cast %reduce_min3A_473 : vector<256xf32> to vector<1x256xf32>
    %eq3A_475 = vector.broadcast %broadcast_in_dim3A_474 : vector<1x256xf32> to vector<512x256xf32>
    %eq3A_476 = arith.cmpf oeq, %select_n3A_471, %eq3A_475 : vector<512x256xf32>
    %jit3A_477 = arith.constant 2147483647 : i32
    %broadcast_in_dim3A_478 = vector.broadcast %jit3A_477 : i32 to vector<512x256xi32>
    %select_n3A_479 = arith.select %eq3A_476, %iota3A, %broadcast_in_dim3A_478 : vector<512x256xi1>, vector<512x256xi32>
    %reduce_min3A_480 = arith.constant dense<2147483647> : vector<256xi32>
    %reduce_min3A_481 = vector.multi_reduction <minsi>, %select_n3A_479, %reduce_min3A_480 [0] : vector<512x256xi32> to vector<256xi32>
    %swap3A_482 = arith.constant 0 : index
    %swap3A_483 = arith.constant 12 : index
    %swap3A_484 = arith.constant 0 : index
    %swap3A_485 = vector.load %arg4[%swap3A_482, %swap3A_483, %swap3A_484] : memref<1x16x256xi32, #tpu.memory_space<vmem>>, vector<1x1x256xi32>
    %swap3A_486 = vector.shape_cast %swap3A_485 : vector<1x1x256xi32> to vector<256xi32>
    %swap3A_487 = vector.shape_cast %reduce_min3A_481 : vector<256xi32> to vector<1x1x256xi32>
    tpu.vector_store %arg4[%swap3A_482, %swap3A_483, %swap3A_484], %swap3A_487 {strides = array<i32>} : memref<1x16x256xi32, #tpu.memory_space<vmem>>, vector<1x1x256xi32>,
    %broadcast_in_dim3A_488 = vector.shape_cast %reduce_min3A_473 : vector<256xf32> to vector<1x256xf32>
    %gt3A_489 = vector.broadcast %broadcast_in_dim3A_488 : vector<1x256xf32> to vector<512x256xf32>
    %gt3A_490 = arith.cmpf ogt, %min3A_101, %gt3A_489 : vector<512x256xf32>
    %broadcast_in_dim3A_491 = vector.shape_cast %reduce_min3A_473 : vector<256xf32> to vector<1x256xf32>
    %eq3A_492 = vector.broadcast %broadcast_in_dim3A_491 : vector<1x256xf32> to vector<512x256xf32>
    %eq3A_493 = arith.cmpf oeq, %min3A_101, %eq3A_492 : vector<512x256xf32>
    %broadcast_in_dim3A_494 = vector.shape_cast %reduce_min3A_481 : vector<256xi32> to vector<1x256xi32>
    %gt3A_495 = vector.broadcast %broadcast_in_dim3A_494 : vector<1x256xi32> to vector<512x256xi32>
    %gt3A_496 = arith.cmpi sgt, %iota3A, %gt3A_495 : vector<512x256xi32>
    %and3A_497 = arith.andi %eq3A_493, %gt3A_496 : vector<512x256xi1>
    %or3A_498 = arith.ori %gt3A_490, %and3A_497 : vector<512x256xi1>
    %jit3A_499 = arith.constant 3.000000e+38 : f32
    %broadcast_in_dim3A_500 = vector.broadcast %jit3A_499 : f32 to vector<512x256xf32>
    %select_n3A_501 = arith.select %or3A_498, %min3A_101, %broadcast_in_dim3A_500 : vector<512x256xi1>, vector<512x256xf32>
    %reduce_min3A_502 = arith.constant dense<0x7F800000> : vector<256xf32>
    %reduce_min3A_503 = vector.multi_reduction <minimumf>, %select_n3A_501, %reduce_min3A_502 [0] : vector<512x256xf32> to vector<256xf32>
    %broadcast_in_dim3A_504 = vector.shape_cast %reduce_min3A_503 : vector<256xf32> to vector<1x256xf32>
    %eq3A_505 = vector.broadcast %broadcast_in_dim3A_504 : vector<1x256xf32> to vector<512x256xf32>
    %eq3A_506 = arith.cmpf oeq, %select_n3A_501, %eq3A_505 : vector<512x256xf32>
    %jit3A_507 = arith.constant 2147483647 : i32
    %broadcast_in_dim3A_508 = vector.broadcast %jit3A_507 : i32 to vector<512x256xi32>
    %select_n3A_509 = arith.select %eq3A_506, %iota3A, %broadcast_in_dim3A_508 : vector<512x256xi1>, vector<512x256xi32>
    %reduce_min3A_510 = arith.constant dense<2147483647> : vector<256xi32>
    %reduce_min3A_511 = vector.multi_reduction <minsi>, %select_n3A_509, %reduce_min3A_510 [0] : vector<512x256xi32> to vector<256xi32>
    %swap3A_512 = arith.constant 0 : index
    %swap3A_513 = arith.constant 13 : index
    %swap3A_514 = arith.constant 0 : index
    %swap3A_515 = vector.load %arg4[%swap3A_512, %swap3A_513, %swap3A_514] : memref<1x16x256xi32, #tpu.memory_space<vmem>>, vector<1x1x256xi32>
    %swap3A_516 = vector.shape_cast %swap3A_515 : vector<1x1x256xi32> to vector<256xi32>
    %swap3A_517 = vector.shape_cast %reduce_min3A_511 : vector<256xi32> to vector<1x1x256xi32>
    tpu.vector_store %arg4[%swap3A_512, %swap3A_513, %swap3A_514], %swap3A_517 {strides = array<i32>} : memref<1x16x256xi32, #tpu.memory_space<vmem>>, vector<1x1x256xi32>,
    %broadcast_in_dim3A_518 = vector.shape_cast %reduce_min3A_503 : vector<256xf32> to vector<1x256xf32>
    %gt3A_519 = vector.broadcast %broadcast_in_dim3A_518 : vector<1x256xf32> to vector<512x256xf32>
    %gt3A_520 = arith.cmpf ogt, %min3A_101, %gt3A_519 : vector<512x256xf32>
    %broadcast_in_dim3A_521 = vector.shape_cast %reduce_min3A_503 : vector<256xf32> to vector<1x256xf32>
    %eq3A_522 = vector.broadcast %broadcast_in_dim3A_521 : vector<1x256xf32> to vector<512x256xf32>
    %eq3A_523 = arith.cmpf oeq, %min3A_101, %eq3A_522 : vector<512x256xf32>
    %broadcast_in_dim3A_524 = vector.shape_cast %reduce_min3A_511 : vector<256xi32> to vector<1x256xi32>
    %gt3A_525 = vector.broadcast %broadcast_in_dim3A_524 : vector<1x256xi32> to vector<512x256xi32>
    %gt3A_526 = arith.cmpi sgt, %iota3A, %gt3A_525 : vector<512x256xi32>
    %and3A_527 = arith.andi %eq3A_523, %gt3A_526 : vector<512x256xi1>
    %or3A_528 = arith.ori %gt3A_520, %and3A_527 : vector<512x256xi1>
    %jit3A_529 = arith.constant 3.000000e+38 : f32
    %broadcast_in_dim3A_530 = vector.broadcast %jit3A_529 : f32 to vector<512x256xf32>
    %select_n3A_531 = arith.select %or3A_528, %min3A_101, %broadcast_in_dim3A_530 : vector<512x256xi1>, vector<512x256xf32>
    %reduce_min3A_532 = arith.constant dense<0x7F800000> : vector<256xf32>
    %reduce_min3A_533 = vector.multi_reduction <minimumf>, %select_n3A_531, %reduce_min3A_532 [0] : vector<512x256xf32> to vector<256xf32>
    %broadcast_in_dim3A_534 = vector.shape_cast %reduce_min3A_533 : vector<256xf32> to vector<1x256xf32>
    %eq3A_535 = vector.broadcast %broadcast_in_dim3A_534 : vector<1x256xf32> to vector<512x256xf32>
    %eq3A_536 = arith.cmpf oeq, %select_n3A_531, %eq3A_535 : vector<512x256xf32>
    %jit3A_537 = arith.constant 2147483647 : i32
    %broadcast_in_dim3A_538 = vector.broadcast %jit3A_537 : i32 to vector<512x256xi32>
    %select_n3A_539 = arith.select %eq3A_536, %iota3A, %broadcast_in_dim3A_538 : vector<512x256xi1>, vector<512x256xi32>
    %reduce_min3A_540 = arith.constant dense<2147483647> : vector<256xi32>
    %reduce_min3A_541 = vector.multi_reduction <minsi>, %select_n3A_539, %reduce_min3A_540 [0] : vector<512x256xi32> to vector<256xi32>
    %swap3A_542 = arith.constant 0 : index
    %swap3A_543 = arith.constant 14 : index
    %swap3A_544 = arith.constant 0 : index
    %swap3A_545 = vector.load %arg4[%swap3A_542, %swap3A_543, %swap3A_544] : memref<1x16x256xi32, #tpu.memory_space<vmem>>, vector<1x1x256xi32>
    %swap3A_546 = vector.shape_cast %swap3A_545 : vector<1x1x256xi32> to vector<256xi32>
    %swap3A_547 = vector.shape_cast %reduce_min3A_541 : vector<256xi32> to vector<1x1x256xi32>
    tpu.vector_store %arg4[%swap3A_542, %swap3A_543, %swap3A_544], %swap3A_547 {strides = array<i32>} : memref<1x16x256xi32, #tpu.memory_space<vmem>>, vector<1x1x256xi32>,
    %broadcast_in_dim3A_548 = vector.shape_cast %reduce_min3A_533 : vector<256xf32> to vector<1x256xf32>
    %gt3A_549 = vector.broadcast %broadcast_in_dim3A_548 : vector<1x256xf32> to vector<512x256xf32>
    %gt3A_550 = arith.cmpf ogt, %min3A_101, %gt3A_549 : vector<512x256xf32>
    %broadcast_in_dim3A_551 = vector.shape_cast %reduce_min3A_533 : vector<256xf32> to vector<1x256xf32>
    %eq3A_552 = vector.broadcast %broadcast_in_dim3A_551 : vector<1x256xf32> to vector<512x256xf32>
    %eq3A_553 = arith.cmpf oeq, %min3A_101, %eq3A_552 : vector<512x256xf32>
    %broadcast_in_dim3A_554 = vector.shape_cast %reduce_min3A_541 : vector<256xi32> to vector<1x256xi32>
    %gt3A_555 = vector.broadcast %broadcast_in_dim3A_554 : vector<1x256xi32> to vector<512x256xi32>
    %gt3A_556 = arith.cmpi sgt, %iota3A, %gt3A_555 : vector<512x256xi32>
    %and3A_557 = arith.andi %eq3A_553, %gt3A_556 : vector<512x256xi1>
    %or3A_558 = arith.ori %gt3A_550, %and3A_557 : vector<512x256xi1>
    %jit3A_559 = arith.constant 3.000000e+38 : f32
    %broadcast_in_dim3A_560 = vector.broadcast %jit3A_559 : f32 to vector<512x256xf32>
    %select_n3A_561 = arith.select %or3A_558, %min3A_101, %broadcast_in_dim3A_560 : vector<512x256xi1>, vector<512x256xf32>
    %reduce_min3A_562 = arith.constant dense<0x7F800000> : vector<256xf32>
    %reduce_min3A_563 = vector.multi_reduction <minimumf>, %select_n3A_561, %reduce_min3A_562 [0] : vector<512x256xf32> to vector<256xf32>
    %broadcast_in_dim3A_564 = vector.shape_cast %reduce_min3A_563 : vector<256xf32> to vector<1x256xf32>
    %eq3A_565 = vector.broadcast %broadcast_in_dim3A_564 : vector<1x256xf32> to vector<512x256xf32>
    %eq3A_566 = arith.cmpf oeq, %select_n3A_561, %eq3A_565 : vector<512x256xf32>
    %jit3A_567 = arith.constant 2147483647 : i32
    %broadcast_in_dim3A_568 = vector.broadcast %jit3A_567 : i32 to vector<512x256xi32>
    %select_n3A_569 = arith.select %eq3A_566, %iota3A, %broadcast_in_dim3A_568 : vector<512x256xi1>, vector<512x256xi32>
    %reduce_min3A_570 = arith.constant dense<2147483647> : vector<256xi32>
    %reduce_min3A_571 = vector.multi_reduction <minsi>, %select_n3A_569, %reduce_min3A_570 [0] : vector<512x256xi32> to vector<256xi32>
    %swap3A_572 = arith.constant 0 : index
    %swap3A_573 = arith.constant 15 : index
    %swap3A_574 = arith.constant 0 : index
    %swap3A_575 = vector.load %arg4[%swap3A_572, %swap3A_573, %swap3A_574] : memref<1x16x256xi32, #tpu.memory_space<vmem>>, vector<1x1x256xi32>
    %swap3A_576 = vector.shape_cast %swap3A_575 : vector<1x1x256xi32> to vector<256xi32>
    %swap3A_577 = vector.shape_cast %reduce_min3A_571 : vector<256xi32> to vector<1x1x256xi32>
    tpu.vector_store %arg4[%swap3A_572, %swap3A_573, %swap3A_574], %swap3A_577 {strides = array<i32>} : memref<1x16x256xi32, #tpu.memory_space<vmem>>, vector<1x1x256xi32>,
    return
  }
  func.func @transform_0(%arg0: i32, %arg1: i32) -> (i32, i32, i32) {
    %c0_i32 = arith.constant 0 : i32
    %c0_i32_0 = arith.constant 0 : i32
    %c0_i32_1 = arith.constant 0 : i32
    return %arg0, %c0_i32, %c0_i32_0 : i32, i32, i32
  }
  func.func @transform_1(%arg0: i32, %arg1: i32) -> (i32, i32, i32) {
    %c0_i32 = arith.constant 0 : i32
    %c0_i32_0 = arith.constant 0 : i32
    return %arg0, %c0_i32, %arg1 : i32, i32, i32
  }
  func.func @transform_2(%arg0: i32, %arg1: i32) -> (i32, i32, i32) {
    %c0_i32 = arith.constant 0 : i32
    %c0_i32_0 = arith.constant 0 : i32
    return %arg0, %c0_i32, %arg1 : i32, i32, i32
  }
}

module attributes {stable_mosaic.version = 14 : i64} {
  func.func @_pre_body(%arg0: i32, %arg1: i32, %arg2: memref<1x64x512xf32, #tpu.memory_space<vmem>>, %arg3: memref<1x64x512xf32, #tpu.memory_space<vmem>>, %arg4: memref<1x8x512xf32, #tpu.memory_space<vmem>>, %arg5: memref<1x8x512xf32, #tpu.memory_space<vmem>>, %arg6: memref<64x64xf32, #tpu.memory_space<vmem>>, %arg7: memref<64x64xf32, #tpu.memory_space<vmem>>, %arg8: memref<64x8xf32, #tpu.memory_space<vmem>>, %arg9: memref<1x64xf32, #tpu.memory_space<vmem>>, %arg10: memref<1x512x64xf32, #tpu.memory_space<vmem>>, %arg11: memref<1x512x128xf32, #tpu.memory_space<vmem>>) attributes {dimension_semantics = [#tpu.dimension_semantics<arbitrary>, #tpu.dimension_semantics<arbitrary>], iteration_bounds = array<i64: 2, 16>, scalar_prefetch = 0 : i64, scratch_operands = 0 : i64, tpu.core_type = #tpu.core_type<tc>, window_params = [{transform_indices = @transform_0, window_bounds = array<i64: 1, 64, 512>}, {transform_indices = @transform_1, window_bounds = array<i64: 1, 64, 512>}, {transform_indices = @transform_2, window_bounds = array<i64: 1, 8, 512>}, {transform_indices = @transform_3, window_bounds = array<i64: 1, 8, 512>}, {pipeline_mode = #tpu.pipeline_mode<synchronous>, transform_indices = @transform_4, window_bounds = array<i64: 64, 64>}, {pipeline_mode = #tpu.pipeline_mode<synchronous>, transform_indices = @transform_5, window_bounds = array<i64: 64, 64>}, {pipeline_mode = #tpu.pipeline_mode<synchronous>, transform_indices = @transform_6, window_bounds = array<i64: 64, 8>}, {pipeline_mode = #tpu.pipeline_mode<synchronous>, transform_indices = @transform_7, window_bounds = array<i64: 1, 64>}, {transform_indices = @transform_8, window_bounds = array<i64: 1, 512, 64>}, {transform_indices = @transform_9, window_bounds = array<i64: 1, 512, 128>}]} {
    %get3A = arith.constant 0 : index
    %get3A_0 = arith.constant 0 : index
    %get3A_1 = arith.constant 0 : index
    %get3A_2 = vector.load %arg3[%get3A, %get3A_0, %get3A_1] : memref<1x64x512xf32, #tpu.memory_space<vmem>>, vector<1x64x512xf32>
    %get3A_3 = vector.shape_cast %get3A_2 : vector<1x64x512xf32> to vector<64x512xf32>
    %get3A_4 = arith.constant 0 : index
    %get3A_5 = arith.constant 0 : index
    %get3A_6 = vector.load %arg7[%get3A_4, %get3A_5] : memref<64x64xf32, #tpu.memory_space<vmem>>, vector<64x64xf32>
    %dot_general3A = arith.constant dense<0.000000e+00> : vector<512x64xf32>
    %dot_general3A_7 = tpu.matmul %get3A_3, %get3A_6, %dot_general3A {dimension_numbers = #tpu.dot_dimension_numbers<[0], [1], [1], [0], [0, 1, 1, 0], [], []>, precision = #tpu.contract_precision<fp32>, transpose_lhs_hint = false} : vector<64x512xf32>, vector<64x64xf32>, vector<512x64xf32> -> vector<512x64xf32>
    %get3A_8 = arith.constant 0 : index
    %get3A_9 = arith.constant 0 : index
    %get3A_10 = arith.constant 0 : index
    %get3A_11 = vector.load %arg5[%get3A_8, %get3A_9, %get3A_10] : memref<1x8x512xf32, #tpu.memory_space<vmem>>, vector<1x8x512xf32>
    %get3A_12 = vector.shape_cast %get3A_11 : vector<1x8x512xf32> to vector<8x512xf32>
    %get3A_13 = arith.constant 0 : index
    %get3A_14 = arith.constant 0 : index
    %get3A_15 = vector.load %arg8[%get3A_13, %get3A_14] : memref<64x8xf32, #tpu.memory_space<vmem>>, vector<64x8xf32>
    %dot_general3A_16 = arith.constant dense<0.000000e+00> : vector<512x64xf32>
    %dot_general3A_17 = tpu.matmul %get3A_12, %get3A_15, %dot_general3A_16 {dimension_numbers = #tpu.dot_dimension_numbers<[0], [1], [1], [0], [0, 1, 1, 0], [], []>, precision = #tpu.contract_precision<fp32>, transpose_lhs_hint = false} : vector<8x512xf32>, vector<64x8xf32>, vector<512x64xf32> -> vector<512x64xf32>
    %add3A = arith.addf %dot_general3A_7, %dot_general3A_17 : vector<512x64xf32>
    %swap3A = arith.constant 0 : index
    %swap3A_18 = arith.constant 0 : index
    %swap3A_19 = arith.constant 0 : index
    %swap3A_20 = vector.load %arg11[%swap3A, %swap3A_18, %swap3A_19] : memref<1x512x128xf32, #tpu.memory_space<vmem>>, vector<1x512x64xf32>
    %swap3A_21 = vector.shape_cast %swap3A_20 : vector<1x512x64xf32> to vector<512x64xf32>
    %swap3A_22 = vector.shape_cast %add3A : vector<512x64xf32> to vector<1x512x64xf32>
    tpu.vector_store %arg11[%swap3A, %swap3A_18, %swap3A_19], %swap3A_22 {strides = array<i32>} : memref<1x512x128xf32, #tpu.memory_space<vmem>>, vector<1x512x64xf32>,
    %broadcast_in_dim3A = arith.constant 0.000000e+00 : f32
    %broadcast_in_dim3A_23 = vector.broadcast %broadcast_in_dim3A : f32 to vector<512x64xf32>
    %swap3A_24 = arith.constant 0 : index
    %swap3A_25 = arith.constant 0 : index
    %swap3A_26 = arith.constant 64 : index
    %swap3A_27 = vector.load %arg11[%swap3A_24, %swap3A_25, %swap3A_26] : memref<1x512x128xf32, #tpu.memory_space<vmem>>, vector<1x512x64xf32>
    %swap3A_28 = vector.shape_cast %swap3A_27 : vector<1x512x64xf32> to vector<512x64xf32>
    %swap3A_29 = vector.shape_cast %broadcast_in_dim3A_23 : vector<512x64xf32> to vector<1x512x64xf32>
    tpu.vector_store %arg11[%swap3A_24, %swap3A_25, %swap3A_26], %swap3A_29 {strides = array<i32>} : memref<1x512x128xf32, #tpu.memory_space<vmem>>, vector<1x512x64xf32>,
    %get3A_30 = arith.constant 0 : index
    %get3A_31 = arith.constant 0 : index
    %get3A_32 = arith.constant 0 : index
    %get3A_33 = vector.load %arg2[%get3A_30, %get3A_31, %get3A_32] : memref<1x64x512xf32, #tpu.memory_space<vmem>>, vector<1x64x512xf32>
    %get3A_34 = vector.shape_cast %get3A_33 : vector<1x64x512xf32> to vector<64x512xf32>
    %get3A_35 = arith.constant 0 : index
    %get3A_36 = arith.constant 0 : index
    %get3A_37 = vector.load %arg6[%get3A_35, %get3A_36] : memref<64x64xf32, #tpu.memory_space<vmem>>, vector<64x64xf32>
    %dot_general3A_38 = arith.constant dense<0.000000e+00> : vector<512x64xf32>
    %dot_general3A_39 = tpu.matmul %get3A_34, %get3A_37, %dot_general3A_38 {dimension_numbers = #tpu.dot_dimension_numbers<[0], [1], [1], [0], [0, 1, 1, 0], [], []>, precision = #tpu.contract_precision<fp32>, transpose_lhs_hint = false} : vector<64x512xf32>, vector<64x64xf32>, vector<512x64xf32> -> vector<512x64xf32>
    %get3A_40 = arith.constant 0 : index
    %get3A_41 = arith.constant 0 : index
    %get3A_42 = arith.constant 0 : index
    %get3A_43 = vector.load %arg4[%get3A_40, %get3A_41, %get3A_42] : memref<1x8x512xf32, #tpu.memory_space<vmem>>, vector<1x8x512xf32>
    %get3A_44 = vector.shape_cast %get3A_43 : vector<1x8x512xf32> to vector<8x512xf32>
    %get3A_45 = arith.constant 0 : index
    %get3A_46 = arith.constant 0 : index
    %get3A_47 = vector.load %arg8[%get3A_45, %get3A_46] : memref<64x8xf32, #tpu.memory_space<vmem>>, vector<64x8xf32>
    %dot_general3A_48 = arith.constant dense<0.000000e+00> : vector<512x64xf32>
    %dot_general3A_49 = tpu.matmul %get3A_44, %get3A_47, %dot_general3A_48 {dimension_numbers = #tpu.dot_dimension_numbers<[0], [1], [1], [0], [0, 1, 1, 0], [], []>, precision = #tpu.contract_precision<fp32>, transpose_lhs_hint = false} : vector<8x512xf32>, vector<64x8xf32>, vector<512x64xf32> -> vector<512x64xf32>
    %sub3A = arith.subf %dot_general3A_39, %dot_general3A_49 : vector<512x64xf32>
    %get3A_50 = arith.constant 0 : index
    %get3A_51 = arith.constant 0 : index
    %get3A_52 = vector.load %arg9[%get3A_50, %get3A_51] : memref<1x64xf32, #tpu.memory_space<vmem>>, vector<1x64xf32>
    %add3A_53 = vector.broadcast %get3A_52 : vector<1x64xf32> to vector<512x64xf32>
    %add3A_54 = arith.addf %sub3A, %add3A_53 : vector<512x64xf32>
    %swap3A_55 = arith.constant 0 : index
    %swap3A_56 = arith.constant 0 : index
    %swap3A_57 = arith.constant 0 : index
    %swap3A_58 = vector.load %arg10[%swap3A_55, %swap3A_56, %swap3A_57] : memref<1x512x64xf32, #tpu.memory_space<vmem>>, vector<1x512x64xf32>
    %swap3A_59 = vector.shape_cast %swap3A_58 : vector<1x512x64xf32> to vector<512x64xf32>
    %swap3A_60 = vector.shape_cast %add3A_54 : vector<512x64xf32> to vector<1x512x64xf32>
    tpu.vector_store %arg10[%swap3A_55, %swap3A_56, %swap3A_57], %swap3A_60 {strides = array<i32>} : memref<1x512x64xf32, #tpu.memory_space<vmem>>, vector<1x512x64xf32>,
    return
  }
  func.func @transform_0(%arg0: i32, %arg1: i32) -> (i32, i32, i32) {
    %c0_i32 = arith.constant 0 : i32
    %c0_i32_0 = arith.constant 0 : i32
    return %arg0, %c0_i32, %arg1 : i32, i32, i32
  }
  func.func @transform_1(%arg0: i32, %arg1: i32) -> (i32, i32, i32) {
    %c0_i32 = arith.constant 0 : i32
    %c0_i32_0 = arith.constant 0 : i32
    return %arg0, %c0_i32, %arg1 : i32, i32, i32
  }
  func.func @transform_2(%arg0: i32, %arg1: i32) -> (i32, i32, i32) {
    %c0_i32 = arith.constant 0 : i32
    %c0_i32_0 = arith.constant 0 : i32
    return %arg0, %c0_i32, %arg1 : i32, i32, i32
  }
  func.func @transform_3(%arg0: i32, %arg1: i32) -> (i32, i32, i32) {
    %c0_i32 = arith.constant 0 : i32
    %c0_i32_0 = arith.constant 0 : i32
    return %arg0, %c0_i32, %arg1 : i32, i32, i32
  }
  func.func @transform_4(%arg0: i32, %arg1: i32) -> (i32, i32) {
    %c0_i32 = arith.constant 0 : i32
    %c0_i32_0 = arith.constant 0 : i32
    %c0_i32_1 = arith.constant 0 : i32
    return %c0_i32, %c0_i32_0 : i32, i32
  }
  func.func @transform_5(%arg0: i32, %arg1: i32) -> (i32, i32) {
    %c0_i32 = arith.constant 0 : i32
    %c0_i32_0 = arith.constant 0 : i32
    %c0_i32_1 = arith.constant 0 : i32
    return %c0_i32, %c0_i32_0 : i32, i32
  }
  func.func @transform_6(%arg0: i32, %arg1: i32) -> (i32, i32) {
    %c0_i32 = arith.constant 0 : i32
    %c0_i32_0 = arith.constant 0 : i32
    %c0_i32_1 = arith.constant 0 : i32
    return %c0_i32, %c0_i32_0 : i32, i32
  }
  func.func @transform_7(%arg0: i32, %arg1: i32) -> (i32, i32) {
    %c0_i32 = arith.constant 0 : i32
    %c0_i32_0 = arith.constant 0 : i32
    %c0_i32_1 = arith.constant 0 : i32
    return %c0_i32, %c0_i32_0 : i32, i32
  }
  func.func @transform_8(%arg0: i32, %arg1: i32) -> (i32, i32, i32) {
    %c0_i32 = arith.constant 0 : i32
    %c0_i32_0 = arith.constant 0 : i32
    return %arg0, %arg1, %c0_i32 : i32, i32, i32
  }
  func.func @transform_9(%arg0: i32, %arg1: i32) -> (i32, i32, i32) {
    %c0_i32 = arith.constant 0 : i32
    %c0_i32_0 = arith.constant 0 : i32
    return %arg0, %arg1, %c0_i32 : i32, i32, i32
  }
}

module attributes {stable_mosaic.version = 14 : i64} {
  func.func @_mlp_body(%arg0: i32, %arg1: i32, %arg2: memref<1x16x512x128xf32, #tpu.memory_space<vmem>>, %arg3: memref<1x512x64xf32, #tpu.memory_space<vmem>>, %arg4: memref<64x64xf32, #tpu.memory_space<vmem>>, %arg5: memref<1x64xf32, #tpu.memory_space<vmem>>, %arg6: memref<1x512x64xf32, #tpu.memory_space<vmem>>) attributes {dimension_semantics = [#tpu.dimension_semantics<arbitrary>, #tpu.dimension_semantics<arbitrary>], iteration_bounds = array<i64: 2, 16>, scalar_prefetch = 0 : i64, scratch_operands = 0 : i64, tpu.core_type = #tpu.core_type<tc>, window_params = [{transform_indices = @transform_0, window_bounds = array<i64: 1, 16, 512, 128>}, {transform_indices = @transform_1, window_bounds = array<i64: 1, 512, 64>}, {pipeline_mode = #tpu.pipeline_mode<synchronous>, transform_indices = @transform_2, window_bounds = array<i64: 64, 64>}, {pipeline_mode = #tpu.pipeline_mode<synchronous>, transform_indices = @transform_3, window_bounds = array<i64: 1, 64>}, {transform_indices = @transform_4, window_bounds = array<i64: 1, 512, 64>}]} {
    %get3A = arith.constant 0 : index
    %get3A_0 = arith.constant 0 : index
    %get3A_1 = arith.constant 0 : index
    %get3A_2 = vector.load %arg3[%get3A, %get3A_0, %get3A_1] : memref<1x512x64xf32, #tpu.memory_space<vmem>>, vector<1x512x64xf32>
    %get3A_3 = vector.shape_cast %get3A_2 : vector<1x512x64xf32> to vector<512x64xf32>
    %broadcast_in_dim3A = arith.constant -3.000000e+38 : f32
    %broadcast_in_dim3A_4 = vector.broadcast %broadcast_in_dim3A : f32 to vector<512x64xf32>
    %get3A_5 = arith.constant 0 : index
    %get3A_6 = arith.constant 0 : index
    %get3A_7 = arith.constant 0 : index
    %get3A_8 = arith.constant 0 : index
    %get3A_9 = vector.load %arg2[%get3A_5, %get3A_6, %get3A_7, %get3A_8] : memref<1x16x512x128xf32, #tpu.memory_space<vmem>>, vector<1x1x512x64xf32>
    %get3A_10 = vector.shape_cast %get3A_9 : vector<1x1x512x64xf32> to vector<512x64xf32>
    %add3A = arith.addf %get3A_10, %get3A_3 : vector<512x64xf32>
    %gt3A = arith.constant 0.000000e+00 : f32
    %gt3A_11 = vector.broadcast %gt3A : f32 to vector<512x64xf32>
    %gt3A_12 = arith.cmpf ogt, %add3A, %gt3A_11 : vector<512x64xf32>
    %mul3A = arith.constant 1.000000e-01 : f32
    %mul3A_13 = vector.broadcast %mul3A : f32 to vector<512x64xf32>
    %mul3A_14 = arith.mulf %mul3A_13, %add3A : vector<512x64xf32>
    %select_n3A = arith.select %gt3A_12, %add3A, %mul3A_14 : vector<512x64xi1>, vector<512x64xf32>
    %get3A_15 = arith.constant 0 : index
    %get3A_16 = arith.constant 0 : index
    %get3A_17 = vector.load %arg4[%get3A_15, %get3A_16] : memref<64x64xf32, #tpu.memory_space<vmem>>, vector<64x64xf32>
    %dot_general3A = arith.constant dense<0.000000e+00> : vector<512x64xf32>
    %dot_general3A_18 = tpu.matmul %select_n3A, %get3A_17, %dot_general3A {dimension_numbers = #tpu.dot_dimension_numbers<[1], [1], [0], [0], [0, 0, 1, 0], [], []>, precision = #tpu.contract_precision<fp32>, transpose_lhs_hint = false} : vector<512x64xf32>, vector<64x64xf32>, vector<512x64xf32> -> vector<512x64xf32>
    %get3A_19 = arith.constant 0 : index
    %get3A_20 = arith.constant 0 : index
    %get3A_21 = vector.load %arg5[%get3A_19, %get3A_20] : memref<1x64xf32, #tpu.memory_space<vmem>>, vector<1x64xf32>
    %add3A_22 = vector.broadcast %get3A_21 : vector<1x64xf32> to vector<512x64xf32>
    %add3A_23 = arith.addf %dot_general3A_18, %add3A_22 : vector<512x64xf32>
    %gt3A_24 = arith.constant 0.000000e+00 : f32
    %gt3A_25 = vector.broadcast %gt3A_24 : f32 to vector<512x64xf32>
    %gt3A_26 = arith.cmpf ogt, %add3A_23, %gt3A_25 : vector<512x64xf32>
    %mul3A_27 = arith.constant 1.000000e-01 : f32
    %mul3A_28 = vector.broadcast %mul3A_27 : f32 to vector<512x64xf32>
    %mul3A_29 = arith.mulf %mul3A_28, %add3A_23 : vector<512x64xf32>
    %select_n3A_30 = arith.select %gt3A_26, %add3A_23, %mul3A_29 : vector<512x64xi1>, vector<512x64xf32>
    %max3A = arith.maximumf %broadcast_in_dim3A_4, %select_n3A_30 : vector<512x64xf32>
    %get3A_31 = arith.constant 0 : index
    %get3A_32 = arith.constant 1 : index
    %get3A_33 = arith.constant 0 : index
    %get3A_34 = arith.constant 0 : index
    %get3A_35 = vector.load %arg2[%get3A_31, %get3A_32, %get3A_33, %get3A_34] : memref<1x16x512x128xf32, #tpu.memory_space<vmem>>, vector<1x1x512x64xf32>
    %get3A_36 = vector.shape_cast %get3A_35 : vector<1x1x512x64xf32> to vector<512x64xf32>
    %add3A_37 = arith.addf %get3A_36, %get3A_3 : vector<512x64xf32>
    %gt3A_38 = arith.constant 0.000000e+00 : f32
    %gt3A_39 = vector.broadcast %gt3A_38 : f32 to vector<512x64xf32>
    %gt3A_40 = arith.cmpf ogt, %add3A_37, %gt3A_39 : vector<512x64xf32>
    %mul3A_41 = arith.constant 1.000000e-01 : f32
    %mul3A_42 = vector.broadcast %mul3A_41 : f32 to vector<512x64xf32>
    %mul3A_43 = arith.mulf %mul3A_42, %add3A_37 : vector<512x64xf32>
    %select_n3A_44 = arith.select %gt3A_40, %add3A_37, %mul3A_43 : vector<512x64xi1>, vector<512x64xf32>
    %get3A_45 = arith.constant 0 : index
    %get3A_46 = arith.constant 0 : index
    %get3A_47 = vector.load %arg4[%get3A_45, %get3A_46] : memref<64x64xf32, #tpu.memory_space<vmem>>, vector<64x64xf32>
    %dot_general3A_48 = arith.constant dense<0.000000e+00> : vector<512x64xf32>
    %dot_general3A_49 = tpu.matmul %select_n3A_44, %get3A_47, %dot_general3A_48 {dimension_numbers = #tpu.dot_dimension_numbers<[1], [1], [0], [0], [0, 0, 1, 0], [], []>, precision = #tpu.contract_precision<fp32>, transpose_lhs_hint = false} : vector<512x64xf32>, vector<64x64xf32>, vector<512x64xf32> -> vector<512x64xf32>
    %get3A_50 = arith.constant 0 : index
    %get3A_51 = arith.constant 0 : index
    %get3A_52 = vector.load %arg5[%get3A_50, %get3A_51] : memref<1x64xf32, #tpu.memory_space<vmem>>, vector<1x64xf32>
    %add3A_53 = vector.broadcast %get3A_52 : vector<1x64xf32> to vector<512x64xf32>
    %add3A_54 = arith.addf %dot_general3A_49, %add3A_53 : vector<512x64xf32>
    %gt3A_55 = arith.constant 0.000000e+00 : f32
    %gt3A_56 = vector.broadcast %gt3A_55 : f32 to vector<512x64xf32>
    %gt3A_57 = arith.cmpf ogt, %add3A_54, %gt3A_56 : vector<512x64xf32>
    %mul3A_58 = arith.constant 1.000000e-01 : f32
    %mul3A_59 = vector.broadcast %mul3A_58 : f32 to vector<512x64xf32>
    %mul3A_60 = arith.mulf %mul3A_59, %add3A_54 : vector<512x64xf32>
    %select_n3A_61 = arith.select %gt3A_57, %add3A_54, %mul3A_60 : vector<512x64xi1>, vector<512x64xf32>
    %max3A_62 = arith.maximumf %max3A, %select_n3A_61 : vector<512x64xf32>
    %get3A_63 = arith.constant 0 : index
    %get3A_64 = arith.constant 2 : index
    %get3A_65 = arith.constant 0 : index
    %get3A_66 = arith.constant 0 : index
    %get3A_67 = vector.load %arg2[%get3A_63, %get3A_64, %get3A_65, %get3A_66] : memref<1x16x512x128xf32, #tpu.memory_space<vmem>>, vector<1x1x512x64xf32>
    %get3A_68 = vector.shape_cast %get3A_67 : vector<1x1x512x64xf32> to vector<512x64xf32>
    %add3A_69 = arith.addf %get3A_68, %get3A_3 : vector<512x64xf32>
    %gt3A_70 = arith.constant 0.000000e+00 : f32
    %gt3A_71 = vector.broadcast %gt3A_70 : f32 to vector<512x64xf32>
    %gt3A_72 = arith.cmpf ogt, %add3A_69, %gt3A_71 : vector<512x64xf32>
    %mul3A_73 = arith.constant 1.000000e-01 : f32
    %mul3A_74 = vector.broadcast %mul3A_73 : f32 to vector<512x64xf32>
    %mul3A_75 = arith.mulf %mul3A_74, %add3A_69 : vector<512x64xf32>
    %select_n3A_76 = arith.select %gt3A_72, %add3A_69, %mul3A_75 : vector<512x64xi1>, vector<512x64xf32>
    %get3A_77 = arith.constant 0 : index
    %get3A_78 = arith.constant 0 : index
    %get3A_79 = vector.load %arg4[%get3A_77, %get3A_78] : memref<64x64xf32, #tpu.memory_space<vmem>>, vector<64x64xf32>
    %dot_general3A_80 = arith.constant dense<0.000000e+00> : vector<512x64xf32>
    %dot_general3A_81 = tpu.matmul %select_n3A_76, %get3A_79, %dot_general3A_80 {dimension_numbers = #tpu.dot_dimension_numbers<[1], [1], [0], [0], [0, 0, 1, 0], [], []>, precision = #tpu.contract_precision<fp32>, transpose_lhs_hint = false} : vector<512x64xf32>, vector<64x64xf32>, vector<512x64xf32> -> vector<512x64xf32>
    %get3A_82 = arith.constant 0 : index
    %get3A_83 = arith.constant 0 : index
    %get3A_84 = vector.load %arg5[%get3A_82, %get3A_83] : memref<1x64xf32, #tpu.memory_space<vmem>>, vector<1x64xf32>
    %add3A_85 = vector.broadcast %get3A_84 : vector<1x64xf32> to vector<512x64xf32>
    %add3A_86 = arith.addf %dot_general3A_81, %add3A_85 : vector<512x64xf32>
    %gt3A_87 = arith.constant 0.000000e+00 : f32
    %gt3A_88 = vector.broadcast %gt3A_87 : f32 to vector<512x64xf32>
    %gt3A_89 = arith.cmpf ogt, %add3A_86, %gt3A_88 : vector<512x64xf32>
    %mul3A_90 = arith.constant 1.000000e-01 : f32
    %mul3A_91 = vector.broadcast %mul3A_90 : f32 to vector<512x64xf32>
    %mul3A_92 = arith.mulf %mul3A_91, %add3A_86 : vector<512x64xf32>
    %select_n3A_93 = arith.select %gt3A_89, %add3A_86, %mul3A_92 : vector<512x64xi1>, vector<512x64xf32>
    %max3A_94 = arith.maximumf %max3A_62, %select_n3A_93 : vector<512x64xf32>
    %get3A_95 = arith.constant 0 : index
    %get3A_96 = arith.constant 3 : index
    %get3A_97 = arith.constant 0 : index
    %get3A_98 = arith.constant 0 : index
    %get3A_99 = vector.load %arg2[%get3A_95, %get3A_96, %get3A_97, %get3A_98] : memref<1x16x512x128xf32, #tpu.memory_space<vmem>>, vector<1x1x512x64xf32>
    %get3A_100 = vector.shape_cast %get3A_99 : vector<1x1x512x64xf32> to vector<512x64xf32>
    %add3A_101 = arith.addf %get3A_100, %get3A_3 : vector<512x64xf32>
    %gt3A_102 = arith.constant 0.000000e+00 : f32
    %gt3A_103 = vector.broadcast %gt3A_102 : f32 to vector<512x64xf32>
    %gt3A_104 = arith.cmpf ogt, %add3A_101, %gt3A_103 : vector<512x64xf32>
    %mul3A_105 = arith.constant 1.000000e-01 : f32
    %mul3A_106 = vector.broadcast %mul3A_105 : f32 to vector<512x64xf32>
    %mul3A_107 = arith.mulf %mul3A_106, %add3A_101 : vector<512x64xf32>
    %select_n3A_108 = arith.select %gt3A_104, %add3A_101, %mul3A_107 : vector<512x64xi1>, vector<512x64xf32>
    %get3A_109 = arith.constant 0 : index
    %get3A_110 = arith.constant 0 : index
    %get3A_111 = vector.load %arg4[%get3A_109, %get3A_110] : memref<64x64xf32, #tpu.memory_space<vmem>>, vector<64x64xf32>
    %dot_general3A_112 = arith.constant dense<0.000000e+00> : vector<512x64xf32>
    %dot_general3A_113 = tpu.matmul %select_n3A_108, %get3A_111, %dot_general3A_112 {dimension_numbers = #tpu.dot_dimension_numbers<[1], [1], [0], [0], [0, 0, 1, 0], [], []>, precision = #tpu.contract_precision<fp32>, transpose_lhs_hint = false} : vector<512x64xf32>, vector<64x64xf32>, vector<512x64xf32> -> vector<512x64xf32>
    %get3A_114 = arith.constant 0 : index
    %get3A_115 = arith.constant 0 : index
    %get3A_116 = vector.load %arg5[%get3A_114, %get3A_115] : memref<1x64xf32, #tpu.memory_space<vmem>>, vector<1x64xf32>
    %add3A_117 = vector.broadcast %get3A_116 : vector<1x64xf32> to vector<512x64xf32>
    %add3A_118 = arith.addf %dot_general3A_113, %add3A_117 : vector<512x64xf32>
    %gt3A_119 = arith.constant 0.000000e+00 : f32
    %gt3A_120 = vector.broadcast %gt3A_119 : f32 to vector<512x64xf32>
    %gt3A_121 = arith.cmpf ogt, %add3A_118, %gt3A_120 : vector<512x64xf32>
    %mul3A_122 = arith.constant 1.000000e-01 : f32
    %mul3A_123 = vector.broadcast %mul3A_122 : f32 to vector<512x64xf32>
    %mul3A_124 = arith.mulf %mul3A_123, %add3A_118 : vector<512x64xf32>
    %select_n3A_125 = arith.select %gt3A_121, %add3A_118, %mul3A_124 : vector<512x64xi1>, vector<512x64xf32>
    %max3A_126 = arith.maximumf %max3A_94, %select_n3A_125 : vector<512x64xf32>
    %get3A_127 = arith.constant 0 : index
    %get3A_128 = arith.constant 4 : index
    %get3A_129 = arith.constant 0 : index
    %get3A_130 = arith.constant 0 : index
    %get3A_131 = vector.load %arg2[%get3A_127, %get3A_128, %get3A_129, %get3A_130] : memref<1x16x512x128xf32, #tpu.memory_space<vmem>>, vector<1x1x512x64xf32>
    %get3A_132 = vector.shape_cast %get3A_131 : vector<1x1x512x64xf32> to vector<512x64xf32>
    %add3A_133 = arith.addf %get3A_132, %get3A_3 : vector<512x64xf32>
    %gt3A_134 = arith.constant 0.000000e+00 : f32
    %gt3A_135 = vector.broadcast %gt3A_134 : f32 to vector<512x64xf32>
    %gt3A_136 = arith.cmpf ogt, %add3A_133, %gt3A_135 : vector<512x64xf32>
    %mul3A_137 = arith.constant 1.000000e-01 : f32
    %mul3A_138 = vector.broadcast %mul3A_137 : f32 to vector<512x64xf32>
    %mul3A_139 = arith.mulf %mul3A_138, %add3A_133 : vector<512x64xf32>
    %select_n3A_140 = arith.select %gt3A_136, %add3A_133, %mul3A_139 : vector<512x64xi1>, vector<512x64xf32>
    %get3A_141 = arith.constant 0 : index
    %get3A_142 = arith.constant 0 : index
    %get3A_143 = vector.load %arg4[%get3A_141, %get3A_142] : memref<64x64xf32, #tpu.memory_space<vmem>>, vector<64x64xf32>
    %dot_general3A_144 = arith.constant dense<0.000000e+00> : vector<512x64xf32>
    %dot_general3A_145 = tpu.matmul %select_n3A_140, %get3A_143, %dot_general3A_144 {dimension_numbers = #tpu.dot_dimension_numbers<[1], [1], [0], [0], [0, 0, 1, 0], [], []>, precision = #tpu.contract_precision<fp32>, transpose_lhs_hint = false} : vector<512x64xf32>, vector<64x64xf32>, vector<512x64xf32> -> vector<512x64xf32>
    %get3A_146 = arith.constant 0 : index
    %get3A_147 = arith.constant 0 : index
    %get3A_148 = vector.load %arg5[%get3A_146, %get3A_147] : memref<1x64xf32, #tpu.memory_space<vmem>>, vector<1x64xf32>
    %add3A_149 = vector.broadcast %get3A_148 : vector<1x64xf32> to vector<512x64xf32>
    %add3A_150 = arith.addf %dot_general3A_145, %add3A_149 : vector<512x64xf32>
    %gt3A_151 = arith.constant 0.000000e+00 : f32
    %gt3A_152 = vector.broadcast %gt3A_151 : f32 to vector<512x64xf32>
    %gt3A_153 = arith.cmpf ogt, %add3A_150, %gt3A_152 : vector<512x64xf32>
    %mul3A_154 = arith.constant 1.000000e-01 : f32
    %mul3A_155 = vector.broadcast %mul3A_154 : f32 to vector<512x64xf32>
    %mul3A_156 = arith.mulf %mul3A_155, %add3A_150 : vector<512x64xf32>
    %select_n3A_157 = arith.select %gt3A_153, %add3A_150, %mul3A_156 : vector<512x64xi1>, vector<512x64xf32>
    %max3A_158 = arith.maximumf %max3A_126, %select_n3A_157 : vector<512x64xf32>
    %get3A_159 = arith.constant 0 : index
    %get3A_160 = arith.constant 5 : index
    %get3A_161 = arith.constant 0 : index
    %get3A_162 = arith.constant 0 : index
    %get3A_163 = vector.load %arg2[%get3A_159, %get3A_160, %get3A_161, %get3A_162] : memref<1x16x512x128xf32, #tpu.memory_space<vmem>>, vector<1x1x512x64xf32>
    %get3A_164 = vector.shape_cast %get3A_163 : vector<1x1x512x64xf32> to vector<512x64xf32>
    %add3A_165 = arith.addf %get3A_164, %get3A_3 : vector<512x64xf32>
    %gt3A_166 = arith.constant 0.000000e+00 : f32
    %gt3A_167 = vector.broadcast %gt3A_166 : f32 to vector<512x64xf32>
    %gt3A_168 = arith.cmpf ogt, %add3A_165, %gt3A_167 : vector<512x64xf32>
    %mul3A_169 = arith.constant 1.000000e-01 : f32
    %mul3A_170 = vector.broadcast %mul3A_169 : f32 to vector<512x64xf32>
    %mul3A_171 = arith.mulf %mul3A_170, %add3A_165 : vector<512x64xf32>
    %select_n3A_172 = arith.select %gt3A_168, %add3A_165, %mul3A_171 : vector<512x64xi1>, vector<512x64xf32>
    %get3A_173 = arith.constant 0 : index
    %get3A_174 = arith.constant 0 : index
    %get3A_175 = vector.load %arg4[%get3A_173, %get3A_174] : memref<64x64xf32, #tpu.memory_space<vmem>>, vector<64x64xf32>
    %dot_general3A_176 = arith.constant dense<0.000000e+00> : vector<512x64xf32>
    %dot_general3A_177 = tpu.matmul %select_n3A_172, %get3A_175, %dot_general3A_176 {dimension_numbers = #tpu.dot_dimension_numbers<[1], [1], [0], [0], [0, 0, 1, 0], [], []>, precision = #tpu.contract_precision<fp32>, transpose_lhs_hint = false} : vector<512x64xf32>, vector<64x64xf32>, vector<512x64xf32> -> vector<512x64xf32>
    %get3A_178 = arith.constant 0 : index
    %get3A_179 = arith.constant 0 : index
    %get3A_180 = vector.load %arg5[%get3A_178, %get3A_179] : memref<1x64xf32, #tpu.memory_space<vmem>>, vector<1x64xf32>
    %add3A_181 = vector.broadcast %get3A_180 : vector<1x64xf32> to vector<512x64xf32>
    %add3A_182 = arith.addf %dot_general3A_177, %add3A_181 : vector<512x64xf32>
    %gt3A_183 = arith.constant 0.000000e+00 : f32
    %gt3A_184 = vector.broadcast %gt3A_183 : f32 to vector<512x64xf32>
    %gt3A_185 = arith.cmpf ogt, %add3A_182, %gt3A_184 : vector<512x64xf32>
    %mul3A_186 = arith.constant 1.000000e-01 : f32
    %mul3A_187 = vector.broadcast %mul3A_186 : f32 to vector<512x64xf32>
    %mul3A_188 = arith.mulf %mul3A_187, %add3A_182 : vector<512x64xf32>
    %select_n3A_189 = arith.select %gt3A_185, %add3A_182, %mul3A_188 : vector<512x64xi1>, vector<512x64xf32>
    %max3A_190 = arith.maximumf %max3A_158, %select_n3A_189 : vector<512x64xf32>
    %get3A_191 = arith.constant 0 : index
    %get3A_192 = arith.constant 6 : index
    %get3A_193 = arith.constant 0 : index
    %get3A_194 = arith.constant 0 : index
    %get3A_195 = vector.load %arg2[%get3A_191, %get3A_192, %get3A_193, %get3A_194] : memref<1x16x512x128xf32, #tpu.memory_space<vmem>>, vector<1x1x512x64xf32>
    %get3A_196 = vector.shape_cast %get3A_195 : vector<1x1x512x64xf32> to vector<512x64xf32>
    %add3A_197 = arith.addf %get3A_196, %get3A_3 : vector<512x64xf32>
    %gt3A_198 = arith.constant 0.000000e+00 : f32
    %gt3A_199 = vector.broadcast %gt3A_198 : f32 to vector<512x64xf32>
    %gt3A_200 = arith.cmpf ogt, %add3A_197, %gt3A_199 : vector<512x64xf32>
    %mul3A_201 = arith.constant 1.000000e-01 : f32
    %mul3A_202 = vector.broadcast %mul3A_201 : f32 to vector<512x64xf32>
    %mul3A_203 = arith.mulf %mul3A_202, %add3A_197 : vector<512x64xf32>
    %select_n3A_204 = arith.select %gt3A_200, %add3A_197, %mul3A_203 : vector<512x64xi1>, vector<512x64xf32>
    %get3A_205 = arith.constant 0 : index
    %get3A_206 = arith.constant 0 : index
    %get3A_207 = vector.load %arg4[%get3A_205, %get3A_206] : memref<64x64xf32, #tpu.memory_space<vmem>>, vector<64x64xf32>
    %dot_general3A_208 = arith.constant dense<0.000000e+00> : vector<512x64xf32>
    %dot_general3A_209 = tpu.matmul %select_n3A_204, %get3A_207, %dot_general3A_208 {dimension_numbers = #tpu.dot_dimension_numbers<[1], [1], [0], [0], [0, 0, 1, 0], [], []>, precision = #tpu.contract_precision<fp32>, transpose_lhs_hint = false} : vector<512x64xf32>, vector<64x64xf32>, vector<512x64xf32> -> vector<512x64xf32>
    %get3A_210 = arith.constant 0 : index
    %get3A_211 = arith.constant 0 : index
    %get3A_212 = vector.load %arg5[%get3A_210, %get3A_211] : memref<1x64xf32, #tpu.memory_space<vmem>>, vector<1x64xf32>
    %add3A_213 = vector.broadcast %get3A_212 : vector<1x64xf32> to vector<512x64xf32>
    %add3A_214 = arith.addf %dot_general3A_209, %add3A_213 : vector<512x64xf32>
    %gt3A_215 = arith.constant 0.000000e+00 : f32
    %gt3A_216 = vector.broadcast %gt3A_215 : f32 to vector<512x64xf32>
    %gt3A_217 = arith.cmpf ogt, %add3A_214, %gt3A_216 : vector<512x64xf32>
    %mul3A_218 = arith.constant 1.000000e-01 : f32
    %mul3A_219 = vector.broadcast %mul3A_218 : f32 to vector<512x64xf32>
    %mul3A_220 = arith.mulf %mul3A_219, %add3A_214 : vector<512x64xf32>
    %select_n3A_221 = arith.select %gt3A_217, %add3A_214, %mul3A_220 : vector<512x64xi1>, vector<512x64xf32>
    %max3A_222 = arith.maximumf %max3A_190, %select_n3A_221 : vector<512x64xf32>
    %get3A_223 = arith.constant 0 : index
    %get3A_224 = arith.constant 7 : index
    %get3A_225 = arith.constant 0 : index
    %get3A_226 = arith.constant 0 : index
    %get3A_227 = vector.load %arg2[%get3A_223, %get3A_224, %get3A_225, %get3A_226] : memref<1x16x512x128xf32, #tpu.memory_space<vmem>>, vector<1x1x512x64xf32>
    %get3A_228 = vector.shape_cast %get3A_227 : vector<1x1x512x64xf32> to vector<512x64xf32>
    %add3A_229 = arith.addf %get3A_228, %get3A_3 : vector<512x64xf32>
    %gt3A_230 = arith.constant 0.000000e+00 : f32
    %gt3A_231 = vector.broadcast %gt3A_230 : f32 to vector<512x64xf32>
    %gt3A_232 = arith.cmpf ogt, %add3A_229, %gt3A_231 : vector<512x64xf32>
    %mul3A_233 = arith.constant 1.000000e-01 : f32
    %mul3A_234 = vector.broadcast %mul3A_233 : f32 to vector<512x64xf32>
    %mul3A_235 = arith.mulf %mul3A_234, %add3A_229 : vector<512x64xf32>
    %select_n3A_236 = arith.select %gt3A_232, %add3A_229, %mul3A_235 : vector<512x64xi1>, vector<512x64xf32>
    %get3A_237 = arith.constant 0 : index
    %get3A_238 = arith.constant 0 : index
    %get3A_239 = vector.load %arg4[%get3A_237, %get3A_238] : memref<64x64xf32, #tpu.memory_space<vmem>>, vector<64x64xf32>
    %dot_general3A_240 = arith.constant dense<0.000000e+00> : vector<512x64xf32>
    %dot_general3A_241 = tpu.matmul %select_n3A_236, %get3A_239, %dot_general3A_240 {dimension_numbers = #tpu.dot_dimension_numbers<[1], [1], [0], [0], [0, 0, 1, 0], [], []>, precision = #tpu.contract_precision<fp32>, transpose_lhs_hint = false} : vector<512x64xf32>, vector<64x64xf32>, vector<512x64xf32> -> vector<512x64xf32>
    %get3A_242 = arith.constant 0 : index
    %get3A_243 = arith.constant 0 : index
    %get3A_244 = vector.load %arg5[%get3A_242, %get3A_243] : memref<1x64xf32, #tpu.memory_space<vmem>>, vector<1x64xf32>
    %add3A_245 = vector.broadcast %get3A_244 : vector<1x64xf32> to vector<512x64xf32>
    %add3A_246 = arith.addf %dot_general3A_241, %add3A_245 : vector<512x64xf32>
    %gt3A_247 = arith.constant 0.000000e+00 : f32
    %gt3A_248 = vector.broadcast %gt3A_247 : f32 to vector<512x64xf32>
    %gt3A_249 = arith.cmpf ogt, %add3A_246, %gt3A_248 : vector<512x64xf32>
    %mul3A_250 = arith.constant 1.000000e-01 : f32
    %mul3A_251 = vector.broadcast %mul3A_250 : f32 to vector<512x64xf32>
    %mul3A_252 = arith.mulf %mul3A_251, %add3A_246 : vector<512x64xf32>
    %select_n3A_253 = arith.select %gt3A_249, %add3A_246, %mul3A_252 : vector<512x64xi1>, vector<512x64xf32>
    %max3A_254 = arith.maximumf %max3A_222, %select_n3A_253 : vector<512x64xf32>
    %get3A_255 = arith.constant 0 : index
    %get3A_256 = arith.constant 8 : index
    %get3A_257 = arith.constant 0 : index
    %get3A_258 = arith.constant 0 : index
    %get3A_259 = vector.load %arg2[%get3A_255, %get3A_256, %get3A_257, %get3A_258] : memref<1x16x512x128xf32, #tpu.memory_space<vmem>>, vector<1x1x512x64xf32>
    %get3A_260 = vector.shape_cast %get3A_259 : vector<1x1x512x64xf32> to vector<512x64xf32>
    %add3A_261 = arith.addf %get3A_260, %get3A_3 : vector<512x64xf32>
    %gt3A_262 = arith.constant 0.000000e+00 : f32
    %gt3A_263 = vector.broadcast %gt3A_262 : f32 to vector<512x64xf32>
    %gt3A_264 = arith.cmpf ogt, %add3A_261, %gt3A_263 : vector<512x64xf32>
    %mul3A_265 = arith.constant 1.000000e-01 : f32
    %mul3A_266 = vector.broadcast %mul3A_265 : f32 to vector<512x64xf32>
    %mul3A_267 = arith.mulf %mul3A_266, %add3A_261 : vector<512x64xf32>
    %select_n3A_268 = arith.select %gt3A_264, %add3A_261, %mul3A_267 : vector<512x64xi1>, vector<512x64xf32>
    %get3A_269 = arith.constant 0 : index
    %get3A_270 = arith.constant 0 : index
    %get3A_271 = vector.load %arg4[%get3A_269, %get3A_270] : memref<64x64xf32, #tpu.memory_space<vmem>>, vector<64x64xf32>
    %dot_general3A_272 = arith.constant dense<0.000000e+00> : vector<512x64xf32>
    %dot_general3A_273 = tpu.matmul %select_n3A_268, %get3A_271, %dot_general3A_272 {dimension_numbers = #tpu.dot_dimension_numbers<[1], [1], [0], [0], [0, 0, 1, 0], [], []>, precision = #tpu.contract_precision<fp32>, transpose_lhs_hint = false} : vector<512x64xf32>, vector<64x64xf32>, vector<512x64xf32> -> vector<512x64xf32>
    %get3A_274 = arith.constant 0 : index
    %get3A_275 = arith.constant 0 : index
    %get3A_276 = vector.load %arg5[%get3A_274, %get3A_275] : memref<1x64xf32, #tpu.memory_space<vmem>>, vector<1x64xf32>
    %add3A_277 = vector.broadcast %get3A_276 : vector<1x64xf32> to vector<512x64xf32>
    %add3A_278 = arith.addf %dot_general3A_273, %add3A_277 : vector<512x64xf32>
    %gt3A_279 = arith.constant 0.000000e+00 : f32
    %gt3A_280 = vector.broadcast %gt3A_279 : f32 to vector<512x64xf32>
    %gt3A_281 = arith.cmpf ogt, %add3A_278, %gt3A_280 : vector<512x64xf32>
    %mul3A_282 = arith.constant 1.000000e-01 : f32
    %mul3A_283 = vector.broadcast %mul3A_282 : f32 to vector<512x64xf32>
    %mul3A_284 = arith.mulf %mul3A_283, %add3A_278 : vector<512x64xf32>
    %select_n3A_285 = arith.select %gt3A_281, %add3A_278, %mul3A_284 : vector<512x64xi1>, vector<512x64xf32>
    %max3A_286 = arith.maximumf %max3A_254, %select_n3A_285 : vector<512x64xf32>
    %get3A_287 = arith.constant 0 : index
    %get3A_288 = arith.constant 9 : index
    %get3A_289 = arith.constant 0 : index
    %get3A_290 = arith.constant 0 : index
    %get3A_291 = vector.load %arg2[%get3A_287, %get3A_288, %get3A_289, %get3A_290] : memref<1x16x512x128xf32, #tpu.memory_space<vmem>>, vector<1x1x512x64xf32>
    %get3A_292 = vector.shape_cast %get3A_291 : vector<1x1x512x64xf32> to vector<512x64xf32>
    %add3A_293 = arith.addf %get3A_292, %get3A_3 : vector<512x64xf32>
    %gt3A_294 = arith.constant 0.000000e+00 : f32
    %gt3A_295 = vector.broadcast %gt3A_294 : f32 to vector<512x64xf32>
    %gt3A_296 = arith.cmpf ogt, %add3A_293, %gt3A_295 : vector<512x64xf32>
    %mul3A_297 = arith.constant 1.000000e-01 : f32
    %mul3A_298 = vector.broadcast %mul3A_297 : f32 to vector<512x64xf32>
    %mul3A_299 = arith.mulf %mul3A_298, %add3A_293 : vector<512x64xf32>
    %select_n3A_300 = arith.select %gt3A_296, %add3A_293, %mul3A_299 : vector<512x64xi1>, vector<512x64xf32>
    %get3A_301 = arith.constant 0 : index
    %get3A_302 = arith.constant 0 : index
    %get3A_303 = vector.load %arg4[%get3A_301, %get3A_302] : memref<64x64xf32, #tpu.memory_space<vmem>>, vector<64x64xf32>
    %dot_general3A_304 = arith.constant dense<0.000000e+00> : vector<512x64xf32>
    %dot_general3A_305 = tpu.matmul %select_n3A_300, %get3A_303, %dot_general3A_304 {dimension_numbers = #tpu.dot_dimension_numbers<[1], [1], [0], [0], [0, 0, 1, 0], [], []>, precision = #tpu.contract_precision<fp32>, transpose_lhs_hint = false} : vector<512x64xf32>, vector<64x64xf32>, vector<512x64xf32> -> vector<512x64xf32>
    %get3A_306 = arith.constant 0 : index
    %get3A_307 = arith.constant 0 : index
    %get3A_308 = vector.load %arg5[%get3A_306, %get3A_307] : memref<1x64xf32, #tpu.memory_space<vmem>>, vector<1x64xf32>
    %add3A_309 = vector.broadcast %get3A_308 : vector<1x64xf32> to vector<512x64xf32>
    %add3A_310 = arith.addf %dot_general3A_305, %add3A_309 : vector<512x64xf32>
    %gt3A_311 = arith.constant 0.000000e+00 : f32
    %gt3A_312 = vector.broadcast %gt3A_311 : f32 to vector<512x64xf32>
    %gt3A_313 = arith.cmpf ogt, %add3A_310, %gt3A_312 : vector<512x64xf32>
    %mul3A_314 = arith.constant 1.000000e-01 : f32
    %mul3A_315 = vector.broadcast %mul3A_314 : f32 to vector<512x64xf32>
    %mul3A_316 = arith.mulf %mul3A_315, %add3A_310 : vector<512x64xf32>
    %select_n3A_317 = arith.select %gt3A_313, %add3A_310, %mul3A_316 : vector<512x64xi1>, vector<512x64xf32>
    %max3A_318 = arith.maximumf %max3A_286, %select_n3A_317 : vector<512x64xf32>
    %get3A_319 = arith.constant 0 : index
    %get3A_320 = arith.constant 10 : index
    %get3A_321 = arith.constant 0 : index
    %get3A_322 = arith.constant 0 : index
    %get3A_323 = vector.load %arg2[%get3A_319, %get3A_320, %get3A_321, %get3A_322] : memref<1x16x512x128xf32, #tpu.memory_space<vmem>>, vector<1x1x512x64xf32>
    %get3A_324 = vector.shape_cast %get3A_323 : vector<1x1x512x64xf32> to vector<512x64xf32>
    %add3A_325 = arith.addf %get3A_324, %get3A_3 : vector<512x64xf32>
    %gt3A_326 = arith.constant 0.000000e+00 : f32
    %gt3A_327 = vector.broadcast %gt3A_326 : f32 to vector<512x64xf32>
    %gt3A_328 = arith.cmpf ogt, %add3A_325, %gt3A_327 : vector<512x64xf32>
    %mul3A_329 = arith.constant 1.000000e-01 : f32
    %mul3A_330 = vector.broadcast %mul3A_329 : f32 to vector<512x64xf32>
    %mul3A_331 = arith.mulf %mul3A_330, %add3A_325 : vector<512x64xf32>
    %select_n3A_332 = arith.select %gt3A_328, %add3A_325, %mul3A_331 : vector<512x64xi1>, vector<512x64xf32>
    %get3A_333 = arith.constant 0 : index
    %get3A_334 = arith.constant 0 : index
    %get3A_335 = vector.load %arg4[%get3A_333, %get3A_334] : memref<64x64xf32, #tpu.memory_space<vmem>>, vector<64x64xf32>
    %dot_general3A_336 = arith.constant dense<0.000000e+00> : vector<512x64xf32>
    %dot_general3A_337 = tpu.matmul %select_n3A_332, %get3A_335, %dot_general3A_336 {dimension_numbers = #tpu.dot_dimension_numbers<[1], [1], [0], [0], [0, 0, 1, 0], [], []>, precision = #tpu.contract_precision<fp32>, transpose_lhs_hint = false} : vector<512x64xf32>, vector<64x64xf32>, vector<512x64xf32> -> vector<512x64xf32>
    %get3A_338 = arith.constant 0 : index
    %get3A_339 = arith.constant 0 : index
    %get3A_340 = vector.load %arg5[%get3A_338, %get3A_339] : memref<1x64xf32, #tpu.memory_space<vmem>>, vector<1x64xf32>
    %add3A_341 = vector.broadcast %get3A_340 : vector<1x64xf32> to vector<512x64xf32>
    %add3A_342 = arith.addf %dot_general3A_337, %add3A_341 : vector<512x64xf32>
    %gt3A_343 = arith.constant 0.000000e+00 : f32
    %gt3A_344 = vector.broadcast %gt3A_343 : f32 to vector<512x64xf32>
    %gt3A_345 = arith.cmpf ogt, %add3A_342, %gt3A_344 : vector<512x64xf32>
    %mul3A_346 = arith.constant 1.000000e-01 : f32
    %mul3A_347 = vector.broadcast %mul3A_346 : f32 to vector<512x64xf32>
    %mul3A_348 = arith.mulf %mul3A_347, %add3A_342 : vector<512x64xf32>
    %select_n3A_349 = arith.select %gt3A_345, %add3A_342, %mul3A_348 : vector<512x64xi1>, vector<512x64xf32>
    %max3A_350 = arith.maximumf %max3A_318, %select_n3A_349 : vector<512x64xf32>
    %get3A_351 = arith.constant 0 : index
    %get3A_352 = arith.constant 11 : index
    %get3A_353 = arith.constant 0 : index
    %get3A_354 = arith.constant 0 : index
    %get3A_355 = vector.load %arg2[%get3A_351, %get3A_352, %get3A_353, %get3A_354] : memref<1x16x512x128xf32, #tpu.memory_space<vmem>>, vector<1x1x512x64xf32>
    %get3A_356 = vector.shape_cast %get3A_355 : vector<1x1x512x64xf32> to vector<512x64xf32>
    %add3A_357 = arith.addf %get3A_356, %get3A_3 : vector<512x64xf32>
    %gt3A_358 = arith.constant 0.000000e+00 : f32
    %gt3A_359 = vector.broadcast %gt3A_358 : f32 to vector<512x64xf32>
    %gt3A_360 = arith.cmpf ogt, %add3A_357, %gt3A_359 : vector<512x64xf32>
    %mul3A_361 = arith.constant 1.000000e-01 : f32
    %mul3A_362 = vector.broadcast %mul3A_361 : f32 to vector<512x64xf32>
    %mul3A_363 = arith.mulf %mul3A_362, %add3A_357 : vector<512x64xf32>
    %select_n3A_364 = arith.select %gt3A_360, %add3A_357, %mul3A_363 : vector<512x64xi1>, vector<512x64xf32>
    %get3A_365 = arith.constant 0 : index
    %get3A_366 = arith.constant 0 : index
    %get3A_367 = vector.load %arg4[%get3A_365, %get3A_366] : memref<64x64xf32, #tpu.memory_space<vmem>>, vector<64x64xf32>
    %dot_general3A_368 = arith.constant dense<0.000000e+00> : vector<512x64xf32>
    %dot_general3A_369 = tpu.matmul %select_n3A_364, %get3A_367, %dot_general3A_368 {dimension_numbers = #tpu.dot_dimension_numbers<[1], [1], [0], [0], [0, 0, 1, 0], [], []>, precision = #tpu.contract_precision<fp32>, transpose_lhs_hint = false} : vector<512x64xf32>, vector<64x64xf32>, vector<512x64xf32> -> vector<512x64xf32>
    %get3A_370 = arith.constant 0 : index
    %get3A_371 = arith.constant 0 : index
    %get3A_372 = vector.load %arg5[%get3A_370, %get3A_371] : memref<1x64xf32, #tpu.memory_space<vmem>>, vector<1x64xf32>
    %add3A_373 = vector.broadcast %get3A_372 : vector<1x64xf32> to vector<512x64xf32>
    %add3A_374 = arith.addf %dot_general3A_369, %add3A_373 : vector<512x64xf32>
    %gt3A_375 = arith.constant 0.000000e+00 : f32
    %gt3A_376 = vector.broadcast %gt3A_375 : f32 to vector<512x64xf32>
    %gt3A_377 = arith.cmpf ogt, %add3A_374, %gt3A_376 : vector<512x64xf32>
    %mul3A_378 = arith.constant 1.000000e-01 : f32
    %mul3A_379 = vector.broadcast %mul3A_378 : f32 to vector<512x64xf32>
    %mul3A_380 = arith.mulf %mul3A_379, %add3A_374 : vector<512x64xf32>
    %select_n3A_381 = arith.select %gt3A_377, %add3A_374, %mul3A_380 : vector<512x64xi1>, vector<512x64xf32>
    %max3A_382 = arith.maximumf %max3A_350, %select_n3A_381 : vector<512x64xf32>
    %get3A_383 = arith.constant 0 : index
    %get3A_384 = arith.constant 12 : index
    %get3A_385 = arith.constant 0 : index
    %get3A_386 = arith.constant 0 : index
    %get3A_387 = vector.load %arg2[%get3A_383, %get3A_384, %get3A_385, %get3A_386] : memref<1x16x512x128xf32, #tpu.memory_space<vmem>>, vector<1x1x512x64xf32>
    %get3A_388 = vector.shape_cast %get3A_387 : vector<1x1x512x64xf32> to vector<512x64xf32>
    %add3A_389 = arith.addf %get3A_388, %get3A_3 : vector<512x64xf32>
    %gt3A_390 = arith.constant 0.000000e+00 : f32
    %gt3A_391 = vector.broadcast %gt3A_390 : f32 to vector<512x64xf32>
    %gt3A_392 = arith.cmpf ogt, %add3A_389, %gt3A_391 : vector<512x64xf32>
    %mul3A_393 = arith.constant 1.000000e-01 : f32
    %mul3A_394 = vector.broadcast %mul3A_393 : f32 to vector<512x64xf32>
    %mul3A_395 = arith.mulf %mul3A_394, %add3A_389 : vector<512x64xf32>
    %select_n3A_396 = arith.select %gt3A_392, %add3A_389, %mul3A_395 : vector<512x64xi1>, vector<512x64xf32>
    %get3A_397 = arith.constant 0 : index
    %get3A_398 = arith.constant 0 : index
    %get3A_399 = vector.load %arg4[%get3A_397, %get3A_398] : memref<64x64xf32, #tpu.memory_space<vmem>>, vector<64x64xf32>
    %dot_general3A_400 = arith.constant dense<0.000000e+00> : vector<512x64xf32>
    %dot_general3A_401 = tpu.matmul %select_n3A_396, %get3A_399, %dot_general3A_400 {dimension_numbers = #tpu.dot_dimension_numbers<[1], [1], [0], [0], [0, 0, 1, 0], [], []>, precision = #tpu.contract_precision<fp32>, transpose_lhs_hint = false} : vector<512x64xf32>, vector<64x64xf32>, vector<512x64xf32> -> vector<512x64xf32>
    %get3A_402 = arith.constant 0 : index
    %get3A_403 = arith.constant 0 : index
    %get3A_404 = vector.load %arg5[%get3A_402, %get3A_403] : memref<1x64xf32, #tpu.memory_space<vmem>>, vector<1x64xf32>
    %add3A_405 = vector.broadcast %get3A_404 : vector<1x64xf32> to vector<512x64xf32>
    %add3A_406 = arith.addf %dot_general3A_401, %add3A_405 : vector<512x64xf32>
    %gt3A_407 = arith.constant 0.000000e+00 : f32
    %gt3A_408 = vector.broadcast %gt3A_407 : f32 to vector<512x64xf32>
    %gt3A_409 = arith.cmpf ogt, %add3A_406, %gt3A_408 : vector<512x64xf32>
    %mul3A_410 = arith.constant 1.000000e-01 : f32
    %mul3A_411 = vector.broadcast %mul3A_410 : f32 to vector<512x64xf32>
    %mul3A_412 = arith.mulf %mul3A_411, %add3A_406 : vector<512x64xf32>
    %select_n3A_413 = arith.select %gt3A_409, %add3A_406, %mul3A_412 : vector<512x64xi1>, vector<512x64xf32>
    %max3A_414 = arith.maximumf %max3A_382, %select_n3A_413 : vector<512x64xf32>
    %get3A_415 = arith.constant 0 : index
    %get3A_416 = arith.constant 13 : index
    %get3A_417 = arith.constant 0 : index
    %get3A_418 = arith.constant 0 : index
    %get3A_419 = vector.load %arg2[%get3A_415, %get3A_416, %get3A_417, %get3A_418] : memref<1x16x512x128xf32, #tpu.memory_space<vmem>>, vector<1x1x512x64xf32>
    %get3A_420 = vector.shape_cast %get3A_419 : vector<1x1x512x64xf32> to vector<512x64xf32>
    %add3A_421 = arith.addf %get3A_420, %get3A_3 : vector<512x64xf32>
    %gt3A_422 = arith.constant 0.000000e+00 : f32
    %gt3A_423 = vector.broadcast %gt3A_422 : f32 to vector<512x64xf32>
    %gt3A_424 = arith.cmpf ogt, %add3A_421, %gt3A_423 : vector<512x64xf32>
    %mul3A_425 = arith.constant 1.000000e-01 : f32
    %mul3A_426 = vector.broadcast %mul3A_425 : f32 to vector<512x64xf32>
    %mul3A_427 = arith.mulf %mul3A_426, %add3A_421 : vector<512x64xf32>
    %select_n3A_428 = arith.select %gt3A_424, %add3A_421, %mul3A_427 : vector<512x64xi1>, vector<512x64xf32>
    %get3A_429 = arith.constant 0 : index
    %get3A_430 = arith.constant 0 : index
    %get3A_431 = vector.load %arg4[%get3A_429, %get3A_430] : memref<64x64xf32, #tpu.memory_space<vmem>>, vector<64x64xf32>
    %dot_general3A_432 = arith.constant dense<0.000000e+00> : vector<512x64xf32>
    %dot_general3A_433 = tpu.matmul %select_n3A_428, %get3A_431, %dot_general3A_432 {dimension_numbers = #tpu.dot_dimension_numbers<[1], [1], [0], [0], [0, 0, 1, 0], [], []>, precision = #tpu.contract_precision<fp32>, transpose_lhs_hint = false} : vector<512x64xf32>, vector<64x64xf32>, vector<512x64xf32> -> vector<512x64xf32>
    %get3A_434 = arith.constant 0 : index
    %get3A_435 = arith.constant 0 : index
    %get3A_436 = vector.load %arg5[%get3A_434, %get3A_435] : memref<1x64xf32, #tpu.memory_space<vmem>>, vector<1x64xf32>
    %add3A_437 = vector.broadcast %get3A_436 : vector<1x64xf32> to vector<512x64xf32>
    %add3A_438 = arith.addf %dot_general3A_433, %add3A_437 : vector<512x64xf32>
    %gt3A_439 = arith.constant 0.000000e+00 : f32
    %gt3A_440 = vector.broadcast %gt3A_439 : f32 to vector<512x64xf32>
    %gt3A_441 = arith.cmpf ogt, %add3A_438, %gt3A_440 : vector<512x64xf32>
    %mul3A_442 = arith.constant 1.000000e-01 : f32
    %mul3A_443 = vector.broadcast %mul3A_442 : f32 to vector<512x64xf32>
    %mul3A_444 = arith.mulf %mul3A_443, %add3A_438 : vector<512x64xf32>
    %select_n3A_445 = arith.select %gt3A_441, %add3A_438, %mul3A_444 : vector<512x64xi1>, vector<512x64xf32>
    %max3A_446 = arith.maximumf %max3A_414, %select_n3A_445 : vector<512x64xf32>
    %get3A_447 = arith.constant 0 : index
    %get3A_448 = arith.constant 14 : index
    %get3A_449 = arith.constant 0 : index
    %get3A_450 = arith.constant 0 : index
    %get3A_451 = vector.load %arg2[%get3A_447, %get3A_448, %get3A_449, %get3A_450] : memref<1x16x512x128xf32, #tpu.memory_space<vmem>>, vector<1x1x512x64xf32>
    %get3A_452 = vector.shape_cast %get3A_451 : vector<1x1x512x64xf32> to vector<512x64xf32>
    %add3A_453 = arith.addf %get3A_452, %get3A_3 : vector<512x64xf32>
    %gt3A_454 = arith.constant 0.000000e+00 : f32
    %gt3A_455 = vector.broadcast %gt3A_454 : f32 to vector<512x64xf32>
    %gt3A_456 = arith.cmpf ogt, %add3A_453, %gt3A_455 : vector<512x64xf32>
    %mul3A_457 = arith.constant 1.000000e-01 : f32
    %mul3A_458 = vector.broadcast %mul3A_457 : f32 to vector<512x64xf32>
    %mul3A_459 = arith.mulf %mul3A_458, %add3A_453 : vector<512x64xf32>
    %select_n3A_460 = arith.select %gt3A_456, %add3A_453, %mul3A_459 : vector<512x64xi1>, vector<512x64xf32>
    %get3A_461 = arith.constant 0 : index
    %get3A_462 = arith.constant 0 : index
    %get3A_463 = vector.load %arg4[%get3A_461, %get3A_462] : memref<64x64xf32, #tpu.memory_space<vmem>>, vector<64x64xf32>
    %dot_general3A_464 = arith.constant dense<0.000000e+00> : vector<512x64xf32>
    %dot_general3A_465 = tpu.matmul %select_n3A_460, %get3A_463, %dot_general3A_464 {dimension_numbers = #tpu.dot_dimension_numbers<[1], [1], [0], [0], [0, 0, 1, 0], [], []>, precision = #tpu.contract_precision<fp32>, transpose_lhs_hint = false} : vector<512x64xf32>, vector<64x64xf32>, vector<512x64xf32> -> vector<512x64xf32>
    %get3A_466 = arith.constant 0 : index
    %get3A_467 = arith.constant 0 : index
    %get3A_468 = vector.load %arg5[%get3A_466, %get3A_467] : memref<1x64xf32, #tpu.memory_space<vmem>>, vector<1x64xf32>
    %add3A_469 = vector.broadcast %get3A_468 : vector<1x64xf32> to vector<512x64xf32>
    %add3A_470 = arith.addf %dot_general3A_465, %add3A_469 : vector<512x64xf32>
    %gt3A_471 = arith.constant 0.000000e+00 : f32
    %gt3A_472 = vector.broadcast %gt3A_471 : f32 to vector<512x64xf32>
    %gt3A_473 = arith.cmpf ogt, %add3A_470, %gt3A_472 : vector<512x64xf32>
    %mul3A_474 = arith.constant 1.000000e-01 : f32
    %mul3A_475 = vector.broadcast %mul3A_474 : f32 to vector<512x64xf32>
    %mul3A_476 = arith.mulf %mul3A_475, %add3A_470 : vector<512x64xf32>
    %select_n3A_477 = arith.select %gt3A_473, %add3A_470, %mul3A_476 : vector<512x64xi1>, vector<512x64xf32>
    %max3A_478 = arith.maximumf %max3A_446, %select_n3A_477 : vector<512x64xf32>
    %get3A_479 = arith.constant 0 : index
    %get3A_480 = arith.constant 15 : index
    %get3A_481 = arith.constant 0 : index
    %get3A_482 = arith.constant 0 : index
    %get3A_483 = vector.load %arg2[%get3A_479, %get3A_480, %get3A_481, %get3A_482] : memref<1x16x512x128xf32, #tpu.memory_space<vmem>>, vector<1x1x512x64xf32>
    %get3A_484 = vector.shape_cast %get3A_483 : vector<1x1x512x64xf32> to vector<512x64xf32>
    %add3A_485 = arith.addf %get3A_484, %get3A_3 : vector<512x64xf32>
    %gt3A_486 = arith.constant 0.000000e+00 : f32
    %gt3A_487 = vector.broadcast %gt3A_486 : f32 to vector<512x64xf32>
    %gt3A_488 = arith.cmpf ogt, %add3A_485, %gt3A_487 : vector<512x64xf32>
    %mul3A_489 = arith.constant 1.000000e-01 : f32
    %mul3A_490 = vector.broadcast %mul3A_489 : f32 to vector<512x64xf32>
    %mul3A_491 = arith.mulf %mul3A_490, %add3A_485 : vector<512x64xf32>
    %select_n3A_492 = arith.select %gt3A_488, %add3A_485, %mul3A_491 : vector<512x64xi1>, vector<512x64xf32>
    %get3A_493 = arith.constant 0 : index
    %get3A_494 = arith.constant 0 : index
    %get3A_495 = vector.load %arg4[%get3A_493, %get3A_494] : memref<64x64xf32, #tpu.memory_space<vmem>>, vector<64x64xf32>
    %dot_general3A_496 = arith.constant dense<0.000000e+00> : vector<512x64xf32>
    %dot_general3A_497 = tpu.matmul %select_n3A_492, %get3A_495, %dot_general3A_496 {dimension_numbers = #tpu.dot_dimension_numbers<[1], [1], [0], [0], [0, 0, 1, 0], [], []>, precision = #tpu.contract_precision<fp32>, transpose_lhs_hint = false} : vector<512x64xf32>, vector<64x64xf32>, vector<512x64xf32> -> vector<512x64xf32>
    %get3A_498 = arith.constant 0 : index
    %get3A_499 = arith.constant 0 : index
    %get3A_500 = vector.load %arg5[%get3A_498, %get3A_499] : memref<1x64xf32, #tpu.memory_space<vmem>>, vector<1x64xf32>
    %add3A_501 = vector.broadcast %get3A_500 : vector<1x64xf32> to vector<512x64xf32>
    %add3A_502 = arith.addf %dot_general3A_497, %add3A_501 : vector<512x64xf32>
    %gt3A_503 = arith.constant 0.000000e+00 : f32
    %gt3A_504 = vector.broadcast %gt3A_503 : f32 to vector<512x64xf32>
    %gt3A_505 = arith.cmpf ogt, %add3A_502, %gt3A_504 : vector<512x64xf32>
    %mul3A_506 = arith.constant 1.000000e-01 : f32
    %mul3A_507 = vector.broadcast %mul3A_506 : f32 to vector<512x64xf32>
    %mul3A_508 = arith.mulf %mul3A_507, %add3A_502 : vector<512x64xf32>
    %select_n3A_509 = arith.select %gt3A_505, %add3A_502, %mul3A_508 : vector<512x64xi1>, vector<512x64xf32>
    %max3A_510 = arith.maximumf %max3A_478, %select_n3A_509 : vector<512x64xf32>
    %swap3A = arith.constant 0 : index
    %swap3A_511 = arith.constant 0 : index
    %swap3A_512 = arith.constant 0 : index
    %swap3A_513 = vector.load %arg6[%swap3A, %swap3A_511, %swap3A_512] : memref<1x512x64xf32, #tpu.memory_space<vmem>>, vector<1x512x64xf32>
    %swap3A_514 = vector.shape_cast %swap3A_513 : vector<1x512x64xf32> to vector<512x64xf32>
    %swap3A_515 = vector.shape_cast %max3A_510 : vector<512x64xf32> to vector<1x512x64xf32>
    tpu.vector_store %arg6[%swap3A, %swap3A_511, %swap3A_512], %swap3A_515 {strides = array<i32>} : memref<1x512x64xf32, #tpu.memory_space<vmem>>, vector<1x512x64xf32>,
    return
  }
  func.func @transform_0(%arg0: i32, %arg1: i32) -> (i32, i32, i32, i32) {
    %c0_i32 = arith.constant 0 : i32
    %c0_i32_0 = arith.constant 0 : i32
    %c0_i32_1 = arith.constant 0 : i32
    return %arg0, %c0_i32, %arg1, %c0_i32_0 : i32, i32, i32, i32
  }
  func.func @transform_1(%arg0: i32, %arg1: i32) -> (i32, i32, i32) {
    %c0_i32 = arith.constant 0 : i32
    %c0_i32_0 = arith.constant 0 : i32
    return %arg0, %arg1, %c0_i32 : i32, i32, i32
  }
  func.func @transform_2(%arg0: i32, %arg1: i32) -> (i32, i32) {
    %c0_i32 = arith.constant 0 : i32
    %c0_i32_0 = arith.constant 0 : i32
    %c0_i32_1 = arith.constant 0 : i32
    return %c0_i32, %c0_i32_0 : i32, i32
  }
  func.func @transform_3(%arg0: i32, %arg1: i32) -> (i32, i32) {
    %c0_i32 = arith.constant 0 : i32
    %c0_i32_0 = arith.constant 0 : i32
    %c0_i32_1 = arith.constant 0 : i32
    return %c0_i32, %c0_i32_0 : i32, i32
  }
  func.func @transform_4(%arg0: i32, %arg1: i32) -> (i32, i32, i32) {
    %c0_i32 = arith.constant 0 : i32
    %c0_i32_0 = arith.constant 0 : i32
    return %arg0, %arg1, %c0_i32 : i32, i32, i32
  }
}

</mosaic_0001>

<sc_bundles>
// kernel: kernel.10.cloned.1.call-start
scs
__scs_entry_jumppad:
0x0: {  	(pc) =	sbr.rel $0x88, $3  }
0x1: {  	(tag) =	ssettag $0x0;
	lr =	simm.s32 $0x1  }
0x2: {  	[smem:$0x3F99] =	sst lr;
	_ =	strace $0xD0000000  }
0x3: {  	_ = 	snop  }
0x4: {  	_ = 	snop  }
0x5: {  	_ = 	snop  }
0x6: {  	_ = 	snop  }
0x7: {  	_ = 	snop  }
__scs_overlays_trampoline_lowered:
0x8: {  	[smem:$0x3FA8] =	sst s0  }
0x9: {  	[smem:$0x3FA9] =	sst s1  }
0xa: {  	[smem:$0x3FAA] =	sst s2  }
0xb: {  	[smem:$0x3FAB] =	sst s3  }
0xc: {  	[smem:$0x3FAC] =	sst s4  }
0xd: {  	[smem:$0x3FAD] =	sst s5  }
0xe: {  	[smem:$0x3FAE] =	sst s6  }
0xf: {  	[smem:$0x3FAF] =	sst s7  }
0x10: {  	[smem:$0x3FB0] =	sst s8  }
0x11: {  	[smem:$0x3FB1] =	sst s9;
	s0 =	simm.s32 @!p0 $0x0  }
0x12: {  	s1 =	sld [smem:$0x3F97];
	s0 =	simm.s32 @p0 $0x1  }
0x13: {  	[smem:$0x3FB2] =	sst s0;
	s0 =	simm.s32 @!p1 $0x0  }
0x14: {  	s2 =	sld [smem:$0x3F96];
	s0 =	simm.s32 @p1 $0x1  }
0x15: {  	[smem:$0x3FB3] =	sst s0;
	s0 =	simm.s32 @!p2 $0x0  }
0x16: {  	s3 =	sld [smem:$0x3FDB];
	s0 =	simm.s32 @p2 $0x1  }
0x17: {  	s4 =	simm.s32 $0x1BF5;
	[smem:$0x3FB5] =	sst s0  }
0x18: {  	s0 =	sld [smem:$0x3F98];
	_ =	swait.ge [sflag:s4], $0x0  }
0x19: {  	s7 =	sld [smem:$0x3F99]  }
0x1a: {  	s8 =	sadd.s32 $0xFFFFE003, lr  }
0x1b: {  	s9 =	sadd.s32 $0xFFFFFEF7, lr;
	s5 =	simm.s32 $0xFFFFFFFF;
	p2 =	slt.u32 s8, $0xFFFFF086  }
0x1c: {  	p1 =	slt.u32 s9, $0xF7A;
	s5 =	simm.s32 @!p2 $0x0  }
0x1d: {  	s5 =	simm.s32 @p1 $0x1;
	p0 =	seq.s32 s7, s2  }
0x1e: {  	s7 =	smul.u32 @!p0 $0xF7A, s2;
	p2 =	seq.s32 @!p0 s5, $0x0  }
0x1f: {  	s9 =	smul.u32 $0xF7A, s1;
	s8 =	simm.s32 @!p0 $0x1BF5;
	p2 =	por !p2, p0  }
0x20: {  	[sflag:s8] =	ssyncset.s32 @!p0 $0xFFFFF086;
	s6 =	sadd.s32 @!p0 s3, s7;
	s7 =	simm.s32 @!p0 $0x108  }
0x21: {  	s3 =	sadd.s32 s3, s9;
	s6 =	sadd.s32 @!p0 $0x88, s6;
	s7 =	simm.s32 @p2 $0x1082  }
0x22: {  	[simem:s7], [sflag:s8] =	dma.local @!p0 [hbm:s6], $0xF7A  }
0x23: {  	s9 =	sor.u32 $0xD0000000, s2;
	s6 =	simm.s32 $0x108;
	_ =	swait.ge @!p0 [sflag:s8], $0x0  }
0x24: {  	s3 =	sadd.s32 $0x88, s3;
	s6 =	simm.s32 @!p1 $0x1082;
	[sflag:s4] =	ssyncset.s32 $0xFFFFF086  }
0x25: {  	[simem:s6], [sflag:s4] =	dma.local [hbm:s3], $0xF7A  }
0x26: {  	[smem:$0x3F99] =	sst s1;
	(tag) =	ssettag s2;
	_ =	strace s9  }
0x27: {  	s1 =	sld [smem:$0x3FA9]  }
0x28: {  	s2 =	sld [smem:$0x3FAA]  }
0x29: {  	s4 =	sld [smem:$0x3FAC]  }
0x2a: {  	p0 =	seq.s32 s5, $0x0;
	s5 =	sld [smem:$0x3FAD]  }
0x2b: {  	s6 =	sld [smem:$0x3FAE]  }
0x2c: {  	s7 =	sld [smem:$0x3FAF]  }
0x2d: {  	s3 =	simm.s32 $0x108;
	s8 =	sld [smem:$0x3FB0]  }
0x2e: {  	s3 =	simm.s32 @!p0 $0x1082;
	s9 =	sld [smem:$0x3FB1]  }
0x2f: {  	lr =	sadd.s32 s0, s3;
	s0 =	sld [smem:$0x3FA8]  }
0x30: {  	s3 =	sld [smem:$0x3FAB]  }
0x31: {  	[smem:$0x3FB4] =	sst s10  }
0x32: {  	s10 =	sld [smem:$0x3FB2];
	_ =	sdelay $0x3  }
0x33: {  	p0 =	seq.s32 s10, $0x1;
	s10 =	sld [smem:$0x3FB4];
	_ =	sdelay $0x3  }
0x34: {  	[smem:$0x3FB4] =	sst s10  }
0x35: {  	s10 =	sld [smem:$0x3FB3];
	_ =	sdelay $0x3  }
0x36: {  	p1 =	seq.s32 s10, $0x1;
	s10 =	sld [smem:$0x3FB4];
	_ =	sdelay $0x3  }
0x37: {  	[smem:$0x3FB4] =	sst s10  }
0x38: {  	s10 =	sld [smem:$0x3FB5]  }
0x39: {  	_ = 	snop;
	(pc) =	sbr.ind lr, $3  }
0x3a: {  	_ = 	snop  }
0x3b: {  	_ = 	snop  }
0x3c: {  	p2 =	seq.s32 s10, $0x1;
	s10 =	sld [smem:$0x3FB4]  }
0x3d: {  	_ =	shalt  }
0x3e: {  	_ =	shalt  }
0x3f: {  	_ =	shalt  }
0x40: {  	_ =	shalt  }
0x41: {  	_ =	shalt  }
0x42: {  	_ =	shalt  }
0x43: {  	_ =	shalt  }
0x44: {  	_ =	shalt  }
0x45: {  	_ =	shalt  }
0x46: {  	_ =	shalt  }
0x47: {  	_ =	shalt  }
0x48: {  	_ =	shalt  }
0x49: {  	_ =	shalt  }
0x4a: {  	_ =	shalt  }
0x4b: {  	_ =	shalt  }
0x4c: {  	_ =	shalt  }
0x4d: {  	_ =	shalt  }
0x4e: {  	_ =	shalt  }
0x4f: {  	_ =	shalt  }
0x50: {  	_ =	shalt  }
0x51: {  	_ =	shalt  }
0x52: {  	_ =	shalt  }
0x53: {  	_ =	shalt  }
0x54: {  	_ =	shalt  }
0x55: {  	_ =	shalt  }
0x56: {  	_ =	shalt  }
0x57: {  	_ =	shalt  }
0x58: {  	_ =	shalt  }
0x59: {  	_ =	shalt  }
0x5a: {  	_ =	shalt  }
0x5b: {  	_ =	shalt  }
0x5c: {  	_ =	shalt  }
0x5d: {  	_ =	shalt  }
0x5e: {  	_ =	shalt  }
0x5f: {  	_ =	shalt  }
0x60: {  	_ =	shalt  }
0x61: {  	_ =	shalt  }
0x62: {  	_ =	shalt  }
0x63: {  	_ =	shalt  }
0x64: {  	_ =	shalt  }
0x65: {  	_ =	shalt  }
0x66: {  	_ =	shalt  }
0x67: {  	_ =	shalt  }
0x68: {  	_ =	shalt  }
0x69: {  	_ =	shalt  }
0x6a: {  	_ =	shalt  }
0x6b: {  	_ =	shalt  }
0x6c: {  	_ =	shalt  }
0x6d: {  	_ =	shalt  }
0x6e: {  	_ =	shalt  }
0x6f: {  	_ =	shalt  }
0x70: {  	_ =	shalt  }
0x71: {  	_ =	shalt  }
0x72: {  	_ =	shalt  }
0x73: {  	_ =	shalt  }
0x74: {  	_ =	shalt  }
0x75: {  	_ =	shalt  }
0x76: {  	_ =	shalt  }
0x77: {  	_ =	shalt  }
0x78: {  	_ =	shalt  }
0x79: {  	_ =	shalt  }
0x7a: {  	_ =	shalt  }
0x7b: {  	_ =	shalt  }
0x7c: {  	_ =	shalt  }
0x7d: {  	_ =	shalt  }
0x7e: {  	_ =	shalt  }
0x7f: {  	_ =	shalt  }
0x80: {  	_ =	shalt  }
0x81: {  	_ =	shalt  }
0x82: {  	_ =	shalt  }
0x83: {  	_ =	shalt  }
0x84: {  	_ =	shalt  }
0x85: {  	_ =	shalt  }
0x86: {  	_ =	shalt  }
0x87: {  	_ =	shalt  }
.Lfunc_end0:
.L_simem_size_0:
called_computation.1_lowered:
.L_overlay_start_0:
0x88: {  	s2 =	sld [smem:$0x3FD9]  }
0x89: {  	s3 =	sld [smem:$0x3FFE];
	_ =	sdelay $0x1  }
0x8a: {  	s1 =	srdreg.scid  }
0x8b: {  	s0 =	sand.u32 $0x1, s1  }
0x8c: {  	s17 =	sshll.u32 s0, $0xA;
	s2 =	sadd.s32 s3, s2  }
0x8d: {  	s2 =	sadd.s32 s2, s17  }
0x8e: {  	[smem:$0x3FC0] =	sst s2  }
0x8f: {  	_ = 	snop  }
0x90: {  	s2 =	sld [smem:$0x3FD0];
	(tm) =	ssettm $0x1  }
0x91: {  	s18 =	sld [smem:$0x3FFB];
	_ =	sdelay $0x3  }
0x92: {  	_ =	strace s18  }
0x93: {  	s3 =	sld [smem:$0x3FFC];
	_ =	sdelay $0x3  }
0x94: {  	_ =	strace s3  }
0x95: {  	s3 =	sld [smem:$0x3FFD];
	_ =	sdelay $0x3  }
0x96: {  	_ =	strace s3  }
0x97: {  	_ =	strace $0x8FFFFFFF  }
0x98: {  	s19 =	sld [smem:$0x3FDB];
	_ =	sdelay $0x1  }
0x99: {  	s4 =	simm.s32 $_scs_section_size  }
0x9a: {  	s5 =	simm.s32 $_size__tile_overlayer_lowered;
	s6 =	simm.s32 $_tile_overlayer_lowered  }
0x9b: {  	s22 =	simm.s32 $0x1BFF;
	s21 =	sshll.u32 s6, $0x1;
	s3 =	sadd.s32 s4, s19  }
0x9c: {  	s7 =	simm.s32 $0x0;
	s20 =	sshll.u32 s5, $0x1;
	s5 =	sadd.s32 s21, s3  }
0x9d: {  	[timem:s7], [sflag:s22] =	dma.local [hbm:s5], s20  }
0x9e: {  	_ =	swait.ge [sflag:s22], s20  }
0x9f: {  	s4 =	ssub.s32 $0x0, s20;
	[sflag:s22] =	ssyncset.done $0x0  }
0xa0: {  	[sflag:s22] =	ssyncadd.s32 s4;
	_ =	sdelay $0x1  }
0xa1: {  	s23 =	simm.s32 $0x1B8B  }
0xa2: {  	_ =	swait.ge [sflag:s23], $0x1  }
0xa3: {  	[sflag:s23] =	ssyncset.done $0x0  }
0xa4: {  	s25 =	simm.s32 $0x1B8E;
	s24 =	sld [smem:$0x3FFE];
	[sflag:s23] =	ssyncadd.s32 $0xFFFFFFFF  }
0xa5: {  	s26 =	simm.s32 $execute0_lowered;
	[smem:$0x3FD2] =	sst s25  }
0xa6: {  	s5 =	sshll.u32 s26, $0x1;
	_ =	strace $0x80000049;
	[dreg:$0x1] =	wrdreg $0xFFFFFFFF  }
0xa7: {  	s28 =	simm.s32 $_size_execute0_lowered;
	s3 =	sadd.s32 s3, s5;
	[dreg:$0x0] =	wrdreg $0x0  }
0xa8: {  	s5 =	sshll.u32 s28, $0x1;
	[dreg:$0x2] =	wrdreg s3  }
0xa9: {  	[dreg:$0x3] =	wrdreg s5  }
0xaa: {  	[dreg:$0x4] =	wrdreg $0xC0  }
0xab: {  	_ =	task [dreg:s7], $0x5FFFF  }
0xac: {  	[dreg:$0x1] =	wrdreg $0xFFFFFFFF  }
0xad: {  	[dreg:$0x0] =	wrdreg $0x60  }
0xae: {  	[dreg:$0x2] =	wrdreg s24  }
0xaf: {  	[dreg:$0x3] =	wrdreg s2  }
0xb0: {  	[dreg:$0x4] =	wrdreg $0x9  }
0xb1: {  	_ =	task.clear_ibuf [dreg:s7], $0x5FFFF;
	_ =	strace $0x90000049  }
0xb2: {  	s29 =	simm.s32 $0x9;
	_ =	strace $0x8000004B  }
0xb3: {  	_ =	swait.ge [sflag:s29], $0x1  }
0xb4: {  	[sflag:s29] =	ssyncadd.s32 $0xFFFFFFFF  }
0xb5: {  	_ =	strace $0x9000004B  }
0xb6: {  	_ =	sfence  }
0xb7: {  	s30 =	sld [smem:$0x0];
	_ =	sdelay $0x2  }
0xb8: {  	s31 =	sshll.u32 s1, $0xD;
	s1 =	sshrl.u32 s1, $0x2  }
0xb9: {  	s3 =	sand.u32 $0x4000, s31;
	s1 =	sadd.s32 s1, s30  }
0xba: {  	s0 =	sor.u32 s3, s0;
	s1 =	sshll.u32 s1, $0x11  }
0xbb: {  	s0 =	sor.u32 s1, s0  }
0xbc: {  	s0 =	sadd.s32 $0x8F2B, s0  }
0xbd: {  	[sflag:s0] =	ssyncadd.remote.s32 $0x1  }
0xbe: {  	_ =	sfence.sel $0xFFFF  }
0xbf: {  	[dreg:$0x0] =	wrdreg $0xFFFFFFFF;
	(pc) =	sbr.abs _section_cstart, $3  }
0xc0: {  	[dreg:$0x1] =	wrdreg $0xFFFFFFFF  }
0xc1: {  	_ =	task.clear_ibuf [dreg:s7], $0x2FFFF;
	_ =	strace $0x9FFFFFFF  }
0xc2: {  	(tm) =	ssettm $0x7FFFFFFF  }
0xc3: {  	_ =	shalt  }
tec
execute0_lowered:
.L_overlay_start_1:
0x0: {  	(tag) =	ssettag $0x1  }
0x1: {  	s4 =	rddreg [dreg:$0x0]  }
0x2: {  	s6 =	rddreg [dreg:$0x1]  }
0x3: {  	s0 =	rddreg [dreg:$0x2];
	s2 =	simm.s32 $0x0;
	s1 =	stileid.u32  }
0x4: {  	s3 =	srdreg.scid;
	[smem:$0x7FF] =	sst s2  }
0x5: {  	s5 =	sshll.u32 s1, $0x12;
	s7 =	sand.u32 $0x1, s3;
	s3 =	sadd.s32 $0xE400, s4  }
0x6: {  	s9 =	sshll.u32 s1, $0xE;
	_ =	strace $0x8000004A;
	s5 =	sadd.s32 s5, s4  }
0x7: {  	s29 =	ssub.s32 $0x2, s7;
	s10 =	sshll.u32 s7, $0xD;
	s7 =	sshll.u32 s7, $0x11  }
0x8: {  	s8 =	sshrl.u32 s29, $0x1;
	s30 =	sor.u32 s10, s9;
	s5 =	sadd.s32 s7, s5  }
0x9: {  	s7 =	simm.s32 $0x2;
	s9 =	simm.s32 $0x1;
	s10 =	simm.s32 $0x0  }
0xa: {  	s4 =	ssub.s32 s29, s8;
	s31 =	sshrl.u32 s30, $0x3;
	s5 =	sadd.s32 $0x8E400, s5  }
0xb: {  	s8 =	simm.s32 $0x200;
	s4 =	smax.u32 s4, $0x1;
	s6 =	sadd.s32 s31, s6  }
.LBB2_1:
0xc: {  	s11 =	sadd.s32 $0x0, s6  }
0xd: {  	[tilespmem:s2], [sflag:$0x2] =	stream.linear.gather [hbm4b:s11+s2], $0x200, $0x38;
	[tilespmem:$0x10200] =	vst v63  }
0xe: {  	_ =	swait.ge [sflag:s7], $0x200  }
0xf: {  	[sflag:s7] =	ssyncset.done $0x0  }
0x10: {  	[sflag:s7] =	ssyncadd.s32 $0xFFFFFE00  }
0x11: {  	[tilespmem:s8], [sflag:$0x1] =	stream.indirect.gather [hbm4b:s3+s8], $0x80, s2, s8, $0xb8;
	[tilespmem:$0x10200] =	vst v63  }
0x12: {  	_ =	swait.ge [sflag:s9], $0x10000  }
0x13: {  	[sflag:s9] =	ssyncset.done $0x0  }
0x14: {  	[sflag:s9] =	ssyncadd.s32 $0xFFFF0000  }
0x15: {  	[hbm4b:s5+s2] =	stream.linear.scatter [tilespmem:s8], [sflag:$0x2], $0x10000, $0x38;
	[tilespmem:$0x10200] =	vst v63  }
0x16: {  	s12 =	simm.s32 $0x40;
	_ =	swait.ge [sflag:s7], $0x10000  }
0x17: {  	s13 =	simm.s32 $0x80;
	s11 =	sadd.s32 $0x2000, s5;
	[sflag:s7] =	ssyncset.done $0x0  }
.LBB2_2:
0x18: {  	s14 =	sadd.s32 s12, s6  }
0x19: {  	[sflag:s7] =	ssyncadd.s32 $0xFFFF0000;
	s12 =	smov.u32 s13;
	s15 =	sadd.s32 $0x40, s13  }
0x1a: {  	[tilespmem:s2], [sflag:$0x2] =	stream.linear.gather [hbm4b:s14+s2], $0x200, $0x38;
	[tilespmem:$0x10200] =	vst v63  }
0x1b: {  	p0 =	sne.s32 s13, $0x3C0;
	_ =	swait.ge [sflag:s7], $0x200  }
0x1c: {  	[sflag:s7] =	ssyncset.done $0x0  }
0x1d: {  	[sflag:s7] =	ssyncadd.s32 $0xFFFFFE00  }
0x1e: {  	[tilespmem:s8], [sflag:$0x1] =	stream.indirect.gather [hbm4b:s3+s8], $0x80, s2, s8, $0xb8;
	[tilespmem:$0x10200] =	vst v63  }
0x1f: {  	_ =	swait.ge [sflag:s9], $0x10000  }
.Ltmp0:
0x20: {  	[sflag:s9] =	ssyncset.done $0x0;
	(pc) =	sbr.rel @p0 .LBB2_2-.Ltmp0, $4  }
0x21: {  	[sflag:s9] =	ssyncadd.s32 $0xFFFF0000  }
0x22: {  	[hbm4b:s11+s2] =	stream.linear.scatter [tilespmem:s8], [sflag:$0x2], $0x10000, $0x38;
	[tilespmem:$0x10200] =	vst v63  }
0x23: {  	_ =	swait.ge [sflag:s7], $0x10000  }
0x24: {  	s13 =	smov.u32 s15;
	s11 =	sadd.s32 $0x2000, s11;
	[sflag:s7] =	ssyncset.done $0x0  }
0x25: {  	s12 =	sadd.s32 s12, s6;
	[sflag:s7] =	ssyncadd.s32 $0xFFFF0000  }
0x26: {  	[tilespmem:s2], [sflag:$0x2] =	stream.linear.gather [hbm4b:s12+s2], $0x200, $0x38;
	[tilespmem:$0x10200] =	vst v63  }
0x27: {  	_ =	swait.ge [sflag:s7], $0x200  }
0x28: {  	[sflag:s7] =	ssyncset.done $0x0  }
0x29: {  	[sflag:s7] =	ssyncadd.s32 $0xFFFFFE00  }
0x2a: {  	[tilespmem:s8], [sflag:$0x1] =	stream.indirect.gather [hbm4b:s3+s8], $0x80, s2, s8, $0xb8;
	[tilespmem:$0x10200] =	vst v63  }
0x2b: {  	s10 =	sadd.s32 $0x1, s10;
	_ =	swait.ge [sflag:s9], $0x10000  }
0x2c: {  	p0 =	sne.s32 s10, s4;
	[sflag:s9] =	ssyncset.done $0x0  }
.Ltmp1:
0x2d: {  	[sflag:s9] =	ssyncadd.s32 $0xFFFF0000;
	(pc) =	sbr.rel @p0 .LBB2_1-.Ltmp1, $4  }
0x2e: {  	[hbm4b:s11+s2] =	stream.linear.scatter [tilespmem:s8], [sflag:$0x2], $0x10000, $0x38;
	[tilespmem:$0x10200] =	vst v63  }
0x2f: {  	_ =	swait.ge [sflag:s7], $0x10000  }
0x30: {  	[sflag:s7] =	ssyncset.done $0x0  }
0x31: {  	[sflag:s7] =	ssyncadd.s32 $0xFFFF0000  }
0x32: {  	_ =	sfence.sel $0x180000  }
0x33: {  	[bflag:$0x0] =	sbarrier.arrive $0xFFFF  }
0x34: {  	p0 =	sne.s32 s1, $0x0;
	_ =	strace $0x9000004A  }
0x35: {  	s0 =	sadd.s32 @!p0 $0x100000, s0;
	[bflag:$0x2] =	sbarrier.arrive $0xFFFF  }
0x36: {  	[sflag:s0] =	ssyncadd.tile.s32 @!p0 $0x1;
	_ =	shalt  }
.Lfunc_end2:
_tile_overlayer_lowered:
.L_overlay_start_2:
0x37: {  	(tag) =	ssettag $0x2  }
0x38: {  	s0 =	rddreg [dreg:$0x0];
	s2 =	stileid.u32  }
0x39: {  	s1 =	rddreg [dreg:$0x1];
	p0 =	sne.s32 s2, $0x0  }
0x3a: {  	s3 =	rddreg [dreg:$0x2];
	[bflag:$0x3] =	sbarrier.arrive $0xFFFF;
	s2 =	simm.s32 @!p0 $0x1C02  }
0x3b: {  	[timem:s3], [sflag:s2] =	dma.local @!p0 [hbm:s0], s1  }
0x3c: {  	s0 =	simm.s32 @!p0 $0x2  }
0x3d: {  	_ =	swait.ge @!p0 [sflag:s0], s1  }
0x3e: {  	s1 =	ssub.s32 @!p0 $0x0, s1;
	[sflag:s0] =	ssyncset.done @!p0 $0x0  }
0x3f: {  	[sflag:s0] =	ssyncadd.s32 @!p0 s1  }
0x40: {  	[bflag:$0x3] =	sbarrier.arrive $0xFFFF  }
0x41: {  	_ =	shalt  }

// kernel: kernel.7.cloned.1.call-start
scs
__scs_entry_jumppad:
0x0: {  	(pc) =	sbr.rel $0x88, $3  }
0x1: {  	(tag) =	ssettag $0x0;
	lr =	simm.s32 $0x1  }
0x2: {  	[smem:$0x3F99] =	sst lr;
	_ =	strace $0xD0000000  }
0x3: {  	_ = 	snop  }
0x4: {  	_ = 	snop  }
0x5: {  	_ = 	snop  }
0x6: {  	_ = 	snop  }
0x7: {  	_ = 	snop  }
__scs_overlays_trampoline_lowered:
0x8: {  	[smem:$0x3FA8] =	sst s0  }
0x9: {  	[smem:$0x3FA9] =	sst s1  }
0xa: {  	[smem:$0x3FAA] =	sst s2  }
0xb: {  	[smem:$0x3FAB] =	sst s3  }
0xc: {  	[smem:$0x3FAC] =	sst s4  }
0xd: {  	[smem:$0x3FAD] =	sst s5  }
0xe: {  	[smem:$0x3FAE] =	sst s6  }
0xf: {  	[smem:$0x3FAF] =	sst s7  }
0x10: {  	[smem:$0x3FB0] =	sst s8  }
0x11: {  	[smem:$0x3FB1] =	sst s9;
	s0 =	simm.s32 @!p0 $0x0  }
0x12: {  	s1 =	sld [smem:$0x3F97];
	s0 =	simm.s32 @p0 $0x1  }
0x13: {  	[smem:$0x3FB2] =	sst s0;
	s0 =	simm.s32 @!p1 $0x0  }
0x14: {  	s2 =	sld [smem:$0x3F96];
	s0 =	simm.s32 @p1 $0x1  }
0x15: {  	[smem:$0x3FB3] =	sst s0;
	s0 =	simm.s32 @!p2 $0x0  }
0x16: {  	s3 =	sld [smem:$0x3FDB];
	s0 =	simm.s32 @p2 $0x1  }
0x17: {  	s4 =	simm.s32 $0x1BF5;
	[smem:$0x3FB5] =	sst s0  }
0x18: {  	s0 =	sld [smem:$0x3F98];
	_ =	swait.ge [sflag:s4], $0x0  }
0x19: {  	s7 =	sld [smem:$0x3F99]  }
0x1a: {  	s8 =	sadd.s32 $0xFFFFE003, lr  }
0x1b: {  	s9 =	sadd.s32 $0xFFFFFEF7, lr;
	s5 =	simm.s32 $0xFFFFFFFF;
	p2 =	slt.u32 s8, $0xFFFFF086  }
0x1c: {  	p1 =	slt.u32 s9, $0xF7A;
	s5 =	simm.s32 @!p2 $0x0  }
0x1d: {  	s5 =	simm.s32 @p1 $0x1;
	p0 =	seq.s32 s7, s2  }
0x1e: {  	s7 =	smul.u32 @!p0 $0xF7A, s2;
	p2 =	seq.s32 @!p0 s5, $0x0  }
0x1f: {  	s9 =	smul.u32 $0xF7A, s1;
	s8 =	simm.s32 @!p0 $0x1BF5;
	p2 =	por !p2, p0  }
0x20: {  	[sflag:s8] =	ssyncset.s32 @!p0 $0xFFFFF086;
	s6 =	sadd.s32 @!p0 s3, s7;
	s7 =	simm.s32 @!p0 $0x108  }
0x21: {  	s3 =	sadd.s32 s3, s9;
	s6 =	sadd.s32 @!p0 $0x88, s6;
	s7 =	simm.s32 @p2 $0x1082  }
0x22: {  	[simem:s7], [sflag:s8] =	dma.local @!p0 [hbm:s6], $0xF7A  }
0x23: {  	s9 =	sor.u32 $0xD0000000, s2;
	s6 =	simm.s32 $0x108;
	_ =	swait.ge @!p0 [sflag:s8], $0x0  }
0x24: {  	s3 =	sadd.s32 $0x88, s3;
	s6 =	simm.s32 @!p1 $0x1082;
	[sflag:s4] =	ssyncset.s32 $0xFFFFF086  }
0x25: {  	[simem:s6], [sflag:s4] =	dma.local [hbm:s3], $0xF7A  }
0x26: {  	[smem:$0x3F99] =	sst s1;
	(tag) =	ssettag s2;
	_ =	strace s9  }
0x27: {  	s1 =	sld [smem:$0x3FA9]  }
0x28: {  	s2 =	sld [smem:$0x3FAA]  }
0x29: {  	s4 =	sld [smem:$0x3FAC]  }
0x2a: {  	p0 =	seq.s32 s5, $0x0;
	s5 =	sld [smem:$0x3FAD]  }
0x2b: {  	s6 =	sld [smem:$0x3FAE]  }
0x2c: {  	s7 =	sld [smem:$0x3FAF]  }
0x2d: {  	s3 =	simm.s32 $0x108;
	s8 =	sld [smem:$0x3FB0]  }
0x2e: {  	s3 =	simm.s32 @!p0 $0x1082;
	s9 =	sld [smem:$0x3FB1]  }
0x2f: {  	lr =	sadd.s32 s0, s3;
	s0 =	sld [smem:$0x3FA8]  }
0x30: {  	s3 =	sld [smem:$0x3FAB]  }
0x31: {  	[smem:$0x3FB4] =	sst s10  }
0x32: {  	s10 =	sld [smem:$0x3FB2];
	_ =	sdelay $0x3  }
0x33: {  	p0 =	seq.s32 s10, $0x1;
	s10 =	sld [smem:$0x3FB4];
	_ =	sdelay $0x3  }
0x34: {  	[smem:$0x3FB4] =	sst s10  }
0x35: {  	s10 =	sld [smem:$0x3FB3];
	_ =	sdelay $0x3  }
0x36: {  	p1 =	seq.s32 s10, $0x1;
	s10 =	sld [smem:$0x3FB4];
	_ =	sdelay $0x3  }
0x37: {  	[smem:$0x3FB4] =	sst s10  }
0x38: {  	s10 =	sld [smem:$0x3FB5]  }
0x39: {  	_ = 	snop;
	(pc) =	sbr.ind lr, $3  }
0x3a: {  	_ = 	snop  }
0x3b: {  	_ = 	snop  }
0x3c: {  	p2 =	seq.s32 s10, $0x1;
	s10 =	sld [smem:$0x3FB4]  }
0x3d: {  	_ =	shalt  }
0x3e: {  	_ =	shalt  }
0x3f: {  	_ =	shalt  }
0x40: {  	_ =	shalt  }
0x41: {  	_ =	shalt  }
0x42: {  	_ =	shalt  }
0x43: {  	_ =	shalt  }
0x44: {  	_ =	shalt  }
0x45: {  	_ =	shalt  }
0x46: {  	_ =	shalt  }
0x47: {  	_ =	shalt  }
0x48: {  	_ =	shalt  }
0x49: {  	_ =	shalt  }
0x4a: {  	_ =	shalt  }
0x4b: {  	_ =	shalt  }
0x4c: {  	_ =	shalt  }
0x4d: {  	_ =	shalt  }
0x4e: {  	_ =	shalt  }
0x4f: {  	_ =	shalt  }
0x50: {  	_ =	shalt  }
0x51: {  	_ =	shalt  }
0x52: {  	_ =	shalt  }
0x53: {  	_ =	shalt  }
0x54: {  	_ =	shalt  }
0x55: {  	_ =	shalt  }
0x56: {  	_ =	shalt  }
0x57: {  	_ =	shalt  }
0x58: {  	_ =	shalt  }
0x59: {  	_ =	shalt  }
0x5a: {  	_ =	shalt  }
0x5b: {  	_ =	shalt  }
0x5c: {  	_ =	shalt  }
0x5d: {  	_ =	shalt  }
0x5e: {  	_ =	shalt  }
0x5f: {  	_ =	shalt  }
0x60: {  	_ =	shalt  }
0x61: {  	_ =	shalt  }
0x62: {  	_ =	shalt  }
0x63: {  	_ =	shalt  }
0x64: {  	_ =	shalt  }
0x65: {  	_ =	shalt  }
0x66: {  	_ =	shalt  }
0x67: {  	_ =	shalt  }
0x68: {  	_ =	shalt  }
0x69: {  	_ =	shalt  }
0x6a: {  	_ =	shalt  }
0x6b: {  	_ =	shalt  }
0x6c: {  	_ =	shalt  }
0x6d: {  	_ =	shalt  }
0x6e: {  	_ =	shalt  }
0x6f: {  	_ =	shalt  }
0x70: {  	_ =	shalt  }
0x71: {  	_ =	shalt  }
0x72: {  	_ =	shalt  }
0x73: {  	_ =	shalt  }
0x74: {  	_ =	shalt  }
0x75: {  	_ =	shalt  }
0x76: {  	_ =	shalt  }
0x77: {  	_ =	shalt  }
0x78: {  	_ =	shalt  }
0x79: {  	_ =	shalt  }
0x7a: {  	_ =	shalt  }
0x7b: {  	_ =	shalt  }
0x7c: {  	_ =	shalt  }
0x7d: {  	_ =	shalt  }
0x7e: {  	_ =	shalt  }
0x7f: {  	_ =	shalt  }
0x80: {  	_ =	shalt  }
0x81: {  	_ =	shalt  }
0x82: {  	_ =	shalt  }
0x83: {  	_ =	shalt  }
0x84: {  	_ =	shalt  }
0x85: {  	_ =	shalt  }
0x86: {  	_ =	shalt  }
0x87: {  	_ =	shalt  }
.Lfunc_end0:
.L_simem_size_0:
called_computation_lowered:
.L_overlay_start_0:
0x88: {  	s2 =	sld [smem:$0x3FD9]  }
0x89: {  	s3 =	sld [smem:$0x3FFE];
	_ =	sdelay $0x1  }
0x8a: {  	s1 =	srdreg.scid  }
0x8b: {  	s0 =	sand.u32 $0x1, s1  }
0x8c: {  	s17 =	sshll.u32 s0, $0xA;
	s2 =	sadd.s32 s3, s2  }
0x8d: {  	s2 =	sadd.s32 s2, s17  }
0x8e: {  	[smem:$0x3FC0] =	sst s2  }
0x8f: {  	_ = 	snop  }
0x90: {  	s2 =	sld [smem:$0x3FD0];
	(tm) =	ssettm $0x1  }
0x91: {  	s18 =	sld [smem:$0x3FFB];
	_ =	sdelay $0x3  }
0x92: {  	_ =	strace s18  }
0x93: {  	s3 =	sld [smem:$0x3FFC];
	_ =	sdelay $0x3  }
0x94: {  	_ =	strace s3  }
0x95: {  	s3 =	sld [smem:$0x3FFD];
	_ =	sdelay $0x3  }
0x96: {  	_ =	strace s3  }
0x97: {  	_ =	strace $0x8FFFFFFF  }
0x98: {  	s19 =	sld [smem:$0x3FDB];
	_ =	sdelay $0x1  }
0x99: {  	s4 =	simm.s32 $_scs_section_size  }
0x9a: {  	s5 =	simm.s32 $_size__tile_overlayer_lowered;
	s6 =	simm.s32 $_tile_overlayer_lowered  }
0x9b: {  	s22 =	simm.s32 $0x1BFF;
	s21 =	sshll.u32 s6, $0x1;
	s3 =	sadd.s32 s4, s19  }
0x9c: {  	s7 =	simm.s32 $0x0;
	s20 =	sshll.u32 s5, $0x1;
	s5 =	sadd.s32 s21, s3  }
0x9d: {  	[timem:s7], [sflag:s22] =	dma.local [hbm:s5], s20  }
0x9e: {  	_ =	swait.ge [sflag:s22], s20  }
0x9f: {  	s4 =	ssub.s32 $0x0, s20;
	[sflag:s22] =	ssyncset.done $0x0  }
0xa0: {  	[sflag:s22] =	ssyncadd.s32 s4;
	_ =	sdelay $0x1  }
0xa1: {  	s23 =	simm.s32 $0x1B8B  }
0xa2: {  	_ =	swait.ge [sflag:s23], $0x1  }
0xa3: {  	[sflag:s23] =	ssyncset.done $0x0  }
0xa4: {  	s25 =	simm.s32 $0x1B8E;
	s24 =	sld [smem:$0x3FFE];
	[sflag:s23] =	ssyncadd.s32 $0xFFFFFFFF  }
0xa5: {  	s26 =	simm.s32 $execute0_lowered;
	[smem:$0x3FD2] =	sst s25  }
0xa6: {  	s5 =	sshll.u32 s26, $0x1;
	_ =	strace $0x80000046;
	[dreg:$0x1] =	wrdreg $0xFFFFFFFF  }
0xa7: {  	s28 =	simm.s32 $_size_execute0_lowered;
	s3 =	sadd.s32 s3, s5;
	[dreg:$0x0] =	wrdreg $0x0  }
0xa8: {  	s5 =	sshll.u32 s28, $0x1;
	[dreg:$0x2] =	wrdreg s3  }
0xa9: {  	[dreg:$0x3] =	wrdreg s5  }
0xaa: {  	[dreg:$0x4] =	wrdreg $0xC0  }
0xab: {  	_ =	task [dreg:s7], $0x5FFFF  }
0xac: {  	[dreg:$0x1] =	wrdreg $0xFFFFFFFF  }
0xad: {  	[dreg:$0x0] =	wrdreg $0x60  }
0xae: {  	[dreg:$0x2] =	wrdreg s2  }
0xaf: {  	[dreg:$0x3] =	wrdreg s24  }
0xb0: {  	[dreg:$0x4] =	wrdreg $0x9  }
0xb1: {  	_ =	task.clear_ibuf [dreg:s7], $0x5FFFF;
	_ =	strace $0x90000046  }
0xb2: {  	s29 =	simm.s32 $0x9;
	_ =	strace $0x80000048  }
0xb3: {  	_ =	swait.ge [sflag:s29], $0x1  }
0xb4: {  	[sflag:s29] =	ssyncadd.s32 $0xFFFFFFFF  }
0xb5: {  	_ =	strace $0x90000048  }
0xb6: {  	_ =	sfence  }
0xb7: {  	s30 =	sld [smem:$0x0];
	_ =	sdelay $0x2  }
0xb8: {  	s31 =	sshll.u32 s1, $0xD;
	s1 =	sshrl.u32 s1, $0x2  }
0xb9: {  	s3 =	sand.u32 $0x4000, s31;
	s1 =	sadd.s32 s1, s30  }
0xba: {  	s0 =	sor.u32 s3, s0;
	s1 =	sshll.u32 s1, $0x11  }
0xbb: {  	s0 =	sor.u32 s1, s0  }
0xbc: {  	s0 =	sadd.s32 $0x8F2B, s0  }
0xbd: {  	[sflag:s0] =	ssyncadd.remote.s32 $0x1  }
0xbe: {  	_ =	sfence.sel $0xFFFF  }
0xbf: {  	[dreg:$0x0] =	wrdreg $0xFFFFFFFF;
	(pc) =	sbr.abs _section_cstart, $3  }
0xc0: {  	[dreg:$0x1] =	wrdreg $0xFFFFFFFF  }
0xc1: {  	_ =	task.clear_ibuf [dreg:s7], $0x2FFFF;
	_ =	strace $0x9FFFFFFF  }
0xc2: {  	(tm) =	ssettm $0x7FFFFFFF  }
0xc3: {  	_ =	shalt  }
tec
execute0_lowered:
.L_overlay_start_1:
0x0: {  	(tag) =	ssettag $0x1  }
0x1: {  	s5 =	stileid.u32;
	s0 =	rddreg [dreg:$0x0]  }
0x2: {  	s1 =	srdreg.scid;
	s3 =	rddreg [dreg:$0x1];
	s2 =	sshll.u32 s5, $0x1  }
0x3: {  	s4 =	sand.u32 $0x1, s1;
	s1 =	simm.s32 $0x0;
	s5 =	sshrl.u32 s5, $0x3  }
0x4: {  	s2 =	sand.u32 $0xE, s2;
	s6 =	sshll.u32 s5, $0xA;
	s8 =	sshll.u32 s5, $0xD  }
0x5: {  	[smem:$0x7FF] =	sst s1;
	s5 =	sshll.u32 s5, $0x11;
	s2 =	sor.u32 s4, s2  }
0x6: {  	s7 =	sadd.s32 s6, s3;
	s4 =	ssub.s32 $0x2, s4;
	s2 =	sshll.u32 s2, $0x9  }
0x7: {  	s17 =	sshrl.u32 s4, $0x1;
	s16 =	sor.u32 s8, s2;
	s2 =	sor.u32 s5, s2  }
0x8: {  	s12 =	ssub.s32 s4, s17;
	s6 =	sshrl.u32 s16, $0x3;
	s2 =	sshrl.u32 s2, $0x3  }
0x9: {  	s11 =	sadd.s32 s6, s3;
	s18 =	sadd.s32 s0, s2;
	s4 =	sor.u32 $0x400, s2  }
0xa: {  	s5 =	sor.u32 $0x800, s2;
	[dreg:$0x3] =	wrdreg s18;
	s19 =	sadd.s32 s0, s4  }
0xb: {  	s6 =	sor.u32 $0xC00, s2;
	s20 =	sadd.s32 s0, s5;
	[dreg:$0x4] =	wrdreg s19  }
0xc: {  	s22 =	sor.u32 $0x1000, s2;
	s21 =	sadd.s32 s0, s6;
	[dreg:$0x5] =	wrdreg s20  }
0xd: {  	s9 =	sor.u32 $0x1400, s2;
	s10 =	sadd.s32 s0, s22;
	[dreg:$0x6] =	wrdreg s21  }
0xe: {  	s24 =	sor.u32 $0x1800, s2;
	s23 =	sadd.s32 s0, s9;
	[dreg:$0x7] =	wrdreg s10  }
0xf: {  	s25 =	sor.u32 $0x1C00, s2;
	s13 =	sadd.s32 s0, s24;
	[dreg:$0x8] =	wrdreg s23  }
0x10: {  	s14 =	sor.u32 $0x2000, s2;
	s15 =	sadd.s32 s0, s25;
	[dreg:$0x9] =	wrdreg s13  }
0x11: {  	s28 =	sor.u32 $0x2400, s2;
	s26 =	sadd.s32 s0, s14;
	[dreg:$0xa] =	wrdreg s15  }
0x12: {  	s29 =	sor.u32 $0x2800, s2;
	s16 =	sadd.s32 s0, s28;
	[dreg:$0xb] =	wrdreg s26  }
0x13: {  	s17 =	sor.u32 $0x2C00, s2;
	s18 =	sadd.s32 s0, s29;
	[dreg:$0xc] =	wrdreg s16  }
0x14: {  	s3 =	sadd.s32 $0x6400, s3;
	s30 =	sadd.s32 s0, s17;
	[dreg:$0xd] =	wrdreg s18  }
0x15: {  	s4 =	sadd.s32 s3, s4;
	[dreg:$0xe] =	wrdreg s30  }
0x16: {  	s5 =	sadd.s32 s3, s5;
	[dreg:$0x14] =	wrdreg s4  }
0x17: {  	s6 =	sadd.s32 s3, s6;
	[dreg:$0x15] =	wrdreg s5  }
0x18: {  	s22 =	sadd.s32 s3, s22;
	[dreg:$0x16] =	wrdreg s6  }
0x19: {  	s12 =	smax.u32 s12, $0x1;
	s24 =	sadd.s32 s3, s24;
	[dreg:$0x17] =	wrdreg s22  }
0x1a: {  	s25 =	sadd.s32 s3, s25;
	s28 =	sadd.s32 s3, s28;
	[dreg:$0x19] =	wrdreg s24  }
0x1b: {  	s29 =	sadd.s32 s3, s29;
	s8 =	sadd.s32 $0x5400, s11;
	[dreg:$0x1a] =	wrdreg s25  }
0x1c: {  	s18 =	sor.u32 $0x3000, s2;
	s20 =	sor.u32 $0x3800, s2;
	[dreg:$0x1c] =	wrdreg s28  }
0x1d: {  	s23 =	sadd.s32 s3, s9;
	s26 =	sadd.s32 s3, s14;
	[dreg:$0x1d] =	wrdreg s29  }
0x1e: {  	s30 =	sadd.s32 s3, s17;
	s4 =	sadd.s32 $0x3400, s7;
	s5 =	sadd.s32 $0x2C00, s7  }
0x1f: {  	s6 =	sadd.s32 $0x2400, s7;
	s7 =	sadd.s32 $0x5C00, s7;
	s9 =	sadd.s32 $0x4C00, s11  }
0x20: {  	s10 =	sadd.s32 $0x4400, s11;
	s11 =	sadd.s32 $0x3C00, s11;
	s13 =	simm.s32 $0x1  }
0x21: {  	s14 =	simm.s32 $0x2000;
	s15 =	simm.s32 $0x4000;
	[dreg:$0x18] =	wrdreg s23  }
0x22: {  	s16 =	simm.s32 $0x6000;
	s17 =	simm.s32 $0x8800;
	[dreg:$0x1b] =	wrdreg s26  }
0x23: {  	s22 =	simm.s32 $0x0;
	s19 =	sadd.s32 s0, s18;
	[dreg:$0x1e] =	wrdreg s30  }
0x24: {  	s31 =	sadd.s32 s0, s20;
	[dreg:$0xf] =	wrdreg s19;
	s19 =	sor.u32 $0x3400, s2  }
0x25: {  	[dreg:$0x11] =	wrdreg s31;
	s31 =	sadd.s32 s3, s18;
	s21 =	sadd.s32 s0, s19  }
0x26: {  	s18 =	simm.s32 $0xA800;
	[dreg:$0x10] =	wrdreg s21;
	s21 =	sor.u32 $0x3C00, s2  }
0x27: {  	v0 =	vlaneseq.u32;
	v1 =	vimm.s32 $0x0;
	[dreg:$0x1f] =	wrdreg s31;
	s2 =	sadd.s32 s3, s2;
	s0 =	sadd.s32 s0, s21  }
0x28: {  	vm0 =	vcmask $0x300;
	v3 =	vor.u32 $0x10, v0;
	v4 =	vor.u32 $0x20, v0;
	[dreg:$0x13] =	wrdreg s2;
	s2 =	sadd.s32 s3, s20;
	s20 =	simm.s32 $0xB900  }
0x29: {  	v5 =	vor.u32 $0x30, v0;
	v6 =	vor.u32 $0x40, v0;
	v7 =	vor.u32 $0x50, v0;
	[dreg:$0x12] =	wrdreg s0;
	s0 =	sadd.s32 s3, s19;
	s3 =	sadd.s32 s3, s21  }
0x2a: {  	v2 =	vsel vm0, $0x7, v1;
	v8 =	vor.u32 $0x60, v0;
	v9 =	vor.u32 $0x70, v0;
	s19 =	simm.s32 $0xB800;
	s21 =	simm.s32 $0xBA00;
	_ =	strace $0x80000047  }
.LBB2_1:
0x2b: {  	[tilespmem:s1], [sflag:$0x1] =	stream.linear.gather [hbm4b:s4+s1], $0x2000, $0x38;
	[tilespmem:$0xDA00] =	vst v63  }
0x2c: {  	_ =	swait.ge [sflag:s13], $0x2000  }
0x2d: {  	[sflag:s13] =	ssyncset.done $0x0  }
0x2e: {  	[sflag:s13] =	ssyncadd.s32 $0xFFFFE000  }
0x2f: {  	[tilespmem:s14], [sflag:$0x1] =	stream.linear.gather [hbm4b:s5+s1], $0x2000, $0x38;
	[tilespmem:$0xDA00] =	vst v63  }
0x30: {  	_ =	swait.ge [sflag:s13], $0x2000  }
0x31: {  	[sflag:s13] =	ssyncset.done $0x0  }
0x32: {  	[sflag:s13] =	ssyncadd.s32 $0xFFFFE000  }
0x33: {  	[tilespmem:s15], [sflag:$0x1] =	stream.linear.gather [hbm4b:s6+s1], $0x2000, $0x38;
	[tilespmem:$0xDA00] =	vst v63  }
0x34: {  	_ =	swait.ge [sflag:s13], $0x2000  }
0x35: {  	[sflag:s13] =	ssyncset.done $0x0  }
0x36: {  	[sflag:s13] =	ssyncadd.s32 $0xFFFFE000  }
0x37: {  	[tilespmem:s16], [sflag:$0x1] =	stream.linear.gather [hbm4b:s7+s1], $0x2000, $0x38;
	[tilespmem:$0xDA00] =	vst v63  }
0x38: {  	_ =	swait.ge [sflag:s13], $0x2000  }
0x39: {  	[sflag:s13] =	ssyncset.done $0x0  }
0x3a: {  	s23 =	simm.s32 $0x8000;
	[sflag:s13] =	ssyncadd.s32 $0xFFFFE000  }
0x3b: {  	[tilespmem:s23], [sflag:$0x1] =	stream.linear.gather [hbm4b:s8+s1], $0x200, $0x38;
	[tilespmem:$0xDA00] =	vst v63  }
0x3c: {  	_ =	swait.ge [sflag:s13], $0x200  }
0x3d: {  	[sflag:s13] =	ssyncset.done $0x0  }
0x3e: {  	s30 =	simm.s32 $0x8200;
	[sflag:s13] =	ssyncadd.s32 $0xFFFFFE00  }
0x3f: {  	[tilespmem:s30], [sflag:$0x1] =	stream.linear.gather [hbm4b:s9+s1], $0x200, $0x38;
	[tilespmem:$0xDA00] =	vst v63  }
0x40: {  	_ =	swait.ge [sflag:s13], $0x200  }
0x41: {  	[sflag:s13] =	ssyncset.done $0x0  }
0x42: {  	s31 =	simm.s32 $0x8400;
	[sflag:s13] =	ssyncadd.s32 $0xFFFFFE00  }
0x43: {  	[tilespmem:s31], [sflag:$0x1] =	stream.linear.gather [hbm4b:s10+s1], $0x200, $0x38;
	[tilespmem:$0xDA00] =	vst v63  }
0x44: {  	_ =	swait.ge [sflag:s13], $0x200  }
0x45: {  	[sflag:s13] =	ssyncset.done $0x0  }
0x46: {  	s24 =	simm.s32 $0x8600;
	[sflag:s13] =	ssyncadd.s32 $0xFFFFFE00  }
0x47: {  	[tilespmem:s24], [sflag:$0x1] =	stream.linear.gather [hbm4b:s11+s1], $0x200, $0x38;
	[tilespmem:$0xDA00] =	vst v63  }
0x48: {  	_ =	swait.ge [sflag:s13], $0x200  }
0x49: {  	[sflag:s13] =	ssyncset.done $0x0  }
0x4a: {  	s25 =	rddreg [dreg:$0x3];
	[sflag:s13] =	ssyncadd.s32 $0xFFFFFE00  }
0x4b: {  	[tilespmem:s17], [sflag:$0x1] =	stream.linear.gather [hbm4b:s25+s1], $0x200, $0x38;
	[tilespmem:$0xDA00] =	vst v63  }
0x4c: {  	_ =	swait.ge [sflag:s13], $0x200  }
0x4d: {  	[sflag:s13] =	ssyncset.done $0x0  }
0x4e: {  	s24 =	simm.s32 $0x8A00;
	s26 =	rddreg [dreg:$0x4];
	[sflag:s13] =	ssyncadd.s32 $0xFFFFFE00  }
0x4f: {  	[tilespmem:s24], [sflag:$0x1] =	stream.linear.gather [hbm4b:s26+s1], $0x200, $0x38;
	[tilespmem:$0xDA00] =	vst v63  }
0x50: {  	_ =	swait.ge [sflag:s13], $0x200  }
0x51: {  	[sflag:s13] =	ssyncset.done $0x0  }
0x52: {  	s29 =	simm.s32 $0x8C00;
	s28 =	rddreg [dreg:$0x5];
	[sflag:s13] =	ssyncadd.s32 $0xFFFFFE00  }
0x53: {  	[tilespmem:s29], [sflag:$0x1] =	stream.linear.gather [hbm4b:s28+s1], $0x200, $0x38;
	[tilespmem:$0xDA00] =	vst v63  }
0x54: {  	_ =	swait.ge [sflag:s13], $0x200  }
0x55: {  	[sflag:s13] =	ssyncset.done $0x0  }
0x56: {  	s31 =	simm.s32 $0x8E00;
	s30 =	rddreg [dreg:$0x6];
	[sflag:s13] =	ssyncadd.s32 $0xFFFFFE00  }
0x57: {  	[tilespmem:s31], [sflag:$0x1] =	stream.linear.gather [hbm4b:s30+s1], $0x200, $0x38;
	[tilespmem:$0xDA00] =	vst v63  }
0x58: {  	_ =	swait.ge [sflag:s13], $0x200  }
0x59: {  	[sflag:s13] =	ssyncset.done $0x0  }
0x5a: {  	s26 =	simm.s32 $0x9000;
	s25 =	rddreg [dreg:$0x7];
	[sflag:s13] =	ssyncadd.s32 $0xFFFFFE00  }
0x5b: {  	[tilespmem:s26], [sflag:$0x1] =	stream.linear.gather [hbm4b:s25+s1], $0x200, $0x38;
	[tilespmem:$0xDA00] =	vst v63  }
0x5c: {  	_ =	swait.ge [sflag:s13], $0x200  }
0x5d: {  	[sflag:s13] =	ssyncset.done $0x0  }
0x5e: {  	s29 =	simm.s32 $0x9200;
	s28 =	rddreg [dreg:$0x8];
	[sflag:s13] =	ssyncadd.s32 $0xFFFFFE00  }
0x5f: {  	[tilespmem:s29], [sflag:$0x1] =	stream.linear.gather [hbm4b:s28+s1], $0x200, $0x38;
	[tilespmem:$0xDA00] =	vst v63  }
0x60: {  	_ =	swait.ge [sflag:s13], $0x200  }
0x61: {  	[sflag:s13] =	ssyncset.done $0x0  }
0x62: {  	s31 =	simm.s32 $0x9400;
	s30 =	rddreg [dreg:$0x9];
	[sflag:s13] =	ssyncadd.s32 $0xFFFFFE00  }
0x63: {  	[tilespmem:s31], [sflag:$0x1] =	stream.linear.gather [hbm4b:s30+s1], $0x200, $0x38;
	[tilespmem:$0xDA00] =	vst v63  }
0x64: {  	_ =	swait.ge [sflag:s13], $0x200  }
0x65: {  	[sflag:s13] =	ssyncset.done $0x0  }
0x66: {  	s26 =	simm.s32 $0x9600;
	s25 =	rddreg [dreg:$0xa];
	[sflag:s13] =	ssyncadd.s32 $0xFFFFFE00  }
0x67: {  	[tilespmem:s26], [sflag:$0x1] =	stream.linear.gather [hbm4b:s25+s1], $0x200, $0x38;
	[tilespmem:$0xDA00] =	vst v63  }
0x68: {  	_ =	swait.ge [sflag:s13], $0x200  }
0x69: {  	[sflag:s13] =	ssyncset.done $0x0  }
0x6a: {  	s29 =	simm.s32 $0x9800;
	s28 =	rddreg [dreg:$0xb];
	[sflag:s13] =	ssyncadd.s32 $0xFFFFFE00  }
0x6b: {  	[tilespmem:s29], [sflag:$0x1] =	stream.linear.gather [hbm4b:s28+s1], $0x200, $0x38;
	[tilespmem:$0xDA00] =	vst v63  }
0x6c: {  	_ =	swait.ge [sflag:s13], $0x200  }
0x6d: {  	[sflag:s13] =	ssyncset.done $0x0  }
0x6e: {  	s31 =	simm.s32 $0x9A00;
	s30 =	rddreg [dreg:$0xc];
	[sflag:s13] =	ssyncadd.s32 $0xFFFFFE00  }
0x6f: {  	[tilespmem:s31], [sflag:$0x1] =	stream.linear.gather [hbm4b:s30+s1], $0x200, $0x38;
	[tilespmem:$0xDA00] =	vst v63  }
0x70: {  	_ =	swait.ge [sflag:s13], $0x200  }
0x71: {  	[sflag:s13] =	ssyncset.done $0x0  }
0x72: {  	s26 =	simm.s32 $0x9C00;
	s25 =	rddreg [dreg:$0xd];
	[sflag:s13] =	ssyncadd.s32 $0xFFFFFE00  }
0x73: {  	[tilespmem:s26], [sflag:$0x1] =	stream.linear.gather [hbm4b:s25+s1], $0x200, $0x38;
	[tilespmem:$0xDA00] =	vst v63  }
0x74: {  	_ =	swait.ge [sflag:s13], $0x200  }
0x75: {  	[sflag:s13] =	ssyncset.done $0x0  }
0x76: {  	s29 =	simm.s32 $0x9E00;
	s28 =	rddreg [dreg:$0xe];
	[sflag:s13] =	ssyncadd.s32 $0xFFFFFE00  }
0x77: {  	[tilespmem:s29], [sflag:$0x1] =	stream.linear.gather [hbm4b:s28+s1], $0x200, $0x38;
	[tilespmem:$0xDA00] =	vst v63  }
0x78: {  	_ =	swait.ge [sflag:s13], $0x200  }
0x79: {  	[sflag:s13] =	ssyncset.done $0x0  }
0x7a: {  	s31 =	simm.s32 $0xA000;
	s30 =	rddreg [dreg:$0xf];
	[sflag:s13] =	ssyncadd.s32 $0xFFFFFE00  }
0x7b: {  	[tilespmem:s31], [sflag:$0x1] =	stream.linear.gather [hbm4b:s30+s1], $0x200, $0x38;
	[tilespmem:$0xDA00] =	vst v63  }
0x7c: {  	_ =	swait.ge [sflag:s13], $0x200  }
0x7d: {  	[sflag:s13] =	ssyncset.done $0x0  }
0x7e: {  	s26 =	simm.s32 $0xA200;
	s25 =	rddreg [dreg:$0x10];
	[sflag:s13] =	ssyncadd.s32 $0xFFFFFE00  }
0x7f: {  	[tilespmem:s26], [sflag:$0x1] =	stream.linear.gather [hbm4b:s25+s1], $0x200, $0x38;
	[tilespmem:$0xDA00] =	vst v63  }
0x80: {  	_ =	swait.ge [sflag:s13], $0x200  }
0x81: {  	[sflag:s13] =	ssyncset.done $0x0  }
0x82: {  	s29 =	simm.s32 $0xA400;
	s28 =	rddreg [dreg:$0x11];
	[sflag:s13] =	ssyncadd.s32 $0xFFFFFE00  }
0x83: {  	[tilespmem:s29], [sflag:$0x1] =	stream.linear.gather [hbm4b:s28+s1], $0x200, $0x38;
	[tilespmem:$0xDA00] =	vst v63  }
0x84: {  	_ =	swait.ge [sflag:s13], $0x200  }
0x85: {  	[sflag:s13] =	ssyncset.done $0x0  }
0x86: {  	s31 =	simm.s32 $0xA600;
	s30 =	rddreg [dreg:$0x12];
	[sflag:s13] =	ssyncadd.s32 $0xFFFFFE00  }
0x87: {  	[tilespmem:s31], [sflag:$0x1] =	stream.linear.gather [hbm4b:s30+s1], $0x200, $0x38;
	[tilespmem:$0xDA00] =	vst v63  }
0x88: {  	_ =	swait.ge [sflag:s13], $0x200  }
0x89: {  	[sflag:s13] =	ssyncset.done $0x0  }
0x8a: {  	s23 =	simm.s32 $0x0;
	[sflag:s13] =	ssyncadd.s32 $0xFFFFFE00  }
.LBB2_2:
0x8b: {  	s25 =	sshll.u32 s23, $0x4  }
0x8c: {  	s24 =	simm.s32 $0x0;
	v10 =	vor.u32 s25, v0  }
0x8d: {  	v11 =	vor.u32 s24, v10;
	_ =	sdelay $0x4  }
0x8e: {  	v11 =	vld.idx.msk [tilespmem:v11+s17+$0x0], $0xffff;
	_ =	sdelay $0x4  }
0x8f: {  	v11 =	vtrunc.f32 v11  }
0x90: {  	v11 =	vcvt.f32.s32 v11;
	_ =	sdelay $0x1  }
0x91: {  	v15 =	vshll.u32 v11, $0x4;
	_ =	sdelay $0x2  }
0x92: {  	v12 =	vld [tilespmem:s25+$0x8200]  }
0x93: {  	v11 =	vld [tilespmem:s25+$0x8000]  }
0x94: {  	v13 =	vld.idx.msk [tilespmem:v15+s24+$0x0], $0xffff  }
0x95: {  	v16 =	vld.idx.msk [tilespmem:v15+s14+$0x0], $0xffff  }
0x96: {  	v14 =	vld [tilespmem:s25+$0x8400]  }
0x97: {  	v17 =	vld.idx.msk [tilespmem:v15+s15+$0x0], $0xffff;
	_ =	sdelay $0x1  }
0x98: {  	s26 =	simm.s32 $0x0  }
0x99: {  	v19 =	vmov s26;
	v18 =	vmul.f32 v13, v11;
	v16 =	vmul.f32 v16, v12  }
0x9a: {  	v19 =	vshrl.u32 v19, $0x7;
	v13 =	vld [tilespmem:s25+$0x8600]  }
0x9b: {  	v17 =	vmul.f32 v17, v14;
	v16 =	vadd.f32 v16, v18;
	v18 =	vshll.u32 v19, v2  }
0x9c: {  	v19 =	vld.idx.msk [tilespmem:v15+s16+$0x0], $0xffff;
	v23 =	vbroadcast v18, $0x0  }
0x9d: {  	v16 =	vadd.f32 v17, v16  }
0x9e: {  	v17 =	vor.u32 v0, v23  }
0x9f: {  	v18 =	vadd.f32 v16, v13;
	v16 =	vor.u32 $0x1, v15;
	_ =	sdelay $0x1  }
0xa0: {  	v21 =	vadd.f32 v18, v19;
	_ =	sdelay $0x1  }
0xa1: {  	[tilespmem:v17+s18+$0x0] =	vst.idx.msk $0xffff, v21  }
0xa2: {  	v17 =	vld.idx.msk [tilespmem:v16+s24+$0x0], $0xffff  }
0xa3: {  	v18 =	vld.idx.msk [tilespmem:v16+s14+$0x0], $0xffff;
	_ =	sdelay $0x1  }
0xa4: {  	v19 =	vld.idx.msk [tilespmem:v16+s15+$0x0], $0xffff;
	_ =	sdelay $0x2  }
0xa5: {  	v17 =	vmul.f32 v17, v11;
	v18 =	vmul.f32 v18, v12;
	_ =	sdelay $0x1  }
0xa6: {  	v17 =	vadd.f32 v18, v17;
	v18 =	vmul.f32 v19, v14  }
0xa7: {  	v19 =	vld.idx.msk [tilespmem:v16+s16+$0x0], $0xffff  }
0xa8: {  	v17 =	vadd.f32 v18, v17  }
0xa9: {  	v18 =	vor.u32 v3, v23  }
0xaa: {  	v20 =	vadd.f32 v17, v13;
	v17 =	vor.u32 $0x2, v15;
	_ =	sdelay $0x1  }
0xab: {  	v24 =	vadd.f32 v20, v19;
	_ =	sdelay $0x1  }
0xac: {  	[tilespmem:v18+s18+$0x0] =	vst.idx.msk $0xffff, v24  }
0xad: {  	v18 =	vld.idx.msk [tilespmem:v17+s24+$0x0], $0xffff  }
0xae: {  	v19 =	vld.idx.msk [tilespmem:v17+s14+$0x0], $0xffff;
	_ =	sdelay $0x1  }
0xaf: {  	v20 =	vld.idx.msk [tilespmem:v17+s15+$0x0], $0xffff;
	_ =	sdelay $0x2  }
0xb0: {  	v18 =	vmul.f32 v18, v11;
	v19 =	vmul.f32 v19, v12;
	_ =	sdelay $0x1  }
0xb1: {  	v18 =	vadd.f32 v19, v18;
	v19 =	vmul.f32 v20, v14  }
0xb2: {  	v22 =	vld.idx.msk [tilespmem:v17+s16+$0x0], $0xffff  }
0xb3: {  	v18 =	vadd.f32 v19, v18  }
0xb4: {  	v19 =	vor.u32 v4, v23  }
0xb5: {  	v20 =	vor.u32 $0x3, v15;
	v18 =	vadd.f32 v18, v13;
	_ =	sdelay $0x1  }
0xb6: {  	v25 =	vadd.f32 v18, v22;
	_ =	sdelay $0x1  }
0xb7: {  	[tilespmem:v19+s18+$0x0] =	vst.idx.msk $0xffff, v25  }
0xb8: {  	v18 =	vld.idx.msk [tilespmem:v20+s24+$0x0], $0xffff  }
0xb9: {  	v19 =	vld.idx.msk [tilespmem:v20+s14+$0x0], $0xffff;
	_ =	sdelay $0x1  }
0xba: {  	v22 =	vld.idx.msk [tilespmem:v20+s15+$0x0], $0xffff;
	_ =	sdelay $0x2  }
0xbb: {  	v18 =	vmul.f32 v18, v11;
	v19 =	vmul.f32 v19, v12;
	_ =	sdelay $0x1  }
0xbc: {  	v18 =	vadd.f32 v19, v18;
	v19 =	vmul.f32 v22, v14  }
0xbd: {  	v22 =	vld.idx.msk [tilespmem:v20+s16+$0x0], $0xffff  }
0xbe: {  	v18 =	vadd.f32 v19, v18  }
0xbf: {  	v19 =	vor.u32 v5, v23  }
0xc0: {  	v26 =	vadd.f32 v18, v13;
	v18 =	vor.u32 $0x4, v15;
	_ =	sdelay $0x1  }
0xc1: {  	v30 =	vadd.f32 v26, v22;
	_ =	sdelay $0x1  }
0xc2: {  	[tilespmem:v19+s18+$0x0] =	vst.idx.msk $0xffff, v30  }
0xc3: {  	v19 =	vld.idx.msk [tilespmem:v18+s24+$0x0], $0xffff  }
0xc4: {  	v22 =	vld.idx.msk [tilespmem:v18+s14+$0x0], $0xffff;
	_ =	sdelay $0x1  }
0xc5: {  	v37 =	vld.idx.msk [tilespmem:v18+s15+$0x0], $0xffff;
	_ =	sdelay $0x2  }
0xc6: {  	v19 =	vmul.f32 v19, v11;
	v22 =	vmul.f32 v22, v12;
	_ =	sdelay $0x1  }
0xc7: {  	v19 =	vadd.f32 v22, v19;
	v22 =	vmul.f32 v37, v14  }
0xc8: {  	v38 =	vld.idx.msk [tilespmem:v18+s16+$0x0], $0xffff  }
0xc9: {  	v19 =	vadd.f32 v22, v19  }
0xca: {  	v22 =	vor.u32 v6, v23  }
0xcb: {  	v27 =	vadd.f32 v19, v13;
	v19 =	vor.u32 $0x5, v15;
	_ =	sdelay $0x1  }
0xcc: {  	v27 =	vadd.f32 v27, v38;
	_ =	sdelay $0x1  }
0xcd: {  	[tilespmem:v22+s18+$0x0] =	vst.idx.msk $0xffff, v27  }
0xce: {  	v22 =	vld.idx.msk [tilespmem:v19+s24+$0x0], $0xffff  }
0xcf: {  	v39 =	vld.idx.msk [tilespmem:v19+s14+$0x0], $0xffff;
	_ =	sdelay $0x1  }
0xd0: {  	v28 =	vld.idx.msk [tilespmem:v19+s15+$0x0], $0xffff;
	_ =	sdelay $0x2  }
0xd1: {  	v22 =	vmul.f32 v22, v11;
	v26 =	vmul.f32 v39, v12;
	_ =	sdelay $0x1  }
0xd2: {  	v40 =	vmul.f32 v28, v14;
	v22 =	vadd.f32 v26, v22  }
0xd3: {  	v41 =	vld.idx.msk [tilespmem:v19+s16+$0x0], $0xffff  }
0xd4: {  	v22 =	vadd.f32 v40, v22  }
0xd5: {  	v42 =	vor.u32 v7, v23  }
0xd6: {  	v29 =	vadd.f32 v22, v13;
	v22 =	vor.u32 $0x6, v15;
	_ =	sdelay $0x1  }
0xd7: {  	v29 =	vadd.f32 v29, v41;
	_ =	sdelay $0x1  }
0xd8: {  	[tilespmem:v42+s18+$0x0] =	vst.idx.msk $0xffff, v29  }
0xd9: {  	v26 =	vld.idx.msk [tilespmem:v22+s24+$0x0], $0xffff  }
0xda: {  	v43 =	vld.idx.msk [tilespmem:v22+s14+$0x0], $0xffff;
	_ =	sdelay $0x1  }
0xdb: {  	v31 =	vld.idx.msk [tilespmem:v22+s15+$0x0], $0xffff;
	_ =	sdelay $0x2  }
0xdc: {  	v26 =	vmul.f32 v26, v11;
	v28 =	vmul.f32 v43, v12;
	_ =	sdelay $0x1  }
0xdd: {  	v44 =	vmul.f32 v31, v14;
	v26 =	vadd.f32 v28, v26  }
0xde: {  	v45 =	vld.idx.msk [tilespmem:v22+s16+$0x0], $0xffff  }
0xdf: {  	v26 =	vadd.f32 v44, v26  }
0xe0: {  	v46 =	vor.u32 v8, v23  }
0xe1: {  	v32 =	vadd.f32 v26, v13;
	v26 =	vor.u32 $0x7, v15;
	_ =	sdelay $0x1  }
0xe2: {  	v31 =	vadd.f32 v32, v45;
	_ =	sdelay $0x1  }
0xe3: {  	[tilespmem:v46+s18+$0x0] =	vst.idx.msk $0xffff, v31  }
0xe4: {  	v28 =	vld.idx.msk [tilespmem:v26+s24+$0x0], $0xffff  }
0xe5: {  	v47 =	vld.idx.msk [tilespmem:v26+s14+$0x0], $0xffff;
	_ =	sdelay $0x1  }
0xe6: {  	v33 =	vld.idx.msk [tilespmem:v26+s15+$0x0], $0xffff;
	_ =	sdelay $0x2  }
0xe7: {  	v28 =	vmul.f32 v28, v11;
	v32 =	vmul.f32 v47, v12;
	_ =	sdelay $0x1  }
0xe8: {  	v48 =	vmul.f32 v33, v14;
	v28 =	vadd.f32 v32, v28  }
0xe9: {  	v49 =	vld.idx.msk [tilespmem:v26+s16+$0x0], $0xffff  }
0xea: {  	v28 =	vadd.f32 v48, v28  }
0xeb: {  	v34 =	vor.u32 v9, v23  }
0xec: {  	v23 =	vor.u32 $0x8, v15;
	v28 =	vadd.f32 v28, v13;
	_ =	sdelay $0x1  }
0xed: {  	v32 =	vadd.f32 v28, v49;
	_ =	sdelay $0x1  }
0xee: {  	[tilespmem:v34+s18+$0x0] =	vst.idx.msk $0xffff, v32  }
0xef: {  	v50 =	vld.idx.msk [tilespmem:v23+s24+$0x0], $0xffff  }
0xf0: {  	v51 =	vld.idx.msk [tilespmem:v23+s14+$0x0], $0xffff;
	_ =	sdelay $0x1  }
0xf1: {  	v34 =	vld.idx.msk [tilespmem:v23+s15+$0x0], $0xffff;
	_ =	sdelay $0x1  }
0xf2: {  	s29 =	simm.s32 $0x80  }
0xf3: {  	v35 =	vmov s29;
	v28 =	vmul.f32 v50, v11;
	v33 =	vmul.f32 v51, v12  }
0xf4: {  	v35 =	vshrl.u32 v35, $0x7  }
0xf5: {  	v53 =	vshll.u32 v35, v2;
	v52 =	vmul.f32 v34, v14;
	v28 =	vadd.f32 v33, v28  }
0xf6: {  	v54 =	vld.idx.msk [tilespmem:v23+s16+$0x0], $0xffff;
	v34 =	vbroadcast v53, $0x0  }
0xf7: {  	v28 =	vadd.f32 v52, v28  }
0xf8: {  	v55 =	vor.u32 v0, v34  }
0xf9: {  	v56 =	vadd.f32 v28, v13;
	v28 =	vor.u32 $0x9, v15;
	_ =	sdelay $0x1  }
0xfa: {  	v34 =	vadd.f32 v56, v54;
	_ =	sdelay $0x1  }
0xfb: {  	[tilespmem:v55+s18+$0x0] =	vst.idx.msk $0xffff, v34  }
0xfc: {  	v33 =	vld.idx.msk [tilespmem:v28+s24+$0x0], $0xffff  }
0xfd: {  	v57 =	vld.idx.msk [tilespmem:v28+s14+$0x0], $0xffff;
	_ =	sdelay $0x1  }
0xfe: {  	v36 =	vld.idx.msk [tilespmem:v28+s15+$0x0], $0xffff;
	_ =	sdelay $0x1  }
0xff: {  	s26 =	simm.s32 $0x90  }
0x100: {  	v37 =	vmov s26;
	v33 =	vmul.f32 v33, v11;
	v35 =	vmul.f32 v57, v12  }
0x101: {  	v37 =	vshrl.u32 v37, $0x7  }
0x102: {  	v59 =	vshll.u32 v37, v2;
	v58 =	vmul.f32 v36, v14;
	v33 =	vadd.f32 v35, v33  }
0x103: {  	v60 =	vld.idx.msk [tilespmem:v28+s16+$0x0], $0xffff;
	v36 =	vbroadcast v59, $0x0  }
0x104: {  	v33 =	vadd.f32 v58, v33  }
0x105: {  	v61 =	vor.u32 v3, v36  }
0x106: {  	v63 =	vor.u32 $0xA, v15;
	v62 =	vadd.f32 v33, v13;
	_ =	sdelay $0x1  }
0x107: {  	v36 =	vadd.f32 v62, v60;
	_ =	sdelay $0x1  }
0x108: {  	[tilespmem:v61+s18+$0x0] =	vst.idx.msk $0xffff, v36  }
0x109: {  	v35 =	vld.idx.msk [tilespmem:v63+s24+$0x0], $0xffff  }
0x10a: {  	v42 =	vld.idx.msk [tilespmem:v63+s14+$0x0], $0xffff;
	_ =	sdelay $0x1  }
0x10b: {  	v38 =	vld.idx.msk [tilespmem:v63+s15+$0x0], $0xffff;
	_ =	sdelay $0x1  }
0x10c: {  	s29 =	simm.s32 $0xA0  }
0x10d: {  	v39 =	vmov s29;
	v35 =	vmul.f32 v35, v11;
	v37 =	vmul.f32 v42, v12  }
0x10e: {  	v39 =	vshrl.u32 v39, $0x7  }
0x10f: {  	v44 =	vshll.u32 v39, v2;
	v43 =	vmul.f32 v38, v14;
	v35 =	vadd.f32 v37, v35  }
0x110: {  	v45 =	vld.idx.msk [tilespmem:v63+s16+$0x0], $0xffff;
	v38 =	vbroadcast v44, $0x0  }
0x111: {  	v35 =	vadd.f32 v43, v35  }
0x112: {  	v38 =	vor.u32 v4, v38  }
0x113: {  	v46 =	vor.u32 $0xB, v15;
	v37 =	vadd.f32 v35, v13;
	_ =	sdelay $0x1  }
0x114: {  	v37 =	vadd.f32 v37, v45;
	_ =	sdelay $0x1  }
0x115: {  	[tilespmem:v38+s18+$0x0] =	vst.idx.msk $0xffff, v37  }
0x116: {  	v38 =	vld.idx.msk [tilespmem:v46+s24+$0x0], $0xffff  }
0x117: {  	v47 =	vld.idx.msk [tilespmem:v46+s14+$0x0], $0xffff;
	_ =	sdelay $0x1  }
0x118: {  	v40 =	vld.idx.msk [tilespmem:v46+s15+$0x0], $0xffff;
	_ =	sdelay $0x1  }
0x119: {  	s26 =	simm.s32 $0xB0  }
0x11a: {  	v41 =	vmov s26;
	v38 =	vmul.f32 v38, v11;
	v39 =	vmul.f32 v47, v12  }
0x11b: {  	vm0 =	vle.f32 v21, $3.000000010e+38;
	v41 =	vshrl.u32 v41, $0x7  }
0x11c: {  	v49 =	vshll.u32 v41, v2;
	v48 =	vmul.f32 v40, v14;
	v38 =	vadd.f32 v39, v38  }
0x11d: {  	v50 =	vnsel vm0, $0x7FFFFFFF, v15;
	v43 =	vnsel vm0, $0x7F61B1E6, v21;
	v42 =	vld.idx.msk [tilespmem:v46+s16+$0x0], $0xffff;
	v40 =	vbroadcast v49, $0x0  }
0x11e: {  	vm1 =	vlt.s32 v16, v50;
	vm2 =	veq.f32 v24, v43;
	v21 =	vadd.f32 v48, v38  }
0x11f: {  	vm0 =	vlt.f32 v24, v43;
	vm1 =	vmand vm1, vm2;
	v51 =	vor.u32 v5, v40  }
0x120: {  	vm0 =	vmor vm0, vm1;
	v39 =	vadd.f32 v21, v13;
	v21 =	vor.u32 $0xC, v15  }
0x121: {  	v24 =	vsel vm0, v24, v43;
	v16 =	vsel vm0, v16, v50  }
0x122: {  	vm0 =	vlt.s32 v17, v16;
	vm1 =	veq.f32 v25, v24;
	v39 =	vadd.f32 v39, v42  }
0x123: {  	vm0 =	vmand vm0, vm1;
	vm1 =	vlt.f32 v25, v24  }
0x124: {  	vm0 =	vmor vm1, vm0;
	[tilespmem:v51+s18+$0x0] =	vst.idx.msk $0xffff, v39  }
0x125: {  	v16 =	vsel vm0, v17, v16;
	v17 =	vsel vm0, v25, v24;
	v38 =	vld.idx.msk [tilespmem:v21+s24+$0x0], $0xffff  }
0x126: {  	vm0 =	veq.f32 v30, v17;
	vm1 =	vlt.s32 v20, v16;
	v52 =	vld.idx.msk [tilespmem:v21+s14+$0x0], $0xffff  }
0x127: {  	vm0 =	vmand vm1, vm0;
	vm1 =	vlt.f32 v30, v17  }
0x128: {  	s29 =	simm.s32 $0xC0;
	vm0 =	vmor vm1, vm0;
	v53 =	vld.idx.msk [tilespmem:v21+s15+$0x0], $0xffff  }
0x129: {  	v54 =	vmov s29;
	v16 =	vsel vm0, v20, v16  }
0x12a: {  	v17 =	vsel vm0, v30, v17;
	v30 =	vshrl.u32 v54, $0x7;
	vm0 =	vlt.s32 v18, v16  }
0x12b: {  	vm1 =	veq.f32 v27, v17;
	v20 =	vmul.f32 v38, v11;
	v24 =	vmul.f32 v52, v12  }
0x12c: {  	v56 =	vshll.u32 v30, v2;
	vm0 =	vmand vm0, vm1  }
0x12d: {  	vm1 =	vlt.f32 v27, v17;
	v55 =	vmul.f32 v53, v14;
	v20 =	vadd.f32 v24, v20  }
0x12e: {  	v25 =	vbroadcast v56, $0x0;
	vm0 =	vmor vm1, vm0;
	v57 =	vld.idx.msk [tilespmem:v21+s16+$0x0], $0xffff  }
0x12f: {  	v16 =	vsel vm0, v18, v16;
	v18 =	vadd.f32 v55, v20  }
0x130: {  	v58 =	vor.u32 $0xD, v15;
	v17 =	vsel vm0, v27, v17;
	v20 =	vor.u32 v6, v25  }
0x131: {  	vm0 =	vlt.s32 v19, v16;
	vm1 =	veq.f32 v29, v17;
	v18 =	vadd.f32 v18, v13  }
0x132: {  	vm0 =	vmand vm0, vm1;
	vm1 =	vlt.f32 v29, v17  }
0x133: {  	vm0 =	vmor vm1, vm0;
	v18 =	vadd.f32 v18, v57  }
0x134: {  	v17 =	vsel vm0, v29, v17;
	v16 =	vsel vm0, v19, v16  }
0x135: {  	vm0 =	veq.f32 v31, v17;
	vm1 =	vlt.s32 v22, v16;
	[tilespmem:v20+s18+$0x0] =	vst.idx.msk $0xffff, v18  }
0x136: {  	vm2 =	vlt.f32 v31, v17;
	vm0 =	vmand vm1, vm0;
	v19 =	vld.idx.msk [tilespmem:v58+s24+$0x0], $0xffff  }
0x137: {  	vm0 =	vmor vm2, vm0;
	v20 =	vld.idx.msk [tilespmem:v58+s14+$0x0], $0xffff  }
0x138: {  	v17 =	vsel vm0, v31, v17;
	v16 =	vsel vm0, v22, v16  }
0x139: {  	vm0 =	veq.f32 v32, v17;
	vm1 =	vlt.s32 v26, v16  }
0x13a: {  	vm0 =	vmand vm1, vm0;
	vm1 =	vlt.f32 v32, v17  }
0x13b: {  	vm0 =	vmor vm1, vm0;
	v22 =	vld.idx.msk [tilespmem:v58+s15+$0x0], $0xffff  }
0x13c: {  	v16 =	vsel vm0, v26, v16;
	v19 =	vmul.f32 v19, v11;
	v20 =	vmul.f32 v20, v12  }
0x13d: {  	s26 =	simm.s32 $0xD0;
	v17 =	vsel vm0, v32, v17;
	vm0 =	vlt.s32 v23, v16  }
0x13e: {  	vm1 =	veq.f32 v34, v17;
	v19 =	vadd.f32 v20, v19;
	v20 =	vmov s26  }
0x13f: {  	vm0 =	vmand vm0, vm1;
	vm1 =	vlt.f32 v34, v17;
	v20 =	vshrl.u32 v20, $0x7  }
0x140: {  	vm0 =	vmor vm1, vm0;
	v22 =	vmul.f32 v22, v14;
	v20 =	vshll.u32 v20, v2  }
0x141: {  	v17 =	vsel vm0, v34, v17;
	v23 =	vsel vm0, v23, v16;
	v59 =	vld.idx.msk [tilespmem:v58+s16+$0x0], $0xffff;
	v20 =	vbroadcast v20, $0x0  }
0x142: {  	vm0 =	veq.f32 v36, v17;
	vm1 =	vlt.s32 v28, v23;
	v16 =	vadd.f32 v22, v19  }
0x143: {  	vm2 =	vlt.f32 v36, v17;
	vm0 =	vmand vm1, vm0;
	v19 =	vor.u32 v7, v20  }
0x144: {  	vm0 =	vmor vm2, vm0;
	v20 =	vadd.f32 v16, v13;
	v16 =	vor.u32 $0xE, v15  }
0x145: {  	v17 =	vsel vm0, v36, v17;
	v22 =	vsel vm0, v28, v23  }
0x146: {  	vm1 =	veq.f32 v37, v17;
	vm0 =	vlt.s32 v63, v22;
	v20 =	vadd.f32 v20, v59  }
0x147: {  	vm0 =	vmand vm0, vm1;
	vm1 =	vlt.f32 v37, v17  }
0x148: {  	vm0 =	vmor vm1, vm0;
	[tilespmem:v19+s18+$0x0] =	vst.idx.msk $0xffff, v20  }
0x149: {  	v17 =	vsel vm0, v37, v17;
	v22 =	vsel vm0, v63, v22;
	v19 =	vld.idx.msk [tilespmem:v16+s24+$0x0], $0xffff  }
0x14a: {  	vm0 =	veq.f32 v39, v17;
	vm1 =	vlt.s32 v46, v22;
	v23 =	vld.idx.msk [tilespmem:v16+s14+$0x0], $0xffff  }
0x14b: {  	vm0 =	vmand vm1, vm0;
	vm1 =	vlt.f32 v39, v17  }
0x14c: {  	s29 =	simm.s32 $0xE0;
	vm0 =	vmor vm1, vm0;
	v60 =	vld.idx.msk [tilespmem:v16+s15+$0x0], $0xffff  }
0x14d: {  	v61 =	vmov s29;
	v17 =	vsel vm0, v39, v17  }
0x14e: {  	v26 =	vshrl.u32 v61, $0x7;
	v22 =	vsel vm0, v46, v22;
	vm0 =	veq.f32 v18, v17  }
0x14f: {  	vm1 =	vlt.s32 v21, v22;
	v19 =	vmul.f32 v19, v11;
	v23 =	vmul.f32 v23, v12  }
0x150: {  	v62 =	vshll.u32 v26, v2;
	vm0 =	vmand vm1, vm0  }
0x151: {  	vm1 =	vlt.f32 v18, v17;
	v19 =	vadd.f32 v23, v19;
	v23 =	vmul.f32 v60, v14  }
0x152: {  	v25 =	vbroadcast v62, $0x0;
	v63 =	vld.idx.msk [tilespmem:v16+s16+$0x0], $0xffff;
	vm0 =	vmor vm1, vm0  }
0x153: {  	v18 =	vsel vm0, v18, v17;
	v17 =	vadd.f32 v23, v19  }
0x154: {  	v15 =	vor.u32 $0xF, v15;
	v19 =	vsel vm0, v21, v22;
	v21 =	vor.u32 v8, v25  }
0x155: {  	vm0 =	veq.f32 v20, v18;
	vm1 =	vlt.s32 v58, v19;
	v17 =	vadd.f32 v17, v13  }
0x156: {  	vm2 =	vlt.f32 v20, v18;
	vm0 =	vmand vm1, vm0  }
0x157: {  	vm0 =	vmor vm2, vm0;
	v17 =	vadd.f32 v17, v63  }
0x158: {  	v18 =	vsel vm0, v20, v18;
	v19 =	vsel vm0, v58, v19  }
0x159: {  	s28 =	simm.s32 $0x1F0;
	s30 =	simm.s32 $0x0;
	vm1 =	vlt.s32 v16, v19;
	[tilespmem:v21+s18+$0x0] =	vst.idx.msk $0xffff, v17;
	vm0 =	veq.f32 v17, v18  }
0x15a: {  	s31 =	simm.s32 $0x0;
	s25 =	simm.s32 $0x0;
	s26 =	simm.s32 $0xF0;
	vm0 =	vmand vm1, vm0;
	v20 =	vld.idx.msk [tilespmem:v15+s24+$0x0], $0xffff  }
.LBB2_3:
0x15b: {  	p0 =	sne.s32 s28, $0xFF0;
	v21 =	vld.idx.msk [tilespmem:v15+s14+$0x0], $0xffff;
	s30 =	sadd.s32 $0x10, s30;
	s31 =	sadd.s32 $0x200, s31  }
0x15c: {  	s29 =	smov.u32 s28;
	s28 =	sadd.s32 $0x100, s28;
	v22 =	vld.idx.msk [tilespmem:v15+s15+$0x0], $0xffff  }
0x15d: {  	v23 =	vld.idx.msk [tilespmem:v15+s16+$0x0], $0xffff;
	_ =	sdelay $0x2  }
0x15e: {  	v20 =	vmul.f32 v20, v11  }
0x15f: {  	v24 =	vmov s26;
	s26 =	smov.u32 s29;
	v21 =	vmul.f32 v21, v12  }
0x160: {  	v24 =	vshrl.u32 v24, $0x7;
	v22 =	vmul.f32 v22, v14  }
0x161: {  	v20 =	vadd.f32 v21, v20;
	v21 =	vshll.u32 v24, v2  }
0x162: {  	v21 =	vbroadcast v21, $0x0  }
0x163: {  	v20 =	vadd.f32 v22, v20  }
0x164: {  	vm1 =	vlt.f32 v17, v18;
	v21 =	vor.u32 v9, v21  }
0x165: {  	vm0 =	vmor vm1, vm0;
	v22 =	vor.u32 s31, v10;
	v20 =	vadd.f32 v20, v13  }
0x166: {  	v17 =	vsel vm0, v17, v18;
	v16 =	vsel vm0, v16, v19;
	v18 =	vor.u32 s25, v0;
	s25 =	smov.u32 s30  }
0x167: {  	vm0 =	vlt.s32 v15, v16;
	v19 =	vadd.f32 v20, v23;
	_ =	sdelay $0x1  }
0x168: {  	vm1 =	vlt.f32 v19, v17;
	vm2 =	veq.f32 v19, v17;
	[tilespmem:v21+s18+$0x0] =	vst.idx.msk $0xffff, v19  }
0x169: {  	vm0 =	vmand vm0, vm2  }
0x16a: {  	vm0 =	vmor vm1, vm0  }
0x16b: {  	v17 =	vsel vm0, v19, v17;
	v15 =	vsel vm0, v15, v16  }
0x16c: {  	[tilespmem:v18+s19+$0x0] =	vst.idx.msk $0xffff, v17  }
0x16d: {  	[tilespmem:v18+s20+$0x0] =	vst.idx.msk $0xffff, v15  }
0x16e: {  	v15 =	vld.idx.msk [tilespmem:v22+s17+$0x0], $0xffff;
	_ =	sdelay $0x5  }
0x16f: {  	v15 =	vtrunc.f32 v15  }
0x170: {  	v15 =	vcvt.f32.s32 v15;
	_ =	sdelay $0x1  }
0x171: {  	v15 =	vshll.u32 v15, $0x4;
	_ =	sdelay $0x4  }
0x172: {  	v16 =	vld.idx.msk [tilespmem:v15+s24+$0x0], $0xffff  }
0x173: {  	v17 =	vld.idx.msk [tilespmem:v15+s14+$0x0], $0xffff  }
0x174: {  	v18 =	vld.idx.msk [tilespmem:v15+s15+$0x0], $0xffff;
	_ =	sdelay $0x1  }
0x175: {  	v19 =	vld.idx.msk [tilespmem:v15+s16+$0x0], $0xffff;
	_ =	sdelay $0x1  }
0x176: {  	s29 =	sadd.s32 $0xFFFFFF10, s26  }
0x177: {  	v20 =	vmov s29;
	v16 =	vmul.f32 v16, v11;
	v17 =	vmul.f32 v17, v12  }
0x178: {  	v20 =	vshrl.u32 v20, $0x7;
	v18 =	vmul.f32 v18, v14  }
0x179: {  	v17 =	vadd.f32 v17, v16;
	v16 =	vshll.u32 v20, v2  }
0x17a: {  	v16 =	vbroadcast v16, $0x0  }
0x17b: {  	v17 =	vadd.f32 v18, v17  }
0x17c: {  	v18 =	vor.u32 v0, v16  }
0x17d: {  	v20 =	vor.u32 $0x1, v15;
	v17 =	vadd.f32 v17, v13;
	_ =	sdelay $0x1  }
0x17e: {  	v17 =	vadd.f32 v17, v19;
	_ =	sdelay $0x1  }
0x17f: {  	vm0 =	vle.f32 v17, $3.000000010e+38;
	[tilespmem:v18+s18+$0x0] =	vst.idx.msk $0xffff, v17  }
0x180: {  	v18 =	vnsel vm0, $0x7FFFFFFF, v15;
	v19 =	vld.idx.msk [tilespmem:v20+s24+$0x0], $0xffff  }
0x181: {  	vm1 =	vlt.s32 v20, v18;
	v21 =	vld.idx.msk [tilespmem:v20+s14+$0x0], $0xffff;
	_ =	sdelay $0x1  }
0x182: {  	v22 =	vld.idx.msk [tilespmem:v20+s15+$0x0], $0xffff;
	_ =	sdelay $0x3  }
0x183: {  	v19 =	vmul.f32 v19, v11;
	v21 =	vmul.f32 v21, v12;
	_ =	sdelay $0x1  }
0x184: {  	v19 =	vadd.f32 v21, v19;
	v21 =	vmul.f32 v22, v14;
	v23 =	vld.idx.msk [tilespmem:v20+s16+$0x0], $0xffff;
	_ =	sdelay $0x1  }
0x185: {  	v19 =	vadd.f32 v21, v19  }
0x186: {  	v21 =	vor.u32 v3, v16  }
0x187: {  	v22 =	vor.u32 $0x2, v15;
	v19 =	vadd.f32 v19, v13;
	_ =	sdelay $0x1  }
0x188: {  	v19 =	vadd.f32 v19, v23  }
0x189: {  	v17 =	vnsel vm0, $0x7F61B1E6, v17  }
0x18a: {  	vm0 =	vlt.f32 v19, v17;
	vm2 =	veq.f32 v19, v17;
	[tilespmem:v21+s18+$0x0] =	vst.idx.msk $0xffff, v19  }
0x18b: {  	vm1 =	vmand vm1, vm2;
	v21 =	vld.idx.msk [tilespmem:v22+s24+$0x0], $0xffff  }
0x18c: {  	vm0 =	vmor vm0, vm1;
	v23 =	vld.idx.msk [tilespmem:v22+s14+$0x0], $0xffff  }
0x18d: {  	v17 =	vsel vm0, v19, v17;
	v18 =	vsel vm0, v20, v18  }
0x18e: {  	vm0 =	vlt.s32 v22, v18;
	v19 =	vld.idx.msk [tilespmem:v22+s15+$0x0], $0xffff;
	_ =	sdelay $0x2  }
0x18f: {  	v20 =	vmul.f32 v21, v11  }
0x190: {  	v21 =	vmul.f32 v23, v12;
	_ =	sdelay $0x1  }
0x191: {  	v20 =	vadd.f32 v21, v20;
	v19 =	vmul.f32 v19, v14;
	v23 =	vld.idx.msk [tilespmem:v22+s16+$0x0], $0xffff;
	_ =	sdelay $0x1  }
0x192: {  	v19 =	vadd.f32 v19, v20  }
0x193: {  	v20 =	vor.u32 v4, v16  }
0x194: {  	v21 =	vor.u32 $0x3, v15;
	v19 =	vadd.f32 v19, v13;
	_ =	sdelay $0x1  }
0x195: {  	v19 =	vadd.f32 v19, v23;
	_ =	sdelay $0x1  }
0x196: {  	vm1 =	vlt.f32 v19, v17;
	vm2 =	veq.f32 v19, v17;
	[tilespmem:v20+s18+$0x0] =	vst.idx.msk $0xffff, v19  }
0x197: {  	vm0 =	vmand vm0, vm2;
	v20 =	vld.idx.msk [tilespmem:v21+s24+$0x0], $0xffff  }
0x198: {  	vm0 =	vmor vm1, vm0;
	v23 =	vld.idx.msk [tilespmem:v21+s14+$0x0], $0xffff  }
0x199: {  	v18 =	vsel vm0, v22, v18  }
0x19a: {  	v22 =	vld.idx.msk [tilespmem:v21+s15+$0x0], $0xffff;
	_ =	sdelay $0x2  }
0x19b: {  	v20 =	vmul.f32 v20, v11  }
0x19c: {  	v23 =	vmul.f32 v23, v12;
	_ =	sdelay $0x1  }
0x19d: {  	v20 =	vadd.f32 v23, v20;
	v22 =	vmul.f32 v22, v14;
	v24 =	vld.idx.msk [tilespmem:v21+s16+$0x0], $0xffff;
	_ =	sdelay $0x1  }
0x19e: {  	v20 =	vadd.f32 v22, v20  }
0x19f: {  	v22 =	vor.u32 v5, v16  }
0x1a0: {  	v23 =	vor.u32 $0x4, v15;
	v20 =	vadd.f32 v20, v13;
	_ =	sdelay $0x1  }
0x1a1: {  	v20 =	vadd.f32 v20, v24  }
0x1a2: {  	v17 =	vsel vm0, v19, v17  }
0x1a3: {  	vm1 =	vlt.s32 v21, v18;
	vm0 =	veq.f32 v20, v17;
	[tilespmem:v22+s18+$0x0] =	vst.idx.msk $0xffff, v20  }
0x1a4: {  	vm2 =	vlt.f32 v20, v17;
	vm0 =	vmand vm1, vm0;
	v19 =	vld.idx.msk [tilespmem:v23+s24+$0x0], $0xffff  }
0x1a5: {  	vm0 =	vmor vm2, vm0;
	v22 =	vld.idx.msk [tilespmem:v23+s14+$0x0], $0xffff  }
0x1a6: {  	v17 =	vsel vm0, v20, v17;
	v18 =	vsel vm0, v21, v18  }
0x1a7: {  	v20 =	vld.idx.msk [tilespmem:v23+s15+$0x0], $0xffff;
	_ =	sdelay $0x2  }
0x1a8: {  	v19 =	vmul.f32 v19, v11  }
0x1a9: {  	v21 =	vmul.f32 v22, v12;
	_ =	sdelay $0x1  }
0x1aa: {  	v19 =	vadd.f32 v21, v19;
	v20 =	vmul.f32 v20, v14;
	v22 =	vld.idx.msk [tilespmem:v23+s16+$0x0], $0xffff;
	_ =	sdelay $0x1  }
0x1ab: {  	v19 =	vadd.f32 v20, v19  }
0x1ac: {  	v20 =	vor.u32 v6, v16  }
0x1ad: {  	v21 =	vor.u32 $0x5, v15;
	v19 =	vadd.f32 v19, v13;
	_ =	sdelay $0x1  }
0x1ae: {  	v19 =	vadd.f32 v19, v22  }
0x1af: {  	vm0 =	vlt.s32 v23, v18  }
0x1b0: {  	vm1 =	vlt.f32 v19, v17;
	vm2 =	veq.f32 v19, v17;
	[tilespmem:v20+s18+$0x0] =	vst.idx.msk $0xffff, v19  }
0x1b1: {  	vm0 =	vmand vm0, vm2;
	v20 =	vld.idx.msk [tilespmem:v21+s24+$0x0], $0xffff  }
0x1b2: {  	vm0 =	vmor vm1, vm0;
	v22 =	vld.idx.msk [tilespmem:v21+s14+$0x0], $0xffff  }
0x1b3: {  	v17 =	vsel vm0, v19, v17;
	v19 =	vld.idx.msk [tilespmem:v21+s15+$0x0], $0xffff;
	_ =	sdelay $0x3  }
0x1b4: {  	v20 =	vmul.f32 v20, v11  }
0x1b5: {  	v22 =	vmul.f32 v22, v12;
	_ =	sdelay $0x1  }
0x1b6: {  	v19 =	vmul.f32 v19, v14;
	v20 =	vadd.f32 v22, v20;
	v24 =	vld.idx.msk [tilespmem:v21+s16+$0x0], $0xffff;
	_ =	sdelay $0x1  }
0x1b7: {  	v19 =	vadd.f32 v19, v20  }
0x1b8: {  	v20 =	vor.u32 v7, v16  }
0x1b9: {  	v22 =	vor.u32 $0x6, v15;
	v19 =	vadd.f32 v19, v13;
	_ =	sdelay $0x1  }
0x1ba: {  	v18 =	vsel vm0, v23, v18;
	v19 =	vadd.f32 v19, v24  }
0x1bb: {  	vm0 =	vlt.s32 v21, v18  }
0x1bc: {  	vm1 =	vlt.f32 v19, v17;
	vm2 =	veq.f32 v19, v17;
	[tilespmem:v20+s18+$0x0] =	vst.idx.msk $0xffff, v19  }
0x1bd: {  	vm0 =	vmand vm0, vm2;
	v20 =	vld.idx.msk [tilespmem:v22+s24+$0x0], $0xffff  }
0x1be: {  	vm0 =	vmor vm1, vm0;
	v23 =	vld.idx.msk [tilespmem:v22+s14+$0x0], $0xffff  }
0x1bf: {  	v24 =	vld.idx.msk [tilespmem:v22+s15+$0x0], $0xffff;
	_ =	sdelay $0x3  }
0x1c0: {  	v20 =	vmul.f32 v20, v11  }
0x1c1: {  	v23 =	vmul.f32 v23, v12;
	_ =	sdelay $0x1  }
0x1c2: {  	v20 =	vadd.f32 v23, v20;
	v23 =	vmul.f32 v24, v14;
	v25 =	vld.idx.msk [tilespmem:v22+s16+$0x0], $0xffff;
	_ =	sdelay $0x1  }
0x1c3: {  	v20 =	vadd.f32 v23, v20  }
0x1c4: {  	v23 =	vor.u32 v8, v16  }
0x1c5: {  	v24 =	vor.u32 $0x7, v15;
	v20 =	vadd.f32 v20, v13;
	_ =	sdelay $0x1  }
0x1c6: {  	v20 =	vadd.f32 v20, v25  }
0x1c7: {  	v17 =	vsel vm0, v19, v17;
	v18 =	vsel vm0, v21, v18  }
0x1c8: {  	vm1 =	vlt.s32 v22, v18;
	vm0 =	veq.f32 v20, v17;
	[tilespmem:v23+s18+$0x0] =	vst.idx.msk $0xffff, v20  }
0x1c9: {  	vm2 =	vlt.f32 v20, v17;
	vm0 =	vmand vm1, vm0;
	v19 =	vld.idx.msk [tilespmem:v24+s24+$0x0], $0xffff  }
0x1ca: {  	vm0 =	vmor vm2, vm0;
	v21 =	vld.idx.msk [tilespmem:v24+s14+$0x0], $0xffff  }
0x1cb: {  	v23 =	vld.idx.msk [tilespmem:v24+s15+$0x0], $0xffff;
	_ =	sdelay $0x3  }
0x1cc: {  	v19 =	vmul.f32 v19, v11  }
0x1cd: {  	v21 =	vmul.f32 v21, v12;
	_ =	sdelay $0x1  }
0x1ce: {  	v19 =	vadd.f32 v21, v19;
	v21 =	vmul.f32 v23, v14;
	v25 =	vld.idx.msk [tilespmem:v24+s16+$0x0], $0xffff;
	_ =	sdelay $0x1  }
0x1cf: {  	v19 =	vadd.f32 v21, v19  }
0x1d0: {  	v16 =	vor.u32 v9, v16  }
0x1d1: {  	v21 =	vor.u32 $0x8, v15;
	v19 =	vadd.f32 v19, v13;
	_ =	sdelay $0x1  }
0x1d2: {  	v19 =	vadd.f32 v19, v25  }
0x1d3: {  	v17 =	vsel vm0, v20, v17;
	v18 =	vsel vm0, v22, v18  }
0x1d4: {  	vm1 =	vlt.s32 v24, v18;
	vm0 =	veq.f32 v19, v17;
	[tilespmem:v16+s18+$0x0] =	vst.idx.msk $0xffff, v19  }
0x1d5: {  	vm2 =	vlt.f32 v19, v17;
	vm0 =	vmand vm1, vm0;
	v16 =	vld.idx.msk [tilespmem:v21+s24+$0x0], $0xffff  }
0x1d6: {  	vm0 =	vmor vm2, vm0;
	v20 =	vld.idx.msk [tilespmem:v21+s14+$0x0], $0xffff  }
0x1d7: {  	v17 =	vsel vm0, v19, v17;
	v18 =	vsel vm0, v24, v18;
	v19 =	vld.idx.msk [tilespmem:v21+s15+$0x0], $0xffff;
	_ =	sdelay $0x3  }
0x1d8: {  	s29 =	sadd.s32 $0xFFFFFF90, s26  }
0x1d9: {  	v22 =	vmov s29;
	v16 =	vmul.f32 v16, v11;
	v20 =	vmul.f32 v20, v12  }
0x1da: {  	v22 =	vshrl.u32 v22, $0x7  }
0x1db: {  	v19 =	vmul.f32 v19, v14;
	v16 =	vadd.f32 v20, v16;
	v20 =	vshll.u32 v22, v2;
	v23 =	vld.idx.msk [tilespmem:v21+s16+$0x0], $0xffff  }
0x1dc: {  	v20 =	vbroadcast v20, $0x0  }
0x1dd: {  	v16 =	vadd.f32 v19, v16  }
0x1de: {  	v19 =	vor.u32 v0, v20  }
0x1df: {  	v20 =	vor.u32 $0x9, v15;
	v16 =	vadd.f32 v16, v13;
	_ =	sdelay $0x1  }
0x1e0: {  	v16 =	vadd.f32 v16, v23  }
0x1e1: {  	vm0 =	vlt.s32 v21, v18  }
0x1e2: {  	vm1 =	vlt.f32 v16, v17;
	vm2 =	veq.f32 v16, v17;
	[tilespmem:v19+s18+$0x0] =	vst.idx.msk $0xffff, v16  }
0x1e3: {  	vm0 =	vmand vm0, vm2;
	v19 =	vld.idx.msk [tilespmem:v20+s24+$0x0], $0xffff  }
0x1e4: {  	vm0 =	vmor vm1, vm0;
	v22 =	vld.idx.msk [tilespmem:v20+s14+$0x0], $0xffff  }
0x1e5: {  	v16 =	vsel vm0, v16, v17;
	v17 =	vld.idx.msk [tilespmem:v20+s15+$0x0], $0xffff;
	_ =	sdelay $0x3  }
0x1e6: {  	s29 =	sadd.s32 $0xFFFFFFA0, s26;
	v19 =	vmul.f32 v19, v11  }
0x1e7: {  	v23 =	vmov s29;
	v22 =	vmul.f32 v22, v12  }
0x1e8: {  	v23 =	vshrl.u32 v23, $0x7  }
0x1e9: {  	v17 =	vmul.f32 v17, v14;
	v19 =	vadd.f32 v22, v19;
	v22 =	vshll.u32 v23, v2;
	v24 =	vld.idx.msk [tilespmem:v20+s16+$0x0], $0xffff  }
0x1ea: {  	v22 =	vbroadcast v22, $0x0  }
0x1eb: {  	v17 =	vadd.f32 v17, v19  }
0x1ec: {  	v19 =	vor.u32 v3, v22  }
0x1ed: {  	v22 =	vor.u32 $0xA, v15;
	v17 =	vadd.f32 v17, v13;
	_ =	sdelay $0x1  }
0x1ee: {  	v17 =	vadd.f32 v17, v24  }
0x1ef: {  	v18 =	vsel vm0, v21, v18  }
0x1f0: {  	vm1 =	vlt.s32 v20, v18;
	vm0 =	veq.f32 v17, v16;
	[tilespmem:v19+s18+$0x0] =	vst.idx.msk $0xffff, v17  }
0x1f1: {  	vm2 =	vlt.f32 v17, v16;
	vm0 =	vmand vm1, vm0;
	v19 =	vld.idx.msk [tilespmem:v22+s24+$0x0], $0xffff  }
0x1f2: {  	vm0 =	vmor vm2, vm0;
	v21 =	vld.idx.msk [tilespmem:v22+s14+$0x0], $0xffff  }
0x1f3: {  	v16 =	vsel vm0, v17, v16;
	v17 =	vsel vm0, v20, v18;
	v18 =	vld.idx.msk [tilespmem:v22+s15+$0x0], $0xffff  }
0x1f4: {  	v20 =	vld.idx.msk [tilespmem:v22+s16+$0x0], $0xffff;
	_ =	sdelay $0x2  }
0x1f5: {  	s29 =	sadd.s32 $0xFFFFFFB0, s26;
	v19 =	vmul.f32 v19, v11  }
0x1f6: {  	v23 =	vmov s29;
	v21 =	vmul.f32 v21, v12  }
0x1f7: {  	v23 =	vshrl.u32 v23, $0x7  }
0x1f8: {  	v18 =	vmul.f32 v18, v14;
	v19 =	vadd.f32 v21, v19;
	v21 =	vshll.u32 v23, v2  }
0x1f9: {  	v21 =	vbroadcast v21, $0x0  }
0x1fa: {  	v18 =	vadd.f32 v18, v19  }
0x1fb: {  	v19 =	vor.u32 v4, v21  }
0x1fc: {  	v21 =	vor.u32 $0xB, v15;
	v18 =	vadd.f32 v18, v13;
	_ =	sdelay $0x1  }
0x1fd: {  	v18 =	vadd.f32 v18, v20  }
0x1fe: {  	vm0 =	vlt.s32 v22, v17  }
0x1ff: {  	vm1 =	vlt.f32 v18, v16;
	vm2 =	veq.f32 v18, v16;
	[tilespmem:v19+s18+$0x0] =	vst.idx.msk $0xffff, v18  }
0x200: {  	vm0 =	vmand vm0, vm2;
	v19 =	vld.idx.msk [tilespmem:v21+s24+$0x0], $0xffff  }
0x201: {  	vm0 =	vmor vm1, vm0;
	v20 =	vld.idx.msk [tilespmem:v21+s14+$0x0], $0xffff  }
0x202: {  	v23 =	vld.idx.msk [tilespmem:v21+s15+$0x0], $0xffff  }
0x203: {  	v24 =	vld.idx.msk [tilespmem:v21+s16+$0x0], $0xffff;
	_ =	sdelay $0x2  }
0x204: {  	s29 =	sadd.s32 $0xFFFFFFC0, s26  }
0x205: {  	v25 =	vmov s29;
	v19 =	vmul.f32 v19, v11;
	v20 =	vmul.f32 v20, v12  }
0x206: {  	v25 =	vshrl.u32 v25, $0x7  }
0x207: {  	v19 =	vadd.f32 v20, v19;
	v20 =	vmul.f32 v23, v14;
	v23 =	vshll.u32 v25, v2  }
0x208: {  	v23 =	vbroadcast v23, $0x0  }
0x209: {  	v19 =	vadd.f32 v20, v19  }
0x20a: {  	v20 =	vor.u32 v5, v23  }
0x20b: {  	v23 =	vor.u32 $0xC, v15;
	v19 =	vadd.f32 v19, v13;
	_ =	sdelay $0x1  }
0x20c: {  	v19 =	vadd.f32 v19, v24  }
0x20d: {  	v16 =	vsel vm0, v18, v16;
	v17 =	vsel vm0, v22, v17  }
0x20e: {  	vm1 =	vlt.s32 v21, v17;
	vm0 =	veq.f32 v19, v16;
	[tilespmem:v20+s18+$0x0] =	vst.idx.msk $0xffff, v19  }
0x20f: {  	vm2 =	vlt.f32 v19, v16;
	vm0 =	vmand vm1, vm0;
	v18 =	vld.idx.msk [tilespmem:v23+s24+$0x0], $0xffff  }
0x210: {  	vm0 =	vmor vm2, vm0;
	v20 =	vld.idx.msk [tilespmem:v23+s14+$0x0], $0xffff  }
0x211: {  	v22 =	vld.idx.msk [tilespmem:v23+s15+$0x0], $0xffff  }
0x212: {  	v24 =	vld.idx.msk [tilespmem:v23+s16+$0x0], $0xffff;
	_ =	sdelay $0x2  }
0x213: {  	s29 =	sadd.s32 $0xFFFFFFD0, s26;
	v18 =	vmul.f32 v18, v11  }
0x214: {  	v25 =	vmov s29;
	v20 =	vmul.f32 v20, v12  }
0x215: {  	v25 =	vshrl.u32 v25, $0x7  }
0x216: {  	v18 =	vadd.f32 v20, v18;
	v20 =	vmul.f32 v22, v14;
	v22 =	vshll.u32 v25, v2  }
0x217: {  	v22 =	vbroadcast v22, $0x0  }
0x218: {  	v18 =	vadd.f32 v20, v18  }
0x219: {  	v20 =	vor.u32 v6, v22  }
0x21a: {  	v22 =	vor.u32 $0xD, v15;
	v18 =	vadd.f32 v18, v13;
	_ =	sdelay $0x1  }
0x21b: {  	v18 =	vadd.f32 v18, v24  }
0x21c: {  	v19 =	vsel vm0, v19, v16;
	v17 =	vsel vm0, v21, v17  }
0x21d: {  	vm1 =	vlt.s32 v23, v17;
	vm0 =	veq.f32 v18, v19;
	[tilespmem:v20+s18+$0x0] =	vst.idx.msk $0xffff, v18  }
0x21e: {  	vm2 =	vlt.f32 v18, v19;
	vm0 =	vmand vm1, vm0;
	v16 =	vld.idx.msk [tilespmem:v22+s24+$0x0], $0xffff  }
0x21f: {  	vm0 =	vmor vm2, vm0;
	v20 =	vld.idx.msk [tilespmem:v22+s14+$0x0], $0xffff  }
0x220: {  	v21 =	vld.idx.msk [tilespmem:v22+s15+$0x0], $0xffff  }
0x221: {  	v24 =	vld.idx.msk [tilespmem:v22+s16+$0x0], $0xffff;
	_ =	sdelay $0x2  }
0x222: {  	s29 =	sadd.s32 $0xFFFFFFE0, s26  }
0x223: {  	v25 =	vmov s29;
	v16 =	vmul.f32 v16, v11;
	v20 =	vmul.f32 v20, v12  }
0x224: {  	v25 =	vshrl.u32 v25, $0x7  }
0x225: {  	v16 =	vadd.f32 v20, v16;
	v20 =	vmul.f32 v21, v14;
	v21 =	vshll.u32 v25, v2  }
0x226: {  	v21 =	vbroadcast v21, $0x0  }
0x227: {  	v16 =	vadd.f32 v20, v16  }
0x228: {  	v20 =	vor.u32 v7, v21  }
0x229: {  	v21 =	vadd.f32 v16, v13;
	v16 =	vor.u32 $0xE, v15;
	_ =	sdelay $0x1  }
0x22a: {  	v21 =	vadd.f32 v21, v24  }
0x22b: {  	v18 =	vsel vm0, v18, v19;
	v19 =	vsel vm0, v23, v17  }
0x22c: {  	vm1 =	vlt.s32 v22, v19;
	vm0 =	veq.f32 v21, v18;
	[tilespmem:v20+s18+$0x0] =	vst.idx.msk $0xffff, v21  }
0x22d: {  	vm2 =	vlt.f32 v21, v18;
	vm0 =	vmand vm1, vm0;
	v17 =	vld.idx.msk [tilespmem:v16+s24+$0x0], $0xffff  }
0x22e: {  	vm0 =	vmor vm2, vm0;
	v20 =	vld.idx.msk [tilespmem:v16+s14+$0x0], $0xffff  }
0x22f: {  	v23 =	vld.idx.msk [tilespmem:v16+s15+$0x0], $0xffff  }
0x230: {  	v24 =	vld.idx.msk [tilespmem:v16+s16+$0x0], $0xffff;
	_ =	sdelay $0x2  }
0x231: {  	s29 =	sadd.s32 $0xFFFFFFF0, s26;
	v17 =	vmul.f32 v17, v11  }
0x232: {  	v25 =	vmov s29;
	v20 =	vmul.f32 v20, v12  }
0x233: {  	v25 =	vshrl.u32 v25, $0x7  }
0x234: {  	v17 =	vadd.f32 v20, v17;
	v20 =	vmul.f32 v23, v14;
	v23 =	vshll.u32 v25, v2  }
0x235: {  	v23 =	vbroadcast v23, $0x0  }
0x236: {  	v17 =	vadd.f32 v20, v17  }
0x237: {  	v20 =	vor.u32 v8, v23  }
0x238: {  	v15 =	vor.u32 $0xF, v15;
	v17 =	vadd.f32 v17, v13  }
.Ltmp0:
0x239: {  	(pc) =	sbr.rel @p0 .LBB2_3-.Ltmp0, $4  }
0x23a: {  	v17 =	vadd.f32 v17, v24  }
0x23b: {  	v18 =	vsel vm0, v21, v18;
	v19 =	vsel vm0, v22, v19  }
0x23c: {  	vm1 =	vlt.s32 v16, v19;
	vm0 =	veq.f32 v17, v18;
	[tilespmem:v20+s18+$0x0] =	vst.idx.msk $0xffff, v17  }
0x23d: {  	vm0 =	vmand vm1, vm0;
	v20 =	vld.idx.msk [tilespmem:v15+s24+$0x0], $0xffff  }
0x23e: {  	_ =	sdelay $0x3  }
0x23f: {  	v21 =	vld.idx.msk [tilespmem:v15+s14+$0x0], $0xffff;
	_ =	sdelay $0x1  }
0x240: {  	v22 =	vld.idx.msk [tilespmem:v15+s15+$0x0], $0xffff;
	_ =	sdelay $0x2  }
0x241: {  	v11 =	vmul.f32 v20, v11;
	v12 =	vmul.f32 v21, v12;
	_ =	sdelay $0x1  }
0x242: {  	v14 =	vmul.f32 v22, v14;
	v11 =	vadd.f32 v12, v11  }
0x243: {  	v20 =	vmov s26;
	v12 =	vld.idx.msk [tilespmem:v15+s16+$0x0], $0xffff  }
0x244: {  	v20 =	vshrl.u32 v20, $0x7;
	v11 =	vadd.f32 v14, v11  }
0x245: {  	v14 =	vshll.u32 v20, v2  }
0x246: {  	v14 =	vbroadcast v14, $0x0;
	v11 =	vadd.f32 v11, v13  }
0x247: {  	vm1 =	vlt.f32 v17, v18  }
0x248: {  	vm0 =	vmor vm1, vm0;
	v13 =	vor.u32 v9, v14;
	v11 =	vadd.f32 v11, v12  }
0x249: {  	v14 =	vsel vm0, v16, v19;
	v16 =	vor.u32 s25, v0;
	v12 =	vsel vm0, v17, v18  }
0x24a: {  	vm0 =	vlt.s32 v15, v14;
	vm1 =	veq.f32 v11, v12  }
0x24b: {  	vm2 =	vlt.f32 v11, v12;
	vm0 =	vmand vm0, vm1  }
0x24c: {  	vm0 =	vmor vm2, vm0  }
0x24d: {  	[tilespmem:v13+s18+$0x0] =	vst.idx.msk $0xffff, v11;
	v11 =	vsel vm0, v11, v12  }
0x24e: {  	v12 =	vsel vm0, v15, v14;
	[tilespmem:v16+s19+$0x0] =	vst.idx.msk $0xffff, v11  }
0x24f: {  	[tilespmem:v16+s20+$0x0] =	vst.idx.msk $0xffff, v12  }
0x250: {  	v11 =	vld [tilespmem:$0xB800]  }
0x251: {  	v12 =	vld [tilespmem:$0xB900];
	_ =	sdelay $0x2  }
0x252: {  	v13 =	vld [tilespmem:$0xB910]  }
0x253: {  	v14 =	vld [tilespmem:$0xB810]  }
0x254: {  	vm0 =	veq.f32 v11, $3.000000010e+38;
	vm1 =	vne.s32 v12, $0x7FFFFFFF  }
0x255: {  	vm2 =	vlt.f32 v11, $3.000000010e+38;
	vm0 =	vmand vm0, vm1  }
0x256: {  	v15 =	vld [tilespmem:$0xB920];
	vm0 =	vmor vm2, vm0  }
0x257: {  	v16 =	vld [tilespmem:$0xB820];
	v11 =	vnsel vm0, $0x7F61B1E6, v11;
	v12 =	vnsel vm0, $0x7FFFFFFF, v12  }
0x258: {  	vm0 =	veq.f32 v14, v11;
	vm1 =	vlt.s32 v13, v12  }
0x259: {  	vm2 =	vlt.f32 v14, v11;
	vm0 =	vmand vm0, vm1  }
0x25a: {  	v17 =	vld [tilespmem:$0xB930];
	vm0 =	vmor vm2, vm0  }
0x25b: {  	v11 =	vsel vm0, v14, v11;
	v12 =	vsel vm0, v13, v12;
	v13 =	vld [tilespmem:$0xB830]  }
0x25c: {  	vm1 =	veq.f32 v16, v11;
	vm2 =	vlt.s32 v15, v12  }
0x25d: {  	vm3 =	vlt.f32 v16, v11;
	vm1 =	vmand vm1, vm2  }
0x25e: {  	v14 =	vld [tilespmem:$0xB940];
	vm1 =	vmor vm3, vm1  }
0x25f: {  	v11 =	vsel vm1, v16, v11;
	v12 =	vsel vm1, v15, v12;
	v15 =	vld [tilespmem:$0xB840]  }
0x260: {  	vm2 =	veq.f32 v13, v11;
	vm3 =	vlt.s32 v17, v12  }
0x261: {  	vm4 =	vlt.f32 v13, v11;
	vm2 =	vmand vm2, vm3  }
0x262: {  	v16 =	vld [tilespmem:$0xB950];
	vm2 =	vmor vm4, vm2  }
0x263: {  	v11 =	vsel vm2, v13, v11;
	v12 =	vsel vm2, v17, v12;
	v13 =	vld [tilespmem:$0xB850]  }
0x264: {  	vm3 =	veq.f32 v15, v11;
	vm14 =	vlt.s32 v14, v12  }
0x265: {  	vm5 =	vlt.f32 v15, v11;
	vm3 =	vmand vm3, vm14  }
0x266: {  	v17 =	vld [tilespmem:$0xB960];
	vm3 =	vmor vm5, vm3  }
0x267: {  	v11 =	vsel vm3, v15, v11;
	v12 =	vsel vm3, v14, v12;
	v14 =	vld [tilespmem:$0xB860]  }
0x268: {  	vm15 =	veq.f32 v13, v11;
	vm9 =	vlt.s32 v16, v12  }
0x269: {  	vm6 =	vlt.f32 v13, v11;
	vm4 =	vmand vm15, vm9  }
0x26a: {  	v15 =	vld [tilespmem:$0xB970];
	vm4 =	vmor vm6, vm4  }
0x26b: {  	v11 =	vsel vm4, v13, v11;
	v12 =	vsel vm4, v16, v12;
	v13 =	vld [tilespmem:$0xB870]  }
0x26c: {  	vm10 =	veq.f32 v14, v11;
	vm11 =	vlt.s32 v17, v12  }
0x26d: {  	vm7 =	vlt.f32 v14, v11;
	vm5 =	vmand vm10, vm11  }
0x26e: {  	v16 =	vld [tilespmem:$0xB980];
	vm5 =	vmor vm7, vm5  }
0x26f: {  	v11 =	vsel vm5, v14, v11;
	v12 =	vsel vm5, v17, v12;
	v14 =	vld [tilespmem:$0xB880]  }
0x270: {  	vm12 =	veq.f32 v13, v11;
	vm13 =	vlt.s32 v15, v12  }
0x271: {  	vm8 =	vlt.f32 v13, v11;
	vm6 =	vmand vm12, vm13  }
0x272: {  	v17 =	vld [tilespmem:$0xB990];
	vm6 =	vmor vm8, vm6  }
0x273: {  	v11 =	vsel vm6, v13, v11;
	v12 =	vsel vm6, v15, v12;
	v13 =	vld [tilespmem:$0xB890]  }
0x274: {  	vm14 =	veq.f32 v14, v11;
	vm15 =	vlt.s32 v16, v12  }
0x275: {  	vm9 =	vlt.f32 v14, v11;
	vm7 =	vmand vm14, vm15  }
0x276: {  	v15 =	vld [tilespmem:$0xB9A0];
	vm7 =	vmor vm9, vm7  }
0x277: {  	v11 =	vsel vm7, v14, v11;
	v12 =	vsel vm7, v16, v12;
	v14 =	vld [tilespmem:$0xB8A0]  }
0x278: {  	vm12 =	veq.f32 v13, v11;
	vm13 =	vlt.s32 v17, v12  }
0x279: {  	vm10 =	vlt.f32 v13, v11;
	vm8 =	vmand vm12, vm13  }
0x27a: {  	v16 =	vld [tilespmem:$0xB9B0];
	vm8 =	vmor vm10, vm8  }
0x27b: {  	v11 =	vsel vm8, v13, v11;
	v12 =	vsel vm8, v17, v12;
	v13 =	vld [tilespmem:$0xB8B0]  }
0x27c: {  	vm14 =	veq.f32 v14, v11;
	vm15 =	vlt.s32 v15, v12  }
0x27d: {  	vm11 =	vlt.f32 v14, v11;
	vm9 =	vmand vm14, vm15  }
0x27e: {  	v17 =	vld [tilespmem:$0xB9C0];
	vm9 =	vmor vm11, vm9  }
0x27f: {  	v11 =	vsel vm9, v14, v11;
	v12 =	vsel vm9, v15, v12;
	v14 =	vld [tilespmem:$0xB8C0]  }
0x280: {  	vm10 =	veq.f32 v13, v11;
	vm11 =	vlt.s32 v16, v12  }
0x281: {  	vm12 =	vlt.f32 v13, v11;
	vm10 =	vmand vm10, vm11  }
0x282: {  	v15 =	vld [tilespmem:$0xB9D0];
	vm10 =	vmor vm12, vm10  }
0x283: {  	v11 =	vsel vm10, v13, v11;
	v12 =	vsel vm10, v16, v12;
	v13 =	vld [tilespmem:$0xB8D0]  }
0x284: {  	vm11 =	veq.f32 v14, v11;
	vm12 =	vlt.s32 v17, v12  }
0x285: {  	v16 =	vsel vm0, $0x1, v1;
	vm0 =	vlt.f32 v14, v11;
	vm11 =	vmand vm11, vm12  }
0x286: {  	v18 =	vld [tilespmem:$0xB9E0];
	v16 =	vsel vm1, $0x2, v16;
	vm0 =	vmor vm0, vm11  }
0x287: {  	v16 =	vsel vm2, $0x3, v16;
	v11 =	vsel vm0, v14, v11;
	v12 =	vsel vm0, v17, v12;
	v14 =	vld [tilespmem:$0xB8E0]  }
0x288: {  	v16 =	vsel vm3, $0x4, v16;
	vm1 =	veq.f32 v13, v11;
	vm2 =	vlt.s32 v15, v12  }
0x289: {  	v16 =	vsel vm4, $0x5, v16;
	vm3 =	vlt.f32 v13, v11;
	vm1 =	vmand vm1, vm2  }
0x28a: {  	v21 =	vld [tilespmem:$0xB8F0];
	v16 =	vsel vm5, $0x6, v16;
	vm1 =	vmor vm3, vm1  }
0x28b: {  	v17 =	vld [tilespmem:$0xB9F0];
	v16 =	vsel vm6, $0x7, v16;
	v11 =	vsel vm1, v13, v11;
	v12 =	vsel vm1, v15, v12  }
0x28c: {  	v13 =	vsel vm7, $0x8, v16;
	vm2 =	veq.f32 v14, v11;
	vm3 =	vlt.s32 v18, v12  }
0x28d: {  	v13 =	vsel vm8, $0x9, v13;
	vm12 =	vlt.f32 v14, v11;
	vm2 =	vmand vm2, vm3  }
0x28e: {  	v13 =	vsel vm9, $0xA, v13;
	vm2 =	vmor vm12, vm2  }
0x28f: {  	v13 =	vsel vm10, $0xB, v13;
	v24 =	vsel vm2, v14, v11;
	v12 =	vsel vm2, v18, v12  }
0x290: {  	v11 =	vsel vm0, $0xC, v13;
	vm0 =	veq.f32 v21, v24;
	vm3 =	vlt.s32 v17, v12  }
0x291: {  	v11 =	vsel vm1, $0xD, v11;
	vm1 =	vlt.f32 v21, v24;
	vm0 =	vmand vm0, vm3  }
0x292: {  	v11 =	vsel vm2, $0xE, v11;
	vm0 =	vmor vm1, vm0  }
0x293: {  	v18 =	vsel vm0, $0xF, v11  }
0x294: {  	v13 =	vor.u32 s24, v10;
	v11 =	vshll.u32 v18, $0x9  }
0x295: {  	v28 =	vshll.u32 v18, $0x8;
	v14 =	vadd.s32 v10, v11  }
0x296: {  	v15 =	vor.u32 v0, v28  }
0x297: {  	v19 =	vor.u32 v9, v28  }
0x298: {  	v20 =	vsel vm0, v17, v12;
	v23 =	vor.u32 v8, v28  }
0x299: {  	[tilespmem:v13+s21+$0x0] =	vst.idx.msk $0xffff, v20;
	v30 =	vor.u32 v4, v28  }
0x29a: {  	v33 =	vor.u32 v3, v28;
	v29 =	vld.idx.msk [tilespmem:v14+s17+$0x0], $0xffff  }
0x29b: {  	v11 =	vor.u32 $0xC0, v0;
	v35 =	vor.u32 v7, v28;
	v32 =	vld.idx.msk [tilespmem:v15+s18+$0x0], $0xffff  }
0x29c: {  	v17 =	vor.u32 v11, v28;
	v27 =	vld.idx.msk [tilespmem:v19+s18+$0x0], $0xffff  }
0x29d: {  	v16 =	vor.u32 $0xB0, v0;
	v12 =	vor.u32 $0xF0, v0;
	v38 =	vld.idx.msk [tilespmem:v23+s18+$0x0], $0xffff  }
0x29e: {  	v21 =	vsel vm0, v21, v24;
	v13 =	vor.u32 $0xE0, v0;
	v31 =	vor.u32 v5, v28;
	v30 =	vld.idx.msk [tilespmem:v30+s18+$0x0], $0xffff  }
0x29f: {  	v34 =	vor.u32 v6, v28;
	v37 =	vor.u32 v16, v28;
	v25 =	vor.u32 v13, v28;
	v33 =	vld.idx.msk [tilespmem:v33+s18+$0x0], $0xffff  }
0x2a0: {  	v14 =	vor.u32 $0xD0, v0;
	v15 =	vor.u32 $0x90, v0;
	v19 =	vshll.u32 v18, $0x4;
	v35 =	vld.idx.msk [tilespmem:v35+s18+$0x0], $0xffff  }
0x2a1: {  	v23 =	vor.u32 v12, v28;
	v18 =	vor.u32 $0xA0, v0;
	v36 =	vor.u32 v15, v28;
	v22 =	vld.idx.msk [tilespmem:v17+s18+$0x0], $0xffff  }
0x2a2: {  	v26 =	vor.u32 v14, v28;
	v17 =	vtrunc.f32 v29;
	vm3 =	vgt.f32 v32, v21  }
0x2a3: {  	vm1 =	vgt.f32 v27, v21;
	vm13 =	veq.f32 v30, v21;
	vm2 =	vgt.f32 v38, v21  }
0x2a4: {  	vm5 =	veq.f32 v38, v21;
	vm12 =	veq.f32 v32, v21;
	vm9 =	vgt.f32 v30, v21  }
0x2a5: {  	v29 =	vld.idx.msk [tilespmem:v31+s18+$0x0], $0xffff;
	vm11 =	veq.f32 v33, v21;
	vm8 =	vgt.f32 v33, v21;
	v31 =	vcvt.f32.s32 v17  }
0x2a6: {  	vm4 =	vgt.f32 v35, v21;
	v17 =	vor.u32 $0x80, v0;
	vm0 =	veq.f32 v22, v21  }
0x2a7: {  	v39 =	vor.u32 v17, v28;
	v28 =	vor.u32 v18, v28;
	v24 =	vshll.u32 v31, $0x4  }
0x2a8: {  	v31 =	vor.u32 $0x2, v24;
	v40 =	vor.u32 $0x3, v24;
	vm10 =	vge.s32 v24, v20  }
0x2a9: {  	v41 =	vor.u32 $0x1, v24;
	v42 =	vor.u32 $0x6, v24;
	v43 =	vor.u32 $0x4, v24  }
0x2aa: {  	v34 =	vld.idx.msk [tilespmem:v34+s18+$0x0], $0xffff;
	v45 =	vor.u32 $0x5, v24;
	v46 =	vor.u32 $0x8, v24;
	v50 =	vor.u32 $0x7, v24  }
0x2ab: {  	v53 =	vor.u32 $0x9, v24;
	v55 =	vor.u32 $0xA, v24;
	v57 =	vor.u32 $0xB, v24  }
0x2ac: {  	v60 =	vor.u32 $0xD, v24;
	vm14 =	vgt.s32 v31, v20;
	vm15 =	veq.f32 v29, v21  }
0x2ad: {  	vm7 =	vmand vm13, vm14;
	vm13 =	vgt.s32 v40, v20;
	vm14 =	vgt.s32 v24, v20  }
0x2ae: {  	vm6 =	vmand vm15, vm13;
	vm15 =	vmand vm12, vm14;
	vm7 =	vmor vm9, vm7  }
0x2af: {  	vm13 =	vgt.s32 v43, v20;
	vm14 =	veq.f32 v34, v21;
	vm12 =	vmor vm3, vm15  }
0x2b0: {  	vm3 =	vmand vm11, vm10;
	vm10 =	vgt.s32 v42, v20;
	v31 =	vnsel vm7, $0x7FFFFFFF, v31  }
0x2b1: {  	vm13 =	vmand vm14, vm13;
	v30 =	vnsel vm7, $0x7F61B1E6, v30;
	vm3 =	vmor vm8, vm3  }
0x2b2: {  	vm8 =	vgt.f32 v29, v21;
	v32 =	vnsel vm12, $0x7F61B1E6, v32;
	vm5 =	vmand vm5, vm10  }
0x2b3: {  	v41 =	vnsel vm3, $0x7FFFFFFF, v41;
	vm9 =	vlt.f32 v32, $3.000000010e+38;
	v33 =	vnsel vm3, $0x7F61B1E6, v33  }
0x2b4: {  	vm3 =	veq.f32 v32, $3.000000010e+38;
	vm2 =	vmor vm2, vm5;
	vm6 =	vmor vm8, vm6  }
0x2b5: {  	vm8 =	vgt.s32 v46, v20;
	vm11 =	vmand vm12, vm3;
	vm3 =	veq.f32 v27, v21  }
0x2b6: {  	v63 =	vnsel vm6, $0x7FFFFFFF, v40;
	v29 =	vnsel vm6, $0x7F61B1E6, v29;
	v54 =	vnsel vm2, $0x7FFFFFFF, v42  }
0x2b7: {  	v39 =	vld.idx.msk [tilespmem:v39+s18+$0x0], $0xffff;
	v38 =	vnsel vm2, $0x7F61B1E6, v38;
	vm9 =	vmor vm9, vm11;
	vm11 =	vgt.f32 v34, v21  }
0x2b8: {  	vm12 =	vmand vm12, vm9;
	v32 =	vnsel vm9, $0x7F61B1E6, v32;
	vm9 =	vmor vm11, vm13  }
0x2b9: {  	v44 =	vnsel vm12, $0x7FFFFFFF, v24;
	vm14 =	veq.f32 v33, v32;
	vm13 =	vlt.f32 v33, v32  }
0x2ba: {  	v49 =	vnsel vm9, $0x7FFFFFFF, v43;
	v34 =	vnsel vm9, $0x7F61B1E6, v34;
	vm12 =	vlt.s32 v41, v44  }
0x2bb: {  	vm15 =	vmand vm14, vm12;
	vm12 =	vgt.s32 v45, v20;
	vm14 =	veq.f32 v35, v21  }
0x2bc: {  	vm5 =	vmor vm13, vm15;
	vm7 =	vmand vm14, vm12;
	vm13 =	vgt.f32 v39, v21  }
0x2bd: {  	vm14 =	vgt.s32 v50, v20;
	v32 =	vsel vm5, v33, v32;
	v48 =	vsel vm5, v41, v44  }
0x2be: {  	vm4 =	vmor vm4, vm7;
	vm15 =	vlt.s32 v31, v48;
	vm12 =	veq.f32 v30, v32  }
0x2bf: {  	v36 =	vld.idx.msk [tilespmem:v36+s18+$0x0], $0xffff;
	vm3 =	vmand vm3, vm14;
	vm5 =	vlt.f32 v30, v32;
	vm6 =	vmand vm12, vm15  }
0x2c0: {  	v28 =	vld.idx.msk [tilespmem:v28+s18+$0x0], $0xffff;
	vm14 =	vgt.s32 v53, v20;
	vm7 =	vgt.f32 v22, v21;
	vm5 =	vmor vm5, vm6  }
0x2c1: {  	v37 =	vld.idx.msk [tilespmem:v37+s18+$0x0], $0xffff;
	v51 =	vnsel vm4, $0x7FFFFFFF, v45;
	v30 =	vsel vm5, v30, v32;
	v31 =	vsel vm5, v31, v48  }
0x2c2: {  	vm15 =	veq.f32 v39, v21;
	vm11 =	veq.f32 v29, v30;
	vm5 =	vlt.s32 v63, v31  }
0x2c3: {  	v52 =	vnsel vm4, $0x7F61B1E6, v35;
	vm12 =	vmand vm15, vm8;
	vm4 =	vmand vm11, vm5  }
0x2c4: {  	vm5 =	vmor vm1, vm3;
	vm1 =	vmor vm13, vm12;
	vm3 =	vlt.f32 v29, v30  }
0x2c5: {  	vm13 =	veq.f32 v36, v21;
	vm12 =	veq.f32 v28, v21;
	vm3 =	vmor vm3, vm4  }
0x2c6: {  	vm4 =	veq.f32 v37, v21;
	vm6 =	vmand vm13, vm14;
	v29 =	vsel vm3, v29, v30  }
0x2c7: {  	v30 =	vsel vm3, v63, v31;
	v31 =	vor.u32 $0xC, v24;
	vm3 =	vgt.f32 v36, v21  }
0x2c8: {  	vm15 =	vlt.f32 v34, v29;
	vm10 =	vlt.s32 v49, v30;
	vm11 =	veq.f32 v34, v29  }
0x2c9: {  	vm3 =	vmor vm3, vm6;
	vm2 =	vgt.s32 v31, v20;
	vm6 =	vmand vm11, vm10  }
0x2ca: {  	v56 =	vnsel vm5, $0x7FFFFFFF, v50;
	vm0 =	vmand vm0, vm2;
	vm2 =	vmor vm15, vm6  }
0x2cb: {  	vm13 =	vgt.s32 v55, v20;
	v29 =	vsel vm2, v34, v29;
	v30 =	vsel vm2, v49, v30  }
0x2cc: {  	v27 =	vnsel vm5, $0x7F61B1E6, v27;
	vm2 =	veq.f32 v52, v29;
	vm15 =	vlt.s32 v51, v30  }
0x2cd: {  	v58 =	vld.idx.msk [tilespmem:v26+s18+$0x0], $0xffff;
	v26 =	vnsel vm1, $0x7FFFFFFF, v46;
	vm14 =	vlt.f32 v52, v29;
	vm2 =	vmand vm2, vm15  }
0x2ce: {  	v59 =	vnsel vm1, $0x7F61B1E6, v39;
	vm11 =	vgt.f32 v28, v21;
	vm5 =	vmor vm14, vm2  }
0x2cf: {  	v35 =	vnsel vm3, $0x7FFFFFFF, v53;
	v29 =	vsel vm5, v52, v29;
	v30 =	vsel vm5, v51, v30  }
0x2d0: {  	vm6 =	vmand vm12, vm13;
	vm13 =	veq.f32 v38, v29;
	vm14 =	vlt.s32 v54, v30  }
0x2d1: {  	vm0 =	vmor vm7, vm0;
	vm12 =	vlt.f32 v38, v29;
	vm7 =	vmand vm13, vm14  }
0x2d2: {  	vm15 =	vgt.f32 v37, v21;
	vm2 =	vmor vm11, vm6;
	vm9 =	vmor vm12, vm7  }
0x2d3: {  	vm5 =	vgt.s32 v57, v20;
	v29 =	vsel vm9, v38, v29;
	v30 =	vsel vm9, v54, v30  }
0x2d4: {  	v61 =	vnsel vm2, $0x7FFFFFFF, v55;
	vm10 =	veq.f32 v27, v29;
	vm11 =	vlt.s32 v56, v30  }
0x2d5: {  	vm4 =	vmand vm4, vm5;
	vm1 =	vlt.f32 v27, v29;
	vm5 =	vmand vm10, vm11  }
0x2d6: {  	v28 =	vnsel vm2, $0x7F61B1E6, v28;
	vm4 =	vmor vm15, vm4;
	vm1 =	vmor vm1, vm5  }
0x2d7: {  	v25 =	vld.idx.msk [tilespmem:v25+s18+$0x0], $0xffff;
	vm13 =	vgt.s32 v60, v20;
	v27 =	vsel vm1, v27, v29;
	v29 =	vsel vm1, v56, v30  }
0x2d8: {  	v30 =	vnsel vm3, $0x7F61B1E6, v36;
	vm3 =	veq.f32 v59, v27;
	vm14 =	vlt.s32 v26, v29  }
0x2d9: {  	vm15 =	vgt.f32 v58, v21;
	vm1 =	vlt.f32 v59, v27;
	vm3 =	vmand vm3, vm14  }
0x2da: {  	vm12 =	veq.f32 v58, v21;
	v62 =	vnsel vm4, $0x7FFFFFFF, v57;
	vm3 =	vmor vm1, vm3  }
0x2db: {  	v63 =	vnsel vm4, $0x7F61B1E6, v37;
	v27 =	vsel vm3, v59, v27;
	v26 =	vsel vm3, v26, v29  }
0x2dc: {  	vm10 =	veq.f32 v25, v21;
	vm3 =	veq.f32 v30, v27;
	vm9 =	vlt.s32 v35, v26  }
0x2dd: {  	vm5 =	vmand vm12, vm13;
	vm2 =	vlt.f32 v30, v27;
	vm3 =	vmand vm3, vm9  }
0x2de: {  	vm13 =	vgt.f32 v25, v21;
	vm1 =	vmor vm15, vm5;
	vm2 =	vmor vm2, vm3  }
0x2df: {  	v29 =	vor.u32 $0xE, v24;
	v27 =	vsel vm2, v30, v27;
	v30 =	vsel vm2, v35, v26  }
0x2e0: {  	v24 =	vor.u32 $0xF, v24;
	vm11 =	veq.f32 v28, v27;
	vm12 =	vlt.s32 v61, v30  }
0x2e1: {  	vm3 =	vgt.s32 v29, v20;
	vm2 =	vlt.f32 v28, v27;
	vm4 =	vmand vm11, vm12  }
0x2e2: {  	vm15 =	vgt.s32 v24, v20;
	vm3 =	vmand vm10, vm3;
	vm2 =	vmor vm2, vm4  }
0x2e3: {  	v26 =	vnsel vm0, $0x7FFFFFFF, v31;
	v31 =	vsel vm2, v28, v27;
	v34 =	vsel vm2, v61, v30  }
0x2e4: {  	v28 =	vnsel vm0, $0x7F61B1E6, v22;
	v22 =	vld.idx.msk [tilespmem:v23+s18+$0x0], $0xffff;
	vm2 =	veq.f32 v63, v31;
	vm14 =	vlt.s32 v62, v34  }
0x2e5: {  	vm3 =	vmor vm13, vm3;
	vm0 =	vlt.f32 v63, v31;
	vm2 =	vmand vm2, vm14  }
0x2e6: {  	v23 =	vnsel vm3, $0x7F61B1E6, v25;
	v25 =	vnsel vm3, $0x7FFFFFFF, v29;
	vm0 =	vmor vm0, vm2  }
0x2e7: {  	v27 =	vnsel vm1, $0x7FFFFFFF, v60;
	v30 =	vsel vm0, v63, v31;
	v31 =	vsel vm0, v62, v34  }
0x2e8: {  	v29 =	vnsel vm1, $0x7F61B1E6, v58;
	vm1 =	veq.f32 v28, v30;
	vm2 =	vlt.s32 v26, v31  }
0x2e9: {  	vm0 =	vlt.f32 v28, v30;
	vm3 =	veq.f32 v22, v21;
	vm1 =	vmand vm1, vm2  }
0x2ea: {  	s24 =	simm.s32 $0x200;
	vm2 =	vmor vm0, vm1;
	vm0 =	vgt.f32 v22, v21;
	vm1 =	vmand vm3, vm15  }
.LBB2_5:
0x2eb: {  	p0 =	sne.s32 s24, $0x1E00;
	v20 =	vsel vm2, v28, v30;
	v21 =	vsel vm2, v26, v31;
	s25 =	smov.u32 s24;
	s24 =	sadd.s32 $0x200, s24  }
0x2ec: {  	vm2 =	vlt.f32 v29, v20;
	vm3 =	veq.f32 v29, v20;
	vm4 =	vlt.s32 v27, v21  }
0x2ed: {  	vm3 =	vmand vm3, vm4  }
0x2ee: {  	vm0 =	vmor vm0, vm1;
	v19 =	vor.u32 v0, v19;
	vm2 =	vmor vm2, vm3  }
0x2ef: {  	v24 =	vnsel vm0, $0x7FFFFFFF, v24;
	v20 =	vsel vm2, v29, v20;
	v21 =	vsel vm2, v27, v21  }
0x2f0: {  	vm1 =	vlt.f32 v23, v20;
	vm2 =	veq.f32 v23, v20;
	vm3 =	vlt.s32 v25, v21  }
0x2f1: {  	vm2 =	vmand vm2, vm3  }
0x2f2: {  	vm1 =	vmor vm1, vm2  }
0x2f3: {  	v22 =	vnsel vm0, $0x7F61B1E6, v22;
	v20 =	vsel vm1, v23, v20;
	v21 =	vsel vm1, v25, v21  }
0x2f4: {  	vm0 =	vlt.f32 v22, v20;
	vm1 =	veq.f32 v22, v20;
	vm2 =	vlt.s32 v24, v21  }
0x2f5: {  	vm1 =	vmand vm1, vm2  }
0x2f6: {  	vm0 =	vmor vm0, vm1  }
0x2f7: {  	v20 =	vsel vm0, v22, v20;
	v21 =	vsel vm0, v24, v21  }
0x2f8: {  	[tilespmem:v19+s19+$0x0] =	vst.idx.msk $0xffff, v20  }
0x2f9: {  	[tilespmem:v19+s20+$0x0] =	vst.idx.msk $0xffff, v21;
	_ =	sdelay $0x2  }
0x2fa: {  	v19 =	vld [tilespmem:$0xB800]  }
0x2fb: {  	v20 =	vld [tilespmem:$0xB900];
	_ =	sdelay $0x2  }
0x2fc: {  	v21 =	vld [tilespmem:$0xB910]  }
0x2fd: {  	v22 =	vld [tilespmem:$0xB810]  }
0x2fe: {  	vm0 =	veq.f32 v19, $3.000000010e+38;
	vm1 =	vne.s32 v20, $0x7FFFFFFF  }
0x2ff: {  	vm2 =	vlt.f32 v19, $3.000000010e+38;
	vm0 =	vmand vm0, vm1  }
0x300: {  	vm0 =	vmor vm2, vm0;
	v23 =	vld [tilespmem:$0xB920]  }
0x301: {  	v19 =	vnsel vm0, $0x7F61B1E6, v19;
	v20 =	vnsel vm0, $0x7FFFFFFF, v20;
	v24 =	vld [tilespmem:$0xB820]  }
0x302: {  	vm0 =	vlt.f32 v22, v19;
	vm1 =	veq.f32 v22, v19;
	vm2 =	vlt.s32 v21, v20  }
0x303: {  	vm1 =	vmand vm1, vm2  }
0x304: {  	vm0 =	vmor vm0, vm1;
	v25 =	vld [tilespmem:$0xB930]  }
0x305: {  	v19 =	vsel vm0, v22, v19;
	v20 =	vsel vm0, v21, v20;
	v21 =	vld [tilespmem:$0xB830]  }
0x306: {  	vm1 =	veq.f32 v24, v19;
	vm2 =	vlt.s32 v23, v20  }
0x307: {  	vm3 =	vlt.f32 v24, v19;
	vm1 =	vmand vm1, vm2  }
0x308: {  	vm1 =	vmor vm3, vm1;
	v22 =	vld [tilespmem:$0xB940]  }
0x309: {  	v19 =	vsel vm1, v24, v19;
	v20 =	vsel vm1, v23, v20;
	v23 =	vld [tilespmem:$0xB840]  }
0x30a: {  	vm2 =	veq.f32 v21, v19;
	vm3 =	vlt.s32 v25, v20  }
0x30b: {  	vm4 =	vlt.f32 v21, v19;
	vm2 =	vmand vm2, vm3  }
0x30c: {  	vm2 =	vmor vm4, vm2;
	v24 =	vld [tilespmem:$0xB950]  }
0x30d: {  	v19 =	vsel vm2, v21, v19;
	v20 =	vsel vm2, v25, v20;
	v21 =	vld [tilespmem:$0xB850]  }
0x30e: {  	vm3 =	veq.f32 v23, v19;
	vm4 =	vlt.s32 v22, v20  }
0x30f: {  	vm5 =	vlt.f32 v23, v19;
	vm3 =	vmand vm3, vm4  }
0x310: {  	vm3 =	vmor vm5, vm3;
	v25 =	vld [tilespmem:$0xB960]  }
0x311: {  	v19 =	vsel vm3, v23, v19;
	v20 =	vsel vm3, v22, v20;
	v22 =	vld [tilespmem:$0xB860]  }
0x312: {  	vm4 =	veq.f32 v21, v19;
	vm5 =	vlt.s32 v24, v20  }
0x313: {  	vm6 =	vlt.f32 v21, v19;
	vm4 =	vmand vm4, vm5  }
0x314: {  	vm4 =	vmor vm6, vm4;
	v23 =	vld [tilespmem:$0xB970]  }
0x315: {  	v19 =	vsel vm4, v21, v19;
	v20 =	vsel vm4, v24, v20;
	v21 =	vld [tilespmem:$0xB870]  }
0x316: {  	vm5 =	vlt.f32 v22, v19;
	vm6 =	veq.f32 v22, v19;
	vm7 =	vlt.s32 v25, v20  }
0x317: {  	v24 =	vsel vm0, $0x1, v1;
	vm0 =	vmand vm6, vm7  }
0x318: {  	v24 =	vsel vm1, $0x2, v24;
	vm0 =	vmor vm5, vm0;
	v26 =	vld [tilespmem:$0xB980]  }
0x319: {  	v24 =	vsel vm2, $0x3, v24;
	v19 =	vsel vm0, v22, v19;
	v20 =	vsel vm0, v25, v20;
	v22 =	vld [tilespmem:$0xB880]  }
0x31a: {  	v24 =	vsel vm3, $0x4, v24;
	vm1 =	veq.f32 v21, v19;
	vm2 =	vlt.s32 v23, v20  }
0x31b: {  	v24 =	vsel vm4, $0x5, v24;
	vm3 =	vlt.f32 v21, v19;
	vm1 =	vmand vm1, vm2  }
0x31c: {  	v24 =	vsel vm0, $0x6, v24;
	vm0 =	vmor vm3, vm1;
	v25 =	vld [tilespmem:$0xB990]  }
0x31d: {  	v19 =	vsel vm0, v21, v19;
	v20 =	vsel vm0, v23, v20;
	v21 =	vsel vm0, $0x7, v24;
	v23 =	vld [tilespmem:$0xB890]  }
0x31e: {  	vm0 =	veq.f32 v22, v19;
	vm1 =	vlt.s32 v26, v20  }
0x31f: {  	vm2 =	vlt.f32 v22, v19;
	vm0 =	vmand vm0, vm1  }
0x320: {  	vm0 =	vmor vm2, vm0;
	v24 =	vld [tilespmem:$0xB9A0]  }
0x321: {  	v19 =	vsel vm0, v22, v19;
	v20 =	vsel vm0, v26, v20;
	v21 =	vsel vm0, $0x8, v21;
	v22 =	vld [tilespmem:$0xB8A0]  }
0x322: {  	vm0 =	veq.f32 v23, v19;
	vm1 =	vlt.s32 v25, v20  }
0x323: {  	vm2 =	vlt.f32 v23, v19;
	vm0 =	vmand vm0, vm1  }
0x324: {  	vm0 =	vmor vm2, vm0;
	v26 =	vld [tilespmem:$0xB9B0]  }
0x325: {  	v19 =	vsel vm0, v23, v19;
	v20 =	vsel vm0, v25, v20;
	v23 =	vld [tilespmem:$0xB8B0]  }
0x326: {  	vm1 =	veq.f32 v22, v19;
	vm2 =	vlt.s32 v24, v20  }
0x327: {  	vm3 =	vlt.f32 v22, v19;
	vm1 =	vmand vm1, vm2  }
0x328: {  	vm1 =	vmor vm3, vm1;
	v25 =	vld [tilespmem:$0xB9C0]  }
0x329: {  	v19 =	vsel vm1, v22, v19;
	v20 =	vsel vm1, v24, v20;
	v22 =	vld [tilespmem:$0xB8C0]  }
0x32a: {  	vm2 =	veq.f32 v23, v19;
	vm3 =	vlt.s32 v26, v20  }
0x32b: {  	v21 =	vsel vm0, $0x9, v21;
	vm0 =	vlt.f32 v23, v19;
	vm2 =	vmand vm2, vm3  }
0x32c: {  	v21 =	vsel vm1, $0xA, v21;
	vm0 =	vmor vm0, vm2;
	v24 =	vld [tilespmem:$0xB9D0]  }
0x32d: {  	v19 =	vsel vm0, v23, v19;
	v20 =	vsel vm0, v26, v20;
	v21 =	vsel vm0, $0xB, v21;
	v23 =	vld [tilespmem:$0xB8D0]  }
0x32e: {  	vm0 =	veq.f32 v22, v19;
	vm1 =	vlt.s32 v25, v20  }
0x32f: {  	vm2 =	vlt.f32 v22, v19;
	vm0 =	vmand vm0, vm1  }
0x330: {  	vm0 =	vmor vm2, vm0;
	v26 =	vld [tilespmem:$0xB9E0]  }
0x331: {  	v19 =	vsel vm0, v22, v19;
	v20 =	vsel vm0, v25, v20;
	v21 =	vsel vm0, $0xC, v21;
	v22 =	vld [tilespmem:$0xB8E0]  }
0x332: {  	vm0 =	veq.f32 v23, v19;
	vm1 =	vlt.s32 v24, v20  }
0x333: {  	vm2 =	vlt.f32 v23, v19;
	vm0 =	vmand vm0, vm1  }
0x334: {  	vm0 =	vmor vm2, vm0;
	v25 =	vld [tilespmem:$0xB9F0]  }
0x335: {  	v19 =	vsel vm0, v23, v19;
	v20 =	vsel vm0, v24, v20;
	v24 =	vld [tilespmem:$0xB8F0]  }
0x336: {  	vm1 =	veq.f32 v22, v19;
	vm2 =	vlt.s32 v26, v20  }
0x337: {  	vm3 =	vlt.f32 v22, v19;
	vm1 =	vmand vm1, vm2  }
0x338: {  	vm1 =	vmor vm3, vm1  }
0x339: {  	v31 =	vsel vm1, v22, v19;
	v19 =	vsel vm1, v26, v20  }
0x33a: {  	vm2 =	veq.f32 v24, v31;
	vm3 =	vlt.s32 v25, v19  }
0x33b: {  	v20 =	vsel vm0, $0xD, v21;
	vm0 =	vlt.f32 v24, v31;
	vm2 =	vmand vm2, vm3  }
0x33c: {  	v20 =	vsel vm1, $0xE, v20;
	vm0 =	vmor vm0, vm2  }
0x33d: {  	v21 =	vsel vm0, $0xF, v20  }
0x33e: {  	v22 =	vor.u32 s25, v10;
	v20 =	vshll.u32 v21, $0x9;
	v32 =	vshll.u32 v21, $0x8  }
0x33f: {  	v23 =	vadd.s32 v10, v20;
	v27 =	vor.u32 v0, v32;
	v33 =	vor.u32 v3, v32  }
0x340: {  	v34 =	vor.u32 v5, v32;
	v35 =	vor.u32 v6, v32;
	v36 =	vor.u32 v7, v32  }
0x341: {  	v28 =	vor.u32 v8, v32;
	v37 =	vor.u32 v9, v32;
	v30 =	vor.u32 v15, v32  }
0x342: {  	v20 =	vsel vm0, v25, v19;
	v29 =	vor.u32 v16, v32;
	v38 =	vor.u32 v11, v32  }
0x343: {  	v19 =	vshll.u32 v21, $0x4;
	v26 =	vor.u32 v14, v32;
	v25 =	vor.u32 v13, v32;
	[tilespmem:v22+s21+$0x0] =	vst.idx.msk $0xffff, v20  }
0x344: {  	v39 =	vor.u32 v4, v32;
	v22 =	vor.u32 v12, v32;
	v21 =	vld.idx.msk [tilespmem:v23+s17+$0x0], $0xffff  }
0x345: {  	v40 =	vld.idx.msk [tilespmem:v27+s18+$0x0], $0xffff  }
0x346: {  	v27 =	vld.idx.msk [tilespmem:v37+s18+$0x0], $0xffff  }
0x347: {  	v23 =	vld.idx.msk [tilespmem:v38+s18+$0x0], $0xffff  }
0x348: {  	v28 =	vld.idx.msk [tilespmem:v28+s18+$0x0], $0xffff  }
0x349: {  	v37 =	vld.idx.msk [tilespmem:v39+s18+$0x0], $0xffff  }
0x34a: {  	v21 =	vtrunc.f32 v21;
	v34 =	vld.idx.msk [tilespmem:v34+s18+$0x0], $0xffff  }
0x34b: {  	v38 =	vcvt.f32.s32 v21  }
0x34c: {  	v39 =	vor.u32 v17, v32;
	v21 =	vsel vm0, v24, v31;
	v31 =	vor.u32 v18, v32;
	v33 =	vld.idx.msk [tilespmem:v33+s18+$0x0], $0xffff  }
0x34d: {  	vm3 =	vgt.f32 v40, v21;
	v24 =	vshll.u32 v38, $0x4;
	vm0 =	veq.f32 v23, v21  }
0x34e: {  	vm1 =	vgt.f32 v27, v21;
	v32 =	vor.u32 $0x2, v24;
	v38 =	vor.u32 $0x3, v24;
	v36 =	vld.idx.msk [tilespmem:v36+s18+$0x0], $0xffff  }
0x34f: {  	vm2 =	vgt.f32 v28, v21;
	vm4 =	veq.f32 v37, v21;
	vm5 =	vgt.s32 v32, v20  }
0x350: {  	vm6 =	veq.f32 v28, v21;
	vm8 =	vmand vm4, vm5;
	vm4 =	veq.f32 v34, v21  }
0x351: {  	vm7 =	veq.f32 v40, v21;
	vm9 =	vgt.f32 v37, v21;
	vm5 =	vgt.s32 v38, v20  }
0x352: {  	vm10 =	vgt.s32 v24, v20;
	vm5 =	vmand vm4, vm5;
	vm11 =	veq.f32 v33, v21  }
0x353: {  	vm4 =	vmand vm7, vm10;
	vm10 =	vge.s32 v24, v20;
	vm7 =	vgt.f32 v33, v21;
	v35 =	vld.idx.msk [tilespmem:v35+s18+$0x0], $0xffff  }
0x354: {  	vm12 =	vmor vm3, vm4;
	vm3 =	vmand vm11, vm10;
	vm4 =	vgt.f32 v36, v21  }
0x355: {  	v41 =	vor.u32 $0x1, v24;
	vm3 =	vmor vm7, vm3;
	vm7 =	vgt.f32 v34, v21  }
0x356: {  	vm8 =	vmor vm9, vm8;
	v40 =	vnsel vm12, $0x7F61B1E6, v40;
	v41 =	vnsel vm3, $0x7FFFFFFF, v41  }
0x357: {  	v42 =	vor.u32 $0x6, v24;
	vm9 =	vlt.f32 v40, $3.000000010e+38;
	v33 =	vnsel vm3, $0x7F61B1E6, v33  }
0x358: {  	v43 =	vor.u32 $0x4, v24;
	vm10 =	vgt.s32 v42, v20;
	vm3 =	veq.f32 v40, $3.000000010e+38  }
0x359: {  	vm13 =	vgt.s32 v43, v20;
	vm11 =	vmand vm12, vm3;
	vm3 =	veq.f32 v27, v21  }
0x35a: {  	vm9 =	vmor vm9, vm11;
	vm11 =	vgt.f32 v35, v21;
	vm14 =	veq.f32 v35, v21  }
0x35b: {  	v32 =	vnsel vm8, $0x7FFFFFFF, v32;
	vm12 =	vmand vm12, vm9;
	vm13 =	vmand vm14, vm13  }
0x35c: {  	v37 =	vnsel vm8, $0x7F61B1E6, v37;
	v40 =	vnsel vm9, $0x7F61B1E6, v40;
	v44 =	vnsel vm12, $0x7FFFFFFF, v24  }
0x35d: {  	vm6 =	vmand vm6, vm10;
	vm8 =	vlt.s32 v41, v44;
	vm9 =	vmor vm11, vm13  }
0x35e: {  	v45 =	vor.u32 $0x5, v24;
	vm2 =	vmor vm2, vm6;
	vm10 =	veq.f32 v33, v40;
	v39 =	vld.idx.msk [tilespmem:v39+s18+$0x0], $0xffff  }
0x35f: {  	vm7 =	vmor vm7, vm5;
	vm5 =	vgt.s32 v45, v20;
	vm6 =	vmand vm10, vm8  }
0x360: {  	v46 =	vor.u32 $0x8, v24;
	vm8 =	vlt.f32 v33, v40;
	vm10 =	veq.f32 v36, v21  }
0x361: {  	vm6 =	vmor vm8, vm6;
	vm8 =	vmand vm10, vm5;
	vm5 =	vgt.s32 v46, v20  }
0x362: {  	v38 =	vnsel vm7, $0x7FFFFFFF, v38;
	v33 =	vsel vm6, v33, v40;
	vm4 =	vmor vm4, vm8  }
0x363: {  	v34 =	vnsel vm7, $0x7F61B1E6, v34;
	v40 =	vsel vm6, v41, v44;
	v41 =	vnsel vm9, $0x7FFFFFFF, v43  }
0x364: {  	v35 =	vnsel vm9, $0x7F61B1E6, v35;
	vm6 =	vlt.f32 v37, v33;
	vm7 =	vlt.s32 v32, v40  }
0x365: {  	v43 =	vor.u32 $0x7, v24;
	vm8 =	veq.f32 v37, v33;
	vm9 =	vgt.f32 v39, v21;
	v30 =	vld.idx.msk [tilespmem:v30+s18+$0x0], $0xffff  }
0x366: {  	vm7 =	vmand vm8, vm7;
	vm8 =	vgt.s32 v43, v20;
	vm10 =	veq.f32 v39, v21;
	v29 =	vld.idx.msk [tilespmem:v29+s18+$0x0], $0xffff  }
0x367: {  	v44 =	vnsel vm4, $0x7FFFFFFF, v45;
	vm6 =	vmor vm6, vm7;
	vm3 =	vmand vm3, vm8  }
0x368: {  	v36 =	vnsel vm4, $0x7F61B1E6, v36;
	v33 =	vsel vm6, v37, v33;
	v32 =	vsel vm6, v32, v40  }
0x369: {  	vm4 =	veq.f32 v34, v33;
	vm6 =	vlt.s32 v38, v32;
	vm7 =	vmand vm10, vm5  }
0x36a: {  	vm4 =	vmand vm4, vm6;
	vm5 =	vmor vm1, vm3;
	vm1 =	vmor vm9, vm7  }
0x36b: {  	v37 =	vor.u32 $0x9, v24;
	vm3 =	vlt.f32 v34, v33;
	vm6 =	veq.f32 v30, v21  }
0x36c: {  	vm3 =	vmor vm3, vm4;
	vm7 =	vgt.s32 v37, v20;
	vm4 =	veq.f32 v29, v21;
	v31 =	vld.idx.msk [tilespmem:v31+s18+$0x0], $0xffff  }
0x36d: {  	v33 =	vsel vm3, v34, v33;
	v32 =	vsel vm3, v38, v32;
	v34 =	vor.u32 $0xC, v24  }
0x36e: {  	vm8 =	vlt.f32 v35, v33;
	vm3 =	vgt.f32 v30, v21;
	vm6 =	vmand vm6, vm7  }
0x36f: {  	v38 =	vnsel vm2, $0x7FFFFFFF, v42;
	vm7 =	vlt.s32 v41, v32;
	vm3 =	vmor vm3, vm6  }
0x370: {  	v28 =	vnsel vm2, $0x7F61B1E6, v28;
	vm2 =	vgt.s32 v34, v20;
	vm6 =	veq.f32 v35, v33  }
0x371: {  	vm0 =	vmand vm0, vm2;
	vm6 =	vmand vm6, vm7;
	vm7 =	vgt.f32 v23, v21  }
0x372: {  	v40 =	vor.u32 $0xA, v24;
	vm2 =	vmor vm8, vm6;
	vm6 =	veq.f32 v31, v21  }
0x373: {  	vm8 =	vgt.s32 v40, v20;
	v33 =	vsel vm2, v35, v33;
	v35 =	vnsel vm5, $0x7FFFFFFF, v43  }
0x374: {  	v27 =	vnsel vm5, $0x7F61B1E6, v27;
	v32 =	vsel vm2, v41, v32;
	vm2 =	veq.f32 v36, v33  }
0x375: {  	vm0 =	vmor vm7, vm0;
	vm5 =	vlt.f32 v36, v33;
	vm9 =	vlt.s32 v44, v32  }
0x376: {  	vm2 =	vmand vm2, vm9;
	vm7 =	vgt.f32 v31, v21;
	vm6 =	vmand vm6, vm8  }
0x377: {  	v41 =	vor.u32 $0xB, v24;
	vm5 =	vmor vm5, vm2;
	vm2 =	vmor vm7, vm6  }
0x378: {  	v33 =	vsel vm5, v36, v33;
	v32 =	vsel vm5, v44, v32;
	vm5 =	vgt.s32 v41, v20;
	v36 =	vld.idx.msk [tilespmem:v26+s18+$0x0], $0xffff  }
0x379: {  	vm6 =	vlt.f32 v28, v33;
	vm7 =	veq.f32 v28, v33;
	vm8 =	vlt.s32 v38, v32  }
0x37a: {  	vm4 =	vmand vm4, vm5;
	vm7 =	vmand vm7, vm8;
	vm8 =	vgt.f32 v29, v21  }
0x37b: {  	vm5 =	vmor vm6, vm7;
	vm4 =	vmor vm8, vm4;
	v26 =	vnsel vm1, $0x7FFFFFFF, v46  }
0x37c: {  	v28 =	vsel vm5, v28, v33;
	v32 =	vsel vm5, v38, v32;
	v33 =	vnsel vm1, $0x7F61B1E6, v39  }
0x37d: {  	vm1 =	vlt.f32 v27, v28;
	vm5 =	veq.f32 v27, v28;
	vm6 =	vlt.s32 v35, v32  }
0x37e: {  	v38 =	vor.u32 $0xD, v24;
	vm5 =	vmand vm5, vm6;
	vm6 =	veq.f32 v36, v21  }
0x37f: {  	v37 =	vnsel vm3, $0x7FFFFFFF, v37;
	vm1 =	vmor vm1, vm5;
	vm5 =	vgt.s32 v38, v20  }
0x380: {  	v30 =	vnsel vm3, $0x7F61B1E6, v30;
	v27 =	vsel vm1, v27, v28;
	v28 =	vsel vm1, v35, v32;
	v25 =	vld.idx.msk [tilespmem:v25+s18+$0x0], $0xffff  }
0x381: {  	vm1 =	vlt.f32 v33, v27;
	vm3 =	veq.f32 v33, v27;
	vm7 =	vlt.s32 v26, v28  }
0x382: {  	vm3 =	vmand vm3, vm7;
	vm7 =	vgt.f32 v36, v21;
	vm5 =	vmand vm6, vm5  }
0x383: {  	v32 =	vnsel vm2, $0x7FFFFFFF, v40;
	vm3 =	vmor vm1, vm3;
	vm1 =	vmor vm7, vm5  }
0x384: {  	v27 =	vsel vm3, v33, v27;
	v26 =	vsel vm3, v26, v28;
	v28 =	vnsel vm2, $0x7F61B1E6, v31  }
0x385: {  	vm2 =	vlt.f32 v30, v27;
	vm3 =	veq.f32 v30, v27;
	vm5 =	vlt.s32 v37, v26  }
0x386: {  	v31 =	vor.u32 $0xE, v24;
	vm3 =	vmand vm3, vm5;
	vm5 =	veq.f32 v25, v21  }
0x387: {  	v33 =	vnsel vm4, $0x7FFFFFFF, v41;
	vm2 =	vmor vm2, vm3;
	vm3 =	vgt.s32 v31, v20  }
0x388: {  	v29 =	vnsel vm4, $0x7F61B1E6, v29;
	v27 =	vsel vm2, v30, v27;
	v30 =	vsel vm2, v37, v26  }
0x389: {  	vm2 =	vlt.f32 v28, v27;
	vm4 =	veq.f32 v28, v27;
	vm6 =	vlt.s32 v32, v30  }
0x38a: {  	vm4 =	vmand vm4, vm6;
	vm6 =	vgt.f32 v25, v21;
	vm3 =	vmand vm5, vm3  }
0x38b: {  	v26 =	vnsel vm0, $0x7FFFFFFF, v34;
	vm2 =	vmor vm2, vm4;
	vm3 =	vmor vm6, vm3  }
0x38c: {  	v34 =	vsel vm2, v28, v27;
	v32 =	vsel vm2, v32, v30;
	v28 =	vnsel vm0, $0x7F61B1E6, v23;
	v22 =	vld.idx.msk [tilespmem:v22+s18+$0x0], $0xffff  }
0x38d: {  	vm0 =	vlt.f32 v29, v34;
	vm2 =	veq.f32 v29, v34;
	vm4 =	vlt.s32 v33, v32  }
0x38e: {  	v23 =	vnsel vm3, $0x7F61B1E6, v25;
	v25 =	vnsel vm3, $0x7FFFFFFF, v31;
	vm2 =	vmand vm2, vm4  }
.Ltmp1:
0x38f: {  	v24 =	vor.u32 $0xF, v24;
	v27 =	vnsel vm1, $0x7FFFFFFF, v38;
	vm0 =	vmor vm0, vm2;
	(pc) =	sbr.rel @p0 .LBB2_5-.Ltmp1, $4  }
0x390: {  	v30 =	vsel vm0, v29, v34;
	v31 =	vsel vm0, v33, v32;
	v29 =	vnsel vm1, $0x7F61B1E6, v36  }
0x391: {  	vm0 =	vlt.f32 v28, v30;
	vm1 =	veq.f32 v28, v30;
	vm2 =	vlt.s32 v26, v31  }
0x392: {  	vm4 =	vgt.s32 v24, v20;
	vm1 =	vmand vm1, vm2;
	vm3 =	veq.f32 v22, v21  }
0x393: {  	vm2 =	vmor vm0, vm1;
	vm0 =	vgt.f32 v22, v21;
	vm1 =	vmand vm3, vm4  }
0x394: {  	v10 =	vsel vm2, v28, v30;
	v11 =	vsel vm2, v26, v31  }
0x395: {  	vm11 =	veq.f32 v29, v10;
	vm3 =	vlt.s32 v27, v11  }
0x396: {  	vm4 =	vlt.f32 v29, v10;
	vm2 =	vmand vm11, vm3  }
0x397: {  	vm2 =	vmor vm4, vm2  }
0x398: {  	v10 =	vsel vm2, v29, v10;
	v11 =	vsel vm2, v27, v11  }
0x399: {  	vm12 =	veq.f32 v23, v10;
	vm13 =	vlt.s32 v25, v11  }
0x39a: {  	vm0 =	vmor vm0, vm1;
	vm14 =	vlt.f32 v23, v10;
	vm2 =	vmand vm12, vm13  }
0x39b: {  	v12 =	vor.u32 v0, v19;
	v13 =	vnsel vm0, $0x7FFFFFFF, v24;
	vm1 =	vmor vm14, vm2  }
0x39c: {  	s23 =	sadd.s32 $0x1, s23;
	v14 =	vnsel vm0, $0x7F61B1E6, v22;
	v10 =	vsel vm1, v23, v10;
	v11 =	vsel vm1, v25, v11  }
0x39d: {  	p0 =	sne.s32 s23, $0x20;
	vm0 =	veq.f32 v14, v10;
	vm1 =	vlt.s32 v13, v11  }
.Ltmp2:
0x39e: {  	vm15 =	vlt.f32 v14, v10;
	vm0 =	vmand vm0, vm1;
	(pc) =	sbr.rel @p0 .LBB2_2-.Ltmp2, $4  }
0x39f: {  	vm0 =	vmor vm15, vm0  }
0x3a0: {  	v10 =	vsel vm0, v14, v10  }
0x3a1: {  	v11 =	vsel vm0, v13, v11;
	[tilespmem:v12+s19+$0x0] =	vst.idx.msk $0xffff, v10  }
0x3a2: {  	[tilespmem:v12+s20+$0x0] =	vst.idx.msk $0xffff, v11  }
0x3a3: {  	s23 =	rddreg [dreg:$0x13]  }
0x3a4: {  	[hbm4b:s23+s1] =	stream.linear.scatter [tilespmem:s21], [sflag:$0x1], $0x200, $0x38;
	[tilespmem:$0xDA00] =	vst v63  }
0x3a5: {  	_ =	swait.ge [sflag:s13], $0x200  }
0x3a6: {  	[sflag:s13] =	ssyncset.done $0x0  }
0x3a7: {  	s24 =	simm.s32 $0xBC00;
	s31 =	rddreg [dreg:$0x14];
	[sflag:s13] =	ssyncadd.s32 $0xFFFFFE00  }
0x3a8: {  	[hbm4b:s31+s1] =	stream.linear.scatter [tilespmem:s24], [sflag:$0x1], $0x200, $0x38;
	[tilespmem:$0xDA00] =	vst v63  }
0x3a9: {  	_ =	swait.ge [sflag:s13], $0x200  }
0x3aa: {  	[sflag:s13] =	ssyncset.done $0x0  }
0x3ab: {  	s26 =	simm.s32 $0xBE00;
	s25 =	rddreg [dreg:$0x15];
	[sflag:s13] =	ssyncadd.s32 $0xFFFFFE00  }
0x3ac: {  	[hbm4b:s25+s1] =	stream.linear.scatter [tilespmem:s26], [sflag:$0x1], $0x200, $0x38;
	[tilespmem:$0xDA00] =	vst v63  }
0x3ad: {  	_ =	swait.ge [sflag:s13], $0x200  }
0x3ae: {  	[sflag:s13] =	ssyncset.done $0x0  }
0x3af: {  	s29 =	simm.s32 $0xC000;
	s28 =	rddreg [dreg:$0x16];
	[sflag:s13] =	ssyncadd.s32 $0xFFFFFE00  }
0x3b0: {  	[hbm4b:s28+s1] =	stream.linear.scatter [tilespmem:s29], [sflag:$0x1], $0x200, $0x38;
	[tilespmem:$0xDA00] =	vst v63  }
0x3b1: {  	_ =	swait.ge [sflag:s13], $0x200  }
0x3b2: {  	[sflag:s13] =	ssyncset.done $0x0  }
0x3b3: {  	s31 =	simm.s32 $0xC200;
	s30 =	rddreg [dreg:$0x17];
	[sflag:s13] =	ssyncadd.s32 $0xFFFFFE00  }
0x3b4: {  	[hbm4b:s30+s1] =	stream.linear.scatter [tilespmem:s31], [sflag:$0x1], $0x200, $0x38;
	[tilespmem:$0xDA00] =	vst v63  }
0x3b5: {  	_ =	swait.ge [sflag:s13], $0x200  }
0x3b6: {  	[sflag:s13] =	ssyncset.done $0x0  }
0x3b7: {  	s26 =	simm.s32 $0xC400;
	s25 =	rddreg [dreg:$0x18];
	[sflag:s13] =	ssyncadd.s32 $0xFFFFFE00  }
0x3b8: {  	[hbm4b:s25+s1] =	stream.linear.scatter [tilespmem:s26], [sflag:$0x1], $0x200, $0x38;
	[tilespmem:$0xDA00] =	vst v63  }
0x3b9: {  	_ =	swait.ge [sflag:s13], $0x200  }
0x3ba: {  	[sflag:s13] =	ssyncset.done $0x0  }
0x3bb: {  	s29 =	simm.s32 $0xC600;
	s28 =	rddreg [dreg:$0x19];
	[sflag:s13] =	ssyncadd.s32 $0xFFFFFE00  }
0x3bc: {  	[hbm4b:s28+s1] =	stream.linear.scatter [tilespmem:s29], [sflag:$0x1], $0x200, $0x38;
	[tilespmem:$0xDA00] =	vst v63  }
0x3bd: {  	_ =	swait.ge [sflag:s13], $0x200  }
0x3be: {  	[sflag:s13] =	ssyncset.done $0x0  }
0x3bf: {  	s31 =	simm.s32 $0xC800;
	s30 =	rddreg [dreg:$0x1a];
	[sflag:s13] =	ssyncadd.s32 $0xFFFFFE00  }
0x3c0: {  	[hbm4b:s30+s1] =	stream.linear.scatter [tilespmem:s31], [sflag:$0x1], $0x200, $0x38;
	[tilespmem:$0xDA00] =	vst v63  }
0x3c1: {  	_ =	swait.ge [sflag:s13], $0x200  }
0x3c2: {  	[sflag:s13] =	ssyncset.done $0x0  }
0x3c3: {  	s26 =	simm.s32 $0xCA00;
	s25 =	rddreg [dreg:$0x1b];
	[sflag:s13] =	ssyncadd.s32 $0xFFFFFE00  }
0x3c4: {  	[hbm4b:s25+s1] =	stream.linear.scatter [tilespmem:s26], [sflag:$0x1], $0x200, $0x38;
	[tilespmem:$0xDA00] =	vst v63  }
0x3c5: {  	_ =	swait.ge [sflag:s13], $0x200  }
0x3c6: {  	[sflag:s13] =	ssyncset.done $0x0  }
0x3c7: {  	s29 =	simm.s32 $0xCC00;
	s28 =	rddreg [dreg:$0x1c];
	[sflag:s13] =	ssyncadd.s32 $0xFFFFFE00  }
0x3c8: {  	[hbm4b:s28+s1] =	stream.linear.scatter [tilespmem:s29], [sflag:$0x1], $0x200, $0x38;
	[tilespmem:$0xDA00] =	vst v63  }
0x3c9: {  	_ =	swait.ge [sflag:s13], $0x200  }
0x3ca: {  	[sflag:s13] =	ssyncset.done $0x0  }
0x3cb: {  	s31 =	simm.s32 $0xCE00;
	s30 =	rddreg [dreg:$0x1d];
	[sflag:s13] =	ssyncadd.s32 $0xFFFFFE00  }
0x3cc: {  	[hbm4b:s30+s1] =	stream.linear.scatter [tilespmem:s31], [sflag:$0x1], $0x200, $0x38;
	[tilespmem:$0xDA00] =	vst v63  }
0x3cd: {  	_ =	swait.ge [sflag:s13], $0x200  }
0x3ce: {  	[sflag:s13] =	ssyncset.done $0x0  }
0x3cf: {  	s25 =	simm.s32 $0xD000;
	s24 =	rddreg [dreg:$0x1e];
	[sflag:s13] =	ssyncadd.s32 $0xFFFFFE00  }
0x3d0: {  	[hbm4b:s24+s1] =	stream.linear.scatter [tilespmem:s25], [sflag:$0x1], $0x200, $0x38;
	[tilespmem:$0xDA00] =	vst v63  }
0x3d1: {  	_ =	swait.ge [sflag:s13], $0x200  }
0x3d2: {  	[sflag:s13] =	ssyncset.done $0x0  }
0x3d3: {  	s28 =	simm.s32 $0xD200;
	s26 =	rddreg [dreg:$0x1f];
	[sflag:s13] =	ssyncadd.s32 $0xFFFFFE00  }
0x3d4: {  	[hbm4b:s26+s1] =	stream.linear.scatter [tilespmem:s28], [sflag:$0x1], $0x200, $0x38;
	[tilespmem:$0xDA00] =	vst v63  }
0x3d5: {  	_ =	swait.ge [sflag:s13], $0x200  }
0x3d6: {  	[sflag:s13] =	ssyncset.done $0x0  }
0x3d7: {  	s29 =	simm.s32 $0xD400;
	[sflag:s13] =	ssyncadd.s32 $0xFFFFFE00  }
0x3d8: {  	[hbm4b:s0+s1] =	stream.linear.scatter [tilespmem:s29], [sflag:$0x1], $0x200, $0x38;
	[tilespmem:$0xDA00] =	vst v63  }
0x3d9: {  	_ =	swait.ge [sflag:s13], $0x200  }
0x3da: {  	[sflag:s13] =	ssyncset.done $0x0  }
0x3db: {  	s30 =	simm.s32 $0xD600;
	[sflag:s13] =	ssyncadd.s32 $0xFFFFFE00  }
0x3dc: {  	[hbm4b:s2+s1] =	stream.linear.scatter [tilespmem:s30], [sflag:$0x1], $0x200, $0x38;
	[tilespmem:$0xDA00] =	vst v63  }
0x3dd: {  	s22 =	sadd.s32 $0x1, s22;
	_ =	swait.ge [sflag:s13], $0x200  }
0x3de: {  	p0 =	sne.s32 s22, s12;
	[sflag:s13] =	ssyncset.done $0x0  }
.Ltmp3:
0x3df: {  	s31 =	simm.s32 $0xD800;
	[sflag:s13] =	ssyncadd.s32 $0xFFFFFE00;
	(pc) =	sbr.rel @p0 .LBB2_1-.Ltmp3, $4  }
0x3e0: {  	[hbm4b:s3+s1] =	stream.linear.scatter [tilespmem:s31], [sflag:$0x1], $0x200, $0x38;
	[tilespmem:$0xDA00] =	vst v63  }
0x3e1: {  	_ =	swait.ge [sflag:s13], $0x200  }
0x3e2: {  	[sflag:s13] =	ssyncset.done $0x0  }
0x3e3: {  	[sflag:s13] =	ssyncadd.s32 $0xFFFFFE00  }
0x3e4: {  	_ =	sfence.sel $0x180000  }
0x3e5: {  	[bflag:$0x0] =	sbarrier.arrive $0xFFFF  }
0x3e6: {  	_ =	strace $0x90000047  }
0x3e7: {  	s0 =	stileid.u32;
	[bflag:$0x2] =	sbarrier.arrive $0xFFFF  }
0x3e8: {  	p0 =	sne.s32 s0, $0x0;
	s0 =	rddreg [dreg:$0x2]  }
0x3e9: {  	s0 =	sadd.s32 @!p0 $0x100000, s0  }
0x3ea: {  	[sflag:s0] =	ssyncadd.tile.s32 @!p0 $0x1;
	_ =	shalt  }
.Lfunc_end2:
_tile_overlayer_lowered:
.L_overlay_start_2:
0x3eb: {  	(tag) =	ssettag $0x2  }
0x3ec: {  	s0 =	rddreg [dreg:$0x0];
	s2 =	stileid.u32  }
0x3ed: {  	s1 =	rddreg [dreg:$0x1];
	p0 =	sne.s32 s2, $0x0  }
0x3ee: {  	s3 =	rddreg [dreg:$0x2];
	[bflag:$0x3] =	sbarrier.arrive $0xFFFF;
	s2 =	simm.s32 @!p0 $0x1C01  }
0x3ef: {  	[timem:s3], [sflag:s2] =	dma.local @!p0 [hbm:s0], s1  }
0x3f0: {  	s0 =	simm.s32 @!p0 $0x1  }
0x3f1: {  	_ =	swait.ge @!p0 [sflag:s0], s1  }
0x3f2: {  	s1 =	ssub.s32 @!p0 $0x0, s1;
	[sflag:s0] =	ssyncset.done @!p0 $0x0  }
0x3f3: {  	[sflag:s0] =	ssyncadd.s32 @!p0 s1  }
0x3f4: {  	[bflag:$0x3] =	sbarrier.arrive $0xFFFF  }
0x3f5: {  	_ =	shalt  }

</sc_bundles>
